<compile_context>
chip_gen: v7x
topology: tpu7x:2x2x1
jax: 0.10.2.dev20260603
libtpu: 0.0.44.dev20260713+nightly
codegen_flags: <defaults>
</compile_context>

<pallas_src>
import functools

import jax
import jax.numpy as jnp
from jax import lax
from jax.experimental import pallas as pl
from jax.experimental.pallas import tpu as pltpu
from jax.experimental.pallas import tpu_sc as plsc

N_NODES = 100000
NP = 100352
N_EDGES = 3200000
NC, NS = 2, 16
NW = NC * NS
EPT = N_EDGES // NW
CHUNKS = 98
OVL = CHUNKS * 1024 - EPT
NEP = NW * CHUNKS * 1024
SLICE = NP // NS
NP2 = NP // 2
MAXL = 3


def _sc_body(xt_hbm, ut_hbm, src_hbm, dst_hbm, len_hbm,
             adds_hbm, maxp_hbm, sn_hbm, sv_hbm, un_hbm, *refs):
    (srcA, dstA, lenA, xs0A, xs1A, xs2A, unsA, xd0A, xd1A, xd2A, undA,
     srcB, dstB, lenB, xs0B, xs1B, xs2B, unsB, xd0B, xd1B, xd2B, undB,
     grad_v, el_v, ones_v, snb_v, svb_v, maxacc, nbuf, zb,
     tb0, tb1, tb2, tb3, acc_g, acc_e, acc_d, semA, semB) = refs
    bufA = (srcA, dstA, lenA, xs0A, xs1A, xs2A, unsA, xd0A, xd1A, xd2A,
            undA)
    bufB = (srcB, dstB, lenB, xs0B, xs1B, xs2B, unsB, xd0B, xd1B, xd2B,
            undB)
    cid = lax.axis_index("c")
    sid = lax.axis_index("s")
    wid = cid * NS + sid

    iota = lax.iota(jnp.int32, 16)
    zf = jnp.zeros((16,), jnp.float32)
    onef = jnp.ones((16,), jnp.float32)

    def _nsent(i, carry):
        nbuf[pl.ds(i * 16, 16)] = jnp.full((16,), -1, jnp.int32)
        return carry
    lax.fori_loop(0, 128, _nsent, 0)

    def _ones(i, carry):
        ones_v[pl.ds(i * 16, 16)] = onef
        return carry
    lax.fori_loop(0, 64, _ones, 0)

    def _zzb(i, carry):
        zb[pl.ds(i * 16, 16)] = zf
        return carry
    lax.fori_loop(0, 64, _zzb, 0)

    for acc in (acc_g, acc_e, acc_d):
        def _zacc(c, carry, acc=acc):
            col0 = sid * SLICE + c * 896
            pltpu.sync_copy(zb.at[pl.ds(0, 896)], acc.at[pl.ds(col0, 896)])
            return carry
        lax.fori_loop(0, 7, _zacc, 0)

    for r, tb in enumerate((tb0, tb1, tb2)):
        def _stage(c, carry, r=r, tb=tb):
            col0 = sid * SLICE + c * 896
            pltpu.sync_copy(xt_hbm.at[pl.ds(r * NP + col0, 896)],
                            zb.at[pl.ds(0, 896)])
            pltpu.sync_copy(zb.at[pl.ds(0, 896)], tb.at[pl.ds(col0, 896)])
            return carry
        lax.fori_loop(0, 7, _stage, 0)

    def _unorm(c, carry):
        col0 = sid * SLICE + c * 896
        for r, dv in enumerate((xs0A, xs1A, xs2A, unsA)):
            pltpu.sync_copy(ut_hbm.at[pl.ds(r * NP + col0, 896)],
                            dv.at[pl.ds(0, 896)])

        def _ug(g, inner):
            sl = pl.ds(g * 16, 16)
            u0 = xs0A[sl]
            u1 = xs1A[sl]
            u2 = xs2A[sl]
            u3 = unsA[sl]
            d2 = u0 * u0 + u1 * u1 + u2 * u2 + u3 * u3
            z = lax.bitcast_convert_type(
                jnp.int32(0x5F3759DF) -
                (lax.bitcast_convert_type(d2, jnp.int32) >> 1), jnp.float32)
            z = z * (1.5 - 0.5 * d2 * z * z)
            z = z * (1.5 - 0.5 * d2 * z * z)
            z = z * (1.5 - 0.5 * d2 * z * z)
            zb[sl] = d2 * z
            return inner
        lax.fori_loop(0, 56, _ug, 0)
        pltpu.sync_copy(zb.at[pl.ds(0, 896)], tb3.at[pl.ds(col0, 896)])
        pltpu.sync_copy(zb.at[pl.ds(0, 896)], un_hbm.at[pl.ds(col0, 896)])
        return carry
    lax.fori_loop(0, 7, _unorm, 0)
    plsc.subcore_barrier()

    base_e = wid * EPT
    base_s = wid * CHUNKS * 1024

    def _load_fire(bufs, sem_, cn):
        e0 = base_e + cn * 1024 - jnp.where(cn == CHUNKS - 1, OVL, 0)
        pltpu.sync_copy(src_hbm.at[pl.ds(e0, 1024)], bufs[0])
        pltpu.sync_copy(dst_hbm.at[pl.ds(e0, 1024)], bufs[1])
        pltpu.sync_copy(len_hbm.at[pl.ds(e0, 1024)], bufs[2])
        ds_ = []
        for tb, dv in zip((tb0, tb1, tb2, tb3), bufs[3:7]):
            ds_.append(pltpu.async_copy(tb.at[bufs[0]], dv, sem_))
        for tb, dv in zip((tb0, tb1, tb2, tb3), bufs[7:11]):
            ds_.append(pltpu.async_copy(tb.at[bufs[1]], dv, sem_))
        return ds_

    def _drain_fake(bufs, sem_):
        for dv in bufs[3:11]:
            pltpu.make_async_copy(len_hbm.at[pl.ds(0, 1024)], dv,
                                  sem_).wait()

    def _compute(bufs, cn):
        srcv, dstv, lenv = bufs[0], bufs[1], bufs[2]
        x0s, x1s, x2s, unsv, x0d, x1d, x2d, undv = bufs[3:11]
        mstart = jnp.where(cn == CHUNKS - 1, OVL, 0)

        @plsc.parallel_loop(0, 64, unroll=4)
        def _grp(g):
            k0 = g * 16
            sl = pl.ds(k0, 16)
            uns = unsv[sl]
            und = undv[sl]
            dx = x0d[sl] - x0s[sl]
            dy = x1d[sl] - x1s[sl]
            dz = x2d[sl] - x2s[sl]
            d2 = dx * dx + dy * dy + dz * dz
            z = lax.bitcast_convert_type(
                jnp.int32(0x5F3759DF) -
                (lax.bitcast_convert_type(d2, jnp.int32) >> 1), jnp.float32)
            z = z * (1.5 - 0.5 * d2 * z * z)
            z = z * (1.5 - 0.5 * d2 * z * z)
            z = z * (1.5 - 0.5 * d2 * z * z)
            el_v[sl] = d2 * z
            grad_v[sl] = jnp.abs(und - uns) / (lenv[sl] + 1e-8)
            s16 = srcv[sl]
            ub = lax.bitcast_convert_type(und, jnp.uint32)
            key = (s16.astype(jnp.uint32) << 15) | (ub >> 16)
            sk, sv = plsc.sort_key_val(key, und)
            sn = lax.shift_right_logical(
                sk, jnp.uint32(15)).astype(jnp.int32)
            slot = g * 32
            nbuf[pl.ds(slot, 16)] = sn
            nxt = plsc.load_gather(nbuf, [slot + iota + 1])
            last = (sn != nxt) | (iota == 15)
            ok = (g * 16 + iota) >= mstart
            snb_v[sl] = jnp.where(last & ok, sn, -1)
            svb_v[sl] = sv

        @pl.when(cn == CHUNKS - 1)
        def _mask_tail():
            def _zt(i, carry):
                sl = pl.ds(i * 16, 16)
                zv = jnp.zeros((16,), jnp.float32)
                grad_v[sl] = zv
                el_v[sl] = zv
                ones_v[sl] = zv
                return carry
            lax.fori_loop(0, OVL // 16, _zt, 0)

        s0 = base_s + cn * 1024
        pltpu.sync_copy(snb_v, sn_hbm.at[pl.ds(s0, 1024)])
        pltpu.sync_copy(svb_v, sv_hbm.at[pl.ds(s0, 1024)])
        pltpu.sync_copy(grad_v, acc_g.at[srcv], add=True)
        pltpu.sync_copy(el_v, acc_e.at[srcv], add=True)
        pltpu.sync_copy(ones_v, acc_d.at[srcv], add=True)

    _load_fire(bufA, semA, 0)

    def _pair(t, carry):
        cn0 = 2 * t
        dB = _load_fire(bufB, semB, cn0 + 1)
        _drain_fake(bufA, semA)
        _compute(bufA, cn0)
        _load_fire(bufA, semA, (cn0 + 2) % CHUNKS)
        for d in dB:
            d.wait()
        _compute(bufB, cn0 + 1)
        return carry
    lax.fori_loop(0, CHUNKS // 2, _pair, 0)
    _drain_fake(bufA, semA)

    def _mfire(snb, svb, sem_, cn):
        s0 = base_s + cn * 1024
        d1 = pltpu.async_copy(sn_hbm.at[pl.ds(s0, 1024)], snb, sem_)
        d2 = pltpu.async_copy(sv_hbm.at[pl.ds(s0, 1024)], svb, sem_)
        return d1, d2

    def _mdrain(snb, svb, sem_):
        pltpu.make_async_copy(sn_hbm.at[pl.ds(0, 1024)], snb, sem_).wait()
        pltpu.make_async_copy(sv_hbm.at[pl.ds(0, 1024)], svb, sem_).wait()

    for h in range(2):
        def _zm(i, carry):
            maxacc[pl.ds(i * 16, 16)] = zf
            return carry
        lax.fori_loop(0, NP2 // 16, _zm, 0)
        lo = h * NP2

        def _mcomp(snb, svb, lo=lo):
            def _mgrp(g, inner):
                sl = pl.ds(g * 16, 16)
                sn = snb[sl]
                sv = svb[sl]
                m = (sn >= lo) & (sn < lo + NP2)
                si = jnp.where(m, sn - lo, 0)
                cur = plsc.load_gather(maxacc, [si], mask=m)
                plsc.store_scatter(maxacc, [si], jnp.maximum(cur, sv),
                                   mask=m)
                return inner
            lax.fori_loop(0, 64, _mgrp, 0, unroll=4)

        _mfire(srcA, lenA, semA, 0)

        def _mpair(t, carry):
            cn0 = 2 * t
            dB = _mfire(srcB, lenB, semB, cn0 + 1)
            _mdrain(srcA, lenA, semA)
            _mcomp(srcA, lenA)
            _mfire(srcA, lenA, semA, (cn0 + 2) % CHUNKS)
            for d in dB:
                d.wait()
            _mcomp(srcB, lenB)
            return carry
        lax.fori_loop(0, CHUNKS // 2, _mpair, 0)
        _mdrain(srcA, lenA, semA)
        pltpu.sync_copy(maxacc, maxp_hbm.at[pl.ds(wid * NP + lo, NP2)])

    plsc.subcore_barrier()

    for a, acc in enumerate((acc_g, acc_e, acc_d)):
        def _out(c, carry, a=a, acc=acc):
            col0 = sid * SLICE + c * 896
            pltpu.sync_copy(acc.at[pl.ds(col0, 896)], zb.at[pl.ds(0, 896)])
            pltpu.sync_copy(zb.at[pl.ds(0, 896)],
                            adds_hbm.at[pl.ds((cid * 3 + a) * NP + col0,
                                              896)])
            return carry
        lax.fori_loop(0, 7, _out, 0)


_sc_mesh = plsc.VectorSubcoreMesh(core_axis_name="c", subcore_axis_name="s",
                                  num_cores=NC, num_subcores=NS)
_sc_call = functools.partial(
    pl.kernel,
    out_type=[jax.ShapeDtypeStruct((NC * 3 * NP,), jnp.float32),
              jax.ShapeDtypeStruct((NW * NP,), jnp.float32),
              jax.ShapeDtypeStruct((NEP,), jnp.int32),
              jax.ShapeDtypeStruct((NEP,), jnp.float32),
              jax.ShapeDtypeStruct((NP,), jnp.float32)],
    mesh=_sc_mesh,
    compiler_params=pltpu.CompilerParams(needs_layout_passes=False),
    scratch_types=(
        [pltpu.VMEM((1024,), jnp.int32)] * 2 +
        [pltpu.VMEM((1024,), jnp.float32)] * 9 +
        [pltpu.VMEM((1024,), jnp.int32)] * 2 +
        [pltpu.VMEM((1024,), jnp.float32)] * 9 +
        [pltpu.VMEM((1024,), jnp.float32)] * 3 +
        [pltpu.VMEM((1024,), jnp.int32)] +
        [pltpu.VMEM((1024,), jnp.float32)] +
        [pltpu.VMEM((NP2,), jnp.float32)] +
        [pltpu.VMEM((2048,), jnp.int32)] +
        [pltpu.VMEM((1024,), jnp.float32)] +
        [pltpu.VMEM_SHARED((NP,), jnp.float32)] * 7 +
        [pltpu.SemaphoreType.DMA] * 2
    ),
)(_sc_body)


_BC = 512


def _post_body(a_ref, mx_ref, un_ref, rl_ref, w1_ref, b1_ref, w2_ref,
               b2_ref, w3_ref, b3_ref, probs_ref, dec_ref, cnt_ref,
               feat, cmm):
    p = pl.program_id(0)
    b = pl.program_id(1)
    col0 = b * _BC
    cols = col0 + lax.broadcasted_iota(jnp.int32, (1, _BC), 1)
    real = cols < N_NODES

    @pl.when(p == 0)
    def _phase0():
        a0 = a_ref[0]
        a1 = a_ref[1]
        deg = a0[2:3] + a1[2:3]
        grad = (a0[0:1] + a1[0:1]) / (deg + 1e-8)
        curv = (a0[1:2] + a1[1:2]) / (deg + 1e-8)
        nmax = jnp.max(mx_ref[...], axis=0, keepdims=True)
        feat[0:1, pl.ds(col0, _BC)] = un_ref[...]
        feat[1:2, pl.ds(col0, _BC)] = grad
        feat[2:3, pl.ds(col0, _BC)] = curv
        feat[3:4, pl.ds(col0, _BC)] = nmax

        @pl.when(b == 0)
        def _init():
            cmm[0] = jnp.float32(3.0e38)
            cmm[1] = jnp.float32(-3.0e38)
        bmin = jnp.min(jnp.where(real, curv, jnp.float32(3.0e38)))
        bmax = jnp.max(jnp.where(real, curv, jnp.float32(-3.0e38)))
        cmm[0] = jnp.minimum(cmm[0], bmin)
        cmm[1] = jnp.maximum(cmm[1], bmax)

    @pl.when(p == 1)
    def _phase1():
        f = feat[:, pl.ds(col0, _BC)]
        curv = (f[2:3] - cmm[0]) / (cmm[1] - cmm[0] + 1e-8)
        feats = jnp.concatenate([f[0:2], curv, f[3:4]], axis=0)
        h = jnp.dot(w1_ref[...], feats,
                    preferred_element_type=jnp.float32) + b1_ref[...]
        h = jnp.maximum(h, 0.0)
        h = jnp.dot(w2_ref[...], h,
                    preferred_element_type=jnp.float32) + b2_ref[...]
        h = jnp.maximum(h, 0.0)
        lg = jnp.dot(w3_ref[...], h,
                     preferred_element_type=jnp.float32) + b3_ref[...]
        m = jnp.max(lg, axis=0, keepdims=True)
        e = jnp.exp(lg - m)
        probs_ref[...] = e / jnp.sum(e, axis=0, keepdims=True)
        l0 = lg[0:1]
        l1 = lg[1:2]
        l2 = lg[2:3]
        d = jnp.where(l1 > l0, 1, 0)
        d = jnp.where(l2 > jnp.maximum(l0, l1), 2, d)
        rl = rl_ref[...]
        d = jnp.where((rl >= MAXL) & (d == 0), 1, d)
        d = jnp.where((rl <= 0) & (d == 2), 1, d)
        d = d.astype(jnp.int32)
        dec_ref[...] = d

        @pl.when(b == 0)
        def _init():
            cnt_ref[0, 0] = 0
            cnt_ref[0, 1] = 0
            cnt_ref[0, 2] = 0
        cnt_ref[0, 0] += jnp.sum(jnp.where((d == 0) & real, 1, 0))
        cnt_ref[0, 1] += jnp.sum(jnp.where((d == 1) & real, 1, 0))
        cnt_ref[0, 2] += jnp.sum(jnp.where((d == 2) & real, 1, 0))


def _post(addsT, mx, un2d, rl2d, w1t, b1c, w2t, b2c, w3t, b3c):
    nb = NP // _BC
    return pl.pallas_call(
        _post_body,
        grid=(2, nb),
        in_specs=[
            pl.BlockSpec((2, 3, _BC), lambda p, b: (0, 0, b)),
            pl.BlockSpec((NW, _BC), lambda p, b: (0, b)),
            pl.BlockSpec((1, _BC), lambda p, b: (0, b)),
            pl.BlockSpec((1, _BC), lambda p, b: (0, b)),
            pl.BlockSpec((32, 4), lambda p, b: (0, 0)),
            pl.BlockSpec((32, 1), lambda p, b: (0, 0)),
            pl.BlockSpec((16, 32), lambda p, b: (0, 0)),
            pl.BlockSpec((16, 1), lambda p, b: (0, 0)),
            pl.BlockSpec((3, 16), lambda p, b: (0, 0)),
            pl.BlockSpec((3, 1), lambda p, b: (0, 0)),
        ],
        out_specs=[
            pl.BlockSpec((3, _BC), lambda p, b: (0, b)),
            pl.BlockSpec((1, _BC), lambda p, b: (0, b)),
            pl.BlockSpec(memory_space=pltpu.SMEM),
        ],
        out_shape=[
            jax.ShapeDtypeStruct((3, NP), jnp.float32),
            jax.ShapeDtypeStruct((1, NP), jnp.int32),
            jax.ShapeDtypeStruct((1, 3), jnp.int32),
        ],
        scratch_shapes=[
            pltpu.VMEM((4, NP), jnp.float32),
            pltpu.SMEM((2,), jnp.float32),
        ],
    )(addsT, mx, un2d, rl2d, w1t, b1c, w2t, b2c, w3t, b3c)


def kernel(x, uncertainty, edge_index, edge_lengths, refinement_level,
           W1, b1, W2, b2, W3, b3):
    f32, i32 = jnp.float32, jnp.int32
    src = edge_index[0]
    dst = edge_index[1]
    xt = jnp.pad(x.T, ((0, 0), (0, NP - N_NODES)))
    ut = jnp.pad(uncertainty.T, ((0, 0), (0, NP - N_NODES)))

    adds, maxp, _sn, _sv, un = _sc_call(xt.reshape(3 * NP), ut.reshape(4 * NP),
                                        src, dst, edge_lengths)
    adds = adds.reshape(NC, 3, NP)
    mx = maxp.reshape(NW, NP)
    rl2d = jnp.pad(refinement_level, (0, NP - N_NODES),
                   constant_values=1).reshape(1, NP)
    probsT, dec, cnt = _post(adds, mx, un.reshape(1, NP), rl2d,
                             W1.T, b1.reshape(32, 1),
                             W2.T, b2.reshape(16, 1),
                             W3.T, b3.reshape(3, 1))
    return (x, edge_index, dec[0, :N_NODES], probsT[:, :N_NODES].T,
            un[:N_NODES], cnt[0, 0], cnt[0, 1], cnt[0, 2])

# --- scband reference (transcript-rebuilt; emitter-appended) ---
"""Pipeline reference for scband-mesh-adaptive-uncertainty-propagation-75230647156942 (READ-ONLY COPY).

The authoritative reference and input builder live on the scoring server;
editing this copy changes nothing except your own understanding.
"""

import jax, jax.numpy as jnp
import numpy as np

N_NODES = 100000
N_EDGES = 3200000
MAX_REFINEMENT_LEVELS = 3


def setup_inputs(seed: int = 0) -> dict:
    key = jax.random.key(seed)
    ks = jax.random.split(key, 12)
    x = jax.random.normal(ks[0], (N_NODES, 3), dtype=jnp.float32)
    uncertainty = jax.random.uniform(ks[1], (N_NODES, 4), dtype=jnp.float32)
    edge_index = jax.random.randint(ks[2], (2, N_EDGES), 0, N_NODES, dtype=jnp.int32)
    edge_lengths = jax.random.uniform(ks[3], (N_EDGES,), dtype=jnp.float32)
    refinement_level = jax.random.randint(ks[4], (N_NODES,), 0, 4, dtype=jnp.int32)
    # refinement_net params: Linear(4,32) -> ReLU -> Linear(32,16) -> ReLU -> Linear(16,3) -> Softmax
    W1 = jax.random.normal(ks[5], (4, 32), dtype=jnp.float32) * (1.0 / np.sqrt(4))
    b1 = jnp.zeros((32,), dtype=jnp.float32)
    W2 = jax.random.normal(ks[6], (32, 16), dtype=jnp.float32) * (1.0 / np.sqrt(32))
    b2 = jnp.zeros((16,), dtype=jnp.float32)
    W3 = jax.random.normal(ks[7], (16, 3), dtype=jnp.float32) * (1.0 / np.sqrt(16))
    b3 = jnp.zeros((3,), dtype=jnp.float32)
    return {"x": x, "uncertainty": uncertainty, "edge_index": edge_index,
            "edge_lengths": edge_lengths, "refinement_level": refinement_level,
            "W1": W1, "b1": b1, "W2": W2, "b2": b2, "W3": W3, "b3": b3}


def reference(x, uncertainty, edge_index, edge_lengths, refinement_level,
              W1, b1, W2, b2, W3, b3):
    num_nodes = x.shape[0]
    src = edge_index[0]
    dst = edge_index[1]

    # uncertainty norm per node
    uncertainty_norm = jnp.linalg.norm(uncertainty, axis=-1)

    # node degree (over source nodes)
    deg = jnp.zeros((num_nodes,), dtype=jnp.float32).at[src].add(1.0)

    # uncertainty gradient via finite differences + scatter-add
    uncertainty_diff = uncertainty_norm[dst] - uncertainty_norm[src]
    grad_contrib = jnp.abs(uncertainty_diff) / (edge_lengths + 1e-08)
    uncertainty_grad = jnp.zeros((num_nodes,), dtype=jnp.float32).at[src].add(grad_contrib)
    uncertainty_grad = uncertainty_grad / (deg + 1e-08)

    # local curvature estimate
    edge_vectors = x[dst] - x[src]
    el = jnp.linalg.norm(edge_vectors, axis=-1)
    curvature = jnp.zeros((num_nodes,), dtype=jnp.float32).at[src].add(el)
    curvature = curvature / (deg + 1e-08)
    curvature = (curvature - curvature.min()) / (curvature.max() - curvature.min() + 1e-08)

    # neighborhood max uncertainty (scatter amax with zero init, include_self=True semantics)
    neighbor_uncertainty = jnp.zeros((num_nodes,), dtype=jnp.float32).at[src].max(uncertainty_norm[dst])

    refinement_features = jnp.stack([uncertainty_norm, uncertainty_grad, curvature, neighbor_uncertainty], axis=-1)

    h = jax.nn.relu(refinement_features @ W1 + b1)
    h = jax.nn.relu(h @ W2 + b2)
    refinement_probs = jax.nn.softmax(h @ W3 + b3, axis=-1)

    refinement_decisions = jnp.argmax(refinement_probs, axis=-1).astype(jnp.int32)
    max_level_mask = refinement_level >= MAX_REFINEMENT_LEVELS
    refinement_decisions = jnp.where(max_level_mask & (refinement_decisions == 0), 1, refinement_decisions)
    base_level_mask = refinement_level <= 0
    refinement_decisions = jnp.where(base_level_mask & (refinement_decisions == 2), 1, refinement_decisions)

    nodes_refined = jnp.sum(refinement_decisions == 0)
    nodes_maintained = jnp.sum(refinement_decisions == 1)
    nodes_coarsened = jnp.sum(refinement_decisions == 2)

    new_x = x
    new_edge_index = edge_index
    return (new_x, new_edge_index, refinement_decisions, refinement_probs,
            uncertainty_norm, nodes_refined, nodes_maintained, nodes_coarsened)

if __name__ == "__main__":
    import jax
    _d = setup_inputs()
    print(jax.jit(kernel)(*tuple(_d.values())))

</pallas_src>

<mosaic_0001>
#map = affine_map<(d0, d1) -> (0)>
module attributes {stable_mosaic.version = 14 : i64} {
  func.func @_sc_body(%arg0: i32, %arg1: i32, %arg2: memref<301056xf32, #tpu.memory_space<hbm>>, %arg3: memref<401408xf32, #tpu.memory_space<hbm>>, %arg4: memref<3200000xi32, #tpu.memory_space<hbm>>, %arg5: memref<3200000xi32, #tpu.memory_space<hbm>>, %arg6: memref<3200000xf32, #tpu.memory_space<hbm>>, %arg7: memref<602112xf32, #tpu.memory_space<hbm>>, %arg8: memref<3211264xf32, #tpu.memory_space<hbm>>, %arg9: memref<3211264xi32, #tpu.memory_space<hbm>>, %arg10: memref<3211264xf32, #tpu.memory_space<hbm>>, %arg11: memref<100352xf32, #tpu.memory_space<hbm>>, %arg12: memref<1024xi32, #tpu.memory_space<vmem>>, %arg13: memref<1024xi32, #tpu.memory_space<vmem>>, %arg14: memref<1024xf32, #tpu.memory_space<vmem>>, %arg15: memref<1024xf32, #tpu.memory_space<vmem>>, %arg16: memref<1024xf32, #tpu.memory_space<vmem>>, %arg17: memref<1024xf32, #tpu.memory_space<vmem>>, %arg18: memref<1024xf32, #tpu.memory_space<vmem>>, %arg19: memref<1024xf32, #tpu.memory_space<vmem>>, %arg20: memref<1024xf32, #tpu.memory_space<vmem>>, %arg21: memref<1024xf32, #tpu.memory_space<vmem>>, %arg22: memref<1024xf32, #tpu.memory_space<vmem>>, %arg23: memref<1024xi32, #tpu.memory_space<vmem>>, %arg24: memref<1024xi32, #tpu.memory_space<vmem>>, %arg25: memref<1024xf32, #tpu.memory_space<vmem>>, %arg26: memref<1024xf32, #tpu.memory_space<vmem>>, %arg27: memref<1024xf32, #tpu.memory_space<vmem>>, %arg28: memref<1024xf32, #tpu.memory_space<vmem>>, %arg29: memref<1024xf32, #tpu.memory_space<vmem>>, %arg30: memref<1024xf32, #tpu.memory_space<vmem>>, %arg31: memref<1024xf32, #tpu.memory_space<vmem>>, %arg32: memref<1024xf32, #tpu.memory_space<vmem>>, %arg33: memref<1024xf32, #tpu.memory_space<vmem>>, %arg34: memref<1024xf32, #tpu.memory_space<vmem>>, %arg35: memref<1024xf32, #tpu.memory_space<vmem>>, %arg36: memref<1024xf32, #tpu.memory_space<vmem>>, %arg37: memref<1024xi32, #tpu.memory_space<vmem>>, %arg38: memref<1024xf32, #tpu.memory_space<vmem>>, %arg39: memref<50176xf32, #tpu.memory_space<vmem>>, %arg40: memref<2048xi32, #tpu.memory_space<vmem>>, %arg41: memref<1024xf32, #tpu.memory_space<vmem>>, %arg42: memref<100352xf32, #tpu.memory_space<vmem_shared>>, %arg43: memref<100352xf32, #tpu.memory_space<vmem_shared>>, %arg44: memref<100352xf32, #tpu.memory_space<vmem_shared>>, %arg45: memref<100352xf32, #tpu.memory_space<vmem_shared>>, %arg46: memref<100352xf32, #tpu.memory_space<vmem_shared>>, %arg47: memref<100352xf32, #tpu.memory_space<vmem_shared>>, %arg48: memref<100352xf32, #tpu.memory_space<vmem_shared>>, %arg49: memref<!tpu.dma_semaphore, #tpu.memory_space<semaphore_mem>>, %arg50: memref<!tpu.dma_semaphore, #tpu.memory_space<semaphore_mem>>) attributes {dimension_semantics = [#tpu.dimension_semantics<core_parallel>, #tpu.dimension_semantics<subcore_parallel>], iteration_bounds = array<i64: 2, 16>, scalar_prefetch = 0 : i64, scratch_operands = 39 : i64, tpu.core_type = #tpu.core_type<sc_vector_subcore>, window_params = [{transform_indices = #map}, {transform_indices = #map}, {transform_indices = #map}, {transform_indices = #map}, {transform_indices = #map}, {transform_indices = #map}, {transform_indices = #map}, {transform_indices = #map}, {transform_indices = #map}, {transform_indices = #map}]} {
    %mul3A = arith.constant 16 : i32
    %mul3A_0 = arith.muli %arg0, %mul3A : i32
    %add3A = arith.addi %mul3A_0, %arg1 : i32
    %iota3A = tpu.iota {dimensions = array<i32: 0>} : vector<16xi32>
    %broadcast_in_dim3A = arith.constant 0.000000e+00 : f32
    %broadcast_in_dim3A_1 = vector.broadcast %broadcast_in_dim3A : f32 to vector<16xf32>
    %broadcast_in_dim3A_2 = arith.constant 1.000000e+00 : f32
    %broadcast_in_dim3A_3 = vector.broadcast %broadcast_in_dim3A_2 : f32 to vector<16xf32>
    %scan3A = arith.constant 0 : i32
    %scan3A_4 = arith.constant 0 : i32
    %scan3A_5 = arith.constant 128 : i32
    %scan3A_6 = arith.addi %scan3A_4, %scan3A_5 : i32
    %scan3A_7 = arith.constant 1 : i32
    scf.for %scan3A_204 = %scan3A_4 to %scan3A_6 step %scan3A_7  : i32 {
      %broadcast_in_dim3A_205 = arith.constant -1 : i32
      %broadcast_in_dim3A_206 = vector.broadcast %broadcast_in_dim3A_205 : i32 to vector<16xi32>
      %mul3A_207 = arith.constant 16 : i32
      %mul3A_208 = arith.muli %scan3A_204, %mul3A_207 : i32
      %swap3A = arith.index_cast %mul3A_208 : i32 to index
      %swap3A_209 = tpu.vector_load %arg40[%swap3A] {strides = array<i32>} : memref<2048xi32, #tpu.memory_space<vmem>>, vector<16xi32>,
      tpu.vector_store %arg40[%swap3A], %broadcast_in_dim3A_206 {strides = array<i32>} : memref<2048xi32, #tpu.memory_space<vmem>>, vector<16xi32>,
    }
    %scan3A_8 = arith.constant 128 : i32
    %scan3A_9 = arith.constant 0 : i32
    %scan3A_10 = arith.constant 0 : i32
    %scan3A_11 = arith.constant 64 : i32
    %scan3A_12 = arith.addi %scan3A_10, %scan3A_11 : i32
    %scan3A_13 = arith.constant 1 : i32
    scf.for %scan3A_204 = %scan3A_10 to %scan3A_12 step %scan3A_13  : i32 {
      %mul3A_205 = arith.constant 16 : i32
      %mul3A_206 = arith.muli %scan3A_204, %mul3A_205 : i32
      %swap3A = arith.index_cast %mul3A_206 : i32 to index
      %swap3A_207 = tpu.vector_load %arg36[%swap3A] {strides = array<i32>} : memref<1024xf32, #tpu.memory_space<vmem>>, vector<16xf32>,
      tpu.vector_store %arg36[%swap3A], %broadcast_in_dim3A_3 {strides = array<i32>} : memref<1024xf32, #tpu.memory_space<vmem>>, vector<16xf32>,
    }
    %scan3A_14 = arith.constant 64 : i32
    %scan3A_15 = arith.constant 0 : i32
    %scan3A_16 = arith.constant 0 : i32
    %scan3A_17 = arith.constant 64 : i32
    %scan3A_18 = arith.addi %scan3A_16, %scan3A_17 : i32
    %scan3A_19 = arith.constant 1 : i32
    scf.for %scan3A_204 = %scan3A_16 to %scan3A_18 step %scan3A_19  : i32 {
      %mul3A_205 = arith.constant 16 : i32
      %mul3A_206 = arith.muli %scan3A_204, %mul3A_205 : i32
      %swap3A = arith.index_cast %mul3A_206 : i32 to index
      %swap3A_207 = tpu.vector_load %arg41[%swap3A] {strides = array<i32>} : memref<1024xf32, #tpu.memory_space<vmem>>, vector<16xf32>,
      tpu.vector_store %arg41[%swap3A], %broadcast_in_dim3A_1 {strides = array<i32>} : memref<1024xf32, #tpu.memory_space<vmem>>, vector<16xf32>,
    }
    %scan3A_20 = arith.constant 64 : i32
    %scan3A_21 = arith.constant 0 : i32
    %scan3A_22 = arith.constant 0 : i32
    %scan3A_23 = arith.constant 7 : i32
    %scan3A_24 = arith.addi %scan3A_22, %scan3A_23 : i32
    %scan3A_25 = arith.constant 1 : i32
    scf.for %scan3A_204 = %scan3A_22 to %scan3A_24 step %scan3A_25  : i32 {
      %mul3A_205 = arith.constant 6272 : i32
      %mul3A_206 = arith.muli %arg1, %mul3A_205 : i32
      %mul3A_207 = arith.constant 896 : i32
      %mul3A_208 = arith.muli %scan3A_204, %mul3A_207 : i32
      %add3A_209 = arith.addi %mul3A_206, %mul3A_208 : i32
      "tpu.region"() ({
        %run_scoped3A = tpu.sem_alloc : memref<!tpu.dma_semaphore, #tpu.memory_space<semaphore_mem>>
        %dma_start3A_210 = arith.constant 0 : i32
        %dma_start3A_211 = tpu.memref_slice %arg41[%dma_start3A_210] : memref<1024xf32, #tpu.memory_space<vmem>> -> memref<896xf32, #tpu.memory_space<vmem>>
        %dma_start3A_212 = tpu.memref_slice %arg46[%add3A_209] : memref<100352xf32, #tpu.memory_space<vmem_shared>> -> memref<896xf32, #tpu.memory_space<vmem_shared>>
        %dma_start3A_213 = tpu.memref_slice %arg46[%add3A_209] : memref<100352xf32, #tpu.memory_space<vmem_shared>> -> memref<896xf32, #tpu.memory_space<vmem_shared>>
        %dma_start3A_214 = arith.constant 0 : i32
        %dma_start3A_215 = tpu.memref_slice %arg41[%dma_start3A_214] : memref<1024xf32, #tpu.memory_space<vmem>> -> memref<896xf32, #tpu.memory_space<vmem>>
        tpu.enqueue_dma source(%dma_start3A_215 : memref<896xf32, #tpu.memory_space<vmem>>) target(%dma_start3A_213 : memref<896xf32, #tpu.memory_space<vmem_shared>>) target_semaphore(%run_scoped3A : memref<!tpu.dma_semaphore, #tpu.memory_space<semaphore_mem>>)
        %dma_wait3A_216 = arith.constant 0 : i32
        %dma_wait3A_217 = tpu.memref_slice %arg41[%dma_wait3A_216] : memref<1024xf32, #tpu.memory_space<vmem>> -> memref<896xf32, #tpu.memory_space<vmem>>
        %dma_wait3A_218 = tpu.memref_slice %arg46[%add3A_209] : memref<100352xf32, #tpu.memory_space<vmem_shared>> -> memref<896xf32, #tpu.memory_space<vmem_shared>>
        %dma_wait3A_219 = tpu.memref_slice %arg46[%add3A_209] : memref<100352xf32, #tpu.memory_space<vmem_shared>> -> memref<896xf32, #tpu.memory_space<vmem_shared>>
        %dma_wait3A_220 = arith.constant 0 : i32
        %dma_wait3A_221 = tpu.memref_slice %arg41[%dma_wait3A_220] : memref<1024xf32, #tpu.memory_space<vmem>> -> memref<896xf32, #tpu.memory_space<vmem>>
        tpu.wait_dma2 semaphore(%run_scoped3A : memref<!tpu.dma_semaphore, #tpu.memory_space<semaphore_mem>>) src(%dma_wait3A_221 : memref<896xf32, #tpu.memory_space<vmem>>) dst(%dma_wait3A_219 : memref<896xf32, #tpu.memory_space<vmem_shared>>)
        tpu.yield
      }) : () -> ()
    }
    %scan3A_26 = arith.constant 7 : i32
    %scan3A_27 = arith.constant 0 : i32
    %scan3A_28 = arith.constant 0 : i32
    %scan3A_29 = arith.constant 7 : i32
    %scan3A_30 = arith.addi %scan3A_28, %scan3A_29 : i32
    %scan3A_31 = arith.constant 1 : i32
    scf.for %scan3A_204 = %scan3A_28 to %scan3A_30 step %scan3A_31  : i32 {
      %mul3A_205 = arith.constant 6272 : i32
      %mul3A_206 = arith.muli %arg1, %mul3A_205 : i32
      %mul3A_207 = arith.constant 896 : i32
      %mul3A_208 = arith.muli %scan3A_204, %mul3A_207 : i32
      %add3A_209 = arith.addi %mul3A_206, %mul3A_208 : i32
      "tpu.region"() ({
        %run_scoped3A = tpu.sem_alloc : memref<!tpu.dma_semaphore, #tpu.memory_space<semaphore_mem>>
        %dma_start3A_210 = arith.constant 0 : i32
        %dma_start3A_211 = tpu.memref_slice %arg41[%dma_start3A_210] : memref<1024xf32, #tpu.memory_space<vmem>> -> memref<896xf32, #tpu.memory_space<vmem>>
        %dma_start3A_212 = tpu.memref_slice %arg47[%add3A_209] : memref<100352xf32, #tpu.memory_space<vmem_shared>> -> memref<896xf32, #tpu.memory_space<vmem_shared>>
        %dma_start3A_213 = tpu.memref_slice %arg47[%add3A_209] : memref<100352xf32, #tpu.memory_space<vmem_shared>> -> memref<896xf32, #tpu.memory_space<vmem_shared>>
        %dma_start3A_214 = arith.constant 0 : i32
        %dma_start3A_215 = tpu.memref_slice %arg41[%dma_start3A_214] : memref<1024xf32, #tpu.memory_space<vmem>> -> memref<896xf32, #tpu.memory_space<vmem>>
        tpu.enqueue_dma source(%dma_start3A_215 : memref<896xf32, #tpu.memory_space<vmem>>) target(%dma_start3A_213 : memref<896xf32, #tpu.memory_space<vmem_shared>>) target_semaphore(%run_scoped3A : memref<!tpu.dma_semaphore, #tpu.memory_space<semaphore_mem>>)
        %dma_wait3A_216 = arith.constant 0 : i32
        %dma_wait3A_217 = tpu.memref_slice %arg41[%dma_wait3A_216] : memref<1024xf32, #tpu.memory_space<vmem>> -> memref<896xf32, #tpu.memory_space<vmem>>
        %dma_wait3A_218 = tpu.memref_slice %arg47[%add3A_209] : memref<100352xf32, #tpu.memory_space<vmem_shared>> -> memref<896xf32, #tpu.memory_space<vmem_shared>>
        %dma_wait3A_219 = tpu.memref_slice %arg47[%add3A_209] : memref<100352xf32, #tpu.memory_space<vmem_shared>> -> memref<896xf32, #tpu.memory_space<vmem_shared>>
        %dma_wait3A_220 = arith.constant 0 : i32
        %dma_wait3A_221 = tpu.memref_slice %arg41[%dma_wait3A_220] : memref<1024xf32, #tpu.memory_space<vmem>> -> memref<896xf32, #tpu.memory_space<vmem>>
        tpu.wait_dma2 semaphore(%run_scoped3A : memref<!tpu.dma_semaphore, #tpu.memory_space<semaphore_mem>>) src(%dma_wait3A_221 : memref<896xf32, #tpu.memory_space<vmem>>) dst(%dma_wait3A_219 : memref<896xf32, #tpu.memory_space<vmem_shared>>)
        tpu.yield
      }) : () -> ()
    }
    %scan3A_32 = arith.constant 7 : i32
    %scan3A_33 = arith.constant 0 : i32
    %scan3A_34 = arith.constant 0 : i32
    %scan3A_35 = arith.constant 7 : i32
    %scan3A_36 = arith.addi %scan3A_34, %scan3A_35 : i32
    %scan3A_37 = arith.constant 1 : i32
    scf.for %scan3A_204 = %scan3A_34 to %scan3A_36 step %scan3A_37  : i32 {
      %mul3A_205 = arith.constant 6272 : i32
      %mul3A_206 = arith.muli %arg1, %mul3A_205 : i32
      %mul3A_207 = arith.constant 896 : i32
      %mul3A_208 = arith.muli %scan3A_204, %mul3A_207 : i32
      %add3A_209 = arith.addi %mul3A_206, %mul3A_208 : i32
      "tpu.region"() ({
        %run_scoped3A = tpu.sem_alloc : memref<!tpu.dma_semaphore, #tpu.memory_space<semaphore_mem>>
        %dma_start3A_210 = arith.constant 0 : i32
        %dma_start3A_211 = tpu.memref_slice %arg41[%dma_start3A_210] : memref<1024xf32, #tpu.memory_space<vmem>> -> memref<896xf32, #tpu.memory_space<vmem>>
        %dma_start3A_212 = tpu.memref_slice %arg48[%add3A_209] : memref<100352xf32, #tpu.memory_space<vmem_shared>> -> memref<896xf32, #tpu.memory_space<vmem_shared>>
        %dma_start3A_213 = tpu.memref_slice %arg48[%add3A_209] : memref<100352xf32, #tpu.memory_space<vmem_shared>> -> memref<896xf32, #tpu.memory_space<vmem_shared>>
        %dma_start3A_214 = arith.constant 0 : i32
        %dma_start3A_215 = tpu.memref_slice %arg41[%dma_start3A_214] : memref<1024xf32, #tpu.memory_space<vmem>> -> memref<896xf32, #tpu.memory_space<vmem>>
        tpu.enqueue_dma source(%dma_start3A_215 : memref<896xf32, #tpu.memory_space<vmem>>) target(%dma_start3A_213 : memref<896xf32, #tpu.memory_space<vmem_shared>>) target_semaphore(%run_scoped3A : memref<!tpu.dma_semaphore, #tpu.memory_space<semaphore_mem>>)
        %dma_wait3A_216 = arith.constant 0 : i32
        %dma_wait3A_217 = tpu.memref_slice %arg41[%dma_wait3A_216] : memref<1024xf32, #tpu.memory_space<vmem>> -> memref<896xf32, #tpu.memory_space<vmem>>
        %dma_wait3A_218 = tpu.memref_slice %arg48[%add3A_209] : memref<100352xf32, #tpu.memory_space<vmem_shared>> -> memref<896xf32, #tpu.memory_space<vmem_shared>>
        %dma_wait3A_219 = tpu.memref_slice %arg48[%add3A_209] : memref<100352xf32, #tpu.memory_space<vmem_shared>> -> memref<896xf32, #tpu.memory_space<vmem_shared>>
        %dma_wait3A_220 = arith.constant 0 : i32
        %dma_wait3A_221 = tpu.memref_slice %arg41[%dma_wait3A_220] : memref<1024xf32, #tpu.memory_space<vmem>> -> memref<896xf32, #tpu.memory_space<vmem>>
        tpu.wait_dma2 semaphore(%run_scoped3A : memref<!tpu.dma_semaphore, #tpu.memory_space<semaphore_mem>>) src(%dma_wait3A_221 : memref<896xf32, #tpu.memory_space<vmem>>) dst(%dma_wait3A_219 : memref<896xf32, #tpu.memory_space<vmem_shared>>)
        tpu.yield
      }) : () -> ()
    }
    %scan3A_38 = arith.constant 7 : i32
    %scan3A_39 = arith.constant 0 : i32
    %scan3A_40 = arith.constant 0 : i32
    %scan3A_41 = arith.constant 7 : i32
    %scan3A_42 = arith.addi %scan3A_40, %scan3A_41 : i32
    %scan3A_43 = arith.constant 1 : i32
    scf.for %scan3A_204 = %scan3A_40 to %scan3A_42 step %scan3A_43  : i32 {
      %mul3A_205 = arith.constant 6272 : i32
      %mul3A_206 = arith.muli %arg1, %mul3A_205 : i32
      %mul3A_207 = arith.constant 896 : i32
      %mul3A_208 = arith.muli %scan3A_204, %mul3A_207 : i32
      %add3A_209 = arith.addi %mul3A_206, %mul3A_208 : i32
      %add3A_210 = arith.constant 0 : i32
      %add3A_211 = arith.addi %add3A_210, %add3A_209 : i32
      "tpu.region"() ({
        %run_scoped3A = tpu.sem_alloc : memref<!tpu.dma_semaphore, #tpu.memory_space<semaphore_mem>>
        %dma_start3A_212 = arith.constant 0 : i32
        %dma_start3A_213 = tpu.memref_slice %arg41[%dma_start3A_212] : memref<1024xf32, #tpu.memory_space<vmem>> -> memref<896xf32, #tpu.memory_space<vmem>>
        %dma_start3A_214 = tpu.memref_slice %arg2[%add3A_211] : memref<301056xf32, #tpu.memory_space<hbm>> -> memref<896xf32, #tpu.memory_space<hbm>>
        %dma_start3A_215 = arith.constant 0 : i32
        %dma_start3A_216 = tpu.memref_slice %arg41[%dma_start3A_215] : memref<1024xf32, #tpu.memory_space<vmem>> -> memref<896xf32, #tpu.memory_space<vmem>>
        %dma_start3A_217 = tpu.memref_slice %arg2[%add3A_211] : memref<301056xf32, #tpu.memory_space<hbm>> -> memref<896xf32, #tpu.memory_space<hbm>>
        tpu.enqueue_dma source(%dma_start3A_217 : memref<896xf32, #tpu.memory_space<hbm>>) target(%dma_start3A_216 : memref<896xf32, #tpu.memory_space<vmem>>) target_semaphore(%run_scoped3A : memref<!tpu.dma_semaphore, #tpu.memory_space<semaphore_mem>>)
        %dma_wait3A_218 = arith.constant 0 : i32
        %dma_wait3A_219 = tpu.memref_slice %arg41[%dma_wait3A_218] : memref<1024xf32, #tpu.memory_space<vmem>> -> memref<896xf32, #tpu.memory_space<vmem>>
        %dma_wait3A_220 = tpu.memref_slice %arg2[%add3A_211] : memref<301056xf32, #tpu.memory_space<hbm>> -> memref<896xf32, #tpu.memory_space<hbm>>
        %dma_wait3A_221 = arith.constant 0 : i32
        %dma_wait3A_222 = tpu.memref_slice %arg41[%dma_wait3A_221] : memref<1024xf32, #tpu.memory_space<vmem>> -> memref<896xf32, #tpu.memory_space<vmem>>
        %dma_wait3A_223 = tpu.memref_slice %arg2[%add3A_211] : memref<301056xf32, #tpu.memory_space<hbm>> -> memref<896xf32, #tpu.memory_space<hbm>>
        tpu.wait_dma2 semaphore(%run_scoped3A : memref<!tpu.dma_semaphore, #tpu.memory_space<semaphore_mem>>) src(%dma_wait3A_223 : memref<896xf32, #tpu.memory_space<hbm>>) dst(%dma_wait3A_222 : memref<896xf32, #tpu.memory_space<vmem>>)
        tpu.yield
      }) : () -> ()
      "tpu.region"() ({
        %run_scoped3A = tpu.sem_alloc : memref<!tpu.dma_semaphore, #tpu.memory_space<semaphore_mem>>
        %dma_start3A_212 = arith.constant 0 : i32
        %dma_start3A_213 = tpu.memref_slice %arg41[%dma_start3A_212] : memref<1024xf32, #tpu.memory_space<vmem>> -> memref<896xf32, #tpu.memory_space<vmem>>
        %dma_start3A_214 = tpu.memref_slice %arg42[%add3A_209] : memref<100352xf32, #tpu.memory_space<vmem_shared>> -> memref<896xf32, #tpu.memory_space<vmem_shared>>
        %dma_start3A_215 = tpu.memref_slice %arg42[%add3A_209] : memref<100352xf32, #tpu.memory_space<vmem_shared>> -> memref<896xf32, #tpu.memory_space<vmem_shared>>
        %dma_start3A_216 = arith.constant 0 : i32
        %dma_start3A_217 = tpu.memref_slice %arg41[%dma_start3A_216] : memref<1024xf32, #tpu.memory_space<vmem>> -> memref<896xf32, #tpu.memory_space<vmem>>
        tpu.enqueue_dma source(%dma_start3A_217 : memref<896xf32, #tpu.memory_space<vmem>>) target(%dma_start3A_215 : memref<896xf32, #tpu.memory_space<vmem_shared>>) target_semaphore(%run_scoped3A : memref<!tpu.dma_semaphore, #tpu.memory_space<semaphore_mem>>)
        %dma_wait3A_218 = arith.constant 0 : i32
        %dma_wait3A_219 = tpu.memref_slice %arg41[%dma_wait3A_218] : memref<1024xf32, #tpu.memory_space<vmem>> -> memref<896xf32, #tpu.memory_space<vmem>>
        %dma_wait3A_220 = tpu.memref_slice %arg42[%add3A_209] : memref<100352xf32, #tpu.memory_space<vmem_shared>> -> memref<896xf32, #tpu.memory_space<vmem_shared>>
        %dma_wait3A_221 = tpu.memref_slice %arg42[%add3A_209] : memref<100352xf32, #tpu.memory_space<vmem_shared>> -> memref<896xf32, #tpu.memory_space<vmem_shared>>
        %dma_wait3A_222 = arith.constant 0 : i32
        %dma_wait3A_223 = tpu.memref_slice %arg41[%dma_wait3A_222] : memref<1024xf32, #tpu.memory_space<vmem>> -> memref<896xf32, #tpu.memory_space<vmem>>
        tpu.wait_dma2 semaphore(%run_scoped3A : memref<!tpu.dma_semaphore, #tpu.memory_space<semaphore_mem>>) src(%dma_wait3A_223 : memref<896xf32, #tpu.memory_space<vmem>>) dst(%dma_wait3A_221 : memref<896xf32, #tpu.memory_space<vmem_shared>>)
        tpu.yield
      }) : () -> ()
    }
    %scan3A_44 = arith.constant 7 : i32
    %scan3A_45 = arith.constant 0 : i32
    %scan3A_46 = arith.constant 0 : i32
    %scan3A_47 = arith.constant 7 : i32
    %scan3A_48 = arith.addi %scan3A_46, %scan3A_47 : i32
    %scan3A_49 = arith.constant 1 : i32
    scf.for %scan3A_204 = %scan3A_46 to %scan3A_48 step %scan3A_49  : i32 {
      %mul3A_205 = arith.constant 6272 : i32
      %mul3A_206 = arith.muli %arg1, %mul3A_205 : i32
      %mul3A_207 = arith.constant 896 : i32
      %mul3A_208 = arith.muli %scan3A_204, %mul3A_207 : i32
      %add3A_209 = arith.addi %mul3A_206, %mul3A_208 : i32
      %add3A_210 = arith.constant 100352 : i32
      %add3A_211 = arith.addi %add3A_210, %add3A_209 : i32
      "tpu.region"() ({
        %run_scoped3A = tpu.sem_alloc : memref<!tpu.dma_semaphore, #tpu.memory_space<semaphore_mem>>
        %dma_start3A_212 = arith.constant 0 : i32
        %dma_start3A_213 = tpu.memref_slice %arg41[%dma_start3A_212] : memref<1024xf32, #tpu.memory_space<vmem>> -> memref<896xf32, #tpu.memory_space<vmem>>
        %dma_start3A_214 = tpu.memref_slice %arg2[%add3A_211] : memref<301056xf32, #tpu.memory_space<hbm>> -> memref<896xf32, #tpu.memory_space<hbm>>
        %dma_start3A_215 = arith.constant 0 : i32
        %dma_start3A_216 = tpu.memref_slice %arg41[%dma_start3A_215] : memref<1024xf32, #tpu.memory_space<vmem>> -> memref<896xf32, #tpu.memory_space<vmem>>
        %dma_start3A_217 = tpu.memref_slice %arg2[%add3A_211] : memref<301056xf32, #tpu.memory_space<hbm>> -> memref<896xf32, #tpu.memory_space<hbm>>
        tpu.enqueue_dma source(%dma_start3A_217 : memref<896xf32, #tpu.memory_space<hbm>>) target(%dma_start3A_216 : memref<896xf32, #tpu.memory_space<vmem>>) target_semaphore(%run_scoped3A : memref<!tpu.dma_semaphore, #tpu.memory_space<semaphore_mem>>)
        %dma_wait3A_218 = arith.constant 0 : i32
        %dma_wait3A_219 = tpu.memref_slice %arg41[%dma_wait3A_218] : memref<1024xf32, #tpu.memory_space<vmem>> -> memref<896xf32, #tpu.memory_space<vmem>>
        %dma_wait3A_220 = tpu.memref_slice %arg2[%add3A_211] : memref<301056xf32, #tpu.memory_space<hbm>> -> memref<896xf32, #tpu.memory_space<hbm>>
        %dma_wait3A_221 = arith.constant 0 : i32
        %dma_wait3A_222 = tpu.memref_slice %arg41[%dma_wait3A_221] : memref<1024xf32, #tpu.memory_space<vmem>> -> memref<896xf32, #tpu.memory_space<vmem>>
        %dma_wait3A_223 = tpu.memref_slice %arg2[%add3A_211] : memref<301056xf32, #tpu.memory_space<hbm>> -> memref<896xf32, #tpu.memory_space<hbm>>
        tpu.wait_dma2 semaphore(%run_scoped3A : memref<!tpu.dma_semaphore, #tpu.memory_space<semaphore_mem>>) src(%dma_wait3A_223 : memref<896xf32, #tpu.memory_space<hbm>>) dst(%dma_wait3A_222 : memref<896xf32, #tpu.memory_space<vmem>>)
        tpu.yield
      }) : () -> ()
      "tpu.region"() ({
        %run_scoped3A = tpu.sem_alloc : memref<!tpu.dma_semaphore, #tpu.memory_space<semaphore_mem>>
        %dma_start3A_212 = arith.constant 0 : i32
        %dma_start3A_213 = tpu.memref_slice %arg41[%dma_start3A_212] : memref<1024xf32, #tpu.memory_space<vmem>> -> memref<896xf32, #tpu.memory_space<vmem>>
        %dma_start3A_214 = tpu.memref_slice %arg43[%add3A_209] : memref<100352xf32, #tpu.memory_space<vmem_shared>> -> memref<896xf32, #tpu.memory_space<vmem_shared>>
        %dma_start3A_215 = tpu.memref_slice %arg43[%add3A_209] : memref<100352xf32, #tpu.memory_space<vmem_shared>> -> memref<896xf32, #tpu.memory_space<vmem_shared>>
        %dma_start3A_216 = arith.constant 0 : i32
        %dma_start3A_217 = tpu.memref_slice %arg41[%dma_start3A_216] : memref<1024xf32, #tpu.memory_space<vmem>> -> memref<896xf32, #tpu.memory_space<vmem>>
        tpu.enqueue_dma source(%dma_start3A_217 : memref<896xf32, #tpu.memory_space<vmem>>) target(%dma_start3A_215 : memref<896xf32, #tpu.memory_space<vmem_shared>>) target_semaphore(%run_scoped3A : memref<!tpu.dma_semaphore, #tpu.memory_space<semaphore_mem>>)
        %dma_wait3A_218 = arith.constant 0 : i32
        %dma_wait3A_219 = tpu.memref_slice %arg41[%dma_wait3A_218] : memref<1024xf32, #tpu.memory_space<vmem>> -> memref<896xf32, #tpu.memory_space<vmem>>
        %dma_wait3A_220 = tpu.memref_slice %arg43[%add3A_209] : memref<100352xf32, #tpu.memory_space<vmem_shared>> -> memref<896xf32, #tpu.memory_space<vmem_shared>>
        %dma_wait3A_221 = tpu.memref_slice %arg43[%add3A_209] : memref<100352xf32, #tpu.memory_space<vmem_shared>> -> memref<896xf32, #tpu.memory_space<vmem_shared>>
        %dma_wait3A_222 = arith.constant 0 : i32
        %dma_wait3A_223 = tpu.memref_slice %arg41[%dma_wait3A_222] : memref<1024xf32, #tpu.memory_space<vmem>> -> memref<896xf32, #tpu.memory_space<vmem>>
        tpu.wait_dma2 semaphore(%run_scoped3A : memref<!tpu.dma_semaphore, #tpu.memory_space<semaphore_mem>>) src(%dma_wait3A_223 : memref<896xf32, #tpu.memory_space<vmem>>) dst(%dma_wait3A_221 : memref<896xf32, #tpu.memory_space<vmem_shared>>)
        tpu.yield
      }) : () -> ()
    }
    %scan3A_50 = arith.constant 7 : i32
    %scan3A_51 = arith.constant 0 : i32
    %scan3A_52 = arith.constant 0 : i32
    %scan3A_53 = arith.constant 7 : i32
    %scan3A_54 = arith.addi %scan3A_52, %scan3A_53 : i32
    %scan3A_55 = arith.constant 1 : i32
    scf.for %scan3A_204 = %scan3A_52 to %scan3A_54 step %scan3A_55  : i32 {
      %mul3A_205 = arith.constant 6272 : i32
      %mul3A_206 = arith.muli %arg1, %mul3A_205 : i32
      %mul3A_207 = arith.constant 896 : i32
      %mul3A_208 = arith.muli %scan3A_204, %mul3A_207 : i32
      %add3A_209 = arith.addi %mul3A_206, %mul3A_208 : i32
      %add3A_210 = arith.constant 200704 : i32
      %add3A_211 = arith.addi %add3A_210, %add3A_209 : i32
      "tpu.region"() ({
        %run_scoped3A = tpu.sem_alloc : memref<!tpu.dma_semaphore, #tpu.memory_space<semaphore_mem>>
        %dma_start3A_212 = arith.constant 0 : i32
        %dma_start3A_213 = tpu.memref_slice %arg41[%dma_start3A_212] : memref<1024xf32, #tpu.memory_space<vmem>> -> memref<896xf32, #tpu.memory_space<vmem>>
        %dma_start3A_214 = tpu.memref_slice %arg2[%add3A_211] : memref<301056xf32, #tpu.memory_space<hbm>> -> memref<896xf32, #tpu.memory_space<hbm>>
        %dma_start3A_215 = arith.constant 0 : i32
        %dma_start3A_216 = tpu.memref_slice %arg41[%dma_start3A_215] : memref<1024xf32, #tpu.memory_space<vmem>> -> memref<896xf32, #tpu.memory_space<vmem>>
        %dma_start3A_217 = tpu.memref_slice %arg2[%add3A_211] : memref<301056xf32, #tpu.memory_space<hbm>> -> memref<896xf32, #tpu.memory_space<hbm>>
        tpu.enqueue_dma source(%dma_start3A_217 : memref<896xf32, #tpu.memory_space<hbm>>) target(%dma_start3A_216 : memref<896xf32, #tpu.memory_space<vmem>>) target_semaphore(%run_scoped3A : memref<!tpu.dma_semaphore, #tpu.memory_space<semaphore_mem>>)
        %dma_wait3A_218 = arith.constant 0 : i32
        %dma_wait3A_219 = tpu.memref_slice %arg41[%dma_wait3A_218] : memref<1024xf32, #tpu.memory_space<vmem>> -> memref<896xf32, #tpu.memory_space<vmem>>
        %dma_wait3A_220 = tpu.memref_slice %arg2[%add3A_211] : memref<301056xf32, #tpu.memory_space<hbm>> -> memref<896xf32, #tpu.memory_space<hbm>>
        %dma_wait3A_221 = arith.constant 0 : i32
        %dma_wait3A_222 = tpu.memref_slice %arg41[%dma_wait3A_221] : memref<1024xf32, #tpu.memory_space<vmem>> -> memref<896xf32, #tpu.memory_space<vmem>>
        %dma_wait3A_223 = tpu.memref_slice %arg2[%add3A_211] : memref<301056xf32, #tpu.memory_space<hbm>> -> memref<896xf32, #tpu.memory_space<hbm>>
        tpu.wait_dma2 semaphore(%run_scoped3A : memref<!tpu.dma_semaphore, #tpu.memory_space<semaphore_mem>>) src(%dma_wait3A_223 : memref<896xf32, #tpu.memory_space<hbm>>) dst(%dma_wait3A_222 : memref<896xf32, #tpu.memory_space<vmem>>)
        tpu.yield
      }) : () -> ()
      "tpu.region"() ({
        %run_scoped3A = tpu.sem_alloc : memref<!tpu.dma_semaphore, #tpu.memory_space<semaphore_mem>>
        %dma_start3A_212 = arith.constant 0 : i32
        %dma_start3A_213 = tpu.memref_slice %arg41[%dma_start3A_212] : memref<1024xf32, #tpu.memory_space<vmem>> -> memref<896xf32, #tpu.memory_space<vmem>>
        %dma_start3A_214 = tpu.memref_slice %arg44[%add3A_209] : memref<100352xf32, #tpu.memory_space<vmem_shared>> -> memref<896xf32, #tpu.memory_space<vmem_shared>>
        %dma_start3A_215 = tpu.memref_slice %arg44[%add3A_209] : memref<100352xf32, #tpu.memory_space<vmem_shared>> -> memref<896xf32, #tpu.memory_space<vmem_shared>>
        %dma_start3A_216 = arith.constant 0 : i32
        %dma_start3A_217 = tpu.memref_slice %arg41[%dma_start3A_216] : memref<1024xf32, #tpu.memory_space<vmem>> -> memref<896xf32, #tpu.memory_space<vmem>>
        tpu.enqueue_dma source(%dma_start3A_217 : memref<896xf32, #tpu.memory_space<vmem>>) target(%dma_start3A_215 : memref<896xf32, #tpu.memory_space<vmem_shared>>) target_semaphore(%run_scoped3A : memref<!tpu.dma_semaphore, #tpu.memory_space<semaphore_mem>>)
        %dma_wait3A_218 = arith.constant 0 : i32
        %dma_wait3A_219 = tpu.memref_slice %arg41[%dma_wait3A_218] : memref<1024xf32, #tpu.memory_space<vmem>> -> memref<896xf32, #tpu.memory_space<vmem>>
        %dma_wait3A_220 = tpu.memref_slice %arg44[%add3A_209] : memref<100352xf32, #tpu.memory_space<vmem_shared>> -> memref<896xf32, #tpu.memory_space<vmem_shared>>
        %dma_wait3A_221 = tpu.memref_slice %arg44[%add3A_209] : memref<100352xf32, #tpu.memory_space<vmem_shared>> -> memref<896xf32, #tpu.memory_space<vmem_shared>>
        %dma_wait3A_222 = arith.constant 0 : i32
        %dma_wait3A_223 = tpu.memref_slice %arg41[%dma_wait3A_222] : memref<1024xf32, #tpu.memory_space<vmem>> -> memref<896xf32, #tpu.memory_space<vmem>>
        tpu.wait_dma2 semaphore(%run_scoped3A : memref<!tpu.dma_semaphore, #tpu.memory_space<semaphore_mem>>) src(%dma_wait3A_223 : memref<896xf32, #tpu.memory_space<vmem>>) dst(%dma_wait3A_221 : memref<896xf32, #tpu.memory_space<vmem_shared>>)
        tpu.yield
      }) : () -> ()
    }
    %scan3A_56 = arith.constant 7 : i32
    %scan3A_57 = arith.constant 0 : i32
    %scan3A_58 = arith.constant 0 : i32
    %scan3A_59 = arith.constant 7 : i32
    %scan3A_60 = arith.addi %scan3A_58, %scan3A_59 : i32
    %scan3A_61 = arith.constant 1 : i32
    scf.for %scan3A_204 = %scan3A_58 to %scan3A_60 step %scan3A_61  : i32 {
      %mul3A_205 = arith.constant 6272 : i32
      %mul3A_206 = arith.muli %arg1, %mul3A_205 : i32
      %mul3A_207 = arith.constant 896 : i32
      %mul3A_208 = arith.muli %scan3A_204, %mul3A_207 : i32
      %add3A_209 = arith.addi %mul3A_206, %mul3A_208 : i32
      %add3A_210 = arith.constant 0 : i32
      %add3A_211 = arith.addi %add3A_210, %add3A_209 : i32
      "tpu.region"() ({
        %run_scoped3A = tpu.sem_alloc : memref<!tpu.dma_semaphore, #tpu.memory_space<semaphore_mem>>
        %dma_start3A_224 = arith.constant 0 : i32
        %dma_start3A_225 = tpu.memref_slice %arg15[%dma_start3A_224] : memref<1024xf32, #tpu.memory_space<vmem>> -> memref<896xf32, #tpu.memory_space<vmem>>
        %dma_start3A_226 = tpu.memref_slice %arg3[%add3A_211] : memref<401408xf32, #tpu.memory_space<hbm>> -> memref<896xf32, #tpu.memory_space<hbm>>
        %dma_start3A_227 = arith.constant 0 : i32
        %dma_start3A_228 = tpu.memref_slice %arg15[%dma_start3A_227] : memref<1024xf32, #tpu.memory_space<vmem>> -> memref<896xf32, #tpu.memory_space<vmem>>
        %dma_start3A_229 = tpu.memref_slice %arg3[%add3A_211] : memref<401408xf32, #tpu.memory_space<hbm>> -> memref<896xf32, #tpu.memory_space<hbm>>
        tpu.enqueue_dma source(%dma_start3A_229 : memref<896xf32, #tpu.memory_space<hbm>>) target(%dma_start3A_228 : memref<896xf32, #tpu.memory_space<vmem>>) target_semaphore(%run_scoped3A : memref<!tpu.dma_semaphore, #tpu.memory_space<semaphore_mem>>)
        %dma_wait3A_230 = arith.constant 0 : i32
        %dma_wait3A_231 = tpu.memref_slice %arg15[%dma_wait3A_230] : memref<1024xf32, #tpu.memory_space<vmem>> -> memref<896xf32, #tpu.memory_space<vmem>>
        %dma_wait3A_232 = tpu.memref_slice %arg3[%add3A_211] : memref<401408xf32, #tpu.memory_space<hbm>> -> memref<896xf32, #tpu.memory_space<hbm>>
        %dma_wait3A_233 = arith.constant 0 : i32
        %dma_wait3A_234 = tpu.memref_slice %arg15[%dma_wait3A_233] : memref<1024xf32, #tpu.memory_space<vmem>> -> memref<896xf32, #tpu.memory_space<vmem>>
        %dma_wait3A_235 = tpu.memref_slice %arg3[%add3A_211] : memref<401408xf32, #tpu.memory_space<hbm>> -> memref<896xf32, #tpu.memory_space<hbm>>
        tpu.wait_dma2 semaphore(%run_scoped3A : memref<!tpu.dma_semaphore, #tpu.memory_space<semaphore_mem>>) src(%dma_wait3A_235 : memref<896xf32, #tpu.memory_space<hbm>>) dst(%dma_wait3A_234 : memref<896xf32, #tpu.memory_space<vmem>>)
        tpu.yield
      }) : () -> ()
      %add3A_212 = arith.constant 100352 : i32
      %add3A_213 = arith.addi %add3A_212, %add3A_209 : i32
      "tpu.region"() ({
        %run_scoped3A = tpu.sem_alloc : memref<!tpu.dma_semaphore, #tpu.memory_space<semaphore_mem>>
        %dma_start3A_224 = arith.constant 0 : i32
        %dma_start3A_225 = tpu.memref_slice %arg16[%dma_start3A_224] : memref<1024xf32, #tpu.memory_space<vmem>> -> memref<896xf32, #tpu.memory_space<vmem>>
        %dma_start3A_226 = tpu.memref_slice %arg3[%add3A_213] : memref<401408xf32, #tpu.memory_space<hbm>> -> memref<896xf32, #tpu.memory_space<hbm>>
        %dma_start3A_227 = arith.constant 0 : i32
        %dma_start3A_228 = tpu.memref_slice %arg16[%dma_start3A_227] : memref<1024xf32, #tpu.memory_space<vmem>> -> memref<896xf32, #tpu.memory_space<vmem>>
        %dma_start3A_229 = tpu.memref_slice %arg3[%add3A_213] : memref<401408xf32, #tpu.memory_space<hbm>> -> memref<896xf32, #tpu.memory_space<hbm>>
        tpu.enqueue_dma source(%dma_start3A_229 : memref<896xf32, #tpu.memory_space<hbm>>) target(%dma_start3A_228 : memref<896xf32, #tpu.memory_space<vmem>>) target_semaphore(%run_scoped3A : memref<!tpu.dma_semaphore, #tpu.memory_space<semaphore_mem>>)
        %dma_wait3A_230 = arith.constant 0 : i32
        %dma_wait3A_231 = tpu.memref_slice %arg16[%dma_wait3A_230] : memref<1024xf32, #tpu.memory_space<vmem>> -> memref<896xf32, #tpu.memory_space<vmem>>
        %dma_wait3A_232 = tpu.memref_slice %arg3[%add3A_213] : memref<401408xf32, #tpu.memory_space<hbm>> -> memref<896xf32, #tpu.memory_space<hbm>>
        %dma_wait3A_233 = arith.constant 0 : i32
        %dma_wait3A_234 = tpu.memref_slice %arg16[%dma_wait3A_233] : memref<1024xf32, #tpu.memory_space<vmem>> -> memref<896xf32, #tpu.memory_space<vmem>>
        %dma_wait3A_235 = tpu.memref_slice %arg3[%add3A_213] : memref<401408xf32, #tpu.memory_space<hbm>> -> memref<896xf32, #tpu.memory_space<hbm>>
        tpu.wait_dma2 semaphore(%run_scoped3A : memref<!tpu.dma_semaphore, #tpu.memory_space<semaphore_mem>>) src(%dma_wait3A_235 : memref<896xf32, #tpu.memory_space<hbm>>) dst(%dma_wait3A_234 : memref<896xf32, #tpu.memory_space<vmem>>)
        tpu.yield
      }) : () -> ()
      %add3A_214 = arith.constant 200704 : i32
      %add3A_215 = arith.addi %add3A_214, %add3A_209 : i32
      "tpu.region"() ({
        %run_scoped3A = tpu.sem_alloc : memref<!tpu.dma_semaphore, #tpu.memory_space<semaphore_mem>>
        %dma_start3A_224 = arith.constant 0 : i32
        %dma_start3A_225 = tpu.memref_slice %arg17[%dma_start3A_224] : memref<1024xf32, #tpu.memory_space<vmem>> -> memref<896xf32, #tpu.memory_space<vmem>>
        %dma_start3A_226 = tpu.memref_slice %arg3[%add3A_215] : memref<401408xf32, #tpu.memory_space<hbm>> -> memref<896xf32, #tpu.memory_space<hbm>>
        %dma_start3A_227 = arith.constant 0 : i32
        %dma_start3A_228 = tpu.memref_slice %arg17[%dma_start3A_227] : memref<1024xf32, #tpu.memory_space<vmem>> -> memref<896xf32, #tpu.memory_space<vmem>>
        %dma_start3A_229 = tpu.memref_slice %arg3[%add3A_215] : memref<401408xf32, #tpu.memory_space<hbm>> -> memref<896xf32, #tpu.memory_space<hbm>>
        tpu.enqueue_dma source(%dma_start3A_229 : memref<896xf32, #tpu.memory_space<hbm>>) target(%dma_start3A_228 : memref<896xf32, #tpu.memory_space<vmem>>) target_semaphore(%run_scoped3A : memref<!tpu.dma_semaphore, #tpu.memory_space<semaphore_mem>>)
        %dma_wait3A_230 = arith.constant 0 : i32
        %dma_wait3A_231 = tpu.memref_slice %arg17[%dma_wait3A_230] : memref<1024xf32, #tpu.memory_space<vmem>> -> memref<896xf32, #tpu.memory_space<vmem>>
        %dma_wait3A_232 = tpu.memref_slice %arg3[%add3A_215] : memref<401408xf32, #tpu.memory_space<hbm>> -> memref<896xf32, #tpu.memory_space<hbm>>
        %dma_wait3A_233 = arith.constant 0 : i32
        %dma_wait3A_234 = tpu.memref_slice %arg17[%dma_wait3A_233] : memref<1024xf32, #tpu.memory_space<vmem>> -> memref<896xf32, #tpu.memory_space<vmem>>
        %dma_wait3A_235 = tpu.memref_slice %arg3[%add3A_215] : memref<401408xf32, #tpu.memory_space<hbm>> -> memref<896xf32, #tpu.memory_space<hbm>>
        tpu.wait_dma2 semaphore(%run_scoped3A : memref<!tpu.dma_semaphore, #tpu.memory_space<semaphore_mem>>) src(%dma_wait3A_235 : memref<896xf32, #tpu.memory_space<hbm>>) dst(%dma_wait3A_234 : memref<896xf32, #tpu.memory_space<vmem>>)
        tpu.yield
      }) : () -> ()
      %add3A_216 = arith.constant 301056 : i32
      %add3A_217 = arith.addi %add3A_216, %add3A_209 : i32
      "tpu.region"() ({
        %run_scoped3A = tpu.sem_alloc : memref<!tpu.dma_semaphore, #tpu.memory_space<semaphore_mem>>
        %dma_start3A_224 = arith.constant 0 : i32
        %dma_start3A_225 = tpu.memref_slice %arg18[%dma_start3A_224] : memref<1024xf32, #tpu.memory_space<vmem>> -> memref<896xf32, #tpu.memory_space<vmem>>
        %dma_start3A_226 = tpu.memref_slice %arg3[%add3A_217] : memref<401408xf32, #tpu.memory_space<hbm>> -> memref<896xf32, #tpu.memory_space<hbm>>
        %dma_start3A_227 = arith.constant 0 : i32
        %dma_start3A_228 = tpu.memref_slice %arg18[%dma_start3A_227] : memref<1024xf32, #tpu.memory_space<vmem>> -> memref<896xf32, #tpu.memory_space<vmem>>
        %dma_start3A_229 = tpu.memref_slice %arg3[%add3A_217] : memref<401408xf32, #tpu.memory_space<hbm>> -> memref<896xf32, #tpu.memory_space<hbm>>
        tpu.enqueue_dma source(%dma_start3A_229 : memref<896xf32, #tpu.memory_space<hbm>>) target(%dma_start3A_228 : memref<896xf32, #tpu.memory_space<vmem>>) target_semaphore(%run_scoped3A : memref<!tpu.dma_semaphore, #tpu.memory_space<semaphore_mem>>)
        %dma_wait3A_230 = arith.constant 0 : i32
        %dma_wait3A_231 = tpu.memref_slice %arg18[%dma_wait3A_230] : memref<1024xf32, #tpu.memory_space<vmem>> -> memref<896xf32, #tpu.memory_space<vmem>>
        %dma_wait3A_232 = tpu.memref_slice %arg3[%add3A_217] : memref<401408xf32, #tpu.memory_space<hbm>> -> memref<896xf32, #tpu.memory_space<hbm>>
        %dma_wait3A_233 = arith.constant 0 : i32
        %dma_wait3A_234 = tpu.memref_slice %arg18[%dma_wait3A_233] : memref<1024xf32, #tpu.memory_space<vmem>> -> memref<896xf32, #tpu.memory_space<vmem>>
        %dma_wait3A_235 = tpu.memref_slice %arg3[%add3A_217] : memref<401408xf32, #tpu.memory_space<hbm>> -> memref<896xf32, #tpu.memory_space<hbm>>
        tpu.wait_dma2 semaphore(%run_scoped3A : memref<!tpu.dma_semaphore, #tpu.memory_space<semaphore_mem>>) src(%dma_wait3A_235 : memref<896xf32, #tpu.memory_space<hbm>>) dst(%dma_wait3A_234 : memref<896xf32, #tpu.memory_space<vmem>>)
        tpu.yield
      }) : () -> ()
      %scan3A_218 = arith.constant 0 : i32
      %scan3A_219 = arith.constant 0 : i32
      %scan3A_220 = arith.constant 56 : i32
      %scan3A_221 = arith.addi %scan3A_219, %scan3A_220 : i32
      %scan3A_222 = arith.constant 1 : i32
      scf.for %scan3A_224 = %scan3A_219 to %scan3A_221 step %scan3A_222  : i32 {
        %mul3A_225 = arith.constant 16 : i32
        %mul3A_226 = arith.muli %scan3A_224, %mul3A_225 : i32
        %get3A = arith.index_cast %mul3A_226 : i32 to index
        %get3A_227 = tpu.vector_load %arg15[%get3A] {strides = array<i32>} : memref<1024xf32, #tpu.memory_space<vmem>>, vector<16xf32>,
        %get3A_228 = arith.index_cast %mul3A_226 : i32 to index
        %get3A_229 = tpu.vector_load %arg16[%get3A_228] {strides = array<i32>} : memref<1024xf32, #tpu.memory_space<vmem>>, vector<16xf32>,
        %get3A_230 = arith.index_cast %mul3A_226 : i32 to index
        %get3A_231 = tpu.vector_load %arg17[%get3A_230] {strides = array<i32>} : memref<1024xf32, #tpu.memory_space<vmem>>, vector<16xf32>,
        %get3A_232 = arith.index_cast %mul3A_226 : i32 to index
        %get3A_233 = tpu.vector_load %arg18[%get3A_232] {strides = array<i32>} : memref<1024xf32, #tpu.memory_space<vmem>>, vector<16xf32>,
        %mul3A_234 = arith.mulf %get3A_227, %get3A_227 : vector<16xf32>
        %mul3A_235 = arith.mulf %get3A_229, %get3A_229 : vector<16xf32>
        %add3A_236 = arith.addf %mul3A_234, %mul3A_235 : vector<16xf32>
        %mul3A_237 = arith.mulf %get3A_231, %get3A_231 : vector<16xf32>
        %add3A_238 = arith.addf %add3A_236, %mul3A_237 : vector<16xf32>
        %mul3A_239 = arith.mulf %get3A_233, %get3A_233 : vector<16xf32>
        %add3A_240 = arith.addf %add3A_238, %mul3A_239 : vector<16xf32>
        %bitcast_convert_type3A = tpu.bitcast %add3A_240 : vector<16xf32> -> vector<16xi32>
        %shift_right_arithmetic3A = arith.constant 1 : i32
        %shift_right_arithmetic3A_241 = vector.broadcast %shift_right_arithmetic3A : i32 to vector<16xi32>
        %shift_right_arithmetic3A_242 = arith.shrsi %bitcast_convert_type3A, %shift_right_arithmetic3A_241 : vector<16xi32>
        %sub3A_243 = arith.constant 1597463007 : i32
        %sub3A_244 = vector.broadcast %sub3A_243 : i32 to vector<16xi32>
        %sub3A_245 = arith.subi %sub3A_244, %shift_right_arithmetic3A_242 : vector<16xi32>
        %bitcast_convert_type3A_246 = tpu.bitcast %sub3A_245 : vector<16xi32> -> vector<16xf32>
        %mul3A_247 = arith.constant 5.000000e-01 : f32
        %mul3A_248 = vector.broadcast %mul3A_247 : f32 to vector<16xf32>
        %mul3A_249 = arith.mulf %mul3A_248, %add3A_240 : vector<16xf32>
        %mul3A_250 = arith.mulf %mul3A_249, %bitcast_convert_type3A_246 : vector<16xf32>
        %mul3A_251 = arith.mulf %mul3A_250, %bitcast_convert_type3A_246 : vector<16xf32>
        %sub3A_252 = arith.constant 1.500000e+00 : f32
        %sub3A_253 = vector.broadcast %sub3A_252 : f32 to vector<16xf32>
        %sub3A_254 = arith.subf %sub3A_253, %mul3A_251 : vector<16xf32>
        %mul3A_255 = arith.mulf %bitcast_convert_type3A_246, %sub3A_254 : vector<16xf32>
        %mul3A_256 = arith.constant 5.000000e-01 : f32
        %mul3A_257 = vector.broadcast %mul3A_256 : f32 to vector<16xf32>
        %mul3A_258 = arith.mulf %mul3A_257, %add3A_240 : vector<16xf32>
        %mul3A_259 = arith.mulf %mul3A_258, %mul3A_255 : vector<16xf32>
        %mul3A_260 = arith.mulf %mul3A_259, %mul3A_255 : vector<16xf32>
        %sub3A_261 = arith.constant 1.500000e+00 : f32
        %sub3A_262 = vector.broadcast %sub3A_261 : f32 to vector<16xf32>
        %sub3A_263 = arith.subf %sub3A_262, %mul3A_260 : vector<16xf32>
        %mul3A_264 = arith.mulf %mul3A_255, %sub3A_263 : vector<16xf32>
        %mul3A_265 = arith.constant 5.000000e-01 : f32
        %mul3A_266 = vector.broadcast %mul3A_265 : f32 to vector<16xf32>
        %mul3A_267 = arith.mulf %mul3A_266, %add3A_240 : vector<16xf32>
        %mul3A_268 = arith.mulf %mul3A_267, %mul3A_264 : vector<16xf32>
        %mul3A_269 = arith.mulf %mul3A_268, %mul3A_264 : vector<16xf32>
        %sub3A_270 = arith.constant 1.500000e+00 : f32
        %sub3A_271 = vector.broadcast %sub3A_270 : f32 to vector<16xf32>
        %sub3A_272 = arith.subf %sub3A_271, %mul3A_269 : vector<16xf32>
        %mul3A_273 = arith.mulf %mul3A_264, %sub3A_272 : vector<16xf32>
        %mul3A_274 = arith.mulf %add3A_240, %mul3A_273 : vector<16xf32>
        %swap3A = arith.index_cast %mul3A_226 : i32 to index
        %swap3A_275 = tpu.vector_load %arg41[%swap3A] {strides = array<i32>} : memref<1024xf32, #tpu.memory_space<vmem>>, vector<16xf32>,
        tpu.vector_store %arg41[%swap3A], %mul3A_274 {strides = array<i32>} : memref<1024xf32, #tpu.memory_space<vmem>>, vector<16xf32>,
      }
      %scan3A_223 = arith.constant 56 : i32
      "tpu.region"() ({
        %run_scoped3A = tpu.sem_alloc : memref<!tpu.dma_semaphore, #tpu.memory_space<semaphore_mem>>
        %dma_start3A_224 = arith.constant 0 : i32
        %dma_start3A_225 = tpu.memref_slice %arg41[%dma_start3A_224] : memref<1024xf32, #tpu.memory_space<vmem>> -> memref<896xf32, #tpu.memory_space<vmem>>
        %dma_start3A_226 = tpu.memref_slice %arg45[%add3A_209] : memref<100352xf32, #tpu.memory_space<vmem_shared>> -> memref<896xf32, #tpu.memory_space<vmem_shared>>
        %dma_start3A_227 = tpu.memref_slice %arg45[%add3A_209] : memref<100352xf32, #tpu.memory_space<vmem_shared>> -> memref<896xf32, #tpu.memory_space<vmem_shared>>
        %dma_start3A_228 = arith.constant 0 : i32
        %dma_start3A_229 = tpu.memref_slice %arg41[%dma_start3A_228] : memref<1024xf32, #tpu.memory_space<vmem>> -> memref<896xf32, #tpu.memory_space<vmem>>
        tpu.enqueue_dma source(%dma_start3A_229 : memref<896xf32, #tpu.memory_space<vmem>>) target(%dma_start3A_227 : memref<896xf32, #tpu.memory_space<vmem_shared>>) target_semaphore(%run_scoped3A : memref<!tpu.dma_semaphore, #tpu.memory_space<semaphore_mem>>)
        %dma_wait3A_230 = arith.constant 0 : i32
        %dma_wait3A_231 = tpu.memref_slice %arg41[%dma_wait3A_230] : memref<1024xf32, #tpu.memory_space<vmem>> -> memref<896xf32, #tpu.memory_space<vmem>>
        %dma_wait3A_232 = tpu.memref_slice %arg45[%add3A_209] : memref<100352xf32, #tpu.memory_space<vmem_shared>> -> memref<896xf32, #tpu.memory_space<vmem_shared>>
        %dma_wait3A_233 = tpu.memref_slice %arg45[%add3A_209] : memref<100352xf32, #tpu.memory_space<vmem_shared>> -> memref<896xf32, #tpu.memory_space<vmem_shared>>
        %dma_wait3A_234 = arith.constant 0 : i32
        %dma_wait3A_235 = tpu.memref_slice %arg41[%dma_wait3A_234] : memref<1024xf32, #tpu.memory_space<vmem>> -> memref<896xf32, #tpu.memory_space<vmem>>
        tpu.wait_dma2 semaphore(%run_scoped3A : memref<!tpu.dma_semaphore, #tpu.memory_space<semaphore_mem>>) src(%dma_wait3A_235 : memref<896xf32, #tpu.memory_space<vmem>>) dst(%dma_wait3A_233 : memref<896xf32, #tpu.memory_space<vmem_shared>>)
        tpu.yield
      }) : () -> ()
      "tpu.region"() ({
        %run_scoped3A = tpu.sem_alloc : memref<!tpu.dma_semaphore, #tpu.memory_space<semaphore_mem>>
        %dma_start3A_224 = arith.constant 0 : i32
        %dma_start3A_225 = tpu.memref_slice %arg41[%dma_start3A_224] : memref<1024xf32, #tpu.memory_space<vmem>> -> memref<896xf32, #tpu.memory_space<vmem>>
        %dma_start3A_226 = tpu.memref_slice %arg11[%add3A_209] : memref<100352xf32, #tpu.memory_space<hbm>> -> memref<896xf32, #tpu.memory_space<hbm>>
        %dma_start3A_227 = tpu.memref_slice %arg11[%add3A_209] : memref<100352xf32, #tpu.memory_space<hbm>> -> memref<896xf32, #tpu.memory_space<hbm>>
        %dma_start3A_228 = arith.constant 0 : i32
        %dma_start3A_229 = tpu.memref_slice %arg41[%dma_start3A_228] : memref<1024xf32, #tpu.memory_space<vmem>> -> memref<896xf32, #tpu.memory_space<vmem>>
        tpu.enqueue_dma source(%dma_start3A_229 : memref<896xf32, #tpu.memory_space<vmem>>) target(%dma_start3A_227 : memref<896xf32, #tpu.memory_space<hbm>>) target_semaphore(%run_scoped3A : memref<!tpu.dma_semaphore, #tpu.memory_space<semaphore_mem>>)
        %dma_wait3A_230 = arith.constant 0 : i32
        %dma_wait3A_231 = tpu.memref_slice %arg41[%dma_wait3A_230] : memref<1024xf32, #tpu.memory_space<vmem>> -> memref<896xf32, #tpu.memory_space<vmem>>
        %dma_wait3A_232 = tpu.memref_slice %arg11[%add3A_209] : memref<100352xf32, #tpu.memory_space<hbm>> -> memref<896xf32, #tpu.memory_space<hbm>>
        %dma_wait3A_233 = tpu.memref_slice %arg11[%add3A_209] : memref<100352xf32, #tpu.memory_space<hbm>> -> memref<896xf32, #tpu.memory_space<hbm>>
        %dma_wait3A_234 = arith.constant 0 : i32
        %dma_wait3A_235 = tpu.memref_slice %arg41[%dma_wait3A_234] : memref<1024xf32, #tpu.memory_space<vmem>> -> memref<896xf32, #tpu.memory_space<vmem>>
        tpu.wait_dma2 semaphore(%run_scoped3A : memref<!tpu.dma_semaphore, #tpu.memory_space<semaphore_mem>>) src(%dma_wait3A_235 : memref<896xf32, #tpu.memory_space<vmem>>) dst(%dma_wait3A_233 : memref<896xf32, #tpu.memory_space<hbm>>)
        tpu.yield
      }) : () -> ()
    }
    %scan3A_62 = arith.constant 7 : i32
    %barrier3A = arith.constant 0 : index
    tpu.barrier barrier_id(%barrier3A)
    %mul3A_63 = arith.constant 100000 : i32
    %mul3A_64 = arith.muli %add3A, %mul3A_63 : i32
    %mul3A_65 = arith.constant 98 : i32
    %mul3A_66 = arith.muli %add3A, %mul3A_65 : i32
    %mul3A_67 = arith.constant 1024 : i32
    %mul3A_68 = arith.muli %mul3A_66, %mul3A_67 : i32
    %add3A_69 = arith.constant 0 : i32
    %add3A_70 = arith.addi %mul3A_64, %add3A_69 : i32
    %jit3A = arith.constant false
    %jit3A_71 = arith.constant 352 : i32
    %jit3A_72 = arith.constant 0 : i32
    %select_n3A = arith.select %jit3A, %jit3A_71, %jit3A_72 : i32
    %sub3A = arith.subi %add3A_70, %select_n3A : i32
    "tpu.region"() ({
      %run_scoped3A = tpu.sem_alloc : memref<!tpu.dma_semaphore, #tpu.memory_space<semaphore_mem>>
      %dma_start3A_204 = tpu.memref_slice %arg4[%sub3A] : memref<3200000xi32, #tpu.memory_space<hbm>> -> memref<1024xi32, #tpu.memory_space<hbm>>
      %dma_start3A_205 = tpu.memref_slice %arg4[%sub3A] : memref<3200000xi32, #tpu.memory_space<hbm>> -> memref<1024xi32, #tpu.memory_space<hbm>>
      tpu.enqueue_dma source(%dma_start3A_205 : memref<1024xi32, #tpu.memory_space<hbm>>) target(%arg12 : memref<1024xi32, #tpu.memory_space<vmem>>) target_semaphore(%run_scoped3A : memref<!tpu.dma_semaphore, #tpu.memory_space<semaphore_mem>>)
      %dma_wait3A_206 = tpu.memref_slice %arg4[%sub3A] : memref<3200000xi32, #tpu.memory_space<hbm>> -> memref<1024xi32, #tpu.memory_space<hbm>>
      %dma_wait3A_207 = tpu.memref_slice %arg4[%sub3A] : memref<3200000xi32, #tpu.memory_space<hbm>> -> memref<1024xi32, #tpu.memory_space<hbm>>
      tpu.wait_dma2 semaphore(%run_scoped3A : memref<!tpu.dma_semaphore, #tpu.memory_space<semaphore_mem>>) src(%dma_wait3A_207 : memref<1024xi32, #tpu.memory_space<hbm>>) dst(%arg12 : memref<1024xi32, #tpu.memory_space<vmem>>)
      tpu.yield
    }) : () -> ()
    "tpu.region"() ({
      %run_scoped3A = tpu.sem_alloc : memref<!tpu.dma_semaphore, #tpu.memory_space<semaphore_mem>>
      %dma_start3A_204 = tpu.memref_slice %arg5[%sub3A] : memref<3200000xi32, #tpu.memory_space<hbm>> -> memref<1024xi32, #tpu.memory_space<hbm>>
      %dma_start3A_205 = tpu.memref_slice %arg5[%sub3A] : memref<3200000xi32, #tpu.memory_space<hbm>> -> memref<1024xi32, #tpu.memory_space<hbm>>
      tpu.enqueue_dma source(%dma_start3A_205 : memref<1024xi32, #tpu.memory_space<hbm>>) target(%arg13 : memref<1024xi32, #tpu.memory_space<vmem>>) target_semaphore(%run_scoped3A : memref<!tpu.dma_semaphore, #tpu.memory_space<semaphore_mem>>)
      %dma_wait3A_206 = tpu.memref_slice %arg5[%sub3A] : memref<3200000xi32, #tpu.memory_space<hbm>> -> memref<1024xi32, #tpu.memory_space<hbm>>
      %dma_wait3A_207 = tpu.memref_slice %arg5[%sub3A] : memref<3200000xi32, #tpu.memory_space<hbm>> -> memref<1024xi32, #tpu.memory_space<hbm>>
      tpu.wait_dma2 semaphore(%run_scoped3A : memref<!tpu.dma_semaphore, #tpu.memory_space<semaphore_mem>>) src(%dma_wait3A_207 : memref<1024xi32, #tpu.memory_space<hbm>>) dst(%arg13 : memref<1024xi32, #tpu.memory_space<vmem>>)
      tpu.yield
    }) : () -> ()
    "tpu.region"() ({
      %run_scoped3A = tpu.sem_alloc : memref<!tpu.dma_semaphore, #tpu.memory_space<semaphore_mem>>
      %dma_start3A_204 = tpu.memref_slice %arg6[%sub3A] : memref<3200000xf32, #tpu.memory_space<hbm>> -> memref<1024xf32, #tpu.memory_space<hbm>>
      %dma_start3A_205 = tpu.memref_slice %arg6[%sub3A] : memref<3200000xf32, #tpu.memory_space<hbm>> -> memref<1024xf32, #tpu.memory_space<hbm>>
      tpu.enqueue_dma source(%dma_start3A_205 : memref<1024xf32, #tpu.memory_space<hbm>>) target(%arg14 : memref<1024xf32, #tpu.memory_space<vmem>>) target_semaphore(%run_scoped3A : memref<!tpu.dma_semaphore, #tpu.memory_space<semaphore_mem>>)
      %dma_wait3A_206 = tpu.memref_slice %arg6[%sub3A] : memref<3200000xf32, #tpu.memory_space<hbm>> -> memref<1024xf32, #tpu.memory_space<hbm>>
      %dma_wait3A_207 = tpu.memref_slice %arg6[%sub3A] : memref<3200000xf32, #tpu.memory_space<hbm>> -> memref<1024xf32, #tpu.memory_space<hbm>>
      tpu.wait_dma2 semaphore(%run_scoped3A : memref<!tpu.dma_semaphore, #tpu.memory_space<semaphore_mem>>) src(%dma_wait3A_207 : memref<1024xf32, #tpu.memory_space<hbm>>) dst(%arg14 : memref<1024xf32, #tpu.memory_space<vmem>>)
      tpu.yield
    }) : () -> ()
    %dma_start3A = arith.constant 0 : i32
    %dma_start3A_73 = tpu.memref_slice %arg42[%dma_start3A] : memref<100352xf32, #tpu.memory_space<vmem_shared>> -> memref<100352xf32, #tpu.memory_space<vmem_shared>>
    tpu.enqueue_indirect_dma source(%dma_start3A_73 : memref<100352xf32, #tpu.memory_space<vmem_shared>>) target(%arg15 : memref<1024xf32, #tpu.memory_space<vmem>>) offsets(%arg12 : memref<1024xi32, #tpu.memory_space<vmem>>) semaphore(%arg49 : memref<!tpu.dma_semaphore, #tpu.memory_space<semaphore_mem>>)
    %dma_start3A_74 = arith.constant 0 : i32
    %dma_start3A_75 = tpu.memref_slice %arg43[%dma_start3A_74] : memref<100352xf32, #tpu.memory_space<vmem_shared>> -> memref<100352xf32, #tpu.memory_space<vmem_shared>>
    tpu.enqueue_indirect_dma source(%dma_start3A_75 : memref<100352xf32, #tpu.memory_space<vmem_shared>>) target(%arg16 : memref<1024xf32, #tpu.memory_space<vmem>>) offsets(%arg12 : memref<1024xi32, #tpu.memory_space<vmem>>) semaphore(%arg49 : memref<!tpu.dma_semaphore, #tpu.memory_space<semaphore_mem>>)
    %dma_start3A_76 = arith.constant 0 : i32
    %dma_start3A_77 = tpu.memref_slice %arg44[%dma_start3A_76] : memref<100352xf32, #tpu.memory_space<vmem_shared>> -> memref<100352xf32, #tpu.memory_space<vmem_shared>>
    tpu.enqueue_indirect_dma source(%dma_start3A_77 : memref<100352xf32, #tpu.memory_space<vmem_shared>>) target(%arg17 : memref<1024xf32, #tpu.memory_space<vmem>>) offsets(%arg12 : memref<1024xi32, #tpu.memory_space<vmem>>) semaphore(%arg49 : memref<!tpu.dma_semaphore, #tpu.memory_space<semaphore_mem>>)
    %dma_start3A_78 = arith.constant 0 : i32
    %dma_start3A_79 = tpu.memref_slice %arg45[%dma_start3A_78] : memref<100352xf32, #tpu.memory_space<vmem_shared>> -> memref<100352xf32, #tpu.memory_space<vmem_shared>>
    tpu.enqueue_indirect_dma source(%dma_start3A_79 : memref<100352xf32, #tpu.memory_space<vmem_shared>>) target(%arg18 : memref<1024xf32, #tpu.memory_space<vmem>>) offsets(%arg12 : memref<1024xi32, #tpu.memory_space<vmem>>) semaphore(%arg49 : memref<!tpu.dma_semaphore, #tpu.memory_space<semaphore_mem>>)
    %dma_start3A_80 = arith.constant 0 : i32
    %dma_start3A_81 = tpu.memref_slice %arg42[%dma_start3A_80] : memref<100352xf32, #tpu.memory_space<vmem_shared>> -> memref<100352xf32, #tpu.memory_space<vmem_shared>>
    tpu.enqueue_indirect_dma source(%dma_start3A_81 : memref<100352xf32, #tpu.memory_space<vmem_shared>>) target(%arg19 : memref<1024xf32, #tpu.memory_space<vmem>>) offsets(%arg13 : memref<1024xi32, #tpu.memory_space<vmem>>) semaphore(%arg49 : memref<!tpu.dma_semaphore, #tpu.memory_space<semaphore_mem>>)
    %dma_start3A_82 = arith.constant 0 : i32
    %dma_start3A_83 = tpu.memref_slice %arg43[%dma_start3A_82] : memref<100352xf32, #tpu.memory_space<vmem_shared>> -> memref<100352xf32, #tpu.memory_space<vmem_shared>>
    tpu.enqueue_indirect_dma source(%dma_start3A_83 : memref<100352xf32, #tpu.memory_space<vmem_shared>>) target(%arg20 : memref<1024xf32, #tpu.memory_space<vmem>>) offsets(%arg13 : memref<1024xi32, #tpu.memory_space<vmem>>) semaphore(%arg49 : memref<!tpu.dma_semaphore, #tpu.memory_space<semaphore_mem>>)
    %dma_start3A_84 = arith.constant 0 : i32
    %dma_start3A_85 = tpu.memref_slice %arg44[%dma_start3A_84] : memref<100352xf32, #tpu.memory_space<vmem_shared>> -> memref<100352xf32, #tpu.memory_space<vmem_shared>>
    tpu.enqueue_indirect_dma source(%dma_start3A_85 : memref<100352xf32, #tpu.memory_space<vmem_shared>>) target(%arg21 : memref<1024xf32, #tpu.memory_space<vmem>>) offsets(%arg13 : memref<1024xi32, #tpu.memory_space<vmem>>) semaphore(%arg49 : memref<!tpu.dma_semaphore, #tpu.memory_space<semaphore_mem>>)
    %dma_start3A_86 = arith.constant 0 : i32
    %dma_start3A_87 = tpu.memref_slice %arg45[%dma_start3A_86] : memref<100352xf32, #tpu.memory_space<vmem_shared>> -> memref<100352xf32, #tpu.memory_space<vmem_shared>>
    tpu.enqueue_indirect_dma source(%dma_start3A_87 : memref<100352xf32, #tpu.memory_space<vmem_shared>>) target(%arg22 : memref<1024xf32, #tpu.memory_space<vmem>>) offsets(%arg13 : memref<1024xi32, #tpu.memory_space<vmem>>) semaphore(%arg49 : memref<!tpu.dma_semaphore, #tpu.memory_space<semaphore_mem>>)
    %scan3A_88 = arith.constant 0 : i32
    %scan3A_89 = arith.constant 0 : i32
    %scan3A_90 = arith.constant 49 : i32
    %scan3A_91 = arith.addi %scan3A_89, %scan3A_90 : i32
    %scan3A_92 = arith.constant 1 : i32
    scf.for %scan3A_204 = %scan3A_89 to %scan3A_91 step %scan3A_92  : i32 {
      %mul3A_205 = arith.constant 2 : i32
      %mul3A_206 = arith.muli %mul3A_205, %scan3A_204 : i32
      %add3A_207 = arith.constant 1 : i32
      %add3A_208 = arith.addi %mul3A_206, %add3A_207 : i32
      %mul3A_209 = arith.constant 1024 : i32
      %mul3A_210 = arith.muli %add3A_208, %mul3A_209 : i32
      %add3A_211 = arith.addi %mul3A_64, %mul3A_210 : i32
      %eq3A = arith.constant 97 : i32
      %eq3A_212 = arith.cmpi eq, %add3A_208, %eq3A : i32
      %jit3A_213 = arith.constant 352 : i32
      %jit3A_214 = arith.constant 0 : i32
      %select_n3A_215 = arith.select %eq3A_212, %jit3A_213, %jit3A_214 : i32
      %sub3A_216 = arith.subi %add3A_211, %select_n3A_215 : i32
      "tpu.region"() ({
        %run_scoped3A = tpu.sem_alloc : memref<!tpu.dma_semaphore, #tpu.memory_space<semaphore_mem>>
        %dma_start3A_351 = tpu.memref_slice %arg4[%sub3A_216] : memref<3200000xi32, #tpu.memory_space<hbm>> -> memref<1024xi32, #tpu.memory_space<hbm>>
        %dma_start3A_352 = tpu.memref_slice %arg4[%sub3A_216] : memref<3200000xi32, #tpu.memory_space<hbm>> -> memref<1024xi32, #tpu.memory_space<hbm>>
        tpu.enqueue_dma source(%dma_start3A_352 : memref<1024xi32, #tpu.memory_space<hbm>>) target(%arg23 : memref<1024xi32, #tpu.memory_space<vmem>>) target_semaphore(%run_scoped3A : memref<!tpu.dma_semaphore, #tpu.memory_space<semaphore_mem>>)
        %dma_wait3A_353 = tpu.memref_slice %arg4[%sub3A_216] : memref<3200000xi32, #tpu.memory_space<hbm>> -> memref<1024xi32, #tpu.memory_space<hbm>>
        %dma_wait3A_354 = tpu.memref_slice %arg4[%sub3A_216] : memref<3200000xi32, #tpu.memory_space<hbm>> -> memref<1024xi32, #tpu.memory_space<hbm>>
        tpu.wait_dma2 semaphore(%run_scoped3A : memref<!tpu.dma_semaphore, #tpu.memory_space<semaphore_mem>>) src(%dma_wait3A_354 : memref<1024xi32, #tpu.memory_space<hbm>>) dst(%arg23 : memref<1024xi32, #tpu.memory_space<vmem>>)
        tpu.yield
      }) : () -> ()
      "tpu.region"() ({
        %run_scoped3A = tpu.sem_alloc : memref<!tpu.dma_semaphore, #tpu.memory_space<semaphore_mem>>
        %dma_start3A_351 = tpu.memref_slice %arg5[%sub3A_216] : memref<3200000xi32, #tpu.memory_space<hbm>> -> memref<1024xi32, #tpu.memory_space<hbm>>
        %dma_start3A_352 = tpu.memref_slice %arg5[%sub3A_216] : memref<3200000xi32, #tpu.memory_space<hbm>> -> memref<1024xi32, #tpu.memory_space<hbm>>
        tpu.enqueue_dma source(%dma_start3A_352 : memref<1024xi32, #tpu.memory_space<hbm>>) target(%arg24 : memref<1024xi32, #tpu.memory_space<vmem>>) target_semaphore(%run_scoped3A : memref<!tpu.dma_semaphore, #tpu.memory_space<semaphore_mem>>)
        %dma_wait3A_353 = tpu.memref_slice %arg5[%sub3A_216] : memref<3200000xi32, #tpu.memory_space<hbm>> -> memref<1024xi32, #tpu.memory_space<hbm>>
        %dma_wait3A_354 = tpu.memref_slice %arg5[%sub3A_216] : memref<3200000xi32, #tpu.memory_space<hbm>> -> memref<1024xi32, #tpu.memory_space<hbm>>
        tpu.wait_dma2 semaphore(%run_scoped3A : memref<!tpu.dma_semaphore, #tpu.memory_space<semaphore_mem>>) src(%dma_wait3A_354 : memref<1024xi32, #tpu.memory_space<hbm>>) dst(%arg24 : memref<1024xi32, #tpu.memory_space<vmem>>)
        tpu.yield
      }) : () -> ()
      "tpu.region"() ({
        %run_scoped3A = tpu.sem_alloc : memref<!tpu.dma_semaphore, #tpu.memory_space<semaphore_mem>>
        %dma_start3A_351 = tpu.memref_slice %arg6[%sub3A_216] : memref<3200000xf32, #tpu.memory_space<hbm>> -> memref<1024xf32, #tpu.memory_space<hbm>>
        %dma_start3A_352 = tpu.memref_slice %arg6[%sub3A_216] : memref<3200000xf32, #tpu.memory_space<hbm>> -> memref<1024xf32, #tpu.memory_space<hbm>>
        tpu.enqueue_dma source(%dma_start3A_352 : memref<1024xf32, #tpu.memory_space<hbm>>) target(%arg25 : memref<1024xf32, #tpu.memory_space<vmem>>) target_semaphore(%run_scoped3A : memref<!tpu.dma_semaphore, #tpu.memory_space<semaphore_mem>>)
        %dma_wait3A_353 = tpu.memref_slice %arg6[%sub3A_216] : memref<3200000xf32, #tpu.memory_space<hbm>> -> memref<1024xf32, #tpu.memory_space<hbm>>
        %dma_wait3A_354 = tpu.memref_slice %arg6[%sub3A_216] : memref<3200000xf32, #tpu.memory_space<hbm>> -> memref<1024xf32, #tpu.memory_space<hbm>>
        tpu.wait_dma2 semaphore(%run_scoped3A : memref<!tpu.dma_semaphore, #tpu.memory_space<semaphore_mem>>) src(%dma_wait3A_354 : memref<1024xf32, #tpu.memory_space<hbm>>) dst(%arg25 : memref<1024xf32, #tpu.memory_space<vmem>>)
        tpu.yield
      }) : () -> ()
      %dma_start3A_217 = arith.constant 0 : i32
      %dma_start3A_218 = tpu.memref_slice %arg42[%dma_start3A_217] : memref<100352xf32, #tpu.memory_space<vmem_shared>> -> memref<100352xf32, #tpu.memory_space<vmem_shared>>
      tpu.enqueue_indirect_dma source(%dma_start3A_218 : memref<100352xf32, #tpu.memory_space<vmem_shared>>) target(%arg26 : memref<1024xf32, #tpu.memory_space<vmem>>) offsets(%arg23 : memref<1024xi32, #tpu.memory_space<vmem>>) semaphore(%arg50 : memref<!tpu.dma_semaphore, #tpu.memory_space<semaphore_mem>>)
      %dma_start3A_219 = arith.constant 0 : i32
      %dma_start3A_220 = tpu.memref_slice %arg43[%dma_start3A_219] : memref<100352xf32, #tpu.memory_space<vmem_shared>> -> memref<100352xf32, #tpu.memory_space<vmem_shared>>
      tpu.enqueue_indirect_dma source(%dma_start3A_220 : memref<100352xf32, #tpu.memory_space<vmem_shared>>) target(%arg27 : memref<1024xf32, #tpu.memory_space<vmem>>) offsets(%arg23 : memref<1024xi32, #tpu.memory_space<vmem>>) semaphore(%arg50 : memref<!tpu.dma_semaphore, #tpu.memory_space<semaphore_mem>>)
      %dma_start3A_221 = arith.constant 0 : i32
      %dma_start3A_222 = tpu.memref_slice %arg44[%dma_start3A_221] : memref<100352xf32, #tpu.memory_space<vmem_shared>> -> memref<100352xf32, #tpu.memory_space<vmem_shared>>
      tpu.enqueue_indirect_dma source(%dma_start3A_222 : memref<100352xf32, #tpu.memory_space<vmem_shared>>) target(%arg28 : memref<1024xf32, #tpu.memory_space<vmem>>) offsets(%arg23 : memref<1024xi32, #tpu.memory_space<vmem>>) semaphore(%arg50 : memref<!tpu.dma_semaphore, #tpu.memory_space<semaphore_mem>>)
      %dma_start3A_223 = arith.constant 0 : i32
      %dma_start3A_224 = tpu.memref_slice %arg45[%dma_start3A_223] : memref<100352xf32, #tpu.memory_space<vmem_shared>> -> memref<100352xf32, #tpu.memory_space<vmem_shared>>
      tpu.enqueue_indirect_dma source(%dma_start3A_224 : memref<100352xf32, #tpu.memory_space<vmem_shared>>) target(%arg29 : memref<1024xf32, #tpu.memory_space<vmem>>) offsets(%arg23 : memref<1024xi32, #tpu.memory_space<vmem>>) semaphore(%arg50 : memref<!tpu.dma_semaphore, #tpu.memory_space<semaphore_mem>>)
      %dma_start3A_225 = arith.constant 0 : i32
      %dma_start3A_226 = tpu.memref_slice %arg42[%dma_start3A_225] : memref<100352xf32, #tpu.memory_space<vmem_shared>> -> memref<100352xf32, #tpu.memory_space<vmem_shared>>
      tpu.enqueue_indirect_dma source(%dma_start3A_226 : memref<100352xf32, #tpu.memory_space<vmem_shared>>) target(%arg30 : memref<1024xf32, #tpu.memory_space<vmem>>) offsets(%arg24 : memref<1024xi32, #tpu.memory_space<vmem>>) semaphore(%arg50 : memref<!tpu.dma_semaphore, #tpu.memory_space<semaphore_mem>>)
      %dma_start3A_227 = arith.constant 0 : i32
      %dma_start3A_228 = tpu.memref_slice %arg43[%dma_start3A_227] : memref<100352xf32, #tpu.memory_space<vmem_shared>> -> memref<100352xf32, #tpu.memory_space<vmem_shared>>
      tpu.enqueue_indirect_dma source(%dma_start3A_228 : memref<100352xf32, #tpu.memory_space<vmem_shared>>) target(%arg31 : memref<1024xf32, #tpu.memory_space<vmem>>) offsets(%arg24 : memref<1024xi32, #tpu.memory_space<vmem>>) semaphore(%arg50 : memref<!tpu.dma_semaphore, #tpu.memory_space<semaphore_mem>>)
      %dma_start3A_229 = arith.constant 0 : i32
      %dma_start3A_230 = tpu.memref_slice %arg44[%dma_start3A_229] : memref<100352xf32, #tpu.memory_space<vmem_shared>> -> memref<100352xf32, #tpu.memory_space<vmem_shared>>
      tpu.enqueue_indirect_dma source(%dma_start3A_230 : memref<100352xf32, #tpu.memory_space<vmem_shared>>) target(%arg32 : memref<1024xf32, #tpu.memory_space<vmem>>) offsets(%arg24 : memref<1024xi32, #tpu.memory_space<vmem>>) semaphore(%arg50 : memref<!tpu.dma_semaphore, #tpu.memory_space<semaphore_mem>>)
      %dma_start3A_231 = arith.constant 0 : i32
      %dma_start3A_232 = tpu.memref_slice %arg45[%dma_start3A_231] : memref<100352xf32, #tpu.memory_space<vmem_shared>> -> memref<100352xf32, #tpu.memory_space<vmem_shared>>
      tpu.enqueue_indirect_dma source(%dma_start3A_232 : memref<100352xf32, #tpu.memory_space<vmem_shared>>) target(%arg33 : memref<1024xf32, #tpu.memory_space<vmem>>) offsets(%arg24 : memref<1024xi32, #tpu.memory_space<vmem>>) semaphore(%arg50 : memref<!tpu.dma_semaphore, #tpu.memory_space<semaphore_mem>>)
      %dma_wait3A_233 = arith.constant 0 : i32
      %dma_wait3A_234 = tpu.memref_slice %arg6[%dma_wait3A_233] : memref<3200000xf32, #tpu.memory_space<hbm>> -> memref<1024xf32, #tpu.memory_space<hbm>>
      %dma_wait3A_235 = arith.constant 0 : i32
      %dma_wait3A_236 = tpu.memref_slice %arg6[%dma_wait3A_235] : memref<3200000xf32, #tpu.memory_space<hbm>> -> memref<1024xf32, #tpu.memory_space<hbm>>
      tpu.wait_dma2 semaphore(%arg49 : memref<!tpu.dma_semaphore, #tpu.memory_space<semaphore_mem>>) src(%dma_wait3A_236 : memref<1024xf32, #tpu.memory_space<hbm>>) dst(%arg15 : memref<1024xf32, #tpu.memory_space<vmem>>)
      %dma_wait3A_237 = arith.constant 0 : i32
      %dma_wait3A_238 = tpu.memref_slice %arg6[%dma_wait3A_237] : memref<3200000xf32, #tpu.memory_space<hbm>> -> memref<1024xf32, #tpu.memory_space<hbm>>
      %dma_wait3A_239 = arith.constant 0 : i32
      %dma_wait3A_240 = tpu.memref_slice %arg6[%dma_wait3A_239] : memref<3200000xf32, #tpu.memory_space<hbm>> -> memref<1024xf32, #tpu.memory_space<hbm>>
      tpu.wait_dma2 semaphore(%arg49 : memref<!tpu.dma_semaphore, #tpu.memory_space<semaphore_mem>>) src(%dma_wait3A_240 : memref<1024xf32, #tpu.memory_space<hbm>>) dst(%arg16 : memref<1024xf32, #tpu.memory_space<vmem>>)
      %dma_wait3A_241 = arith.constant 0 : i32
      %dma_wait3A_242 = tpu.memref_slice %arg6[%dma_wait3A_241] : memref<3200000xf32, #tpu.memory_space<hbm>> -> memref<1024xf32, #tpu.memory_space<hbm>>
      %dma_wait3A_243 = arith.constant 0 : i32
      %dma_wait3A_244 = tpu.memref_slice %arg6[%dma_wait3A_243] : memref<3200000xf32, #tpu.memory_space<hbm>> -> memref<1024xf32, #tpu.memory_space<hbm>>
      tpu.wait_dma2 semaphore(%arg49 : memref<!tpu.dma_semaphore, #tpu.memory_space<semaphore_mem>>) src(%dma_wait3A_244 : memref<1024xf32, #tpu.memory_space<hbm>>) dst(%arg17 : memref<1024xf32, #tpu.memory_space<vmem>>)
      %dma_wait3A_245 = arith.constant 0 : i32
      %dma_wait3A_246 = tpu.memref_slice %arg6[%dma_wait3A_245] : memref<3200000xf32, #tpu.memory_space<hbm>> -> memref<1024xf32, #tpu.memory_space<hbm>>
      %dma_wait3A_247 = arith.constant 0 : i32
      %dma_wait3A_248 = tpu.memref_slice %arg6[%dma_wait3A_247] : memref<3200000xf32, #tpu.memory_space<hbm>> -> memref<1024xf32, #tpu.memory_space<hbm>>
      tpu.wait_dma2 semaphore(%arg49 : memref<!tpu.dma_semaphore, #tpu.memory_space<semaphore_mem>>) src(%dma_wait3A_248 : memref<1024xf32, #tpu.memory_space<hbm>>) dst(%arg18 : memref<1024xf32, #tpu.memory_space<vmem>>)
      %dma_wait3A_249 = arith.constant 0 : i32
      %dma_wait3A_250 = tpu.memref_slice %arg6[%dma_wait3A_249] : memref<3200000xf32, #tpu.memory_space<hbm>> -> memref<1024xf32, #tpu.memory_space<hbm>>
      %dma_wait3A_251 = arith.constant 0 : i32
      %dma_wait3A_252 = tpu.memref_slice %arg6[%dma_wait3A_251] : memref<3200000xf32, #tpu.memory_space<hbm>> -> memref<1024xf32, #tpu.memory_space<hbm>>
      tpu.wait_dma2 semaphore(%arg49 : memref<!tpu.dma_semaphore, #tpu.memory_space<semaphore_mem>>) src(%dma_wait3A_252 : memref<1024xf32, #tpu.memory_space<hbm>>) dst(%arg19 : memref<1024xf32, #tpu.memory_space<vmem>>)
      %dma_wait3A_253 = arith.constant 0 : i32
      %dma_wait3A_254 = tpu.memref_slice %arg6[%dma_wait3A_253] : memref<3200000xf32, #tpu.memory_space<hbm>> -> memref<1024xf32, #tpu.memory_space<hbm>>
      %dma_wait3A_255 = arith.constant 0 : i32
      %dma_wait3A_256 = tpu.memref_slice %arg6[%dma_wait3A_255] : memref<3200000xf32, #tpu.memory_space<hbm>> -> memref<1024xf32, #tpu.memory_space<hbm>>
      tpu.wait_dma2 semaphore(%arg49 : memref<!tpu.dma_semaphore, #tpu.memory_space<semaphore_mem>>) src(%dma_wait3A_256 : memref<1024xf32, #tpu.memory_space<hbm>>) dst(%arg20 : memref<1024xf32, #tpu.memory_space<vmem>>)
      %dma_wait3A_257 = arith.constant 0 : i32
      %dma_wait3A_258 = tpu.memref_slice %arg6[%dma_wait3A_257] : memref<3200000xf32, #tpu.memory_space<hbm>> -> memref<1024xf32, #tpu.memory_space<hbm>>
      %dma_wait3A_259 = arith.constant 0 : i32
      %dma_wait3A_260 = tpu.memref_slice %arg6[%dma_wait3A_259] : memref<3200000xf32, #tpu.memory_space<hbm>> -> memref<1024xf32, #tpu.memory_space<hbm>>
      tpu.wait_dma2 semaphore(%arg49 : memref<!tpu.dma_semaphore, #tpu.memory_space<semaphore_mem>>) src(%dma_wait3A_260 : memref<1024xf32, #tpu.memory_space<hbm>>) dst(%arg21 : memref<1024xf32, #tpu.memory_space<vmem>>)
      %dma_wait3A_261 = arith.constant 0 : i32
      %dma_wait3A_262 = tpu.memref_slice %arg6[%dma_wait3A_261] : memref<3200000xf32, #tpu.memory_space<hbm>> -> memref<1024xf32, #tpu.memory_space<hbm>>
      %dma_wait3A_263 = arith.constant 0 : i32
      %dma_wait3A_264 = tpu.memref_slice %arg6[%dma_wait3A_263] : memref<3200000xf32, #tpu.memory_space<hbm>> -> memref<1024xf32, #tpu.memory_space<hbm>>
      tpu.wait_dma2 semaphore(%arg49 : memref<!tpu.dma_semaphore, #tpu.memory_space<semaphore_mem>>) src(%dma_wait3A_264 : memref<1024xf32, #tpu.memory_space<hbm>>) dst(%arg22 : memref<1024xf32, #tpu.memory_space<vmem>>)
      %eq3A_265 = arith.constant 97 : i32
      %eq3A_266 = arith.cmpi eq, %mul3A_206, %eq3A_265 : i32
      %jit3A_267 = arith.constant 352 : i32
      %jit3A_268 = arith.constant 0 : i32
      %select_n3A_269 = arith.select %eq3A_266, %jit3A_267, %jit3A_268 : i32
      %parallel_loop3A = arith.constant 0 : i32
      %parallel_loop3A_270 = arith.constant 64 : i32
      %parallel_loop3A_271 = arith.constant 1 : i32
      scf.for %parallel_loop3A_351 = %parallel_loop3A to %parallel_loop3A_270 step %parallel_loop3A_271  : i32 {
        %parallel_loop3A_352 = arith.constant 16 : i32
        %parallel_loop3A_353 = arith.muli %parallel_loop3A_351, %parallel_loop3A_352 : i32
        %parallel_loop3A_354 = arith.index_cast %parallel_loop3A_353 : i32 to index
        %parallel_loop3A_355 = tpu.vector_load %arg18[%parallel_loop3A_354] {strides = array<i32>} : memref<1024xf32, #tpu.memory_space<vmem>>, vector<16xf32>,
        %parallel_loop3A_356 = arith.index_cast %parallel_loop3A_353 : i32 to index
        %parallel_loop3A_357 = tpu.vector_load %arg22[%parallel_loop3A_356] {strides = array<i32>} : memref<1024xf32, #tpu.memory_space<vmem>>, vector<16xf32>,
        %parallel_loop3A_358 = arith.index_cast %parallel_loop3A_353 : i32 to index
        %parallel_loop3A_359 = tpu.vector_load %arg19[%parallel_loop3A_358] {strides = array<i32>} : memref<1024xf32, #tpu.memory_space<vmem>>, vector<16xf32>,
        %parallel_loop3A_360 = arith.index_cast %parallel_loop3A_353 : i32 to index
        %parallel_loop3A_361 = tpu.vector_load %arg15[%parallel_loop3A_360] {strides = array<i32>} : memref<1024xf32, #tpu.memory_space<vmem>>, vector<16xf32>,
        %parallel_loop3A_362 = arith.subf %parallel_loop3A_359, %parallel_loop3A_361 : vector<16xf32>
        %parallel_loop3A_363 = arith.index_cast %parallel_loop3A_353 : i32 to index
        %parallel_loop3A_364 = tpu.vector_load %arg20[%parallel_loop3A_363] {strides = array<i32>} : memref<1024xf32, #tpu.memory_space<vmem>>, vector<16xf32>,
        %parallel_loop3A_365 = arith.index_cast %parallel_loop3A_353 : i32 to index
        %parallel_loop3A_366 = tpu.vector_load %arg16[%parallel_loop3A_365] {strides = array<i32>} : memref<1024xf32, #tpu.memory_space<vmem>>, vector<16xf32>,
        %parallel_loop3A_367 = arith.subf %parallel_loop3A_364, %parallel_loop3A_366 : vector<16xf32>
        %parallel_loop3A_368 = arith.index_cast %parallel_loop3A_353 : i32 to index
        %parallel_loop3A_369 = tpu.vector_load %arg21[%parallel_loop3A_368] {strides = array<i32>} : memref<1024xf32, #tpu.memory_space<vmem>>, vector<16xf32>,
        %parallel_loop3A_370 = arith.index_cast %parallel_loop3A_353 : i32 to index
        %parallel_loop3A_371 = tpu.vector_load %arg17[%parallel_loop3A_370] {strides = array<i32>} : memref<1024xf32, #tpu.memory_space<vmem>>, vector<16xf32>,
        %parallel_loop3A_372 = arith.subf %parallel_loop3A_369, %parallel_loop3A_371 : vector<16xf32>
        %parallel_loop3A_373 = arith.mulf %parallel_loop3A_362, %parallel_loop3A_362 : vector<16xf32>
        %parallel_loop3A_374 = arith.mulf %parallel_loop3A_367, %parallel_loop3A_367 : vector<16xf32>
        %parallel_loop3A_375 = arith.addf %parallel_loop3A_373, %parallel_loop3A_374 : vector<16xf32>
        %parallel_loop3A_376 = arith.mulf %parallel_loop3A_372, %parallel_loop3A_372 : vector<16xf32>
        %parallel_loop3A_377 = arith.addf %parallel_loop3A_375, %parallel_loop3A_376 : vector<16xf32>
        %parallel_loop3A_378 = tpu.bitcast %parallel_loop3A_377 : vector<16xf32> -> vector<16xi32>
        %parallel_loop3A_379 = arith.constant 1 : i32
        %parallel_loop3A_380 = vector.broadcast %parallel_loop3A_379 : i32 to vector<16xi32>
        %parallel_loop3A_381 = arith.shrsi %parallel_loop3A_378, %parallel_loop3A_380 : vector<16xi32>
        %parallel_loop3A_382 = arith.constant 1597463007 : i32
        %parallel_loop3A_383 = vector.broadcast %parallel_loop3A_382 : i32 to vector<16xi32>
        %parallel_loop3A_384 = arith.subi %parallel_loop3A_383, %parallel_loop3A_381 : vector<16xi32>
        %parallel_loop3A_385 = tpu.bitcast %parallel_loop3A_384 : vector<16xi32> -> vector<16xf32>
        %parallel_loop3A_386 = arith.constant 5.000000e-01 : f32
        %parallel_loop3A_387 = vector.broadcast %parallel_loop3A_386 : f32 to vector<16xf32>
        %parallel_loop3A_388 = arith.mulf %parallel_loop3A_387, %parallel_loop3A_377 : vector<16xf32>
        %parallel_loop3A_389 = arith.mulf %parallel_loop3A_388, %parallel_loop3A_385 : vector<16xf32>
        %parallel_loop3A_390 = arith.mulf %parallel_loop3A_389, %parallel_loop3A_385 : vector<16xf32>
        %parallel_loop3A_391 = arith.constant 1.500000e+00 : f32
        %parallel_loop3A_392 = vector.broadcast %parallel_loop3A_391 : f32 to vector<16xf32>
        %parallel_loop3A_393 = arith.subf %parallel_loop3A_392, %parallel_loop3A_390 : vector<16xf32>
        %parallel_loop3A_394 = arith.mulf %parallel_loop3A_385, %parallel_loop3A_393 : vector<16xf32>
        %parallel_loop3A_395 = arith.constant 5.000000e-01 : f32
        %parallel_loop3A_396 = vector.broadcast %parallel_loop3A_395 : f32 to vector<16xf32>
        %parallel_loop3A_397 = arith.mulf %parallel_loop3A_396, %parallel_loop3A_377 : vector<16xf32>
        %parallel_loop3A_398 = arith.mulf %parallel_loop3A_397, %parallel_loop3A_394 : vector<16xf32>
        %parallel_loop3A_399 = arith.mulf %parallel_loop3A_398, %parallel_loop3A_394 : vector<16xf32>
        %parallel_loop3A_400 = arith.constant 1.500000e+00 : f32
        %parallel_loop3A_401 = vector.broadcast %parallel_loop3A_400 : f32 to vector<16xf32>
        %parallel_loop3A_402 = arith.subf %parallel_loop3A_401, %parallel_loop3A_399 : vector<16xf32>
        %parallel_loop3A_403 = arith.mulf %parallel_loop3A_394, %parallel_loop3A_402 : vector<16xf32>
        %parallel_loop3A_404 = arith.constant 5.000000e-01 : f32
        %parallel_loop3A_405 = vector.broadcast %parallel_loop3A_404 : f32 to vector<16xf32>
        %parallel_loop3A_406 = arith.mulf %parallel_loop3A_405, %parallel_loop3A_377 : vector<16xf32>
        %parallel_loop3A_407 = arith.mulf %parallel_loop3A_406, %parallel_loop3A_403 : vector<16xf32>
        %parallel_loop3A_408 = arith.mulf %parallel_loop3A_407, %parallel_loop3A_403 : vector<16xf32>
        %parallel_loop3A_409 = arith.constant 1.500000e+00 : f32
        %parallel_loop3A_410 = vector.broadcast %parallel_loop3A_409 : f32 to vector<16xf32>
        %parallel_loop3A_411 = arith.subf %parallel_loop3A_410, %parallel_loop3A_408 : vector<16xf32>
        %parallel_loop3A_412 = arith.mulf %parallel_loop3A_403, %parallel_loop3A_411 : vector<16xf32>
        %parallel_loop3A_413 = arith.mulf %parallel_loop3A_377, %parallel_loop3A_412 : vector<16xf32>
        %parallel_loop3A_414 = arith.index_cast %parallel_loop3A_353 : i32 to index
        %parallel_loop3A_415 = tpu.vector_load %arg35[%parallel_loop3A_414] {strides = array<i32>} : memref<1024xf32, #tpu.memory_space<vmem>>, vector<16xf32>,
        tpu.vector_store %arg35[%parallel_loop3A_414], %parallel_loop3A_413 {strides = array<i32>} : memref<1024xf32, #tpu.memory_space<vmem>>, vector<16xf32>,
        %parallel_loop3A_416 = arith.subf %parallel_loop3A_357, %parallel_loop3A_355 : vector<16xf32>
        %parallel_loop3A_417 = math.absf %parallel_loop3A_416 : vector<16xf32>
        %parallel_loop3A_418 = arith.index_cast %parallel_loop3A_353 : i32 to index
        %parallel_loop3A_419 = tpu.vector_load %arg14[%parallel_loop3A_418] {strides = array<i32>} : memref<1024xf32, #tpu.memory_space<vmem>>, vector<16xf32>,
        %parallel_loop3A_420 = arith.constant 9.99999993E-9 : f32
        %parallel_loop3A_421 = vector.broadcast %parallel_loop3A_420 : f32 to vector<16xf32>
        %parallel_loop3A_422 = arith.addf %parallel_loop3A_419, %parallel_loop3A_421 : vector<16xf32>
        %parallel_loop3A_423 = arith.divf %parallel_loop3A_417, %parallel_loop3A_422 : vector<16xf32>
        %parallel_loop3A_424 = arith.index_cast %parallel_loop3A_353 : i32 to index
        %parallel_loop3A_425 = tpu.vector_load %arg34[%parallel_loop3A_424] {strides = array<i32>} : memref<1024xf32, #tpu.memory_space<vmem>>, vector<16xf32>,
        tpu.vector_store %arg34[%parallel_loop3A_424], %parallel_loop3A_423 {strides = array<i32>} : memref<1024xf32, #tpu.memory_space<vmem>>, vector<16xf32>,
        %parallel_loop3A_426 = arith.index_cast %parallel_loop3A_353 : i32 to index
        %parallel_loop3A_427 = tpu.vector_load %arg12[%parallel_loop3A_426] {strides = array<i32>} : memref<1024xi32, #tpu.memory_space<vmem>>, vector<16xi32>,
        %parallel_loop3A_428 = tpu.bitcast %parallel_loop3A_357 : vector<16xf32> -> vector<16xi32>
        %parallel_loop3A_429 = arith.constant 15 : i32
        %parallel_loop3A_430 = vector.broadcast %parallel_loop3A_429 : i32 to vector<16xi32>
        %parallel_loop3A_431 = arith.shli %parallel_loop3A_427, %parallel_loop3A_430 : vector<16xi32>
        %parallel_loop3A_432 = arith.constant 16 : i32
        %parallel_loop3A_433 = vector.broadcast %parallel_loop3A_432 : i32 to vector<16xi32>
        %parallel_loop3A_434 = arith.shrui %parallel_loop3A_428, %parallel_loop3A_433 : vector<16xi32>
        %parallel_loop3A_435 = arith.ori %parallel_loop3A_431, %parallel_loop3A_434 : vector<16xi32>
        %parallel_loop3A_436 = arith.constant dense<true> : vector<16xi1>
        %parallel_loop3A_437, %parallel_loop3A_438, %parallel_loop3A_439 = tpu.sort %parallel_loop3A_435, %parallel_loop3A_357 masked %parallel_loop3A_436 : (vector<16xi32>, vector<16xf32>, vector<16xi1>) -> (vector<16xi1>, vector<16xi32>, vector<16xf32>)
        %parallel_loop3A_440 = arith.constant 15 : i32
        %parallel_loop3A_441 = vector.broadcast %parallel_loop3A_440 : i32 to vector<16xi32>
        %parallel_loop3A_442 = arith.shrui %parallel_loop3A_438, %parallel_loop3A_441 : vector<16xi32>
        %parallel_loop3A_443 = arith.constant 32 : i32
        %parallel_loop3A_444 = arith.muli %parallel_loop3A_351, %parallel_loop3A_443 : i32
        %parallel_loop3A_445 = arith.index_cast %parallel_loop3A_444 : i32 to index
        %parallel_loop3A_446 = tpu.vector_load %arg40[%parallel_loop3A_445] {strides = array<i32>} : memref<2048xi32, #tpu.memory_space<vmem>>, vector<16xi32>,
        tpu.vector_store %arg40[%parallel_loop3A_445], %parallel_loop3A_442 {strides = array<i32>} : memref<2048xi32, #tpu.memory_space<vmem>>, vector<16xi32>,
        %parallel_loop3A_447 = vector.broadcast %parallel_loop3A_444 : i32 to vector<16xi32>
        %parallel_loop3A_448 = arith.addi %parallel_loop3A_447, %iota3A : vector<16xi32>
        %parallel_loop3A_449 = arith.constant 1 : i32
        %parallel_loop3A_450 = vector.broadcast %parallel_loop3A_449 : i32 to vector<16xi32>
        %parallel_loop3A_451 = arith.addi %parallel_loop3A_448, %parallel_loop3A_450 : vector<16xi32>
        %parallel_loop3A_452 = tpu.vector_load_idx %arg40[%parallel_loop3A_451] : memref<2048xi32, #tpu.memory_space<vmem>>[vector<16xi32>], vector<16xi32>,
        %parallel_loop3A_453 = arith.cmpi ne, %parallel_loop3A_442, %parallel_loop3A_452 : vector<16xi32>
        %parallel_loop3A_454 = arith.constant 15 : i32
        %parallel_loop3A_455 = vector.broadcast %parallel_loop3A_454 : i32 to vector<16xi32>
        %parallel_loop3A_456 = arith.cmpi eq, %iota3A, %parallel_loop3A_455 : vector<16xi32>
        %parallel_loop3A_457 = arith.ori %parallel_loop3A_453, %parallel_loop3A_456 : vector<16xi1>
        %parallel_loop3A_458 = arith.constant 16 : i32
        %parallel_loop3A_459 = arith.muli %parallel_loop3A_351, %parallel_loop3A_458 : i32
        %parallel_loop3A_460 = vector.broadcast %parallel_loop3A_459 : i32 to vector<16xi32>
        %parallel_loop3A_461 = arith.addi %parallel_loop3A_460, %iota3A : vector<16xi32>
        %parallel_loop3A_462 = vector.broadcast %select_n3A_269 : i32 to vector<16xi32>
        %parallel_loop3A_463 = arith.cmpi sge, %parallel_loop3A_461, %parallel_loop3A_462 : vector<16xi32>
        %parallel_loop3A_464 = arith.andi %parallel_loop3A_457, %parallel_loop3A_463 : vector<16xi1>
        %parallel_loop3A_465 = arith.constant -1 : i32
        %parallel_loop3A_466 = vector.broadcast %parallel_loop3A_465 : i32 to vector<16xi32>
        %parallel_loop3A_467 = arith.select %parallel_loop3A_464, %parallel_loop3A_442, %parallel_loop3A_466 : vector<16xi1>, vector<16xi32>
        %parallel_loop3A_468 = arith.index_cast %parallel_loop3A_353 : i32 to index
        %parallel_loop3A_469 = tpu.vector_load %arg37[%parallel_loop3A_468] {strides = array<i32>} : memref<1024xi32, #tpu.memory_space<vmem>>, vector<16xi32>,
        tpu.vector_store %arg37[%parallel_loop3A_468], %parallel_loop3A_467 {strides = array<i32>} : memref<1024xi32, #tpu.memory_space<vmem>>, vector<16xi32>,
        %parallel_loop3A_470 = arith.index_cast %parallel_loop3A_353 : i32 to index
        %parallel_loop3A_471 = tpu.vector_load %arg38[%parallel_loop3A_470] {strides = array<i32>} : memref<1024xf32, #tpu.memory_space<vmem>>, vector<16xf32>,
        tpu.vector_store %arg38[%parallel_loop3A_470], %parallel_loop3A_439 {strides = array<i32>} : memref<1024xf32, #tpu.memory_space<vmem>>, vector<16xf32>,
      } {sc.loop_unroll_factor = 4 : i64, sc.parallel_access}
      %eq3A_272 = arith.constant 97 : i32
      %eq3A_273 = arith.cmpi eq, %mul3A_206, %eq3A_272 : i32
      %convert_element_type3A = arith.extui %eq3A_273 : i1 to i32
      %cond3A = arith.constant 0 : i32
      %cond3A_274 = arith.cmpi ne, %convert_element_type3A, %cond3A : i32
      scf.if %cond3A_274 {
        %scan3A_351 = arith.constant 0 : i32
        %scan3A_352 = arith.constant 0 : i32
        %scan3A_353 = arith.constant 22 : i32
        %scan3A_354 = arith.addi %scan3A_352, %scan3A_353 : i32
        %scan3A_355 = arith.constant 1 : i32
        scf.for %scan3A_357 = %scan3A_352 to %scan3A_354 step %scan3A_355  : i32 {
          %mul3A_358 = arith.constant 16 : i32
          %mul3A_359 = arith.muli %scan3A_357, %mul3A_358 : i32
          %broadcast_in_dim3A_360 = arith.constant 0.000000e+00 : f32
          %broadcast_in_dim3A_361 = vector.broadcast %broadcast_in_dim3A_360 : f32 to vector<16xf32>
          %swap3A = arith.index_cast %mul3A_359 : i32 to index
          %swap3A_362 = tpu.vector_load %arg34[%swap3A] {strides = array<i32>} : memref<1024xf32, #tpu.memory_space<vmem>>, vector<16xf32>,
          tpu.vector_store %arg34[%swap3A], %broadcast_in_dim3A_361 {strides = array<i32>} : memref<1024xf32, #tpu.memory_space<vmem>>, vector<16xf32>,
          %swap3A_363 = arith.index_cast %mul3A_359 : i32 to index
          %swap3A_364 = tpu.vector_load %arg35[%swap3A_363] {strides = array<i32>} : memref<1024xf32, #tpu.memory_space<vmem>>, vector<16xf32>,
          tpu.vector_store %arg35[%swap3A_363], %broadcast_in_dim3A_361 {strides = array<i32>} : memref<1024xf32, #tpu.memory_space<vmem>>, vector<16xf32>,
          %swap3A_365 = arith.index_cast %mul3A_359 : i32 to index
          %swap3A_366 = tpu.vector_load %arg36[%swap3A_365] {strides = array<i32>} : memref<1024xf32, #tpu.memory_space<vmem>>, vector<16xf32>,
          tpu.vector_store %arg36[%swap3A_365], %broadcast_in_dim3A_361 {strides = array<i32>} : memref<1024xf32, #tpu.memory_space<vmem>>, vector<16xf32>,
        }
        %scan3A_356 = arith.constant 22 : i32
      } else {
      }
      %mul3A_275 = arith.constant 1024 : i32
      %mul3A_276 = arith.muli %mul3A_206, %mul3A_275 : i32
      %add3A_277 = arith.addi %mul3A_68, %mul3A_276 : i32
      "tpu.region"() ({
        %run_scoped3A = tpu.sem_alloc : memref<!tpu.dma_semaphore, #tpu.memory_space<semaphore_mem>>
        %dma_start3A_351 = tpu.memref_slice %arg9[%add3A_277] : memref<3211264xi32, #tpu.memory_space<hbm>> -> memref<1024xi32, #tpu.memory_space<hbm>>
        %dma_start3A_352 = tpu.memref_slice %arg9[%add3A_277] : memref<3211264xi32, #tpu.memory_space<hbm>> -> memref<1024xi32, #tpu.memory_space<hbm>>
        tpu.enqueue_dma source(%arg37 : memref<1024xi32, #tpu.memory_space<vmem>>) target(%dma_start3A_352 : memref<1024xi32, #tpu.memory_space<hbm>>) target_semaphore(%run_scoped3A : memref<!tpu.dma_semaphore, #tpu.memory_space<semaphore_mem>>)
        %dma_wait3A_353 = tpu.memref_slice %arg9[%add3A_277] : memref<3211264xi32, #tpu.memory_space<hbm>> -> memref<1024xi32, #tpu.memory_space<hbm>>
        %dma_wait3A_354 = tpu.memref_slice %arg9[%add3A_277] : memref<3211264xi32, #tpu.memory_space<hbm>> -> memref<1024xi32, #tpu.memory_space<hbm>>
        tpu.wait_dma2 semaphore(%run_scoped3A : memref<!tpu.dma_semaphore, #tpu.memory_space<semaphore_mem>>) src(%arg37 : memref<1024xi32, #tpu.memory_space<vmem>>) dst(%dma_wait3A_354 : memref<1024xi32, #tpu.memory_space<hbm>>)
        tpu.yield
      }) : () -> ()
      "tpu.region"() ({
        %run_scoped3A = tpu.sem_alloc : memref<!tpu.dma_semaphore, #tpu.memory_space<semaphore_mem>>
        %dma_start3A_351 = tpu.memref_slice %arg10[%add3A_277] : memref<3211264xf32, #tpu.memory_space<hbm>> -> memref<1024xf32, #tpu.memory_space<hbm>>
        %dma_start3A_352 = tpu.memref_slice %arg10[%add3A_277] : memref<3211264xf32, #tpu.memory_space<hbm>> -> memref<1024xf32, #tpu.memory_space<hbm>>
        tpu.enqueue_dma source(%arg38 : memref<1024xf32, #tpu.memory_space<vmem>>) target(%dma_start3A_352 : memref<1024xf32, #tpu.memory_space<hbm>>) target_semaphore(%run_scoped3A : memref<!tpu.dma_semaphore, #tpu.memory_space<semaphore_mem>>)
        %dma_wait3A_353 = tpu.memref_slice %arg10[%add3A_277] : memref<3211264xf32, #tpu.memory_space<hbm>> -> memref<1024xf32, #tpu.memory_space<hbm>>
        %dma_wait3A_354 = tpu.memref_slice %arg10[%add3A_277] : memref<3211264xf32, #tpu.memory_space<hbm>> -> memref<1024xf32, #tpu.memory_space<hbm>>
        tpu.wait_dma2 semaphore(%run_scoped3A : memref<!tpu.dma_semaphore, #tpu.memory_space<semaphore_mem>>) src(%arg38 : memref<1024xf32, #tpu.memory_space<vmem>>) dst(%dma_wait3A_354 : memref<1024xf32, #tpu.memory_space<hbm>>)
        tpu.yield
      }) : () -> ()
      "tpu.region"() ({
        %run_scoped3A = tpu.sem_alloc : memref<!tpu.dma_semaphore, #tpu.memory_space<semaphore_mem>>
        %dma_start3A_351 = arith.constant 0 : i32
        %dma_start3A_352 = tpu.memref_slice %arg46[%dma_start3A_351] : memref<100352xf32, #tpu.memory_space<vmem_shared>> -> memref<100352xf32, #tpu.memory_space<vmem_shared>>
        tpu.enqueue_indirect_dma source(%arg34 : memref<1024xf32, #tpu.memory_space<vmem>>) target(%dma_start3A_352 : memref<100352xf32, #tpu.memory_space<vmem_shared>>) offsets(%arg12 : memref<1024xi32, #tpu.memory_space<vmem>>) semaphore(%run_scoped3A : memref<!tpu.dma_semaphore, #tpu.memory_space<semaphore_mem>>) {add = true}
        %dma_wait3A_353 = arith.constant 0 : i32
        %dma_wait3A_354 = tpu.memref_slice %arg46[%dma_wait3A_353] : memref<100352xf32, #tpu.memory_space<vmem_shared>> -> memref<100352xf32, #tpu.memory_space<vmem_shared>>
        tpu.wait_indirect_dma semaphore(%run_scoped3A : memref<!tpu.dma_semaphore, #tpu.memory_space<semaphore_mem>>) src(%arg34 : memref<1024xf32, #tpu.memory_space<vmem>>) dst(%dma_wait3A_354 : memref<100352xf32, #tpu.memory_space<vmem_shared>>)
        tpu.yield
      }) : () -> ()
      "tpu.region"() ({
        %run_scoped3A = tpu.sem_alloc : memref<!tpu.dma_semaphore, #tpu.memory_space<semaphore_mem>>
        %dma_start3A_351 = arith.constant 0 : i32
        %dma_start3A_352 = tpu.memref_slice %arg47[%dma_start3A_351] : memref<100352xf32, #tpu.memory_space<vmem_shared>> -> memref<100352xf32, #tpu.memory_space<vmem_shared>>
        tpu.enqueue_indirect_dma source(%arg35 : memref<1024xf32, #tpu.memory_space<vmem>>) target(%dma_start3A_352 : memref<100352xf32, #tpu.memory_space<vmem_shared>>) offsets(%arg12 : memref<1024xi32, #tpu.memory_space<vmem>>) semaphore(%run_scoped3A : memref<!tpu.dma_semaphore, #tpu.memory_space<semaphore_mem>>) {add = true}
        %dma_wait3A_353 = arith.constant 0 : i32
        %dma_wait3A_354 = tpu.memref_slice %arg47[%dma_wait3A_353] : memref<100352xf32, #tpu.memory_space<vmem_shared>> -> memref<100352xf32, #tpu.memory_space<vmem_shared>>
        tpu.wait_indirect_dma semaphore(%run_scoped3A : memref<!tpu.dma_semaphore, #tpu.memory_space<semaphore_mem>>) src(%arg35 : memref<1024xf32, #tpu.memory_space<vmem>>) dst(%dma_wait3A_354 : memref<100352xf32, #tpu.memory_space<vmem_shared>>)
        tpu.yield
      }) : () -> ()
      "tpu.region"() ({
        %run_scoped3A = tpu.sem_alloc : memref<!tpu.dma_semaphore, #tpu.memory_space<semaphore_mem>>
        %dma_start3A_351 = arith.constant 0 : i32
        %dma_start3A_352 = tpu.memref_slice %arg48[%dma_start3A_351] : memref<100352xf32, #tpu.memory_space<vmem_shared>> -> memref<100352xf32, #tpu.memory_space<vmem_shared>>
        tpu.enqueue_indirect_dma source(%arg36 : memref<1024xf32, #tpu.memory_space<vmem>>) target(%dma_start3A_352 : memref<100352xf32, #tpu.memory_space<vmem_shared>>) offsets(%arg12 : memref<1024xi32, #tpu.memory_space<vmem>>) semaphore(%run_scoped3A : memref<!tpu.dma_semaphore, #tpu.memory_space<semaphore_mem>>) {add = true}
        %dma_wait3A_353 = arith.constant 0 : i32
        %dma_wait3A_354 = tpu.memref_slice %arg48[%dma_wait3A_353] : memref<100352xf32, #tpu.memory_space<vmem_shared>> -> memref<100352xf32, #tpu.memory_space<vmem_shared>>
        tpu.wait_indirect_dma semaphore(%run_scoped3A : memref<!tpu.dma_semaphore, #tpu.memory_space<semaphore_mem>>) src(%arg36 : memref<1024xf32, #tpu.memory_space<vmem>>) dst(%dma_wait3A_354 : memref<100352xf32, #tpu.memory_space<vmem_shared>>)
        tpu.yield
      }) : () -> ()
      %add3A_278 = arith.constant 2 : i32
      %add3A_279 = arith.addi %mul3A_206, %add3A_278 : i32
      %jit3A_280 = arith.constant 98 : i32
      %eq3A_281 = arith.constant 0 : i32
      %eq3A_282 = arith.cmpi eq, %jit3A_280, %eq3A_281 : i32
      %jit3A_283 = arith.constant 1 : i32
      %select_n3A_284 = arith.select %eq3A_282, %jit3A_283, %jit3A_280 : i32
      %rem3A = arith.remsi %add3A_279, %select_n3A_284 : i32
      %ne3A = arith.constant 0 : i32
      %ne3A_285 = arith.cmpi ne, %rem3A, %ne3A : i32
      %lt3A = arith.constant 0 : i32
      %lt3A_286 = arith.cmpi slt, %rem3A, %lt3A : i32
      %lt3A_287 = arith.constant 0 : i32
      %lt3A_288 = arith.cmpi slt, %select_n3A_284, %lt3A_287 : i32
      %ne3A_289 = arith.xori %lt3A_286, %lt3A_288 : i1
      %and3A = arith.andi %ne3A_289, %ne3A_285 : i1
      %add3A_290 = arith.addi %rem3A, %select_n3A_284 : i32
      %select_n3A_291 = arith.select %and3A, %add3A_290, %rem3A : i32
      %mul3A_292 = arith.constant 1024 : i32
      %mul3A_293 = arith.muli %select_n3A_291, %mul3A_292 : i32
      %add3A_294 = arith.addi %mul3A_64, %mul3A_293 : i32
      %eq3A_295 = arith.constant 97 : i32
      %eq3A_296 = arith.cmpi eq, %select_n3A_291, %eq3A_295 : i32
      %jit3A_297 = arith.constant 352 : i32
      %jit3A_298 = arith.constant 0 : i32
      %select_n3A_299 = arith.select %eq3A_296, %jit3A_297, %jit3A_298 : i32
      %sub3A_300 = arith.subi %add3A_294, %select_n3A_299 : i32
      "tpu.region"() ({
        %run_scoped3A = tpu.sem_alloc : memref<!tpu.dma_semaphore, #tpu.memory_space<semaphore_mem>>
        %dma_start3A_351 = tpu.memref_slice %arg4[%sub3A_300] : memref<3200000xi32, #tpu.memory_space<hbm>> -> memref<1024xi32, #tpu.memory_space<hbm>>
        %dma_start3A_352 = tpu.memref_slice %arg4[%sub3A_300] : memref<3200000xi32, #tpu.memory_space<hbm>> -> memref<1024xi32, #tpu.memory_space<hbm>>
        tpu.enqueue_dma source(%dma_start3A_352 : memref<1024xi32, #tpu.memory_space<hbm>>) target(%arg12 : memref<1024xi32, #tpu.memory_space<vmem>>) target_semaphore(%run_scoped3A : memref<!tpu.dma_semaphore, #tpu.memory_space<semaphore_mem>>)
        %dma_wait3A_353 = tpu.memref_slice %arg4[%sub3A_300] : memref<3200000xi32, #tpu.memory_space<hbm>> -> memref<1024xi32, #tpu.memory_space<hbm>>
        %dma_wait3A_354 = tpu.memref_slice %arg4[%sub3A_300] : memref<3200000xi32, #tpu.memory_space<hbm>> -> memref<1024xi32, #tpu.memory_space<hbm>>
        tpu.wait_dma2 semaphore(%run_scoped3A : memref<!tpu.dma_semaphore, #tpu.memory_space<semaphore_mem>>) src(%dma_wait3A_354 : memref<1024xi32, #tpu.memory_space<hbm>>) dst(%arg12 : memref<1024xi32, #tpu.memory_space<vmem>>)
        tpu.yield
      }) : () -> ()
      "tpu.region"() ({
        %run_scoped3A = tpu.sem_alloc : memref<!tpu.dma_semaphore, #tpu.memory_space<semaphore_mem>>
        %dma_start3A_351 = tpu.memref_slice %arg5[%sub3A_300] : memref<3200000xi32, #tpu.memory_space<hbm>> -> memref<1024xi32, #tpu.memory_space<hbm>>
        %dma_start3A_352 = tpu.memref_slice %arg5[%sub3A_300] : memref<3200000xi32, #tpu.memory_space<hbm>> -> memref<1024xi32, #tpu.memory_space<hbm>>
        tpu.enqueue_dma source(%dma_start3A_352 : memref<1024xi32, #tpu.memory_space<hbm>>) target(%arg13 : memref<1024xi32, #tpu.memory_space<vmem>>) target_semaphore(%run_scoped3A : memref<!tpu.dma_semaphore, #tpu.memory_space<semaphore_mem>>)
        %dma_wait3A_353 = tpu.memref_slice %arg5[%sub3A_300] : memref<3200000xi32, #tpu.memory_space<hbm>> -> memref<1024xi32, #tpu.memory_space<hbm>>
        %dma_wait3A_354 = tpu.memref_slice %arg5[%sub3A_300] : memref<3200000xi32, #tpu.memory_space<hbm>> -> memref<1024xi32, #tpu.memory_space<hbm>>
        tpu.wait_dma2 semaphore(%run_scoped3A : memref<!tpu.dma_semaphore, #tpu.memory_space<semaphore_mem>>) src(%dma_wait3A_354 : memref<1024xi32, #tpu.memory_space<hbm>>) dst(%arg13 : memref<1024xi32, #tpu.memory_space<vmem>>)
        tpu.yield
      }) : () -> ()
      "tpu.region"() ({
        %run_scoped3A = tpu.sem_alloc : memref<!tpu.dma_semaphore, #tpu.memory_space<semaphore_mem>>
        %dma_start3A_351 = tpu.memref_slice %arg6[%sub3A_300] : memref<3200000xf32, #tpu.memory_space<hbm>> -> memref<1024xf32, #tpu.memory_space<hbm>>
        %dma_start3A_352 = tpu.memref_slice %arg6[%sub3A_300] : memref<3200000xf32, #tpu.memory_space<hbm>> -> memref<1024xf32, #tpu.memory_space<hbm>>
        tpu.enqueue_dma source(%dma_start3A_352 : memref<1024xf32, #tpu.memory_space<hbm>>) target(%arg14 : memref<1024xf32, #tpu.memory_space<vmem>>) target_semaphore(%run_scoped3A : memref<!tpu.dma_semaphore, #tpu.memory_space<semaphore_mem>>)
        %dma_wait3A_353 = tpu.memref_slice %arg6[%sub3A_300] : memref<3200000xf32, #tpu.memory_space<hbm>> -> memref<1024xf32, #tpu.memory_space<hbm>>
        %dma_wait3A_354 = tpu.memref_slice %arg6[%sub3A_300] : memref<3200000xf32, #tpu.memory_space<hbm>> -> memref<1024xf32, #tpu.memory_space<hbm>>
        tpu.wait_dma2 semaphore(%run_scoped3A : memref<!tpu.dma_semaphore, #tpu.memory_space<semaphore_mem>>) src(%dma_wait3A_354 : memref<1024xf32, #tpu.memory_space<hbm>>) dst(%arg14 : memref<1024xf32, #tpu.memory_space<vmem>>)
        tpu.yield
      }) : () -> ()
      %dma_start3A_301 = arith.constant 0 : i32
      %dma_start3A_302 = tpu.memref_slice %arg42[%dma_start3A_301] : memref<100352xf32, #tpu.memory_space<vmem_shared>> -> memref<100352xf32, #tpu.memory_space<vmem_shared>>
      tpu.enqueue_indirect_dma source(%dma_start3A_302 : memref<100352xf32, #tpu.memory_space<vmem_shared>>) target(%arg15 : memref<1024xf32, #tpu.memory_space<vmem>>) offsets(%arg12 : memref<1024xi32, #tpu.memory_space<vmem>>) semaphore(%arg49 : memref<!tpu.dma_semaphore, #tpu.memory_space<semaphore_mem>>)
      %dma_start3A_303 = arith.constant 0 : i32
      %dma_start3A_304 = tpu.memref_slice %arg43[%dma_start3A_303] : memref<100352xf32, #tpu.memory_space<vmem_shared>> -> memref<100352xf32, #tpu.memory_space<vmem_shared>>
      tpu.enqueue_indirect_dma source(%dma_start3A_304 : memref<100352xf32, #tpu.memory_space<vmem_shared>>) target(%arg16 : memref<1024xf32, #tpu.memory_space<vmem>>) offsets(%arg12 : memref<1024xi32, #tpu.memory_space<vmem>>) semaphore(%arg49 : memref<!tpu.dma_semaphore, #tpu.memory_space<semaphore_mem>>)
      %dma_start3A_305 = arith.constant 0 : i32
      %dma_start3A_306 = tpu.memref_slice %arg44[%dma_start3A_305] : memref<100352xf32, #tpu.memory_space<vmem_shared>> -> memref<100352xf32, #tpu.memory_space<vmem_shared>>
      tpu.enqueue_indirect_dma source(%dma_start3A_306 : memref<100352xf32, #tpu.memory_space<vmem_shared>>) target(%arg17 : memref<1024xf32, #tpu.memory_space<vmem>>) offsets(%arg12 : memref<1024xi32, #tpu.memory_space<vmem>>) semaphore(%arg49 : memref<!tpu.dma_semaphore, #tpu.memory_space<semaphore_mem>>)
      %dma_start3A_307 = arith.constant 0 : i32
      %dma_start3A_308 = tpu.memref_slice %arg45[%dma_start3A_307] : memref<100352xf32, #tpu.memory_space<vmem_shared>> -> memref<100352xf32, #tpu.memory_space<vmem_shared>>
      tpu.enqueue_indirect_dma source(%dma_start3A_308 : memref<100352xf32, #tpu.memory_space<vmem_shared>>) target(%arg18 : memref<1024xf32, #tpu.memory_space<vmem>>) offsets(%arg12 : memref<1024xi32, #tpu.memory_space<vmem>>) semaphore(%arg49 : memref<!tpu.dma_semaphore, #tpu.memory_space<semaphore_mem>>)
      %dma_start3A_309 = arith.constant 0 : i32
      %dma_start3A_310 = tpu.memref_slice %arg42[%dma_start3A_309] : memref<100352xf32, #tpu.memory_space<vmem_shared>> -> memref<100352xf32, #tpu.memory_space<vmem_shared>>
      tpu.enqueue_indirect_dma source(%dma_start3A_310 : memref<100352xf32, #tpu.memory_space<vmem_shared>>) target(%arg19 : memref<1024xf32, #tpu.memory_space<vmem>>) offsets(%arg13 : memref<1024xi32, #tpu.memory_space<vmem>>) semaphore(%arg49 : memref<!tpu.dma_semaphore, #tpu.memory_space<semaphore_mem>>)
      %dma_start3A_311 = arith.constant 0 : i32
      %dma_start3A_312 = tpu.memref_slice %arg43[%dma_start3A_311] : memref<100352xf32, #tpu.memory_space<vmem_shared>> -> memref<100352xf32, #tpu.memory_space<vmem_shared>>
      tpu.enqueue_indirect_dma source(%dma_start3A_312 : memref<100352xf32, #tpu.memory_space<vmem_shared>>) target(%arg20 : memref<1024xf32, #tpu.memory_space<vmem>>) offsets(%arg13 : memref<1024xi32, #tpu.memory_space<vmem>>) semaphore(%arg49 : memref<!tpu.dma_semaphore, #tpu.memory_space<semaphore_mem>>)
      %dma_start3A_313 = arith.constant 0 : i32
      %dma_start3A_314 = tpu.memref_slice %arg44[%dma_start3A_313] : memref<100352xf32, #tpu.memory_space<vmem_shared>> -> memref<100352xf32, #tpu.memory_space<vmem_shared>>
      tpu.enqueue_indirect_dma source(%dma_start3A_314 : memref<100352xf32, #tpu.memory_space<vmem_shared>>) target(%arg21 : memref<1024xf32, #tpu.memory_space<vmem>>) offsets(%arg13 : memref<1024xi32, #tpu.memory_space<vmem>>) semaphore(%arg49 : memref<!tpu.dma_semaphore, #tpu.memory_space<semaphore_mem>>)
      %dma_start3A_315 = arith.constant 0 : i32
      %dma_start3A_316 = tpu.memref_slice %arg45[%dma_start3A_315] : memref<100352xf32, #tpu.memory_space<vmem_shared>> -> memref<100352xf32, #tpu.memory_space<vmem_shared>>
      tpu.enqueue_indirect_dma source(%dma_start3A_316 : memref<100352xf32, #tpu.memory_space<vmem_shared>>) target(%arg22 : memref<1024xf32, #tpu.memory_space<vmem>>) offsets(%arg13 : memref<1024xi32, #tpu.memory_space<vmem>>) semaphore(%arg49 : memref<!tpu.dma_semaphore, #tpu.memory_space<semaphore_mem>>)
      %dma_wait3A_317 = arith.constant 0 : i32
      %dma_wait3A_318 = tpu.memref_slice %arg42[%dma_wait3A_317] : memref<100352xf32, #tpu.memory_space<vmem_shared>> -> memref<100352xf32, #tpu.memory_space<vmem_shared>>
      tpu.wait_indirect_dma semaphore(%arg50 : memref<!tpu.dma_semaphore, #tpu.memory_space<semaphore_mem>>) src(%dma_wait3A_318 : memref<100352xf32, #tpu.memory_space<vmem_shared>>) dst(%arg26 : memref<1024xf32, #tpu.memory_space<vmem>>)
      %dma_wait3A_319 = arith.constant 0 : i32
      %dma_wait3A_320 = tpu.memref_slice %arg43[%dma_wait3A_319] : memref<100352xf32, #tpu.memory_space<vmem_shared>> -> memref<100352xf32, #tpu.memory_space<vmem_shared>>
      tpu.wait_indirect_dma semaphore(%arg50 : memref<!tpu.dma_semaphore, #tpu.memory_space<semaphore_mem>>) src(%dma_wait3A_320 : memref<100352xf32, #tpu.memory_space<vmem_shared>>) dst(%arg27 : memref<1024xf32, #tpu.memory_space<vmem>>)
      %dma_wait3A_321 = arith.constant 0 : i32
      %dma_wait3A_322 = tpu.memref_slice %arg44[%dma_wait3A_321] : memref<100352xf32, #tpu.memory_space<vmem_shared>> -> memref<100352xf32, #tpu.memory_space<vmem_shared>>
      tpu.wait_indirect_dma semaphore(%arg50 : memref<!tpu.dma_semaphore, #tpu.memory_space<semaphore_mem>>) src(%dma_wait3A_322 : memref<100352xf32, #tpu.memory_space<vmem_shared>>) dst(%arg28 : memref<1024xf32, #tpu.memory_space<vmem>>)
      %dma_wait3A_323 = arith.constant 0 : i32
      %dma_wait3A_324 = tpu.memref_slice %arg45[%dma_wait3A_323] : memref<100352xf32, #tpu.memory_space<vmem_shared>> -> memref<100352xf32, #tpu.memory_space<vmem_shared>>
      tpu.wait_indirect_dma semaphore(%arg50 : memref<!tpu.dma_semaphore, #tpu.memory_space<semaphore_mem>>) src(%dma_wait3A_324 : memref<100352xf32, #tpu.memory_space<vmem_shared>>) dst(%arg29 : memref<1024xf32, #tpu.memory_space<vmem>>)
      %dma_wait3A_325 = arith.constant 0 : i32
      %dma_wait3A_326 = tpu.memref_slice %arg42[%dma_wait3A_325] : memref<100352xf32, #tpu.memory_space<vmem_shared>> -> memref<100352xf32, #tpu.memory_space<vmem_shared>>
      tpu.wait_indirect_dma semaphore(%arg50 : memref<!tpu.dma_semaphore, #tpu.memory_space<semaphore_mem>>) src(%dma_wait3A_326 : memref<100352xf32, #tpu.memory_space<vmem_shared>>) dst(%arg30 : memref<1024xf32, #tpu.memory_space<vmem>>)
      %dma_wait3A_327 = arith.constant 0 : i32
      %dma_wait3A_328 = tpu.memref_slice %arg43[%dma_wait3A_327] : memref<100352xf32, #tpu.memory_space<vmem_shared>> -> memref<100352xf32, #tpu.memory_space<vmem_shared>>
      tpu.wait_indirect_dma semaphore(%arg50 : memref<!tpu.dma_semaphore, #tpu.memory_space<semaphore_mem>>) src(%dma_wait3A_328 : memref<100352xf32, #tpu.memory_space<vmem_shared>>) dst(%arg31 : memref<1024xf32, #tpu.memory_space<vmem>>)
      %dma_wait3A_329 = arith.constant 0 : i32
      %dma_wait3A_330 = tpu.memref_slice %arg44[%dma_wait3A_329] : memref<100352xf32, #tpu.memory_space<vmem_shared>> -> memref<100352xf32, #tpu.memory_space<vmem_shared>>
      tpu.wait_indirect_dma semaphore(%arg50 : memref<!tpu.dma_semaphore, #tpu.memory_space<semaphore_mem>>) src(%dma_wait3A_330 : memref<100352xf32, #tpu.memory_space<vmem_shared>>) dst(%arg32 : memref<1024xf32, #tpu.memory_space<vmem>>)
      %dma_wait3A_331 = arith.constant 0 : i32
      %dma_wait3A_332 = tpu.memref_slice %arg45[%dma_wait3A_331] : memref<100352xf32, #tpu.memory_space<vmem_shared>> -> memref<100352xf32, #tpu.memory_space<vmem_shared>>
      tpu.wait_indirect_dma semaphore(%arg50 : memref<!tpu.dma_semaphore, #tpu.memory_space<semaphore_mem>>) src(%dma_wait3A_332 : memref<100352xf32, #tpu.memory_space<vmem_shared>>) dst(%arg33 : memref<1024xf32, #tpu.memory_space<vmem>>)
      %add3A_333 = arith.constant 1 : i32
      %add3A_334 = arith.addi %mul3A_206, %add3A_333 : i32
      %eq3A_335 = arith.constant 97 : i32
      %eq3A_336 = arith.cmpi eq, %add3A_334, %eq3A_335 : i32
      %jit3A_337 = arith.constant 352 : i32
      %jit3A_338 = arith.constant 0 : i32
      %select_n3A_339 = arith.select %eq3A_336, %jit3A_337, %jit3A_338 : i32
      %parallel_loop3A_340 = arith.constant 0 : i32
      %parallel_loop3A_341 = arith.constant 64 : i32
      %parallel_loop3A_342 = arith.constant 1 : i32
      scf.for %parallel_loop3A_351 = %parallel_loop3A_340 to %parallel_loop3A_341 step %parallel_loop3A_342  : i32 {
        %parallel_loop3A_352 = arith.constant 16 : i32
        %parallel_loop3A_353 = arith.muli %parallel_loop3A_351, %parallel_loop3A_352 : i32
        %parallel_loop3A_354 = arith.index_cast %parallel_loop3A_353 : i32 to index
        %parallel_loop3A_355 = tpu.vector_load %arg29[%parallel_loop3A_354] {strides = array<i32>} : memref<1024xf32, #tpu.memory_space<vmem>>, vector<16xf32>,
        %parallel_loop3A_356 = arith.index_cast %parallel_loop3A_353 : i32 to index
        %parallel_loop3A_357 = tpu.vector_load %arg33[%parallel_loop3A_356] {strides = array<i32>} : memref<1024xf32, #tpu.memory_space<vmem>>, vector<16xf32>,
        %parallel_loop3A_358 = arith.index_cast %parallel_loop3A_353 : i32 to index
        %parallel_loop3A_359 = tpu.vector_load %arg30[%parallel_loop3A_358] {strides = array<i32>} : memref<1024xf32, #tpu.memory_space<vmem>>, vector<16xf32>,
        %parallel_loop3A_360 = arith.index_cast %parallel_loop3A_353 : i32 to index
        %parallel_loop3A_361 = tpu.vector_load %arg26[%parallel_loop3A_360] {strides = array<i32>} : memref<1024xf32, #tpu.memory_space<vmem>>, vector<16xf32>,
        %parallel_loop3A_362 = arith.subf %parallel_loop3A_359, %parallel_loop3A_361 : vector<16xf32>
        %parallel_loop3A_363 = arith.index_cast %parallel_loop3A_353 : i32 to index
        %parallel_loop3A_364 = tpu.vector_load %arg31[%parallel_loop3A_363] {strides = array<i32>} : memref<1024xf32, #tpu.memory_space<vmem>>, vector<16xf32>,
        %parallel_loop3A_365 = arith.index_cast %parallel_loop3A_353 : i32 to index
        %parallel_loop3A_366 = tpu.vector_load %arg27[%parallel_loop3A_365] {strides = array<i32>} : memref<1024xf32, #tpu.memory_space<vmem>>, vector<16xf32>,
        %parallel_loop3A_367 = arith.subf %parallel_loop3A_364, %parallel_loop3A_366 : vector<16xf32>
        %parallel_loop3A_368 = arith.index_cast %parallel_loop3A_353 : i32 to index
        %parallel_loop3A_369 = tpu.vector_load %arg32[%parallel_loop3A_368] {strides = array<i32>} : memref<1024xf32, #tpu.memory_space<vmem>>, vector<16xf32>,
        %parallel_loop3A_370 = arith.index_cast %parallel_loop3A_353 : i32 to index
        %parallel_loop3A_371 = tpu.vector_load %arg28[%parallel_loop3A_370] {strides = array<i32>} : memref<1024xf32, #tpu.memory_space<vmem>>, vector<16xf32>,
        %parallel_loop3A_372 = arith.subf %parallel_loop3A_369, %parallel_loop3A_371 : vector<16xf32>
        %parallel_loop3A_373 = arith.mulf %parallel_loop3A_362, %parallel_loop3A_362 : vector<16xf32>
        %parallel_loop3A_374 = arith.mulf %parallel_loop3A_367, %parallel_loop3A_367 : vector<16xf32>
        %parallel_loop3A_375 = arith.addf %parallel_loop3A_373, %parallel_loop3A_374 : vector<16xf32>
        %parallel_loop3A_376 = arith.mulf %parallel_loop3A_372, %parallel_loop3A_372 : vector<16xf32>
        %parallel_loop3A_377 = arith.addf %parallel_loop3A_375, %parallel_loop3A_376 : vector<16xf32>
        %parallel_loop3A_378 = tpu.bitcast %parallel_loop3A_377 : vector<16xf32> -> vector<16xi32>
        %parallel_loop3A_379 = arith.constant 1 : i32
        %parallel_loop3A_380 = vector.broadcast %parallel_loop3A_379 : i32 to vector<16xi32>
        %parallel_loop3A_381 = arith.shrsi %parallel_loop3A_378, %parallel_loop3A_380 : vector<16xi32>
        %parallel_loop3A_382 = arith.constant 1597463007 : i32
        %parallel_loop3A_383 = vector.broadcast %parallel_loop3A_382 : i32 to vector<16xi32>
        %parallel_loop3A_384 = arith.subi %parallel_loop3A_383, %parallel_loop3A_381 : vector<16xi32>
        %parallel_loop3A_385 = tpu.bitcast %parallel_loop3A_384 : vector<16xi32> -> vector<16xf32>
        %parallel_loop3A_386 = arith.constant 5.000000e-01 : f32
        %parallel_loop3A_387 = vector.broadcast %parallel_loop3A_386 : f32 to vector<16xf32>
        %parallel_loop3A_388 = arith.mulf %parallel_loop3A_387, %parallel_loop3A_377 : vector<16xf32>
        %parallel_loop3A_389 = arith.mulf %parallel_loop3A_388, %parallel_loop3A_385 : vector<16xf32>
        %parallel_loop3A_390 = arith.mulf %parallel_loop3A_389, %parallel_loop3A_385 : vector<16xf32>
        %parallel_loop3A_391 = arith.constant 1.500000e+00 : f32
        %parallel_loop3A_392 = vector.broadcast %parallel_loop3A_391 : f32 to vector<16xf32>
        %parallel_loop3A_393 = arith.subf %parallel_loop3A_392, %parallel_loop3A_390 : vector<16xf32>
        %parallel_loop3A_394 = arith.mulf %parallel_loop3A_385, %parallel_loop3A_393 : vector<16xf32>
        %parallel_loop3A_395 = arith.constant 5.000000e-01 : f32
        %parallel_loop3A_396 = vector.broadcast %parallel_loop3A_395 : f32 to vector<16xf32>
        %parallel_loop3A_397 = arith.mulf %parallel_loop3A_396, %parallel_loop3A_377 : vector<16xf32>
        %parallel_loop3A_398 = arith.mulf %parallel_loop3A_397, %parallel_loop3A_394 : vector<16xf32>
        %parallel_loop3A_399 = arith.mulf %parallel_loop3A_398, %parallel_loop3A_394 : vector<16xf32>
        %parallel_loop3A_400 = arith.constant 1.500000e+00 : f32
        %parallel_loop3A_401 = vector.broadcast %parallel_loop3A_400 : f32 to vector<16xf32>
        %parallel_loop3A_402 = arith.subf %parallel_loop3A_401, %parallel_loop3A_399 : vector<16xf32>
        %parallel_loop3A_403 = arith.mulf %parallel_loop3A_394, %parallel_loop3A_402 : vector<16xf32>
        %parallel_loop3A_404 = arith.constant 5.000000e-01 : f32
        %parallel_loop3A_405 = vector.broadcast %parallel_loop3A_404 : f32 to vector<16xf32>
        %parallel_loop3A_406 = arith.mulf %parallel_loop3A_405, %parallel_loop3A_377 : vector<16xf32>
        %parallel_loop3A_407 = arith.mulf %parallel_loop3A_406, %parallel_loop3A_403 : vector<16xf32>
        %parallel_loop3A_408 = arith.mulf %parallel_loop3A_407, %parallel_loop3A_403 : vector<16xf32>
        %parallel_loop3A_409 = arith.constant 1.500000e+00 : f32
        %parallel_loop3A_410 = vector.broadcast %parallel_loop3A_409 : f32 to vector<16xf32>
        %parallel_loop3A_411 = arith.subf %parallel_loop3A_410, %parallel_loop3A_408 : vector<16xf32>
        %parallel_loop3A_412 = arith.mulf %parallel_loop3A_403, %parallel_loop3A_411 : vector<16xf32>
        %parallel_loop3A_413 = arith.mulf %parallel_loop3A_377, %parallel_loop3A_412 : vector<16xf32>
        %parallel_loop3A_414 = arith.index_cast %parallel_loop3A_353 : i32 to index
        %parallel_loop3A_415 = tpu.vector_load %arg35[%parallel_loop3A_414] {strides = array<i32>} : memref<1024xf32, #tpu.memory_space<vmem>>, vector<16xf32>,
        tpu.vector_store %arg35[%parallel_loop3A_414], %parallel_loop3A_413 {strides = array<i32>} : memref<1024xf32, #tpu.memory_space<vmem>>, vector<16xf32>,
        %parallel_loop3A_416 = arith.subf %parallel_loop3A_357, %parallel_loop3A_355 : vector<16xf32>
        %parallel_loop3A_417 = math.absf %parallel_loop3A_416 : vector<16xf32>
        %parallel_loop3A_418 = arith.index_cast %parallel_loop3A_353 : i32 to index
        %parallel_loop3A_419 = tpu.vector_load %arg25[%parallel_loop3A_418] {strides = array<i32>} : memref<1024xf32, #tpu.memory_space<vmem>>, vector<16xf32>,
        %parallel_loop3A_420 = arith.constant 9.99999993E-9 : f32
        %parallel_loop3A_421 = vector.broadcast %parallel_loop3A_420 : f32 to vector<16xf32>
        %parallel_loop3A_422 = arith.addf %parallel_loop3A_419, %parallel_loop3A_421 : vector<16xf32>
        %parallel_loop3A_423 = arith.divf %parallel_loop3A_417, %parallel_loop3A_422 : vector<16xf32>
        %parallel_loop3A_424 = arith.index_cast %parallel_loop3A_353 : i32 to index
        %parallel_loop3A_425 = tpu.vector_load %arg34[%parallel_loop3A_424] {strides = array<i32>} : memref<1024xf32, #tpu.memory_space<vmem>>, vector<16xf32>,
        tpu.vector_store %arg34[%parallel_loop3A_424], %parallel_loop3A_423 {strides = array<i32>} : memref<1024xf32, #tpu.memory_space<vmem>>, vector<16xf32>,
        %parallel_loop3A_426 = arith.index_cast %parallel_loop3A_353 : i32 to index
        %parallel_loop3A_427 = tpu.vector_load %arg23[%parallel_loop3A_426] {strides = array<i32>} : memref<1024xi32, #tpu.memory_space<vmem>>, vector<16xi32>,
        %parallel_loop3A_428 = tpu.bitcast %parallel_loop3A_357 : vector<16xf32> -> vector<16xi32>
        %parallel_loop3A_429 = arith.constant 15 : i32
        %parallel_loop3A_430 = vector.broadcast %parallel_loop3A_429 : i32 to vector<16xi32>
        %parallel_loop3A_431 = arith.shli %parallel_loop3A_427, %parallel_loop3A_430 : vector<16xi32>
        %parallel_loop3A_432 = arith.constant 16 : i32
        %parallel_loop3A_433 = vector.broadcast %parallel_loop3A_432 : i32 to vector<16xi32>
        %parallel_loop3A_434 = arith.shrui %parallel_loop3A_428, %parallel_loop3A_433 : vector<16xi32>
        %parallel_loop3A_435 = arith.ori %parallel_loop3A_431, %parallel_loop3A_434 : vector<16xi32>
        %parallel_loop3A_436 = arith.constant dense<true> : vector<16xi1>
        %parallel_loop3A_437, %parallel_loop3A_438, %parallel_loop3A_439 = tpu.sort %parallel_loop3A_435, %parallel_loop3A_357 masked %parallel_loop3A_436 : (vector<16xi32>, vector<16xf32>, vector<16xi1>) -> (vector<16xi1>, vector<16xi32>, vector<16xf32>)
        %parallel_loop3A_440 = arith.constant 15 : i32
        %parallel_loop3A_441 = vector.broadcast %parallel_loop3A_440 : i32 to vector<16xi32>
        %parallel_loop3A_442 = arith.shrui %parallel_loop3A_438, %parallel_loop3A_441 : vector<16xi32>
        %parallel_loop3A_443 = arith.constant 32 : i32
        %parallel_loop3A_444 = arith.muli %parallel_loop3A_351, %parallel_loop3A_443 : i32
        %parallel_loop3A_445 = arith.index_cast %parallel_loop3A_444 : i32 to index
        %parallel_loop3A_446 = tpu.vector_load %arg40[%parallel_loop3A_445] {strides = array<i32>} : memref<2048xi32, #tpu.memory_space<vmem>>, vector<16xi32>,
        tpu.vector_store %arg40[%parallel_loop3A_445], %parallel_loop3A_442 {strides = array<i32>} : memref<2048xi32, #tpu.memory_space<vmem>>, vector<16xi32>,
        %parallel_loop3A_447 = vector.broadcast %parallel_loop3A_444 : i32 to vector<16xi32>
        %parallel_loop3A_448 = arith.addi %parallel_loop3A_447, %iota3A : vector<16xi32>
        %parallel_loop3A_449 = arith.constant 1 : i32
        %parallel_loop3A_450 = vector.broadcast %parallel_loop3A_449 : i32 to vector<16xi32>
        %parallel_loop3A_451 = arith.addi %parallel_loop3A_448, %parallel_loop3A_450 : vector<16xi32>
        %parallel_loop3A_452 = tpu.vector_load_idx %arg40[%parallel_loop3A_451] : memref<2048xi32, #tpu.memory_space<vmem>>[vector<16xi32>], vector<16xi32>,
        %parallel_loop3A_453 = arith.cmpi ne, %parallel_loop3A_442, %parallel_loop3A_452 : vector<16xi32>
        %parallel_loop3A_454 = arith.constant 15 : i32
        %parallel_loop3A_455 = vector.broadcast %parallel_loop3A_454 : i32 to vector<16xi32>
        %parallel_loop3A_456 = arith.cmpi eq, %iota3A, %parallel_loop3A_455 : vector<16xi32>
        %parallel_loop3A_457 = arith.ori %parallel_loop3A_453, %parallel_loop3A_456 : vector<16xi1>
        %parallel_loop3A_458 = arith.constant 16 : i32
        %parallel_loop3A_459 = arith.muli %parallel_loop3A_351, %parallel_loop3A_458 : i32
        %parallel_loop3A_460 = vector.broadcast %parallel_loop3A_459 : i32 to vector<16xi32>
        %parallel_loop3A_461 = arith.addi %parallel_loop3A_460, %iota3A : vector<16xi32>
        %parallel_loop3A_462 = vector.broadcast %select_n3A_339 : i32 to vector<16xi32>
        %parallel_loop3A_463 = arith.cmpi sge, %parallel_loop3A_461, %parallel_loop3A_462 : vector<16xi32>
        %parallel_loop3A_464 = arith.andi %parallel_loop3A_457, %parallel_loop3A_463 : vector<16xi1>
        %parallel_loop3A_465 = arith.constant -1 : i32
        %parallel_loop3A_466 = vector.broadcast %parallel_loop3A_465 : i32 to vector<16xi32>
        %parallel_loop3A_467 = arith.select %parallel_loop3A_464, %parallel_loop3A_442, %parallel_loop3A_466 : vector<16xi1>, vector<16xi32>
        %parallel_loop3A_468 = arith.index_cast %parallel_loop3A_353 : i32 to index
        %parallel_loop3A_469 = tpu.vector_load %arg37[%parallel_loop3A_468] {strides = array<i32>} : memref<1024xi32, #tpu.memory_space<vmem>>, vector<16xi32>,
        tpu.vector_store %arg37[%parallel_loop3A_468], %parallel_loop3A_467 {strides = array<i32>} : memref<1024xi32, #tpu.memory_space<vmem>>, vector<16xi32>,
        %parallel_loop3A_470 = arith.index_cast %parallel_loop3A_353 : i32 to index
        %parallel_loop3A_471 = tpu.vector_load %arg38[%parallel_loop3A_470] {strides = array<i32>} : memref<1024xf32, #tpu.memory_space<vmem>>, vector<16xf32>,
        tpu.vector_store %arg38[%parallel_loop3A_470], %parallel_loop3A_439 {strides = array<i32>} : memref<1024xf32, #tpu.memory_space<vmem>>, vector<16xf32>,
      } {sc.loop_unroll_factor = 4 : i64, sc.parallel_access}
      %eq3A_343 = arith.constant 97 : i32
      %eq3A_344 = arith.cmpi eq, %add3A_334, %eq3A_343 : i32
      %convert_element_type3A_345 = arith.extui %eq3A_344 : i1 to i32
      %cond3A_346 = arith.constant 0 : i32
      %cond3A_347 = arith.cmpi ne, %convert_element_type3A_345, %cond3A_346 : i32
      scf.if %cond3A_347 {
        %scan3A_351 = arith.constant 0 : i32
        %scan3A_352 = arith.constant 0 : i32
        %scan3A_353 = arith.constant 22 : i32
        %scan3A_354 = arith.addi %scan3A_352, %scan3A_353 : i32
        %scan3A_355 = arith.constant 1 : i32
        scf.for %scan3A_357 = %scan3A_352 to %scan3A_354 step %scan3A_355  : i32 {
          %mul3A_358 = arith.constant 16 : i32
          %mul3A_359 = arith.muli %scan3A_357, %mul3A_358 : i32
          %broadcast_in_dim3A_360 = arith.constant 0.000000e+00 : f32
          %broadcast_in_dim3A_361 = vector.broadcast %broadcast_in_dim3A_360 : f32 to vector<16xf32>
          %swap3A = arith.index_cast %mul3A_359 : i32 to index
          %swap3A_362 = tpu.vector_load %arg34[%swap3A] {strides = array<i32>} : memref<1024xf32, #tpu.memory_space<vmem>>, vector<16xf32>,
          tpu.vector_store %arg34[%swap3A], %broadcast_in_dim3A_361 {strides = array<i32>} : memref<1024xf32, #tpu.memory_space<vmem>>, vector<16xf32>,
          %swap3A_363 = arith.index_cast %mul3A_359 : i32 to index
          %swap3A_364 = tpu.vector_load %arg35[%swap3A_363] {strides = array<i32>} : memref<1024xf32, #tpu.memory_space<vmem>>, vector<16xf32>,
          tpu.vector_store %arg35[%swap3A_363], %broadcast_in_dim3A_361 {strides = array<i32>} : memref<1024xf32, #tpu.memory_space<vmem>>, vector<16xf32>,
          %swap3A_365 = arith.index_cast %mul3A_359 : i32 to index
          %swap3A_366 = tpu.vector_load %arg36[%swap3A_365] {strides = array<i32>} : memref<1024xf32, #tpu.memory_space<vmem>>, vector<16xf32>,
          tpu.vector_store %arg36[%swap3A_365], %broadcast_in_dim3A_361 {strides = array<i32>} : memref<1024xf32, #tpu.memory_space<vmem>>, vector<16xf32>,
        }
        %scan3A_356 = arith.constant 22 : i32
      } else {
      }
      %mul3A_348 = arith.constant 1024 : i32
      %mul3A_349 = arith.muli %add3A_334, %mul3A_348 : i32
      %add3A_350 = arith.addi %mul3A_68, %mul3A_349 : i32
      "tpu.region"() ({
        %run_scoped3A = tpu.sem_alloc : memref<!tpu.dma_semaphore, #tpu.memory_space<semaphore_mem>>
        %dma_start3A_351 = tpu.memref_slice %arg9[%add3A_350] : memref<3211264xi32, #tpu.memory_space<hbm>> -> memref<1024xi32, #tpu.memory_space<hbm>>
        %dma_start3A_352 = tpu.memref_slice %arg9[%add3A_350] : memref<3211264xi32, #tpu.memory_space<hbm>> -> memref<1024xi32, #tpu.memory_space<hbm>>
        tpu.enqueue_dma source(%arg37 : memref<1024xi32, #tpu.memory_space<vmem>>) target(%dma_start3A_352 : memref<1024xi32, #tpu.memory_space<hbm>>) target_semaphore(%run_scoped3A : memref<!tpu.dma_semaphore, #tpu.memory_space<semaphore_mem>>)
        %dma_wait3A_353 = tpu.memref_slice %arg9[%add3A_350] : memref<3211264xi32, #tpu.memory_space<hbm>> -> memref<1024xi32, #tpu.memory_space<hbm>>
        %dma_wait3A_354 = tpu.memref_slice %arg9[%add3A_350] : memref<3211264xi32, #tpu.memory_space<hbm>> -> memref<1024xi32, #tpu.memory_space<hbm>>
        tpu.wait_dma2 semaphore(%run_scoped3A : memref<!tpu.dma_semaphore, #tpu.memory_space<semaphore_mem>>) src(%arg37 : memref<1024xi32, #tpu.memory_space<vmem>>) dst(%dma_wait3A_354 : memref<1024xi32, #tpu.memory_space<hbm>>)
        tpu.yield
      }) : () -> ()
      "tpu.region"() ({
        %run_scoped3A = tpu.sem_alloc : memref<!tpu.dma_semaphore, #tpu.memory_space<semaphore_mem>>
        %dma_start3A_351 = tpu.memref_slice %arg10[%add3A_350] : memref<3211264xf32, #tpu.memory_space<hbm>> -> memref<1024xf32, #tpu.memory_space<hbm>>
        %dma_start3A_352 = tpu.memref_slice %arg10[%add3A_350] : memref<3211264xf32, #tpu.memory_space<hbm>> -> memref<1024xf32, #tpu.memory_space<hbm>>
        tpu.enqueue_dma source(%arg38 : memref<1024xf32, #tpu.memory_space<vmem>>) target(%dma_start3A_352 : memref<1024xf32, #tpu.memory_space<hbm>>) target_semaphore(%run_scoped3A : memref<!tpu.dma_semaphore, #tpu.memory_space<semaphore_mem>>)
        %dma_wait3A_353 = tpu.memref_slice %arg10[%add3A_350] : memref<3211264xf32, #tpu.memory_space<hbm>> -> memref<1024xf32, #tpu.memory_space<hbm>>
        %dma_wait3A_354 = tpu.memref_slice %arg10[%add3A_350] : memref<3211264xf32, #tpu.memory_space<hbm>> -> memref<1024xf32, #tpu.memory_space<hbm>>
        tpu.wait_dma2 semaphore(%run_scoped3A : memref<!tpu.dma_semaphore, #tpu.memory_space<semaphore_mem>>) src(%arg38 : memref<1024xf32, #tpu.memory_space<vmem>>) dst(%dma_wait3A_354 : memref<1024xf32, #tpu.memory_space<hbm>>)
        tpu.yield
      }) : () -> ()
      "tpu.region"() ({
        %run_scoped3A = tpu.sem_alloc : memref<!tpu.dma_semaphore, #tpu.memory_space<semaphore_mem>>
        %dma_start3A_351 = arith.constant 0 : i32
        %dma_start3A_352 = tpu.memref_slice %arg46[%dma_start3A_351] : memref<100352xf32, #tpu.memory_space<vmem_shared>> -> memref<100352xf32, #tpu.memory_space<vmem_shared>>
        tpu.enqueue_indirect_dma source(%arg34 : memref<1024xf32, #tpu.memory_space<vmem>>) target(%dma_start3A_352 : memref<100352xf32, #tpu.memory_space<vmem_shared>>) offsets(%arg23 : memref<1024xi32, #tpu.memory_space<vmem>>) semaphore(%run_scoped3A : memref<!tpu.dma_semaphore, #tpu.memory_space<semaphore_mem>>) {add = true}
        %dma_wait3A_353 = arith.constant 0 : i32
        %dma_wait3A_354 = tpu.memref_slice %arg46[%dma_wait3A_353] : memref<100352xf32, #tpu.memory_space<vmem_shared>> -> memref<100352xf32, #tpu.memory_space<vmem_shared>>
        tpu.wait_indirect_dma semaphore(%run_scoped3A : memref<!tpu.dma_semaphore, #tpu.memory_space<semaphore_mem>>) src(%arg34 : memref<1024xf32, #tpu.memory_space<vmem>>) dst(%dma_wait3A_354 : memref<100352xf32, #tpu.memory_space<vmem_shared>>)
        tpu.yield
      }) : () -> ()
      "tpu.region"() ({
        %run_scoped3A = tpu.sem_alloc : memref<!tpu.dma_semaphore, #tpu.memory_space<semaphore_mem>>
        %dma_start3A_351 = arith.constant 0 : i32
        %dma_start3A_352 = tpu.memref_slice %arg47[%dma_start3A_351] : memref<100352xf32, #tpu.memory_space<vmem_shared>> -> memref<100352xf32, #tpu.memory_space<vmem_shared>>
        tpu.enqueue_indirect_dma source(%arg35 : memref<1024xf32, #tpu.memory_space<vmem>>) target(%dma_start3A_352 : memref<100352xf32, #tpu.memory_space<vmem_shared>>) offsets(%arg23 : memref<1024xi32, #tpu.memory_space<vmem>>) semaphore(%run_scoped3A : memref<!tpu.dma_semaphore, #tpu.memory_space<semaphore_mem>>) {add = true}
        %dma_wait3A_353 = arith.constant 0 : i32
        %dma_wait3A_354 = tpu.memref_slice %arg47[%dma_wait3A_353] : memref<100352xf32, #tpu.memory_space<vmem_shared>> -> memref<100352xf32, #tpu.memory_space<vmem_shared>>
        tpu.wait_indirect_dma semaphore(%run_scoped3A : memref<!tpu.dma_semaphore, #tpu.memory_space<semaphore_mem>>) src(%arg35 : memref<1024xf32, #tpu.memory_space<vmem>>) dst(%dma_wait3A_354 : memref<100352xf32, #tpu.memory_space<vmem_shared>>)
        tpu.yield
      }) : () -> ()
      "tpu.region"() ({
        %run_scoped3A = tpu.sem_alloc : memref<!tpu.dma_semaphore, #tpu.memory_space<semaphore_mem>>
        %dma_start3A_351 = arith.constant 0 : i32
        %dma_start3A_352 = tpu.memref_slice %arg48[%dma_start3A_351] : memref<100352xf32, #tpu.memory_space<vmem_shared>> -> memref<100352xf32, #tpu.memory_space<vmem_shared>>
        tpu.enqueue_indirect_dma source(%arg36 : memref<1024xf32, #tpu.memory_space<vmem>>) target(%dma_start3A_352 : memref<100352xf32, #tpu.memory_space<vmem_shared>>) offsets(%arg23 : memref<1024xi32, #tpu.memory_space<vmem>>) semaphore(%run_scoped3A : memref<!tpu.dma_semaphore, #tpu.memory_space<semaphore_mem>>) {add = true}
        %dma_wait3A_353 = arith.constant 0 : i32
        %dma_wait3A_354 = tpu.memref_slice %arg48[%dma_wait3A_353] : memref<100352xf32, #tpu.memory_space<vmem_shared>> -> memref<100352xf32, #tpu.memory_space<vmem_shared>>
        tpu.wait_indirect_dma semaphore(%run_scoped3A : memref<!tpu.dma_semaphore, #tpu.memory_space<semaphore_mem>>) src(%arg36 : memref<1024xf32, #tpu.memory_space<vmem>>) dst(%dma_wait3A_354 : memref<100352xf32, #tpu.memory_space<vmem_shared>>)
        tpu.yield
      }) : () -> ()
    }
    %scan3A_93 = arith.constant 49 : i32
    %dma_wait3A = arith.constant 0 : i32
    %dma_wait3A_94 = tpu.memref_slice %arg6[%dma_wait3A] : memref<3200000xf32, #tpu.memory_space<hbm>> -> memref<1024xf32, #tpu.memory_space<hbm>>
    %dma_wait3A_95 = arith.constant 0 : i32
    %dma_wait3A_96 = tpu.memref_slice %arg6[%dma_wait3A_95] : memref<3200000xf32, #tpu.memory_space<hbm>> -> memref<1024xf32, #tpu.memory_space<hbm>>
    tpu.wait_dma2 semaphore(%arg49 : memref<!tpu.dma_semaphore, #tpu.memory_space<semaphore_mem>>) src(%dma_wait3A_96 : memref<1024xf32, #tpu.memory_space<hbm>>) dst(%arg15 : memref<1024xf32, #tpu.memory_space<vmem>>)
    %dma_wait3A_97 = arith.constant 0 : i32
    %dma_wait3A_98 = tpu.memref_slice %arg6[%dma_wait3A_97] : memref<3200000xf32, #tpu.memory_space<hbm>> -> memref<1024xf32, #tpu.memory_space<hbm>>
    %dma_wait3A_99 = arith.constant 0 : i32
    %dma_wait3A_100 = tpu.memref_slice %arg6[%dma_wait3A_99] : memref<3200000xf32, #tpu.memory_space<hbm>> -> memref<1024xf32, #tpu.memory_space<hbm>>
    tpu.wait_dma2 semaphore(%arg49 : memref<!tpu.dma_semaphore, #tpu.memory_space<semaphore_mem>>) src(%dma_wait3A_100 : memref<1024xf32, #tpu.memory_space<hbm>>) dst(%arg16 : memref<1024xf32, #tpu.memory_space<vmem>>)
    %dma_wait3A_101 = arith.constant 0 : i32
    %dma_wait3A_102 = tpu.memref_slice %arg6[%dma_wait3A_101] : memref<3200000xf32, #tpu.memory_space<hbm>> -> memref<1024xf32, #tpu.memory_space<hbm>>
    %dma_wait3A_103 = arith.constant 0 : i32
    %dma_wait3A_104 = tpu.memref_slice %arg6[%dma_wait3A_103] : memref<3200000xf32, #tpu.memory_space<hbm>> -> memref<1024xf32, #tpu.memory_space<hbm>>
    tpu.wait_dma2 semaphore(%arg49 : memref<!tpu.dma_semaphore, #tpu.memory_space<semaphore_mem>>) src(%dma_wait3A_104 : memref<1024xf32, #tpu.memory_space<hbm>>) dst(%arg17 : memref<1024xf32, #tpu.memory_space<vmem>>)
    %dma_wait3A_105 = arith.constant 0 : i32
    %dma_wait3A_106 = tpu.memref_slice %arg6[%dma_wait3A_105] : memref<3200000xf32, #tpu.memory_space<hbm>> -> memref<1024xf32, #tpu.memory_space<hbm>>
    %dma_wait3A_107 = arith.constant 0 : i32
    %dma_wait3A_108 = tpu.memref_slice %arg6[%dma_wait3A_107] : memref<3200000xf32, #tpu.memory_space<hbm>> -> memref<1024xf32, #tpu.memory_space<hbm>>
    tpu.wait_dma2 semaphore(%arg49 : memref<!tpu.dma_semaphore, #tpu.memory_space<semaphore_mem>>) src(%dma_wait3A_108 : memref<1024xf32, #tpu.memory_space<hbm>>) dst(%arg18 : memref<1024xf32, #tpu.memory_space<vmem>>)
    %dma_wait3A_109 = arith.constant 0 : i32
    %dma_wait3A_110 = tpu.memref_slice %arg6[%dma_wait3A_109] : memref<3200000xf32, #tpu.memory_space<hbm>> -> memref<1024xf32, #tpu.memory_space<hbm>>
    %dma_wait3A_111 = arith.constant 0 : i32
    %dma_wait3A_112 = tpu.memref_slice %arg6[%dma_wait3A_111] : memref<3200000xf32, #tpu.memory_space<hbm>> -> memref<1024xf32, #tpu.memory_space<hbm>>
    tpu.wait_dma2 semaphore(%arg49 : memref<!tpu.dma_semaphore, #tpu.memory_space<semaphore_mem>>) src(%dma_wait3A_112 : memref<1024xf32, #tpu.memory_space<hbm>>) dst(%arg19 : memref<1024xf32, #tpu.memory_space<vmem>>)
    %dma_wait3A_113 = arith.constant 0 : i32
    %dma_wait3A_114 = tpu.memref_slice %arg6[%dma_wait3A_113] : memref<3200000xf32, #tpu.memory_space<hbm>> -> memref<1024xf32, #tpu.memory_space<hbm>>
    %dma_wait3A_115 = arith.constant 0 : i32
    %dma_wait3A_116 = tpu.memref_slice %arg6[%dma_wait3A_115] : memref<3200000xf32, #tpu.memory_space<hbm>> -> memref<1024xf32, #tpu.memory_space<hbm>>
    tpu.wait_dma2 semaphore(%arg49 : memref<!tpu.dma_semaphore, #tpu.memory_space<semaphore_mem>>) src(%dma_wait3A_116 : memref<1024xf32, #tpu.memory_space<hbm>>) dst(%arg20 : memref<1024xf32, #tpu.memory_space<vmem>>)
    %dma_wait3A_117 = arith.constant 0 : i32
    %dma_wait3A_118 = tpu.memref_slice %arg6[%dma_wait3A_117] : memref<3200000xf32, #tpu.memory_space<hbm>> -> memref<1024xf32, #tpu.memory_space<hbm>>
    %dma_wait3A_119 = arith.constant 0 : i32
    %dma_wait3A_120 = tpu.memref_slice %arg6[%dma_wait3A_119] : memref<3200000xf32, #tpu.memory_space<hbm>> -> memref<1024xf32, #tpu.memory_space<hbm>>
    tpu.wait_dma2 semaphore(%arg49 : memref<!tpu.dma_semaphore, #tpu.memory_space<semaphore_mem>>) src(%dma_wait3A_120 : memref<1024xf32, #tpu.memory_space<hbm>>) dst(%arg21 : memref<1024xf32, #tpu.memory_space<vmem>>)
    %dma_wait3A_121 = arith.constant 0 : i32
    %dma_wait3A_122 = tpu.memref_slice %arg6[%dma_wait3A_121] : memref<3200000xf32, #tpu.memory_space<hbm>> -> memref<1024xf32, #tpu.memory_space<hbm>>
    %dma_wait3A_123 = arith.constant 0 : i32
    %dma_wait3A_124 = tpu.memref_slice %arg6[%dma_wait3A_123] : memref<3200000xf32, #tpu.memory_space<hbm>> -> memref<1024xf32, #tpu.memory_space<hbm>>
    tpu.wait_dma2 semaphore(%arg49 : memref<!tpu.dma_semaphore, #tpu.memory_space<semaphore_mem>>) src(%dma_wait3A_124 : memref<1024xf32, #tpu.memory_space<hbm>>) dst(%arg22 : memref<1024xf32, #tpu.memory_space<vmem>>)
    %scan3A_125 = arith.constant 0 : i32
    %scan3A_126 = arith.constant 0 : i32
    %scan3A_127 = arith.constant 3136 : i32
    %scan3A_128 = arith.addi %scan3A_126, %scan3A_127 : i32
    %scan3A_129 = arith.constant 1 : i32
    scf.for %scan3A_204 = %scan3A_126 to %scan3A_128 step %scan3A_129  : i32 {
      %mul3A_205 = arith.constant 16 : i32
      %mul3A_206 = arith.muli %scan3A_204, %mul3A_205 : i32
      %swap3A = arith.index_cast %mul3A_206 : i32 to index
      %swap3A_207 = tpu.vector_load %arg39[%swap3A] {strides = array<i32>} : memref<50176xf32, #tpu.memory_space<vmem>>, vector<16xf32>,
      tpu.vector_store %arg39[%swap3A], %broadcast_in_dim3A_1 {strides = array<i32>} : memref<50176xf32, #tpu.memory_space<vmem>>, vector<16xf32>,
    }
    %scan3A_130 = arith.constant 3136 : i32
    %add3A_131 = arith.constant 0 : i32
    %add3A_132 = arith.addi %mul3A_68, %add3A_131 : i32
    %dma_start3A_133 = tpu.memref_slice %arg9[%add3A_132] : memref<3211264xi32, #tpu.memory_space<hbm>> -> memref<1024xi32, #tpu.memory_space<hbm>>
    %dma_start3A_134 = tpu.memref_slice %arg9[%add3A_132] : memref<3211264xi32, #tpu.memory_space<hbm>> -> memref<1024xi32, #tpu.memory_space<hbm>>
    tpu.enqueue_dma source(%dma_start3A_134 : memref<1024xi32, #tpu.memory_space<hbm>>) target(%arg12 : memref<1024xi32, #tpu.memory_space<vmem>>) target_semaphore(%arg49 : memref<!tpu.dma_semaphore, #tpu.memory_space<semaphore_mem>>)
    %dma_start3A_135 = tpu.memref_slice %arg10[%add3A_132] : memref<3211264xf32, #tpu.memory_space<hbm>> -> memref<1024xf32, #tpu.memory_space<hbm>>
    %dma_start3A_136 = tpu.memref_slice %arg10[%add3A_132] : memref<3211264xf32, #tpu.memory_space<hbm>> -> memref<1024xf32, #tpu.memory_space<hbm>>
    tpu.enqueue_dma source(%dma_start3A_136 : memref<1024xf32, #tpu.memory_space<hbm>>) target(%arg14 : memref<1024xf32, #tpu.memory_space<vmem>>) target_semaphore(%arg49 : memref<!tpu.dma_semaphore, #tpu.memory_space<semaphore_mem>>)
    %scan3A_137 = arith.constant 0 : i32
    %scan3A_138 = arith.constant 0 : i32
    %scan3A_139 = arith.constant 49 : i32
    %scan3A_140 = arith.addi %scan3A_138, %scan3A_139 : i32
    %scan3A_141 = arith.constant 1 : i32
    scf.for %scan3A_204 = %scan3A_138 to %scan3A_140 step %scan3A_141  : i32 {
      %mul3A_205 = arith.constant 2 : i32
      %mul3A_206 = arith.muli %mul3A_205, %scan3A_204 : i32
      %add3A_207 = arith.constant 1 : i32
      %add3A_208 = arith.addi %mul3A_206, %add3A_207 : i32
      %mul3A_209 = arith.constant 1024 : i32
      %mul3A_210 = arith.muli %add3A_208, %mul3A_209 : i32
      %add3A_211 = arith.addi %mul3A_68, %mul3A_210 : i32
      %dma_start3A_212 = tpu.memref_slice %arg9[%add3A_211] : memref<3211264xi32, #tpu.memory_space<hbm>> -> memref<1024xi32, #tpu.memory_space<hbm>>
      %dma_start3A_213 = tpu.memref_slice %arg9[%add3A_211] : memref<3211264xi32, #tpu.memory_space<hbm>> -> memref<1024xi32, #tpu.memory_space<hbm>>
      tpu.enqueue_dma source(%dma_start3A_213 : memref<1024xi32, #tpu.memory_space<hbm>>) target(%arg23 : memref<1024xi32, #tpu.memory_space<vmem>>) target_semaphore(%arg50 : memref<!tpu.dma_semaphore, #tpu.memory_space<semaphore_mem>>)
      %dma_start3A_214 = tpu.memref_slice %arg10[%add3A_211] : memref<3211264xf32, #tpu.memory_space<hbm>> -> memref<1024xf32, #tpu.memory_space<hbm>>
      %dma_start3A_215 = tpu.memref_slice %arg10[%add3A_211] : memref<3211264xf32, #tpu.memory_space<hbm>> -> memref<1024xf32, #tpu.memory_space<hbm>>
      tpu.enqueue_dma source(%dma_start3A_215 : memref<1024xf32, #tpu.memory_space<hbm>>) target(%arg25 : memref<1024xf32, #tpu.memory_space<vmem>>) target_semaphore(%arg50 : memref<!tpu.dma_semaphore, #tpu.memory_space<semaphore_mem>>)
      %dma_wait3A_216 = arith.constant 0 : i32
      %dma_wait3A_217 = tpu.memref_slice %arg9[%dma_wait3A_216] : memref<3211264xi32, #tpu.memory_space<hbm>> -> memref<1024xi32, #tpu.memory_space<hbm>>
      %dma_wait3A_218 = arith.constant 0 : i32
      %dma_wait3A_219 = tpu.memref_slice %arg9[%dma_wait3A_218] : memref<3211264xi32, #tpu.memory_space<hbm>> -> memref<1024xi32, #tpu.memory_space<hbm>>
      tpu.wait_dma2 semaphore(%arg49 : memref<!tpu.dma_semaphore, #tpu.memory_space<semaphore_mem>>) src(%dma_wait3A_219 : memref<1024xi32, #tpu.memory_space<hbm>>) dst(%arg12 : memref<1024xi32, #tpu.memory_space<vmem>>)
      %dma_wait3A_220 = arith.constant 0 : i32
      %dma_wait3A_221 = tpu.memref_slice %arg10[%dma_wait3A_220] : memref<3211264xf32, #tpu.memory_space<hbm>> -> memref<1024xf32, #tpu.memory_space<hbm>>
      %dma_wait3A_222 = arith.constant 0 : i32
      %dma_wait3A_223 = tpu.memref_slice %arg10[%dma_wait3A_222] : memref<3211264xf32, #tpu.memory_space<hbm>> -> memref<1024xf32, #tpu.memory_space<hbm>>
      tpu.wait_dma2 semaphore(%arg49 : memref<!tpu.dma_semaphore, #tpu.memory_space<semaphore_mem>>) src(%dma_wait3A_223 : memref<1024xf32, #tpu.memory_space<hbm>>) dst(%arg14 : memref<1024xf32, #tpu.memory_space<vmem>>)
      %scan3A_224 = arith.constant 0 : i32
      %scan3A_225 = arith.constant 0 : i32
      %scan3A_226 = arith.constant 64 : i32
      %scan3A_227 = arith.addi %scan3A_225, %scan3A_226 : i32
      %scan3A_228 = arith.constant 4 : i32
      scf.for %scan3A_260 = %scan3A_225 to %scan3A_227 step %scan3A_228  : i32 {
        %mul3A_261 = arith.constant 16 : i32
        %mul3A_262 = arith.muli %scan3A_260, %mul3A_261 : i32
        %get3A = arith.index_cast %mul3A_262 : i32 to index
        %get3A_263 = tpu.vector_load %arg12[%get3A] {strides = array<i32>} : memref<1024xi32, #tpu.memory_space<vmem>>, vector<16xi32>,
        %get3A_264 = arith.index_cast %mul3A_262 : i32 to index
        %get3A_265 = tpu.vector_load %arg14[%get3A_264] {strides = array<i32>} : memref<1024xf32, #tpu.memory_space<vmem>>, vector<16xf32>,
        %ge3A = arith.constant 0 : i32
        %ge3A_266 = vector.broadcast %ge3A : i32 to vector<16xi32>
        %ge3A_267 = arith.cmpi sge, %get3A_263, %ge3A_266 : vector<16xi32>
        %lt3A_268 = arith.constant 50176 : i32
        %lt3A_269 = vector.broadcast %lt3A_268 : i32 to vector<16xi32>
        %lt3A_270 = arith.cmpi slt, %get3A_263, %lt3A_269 : vector<16xi32>
        %and3A_271 = arith.andi %ge3A_267, %lt3A_270 : vector<16xi1>
        %sub3A_272 = arith.constant 0 : i32
        %sub3A_273 = vector.broadcast %sub3A_272 : i32 to vector<16xi32>
        %sub3A_274 = arith.subi %get3A_263, %sub3A_273 : vector<16xi32>
        %jit3A_275 = arith.constant 0 : i32
        %broadcast_in_dim3A_276 = vector.broadcast %jit3A_275 : i32 to vector<16xi32>
        %select_n3A_277 = arith.select %and3A_271, %sub3A_274, %broadcast_in_dim3A_276 : vector<16xi1>, vector<16xi32>
        %gather3A = tpu.vector_load_idx %arg39[%select_n3A_277] masked %and3A_271 : memref<50176xf32, #tpu.memory_space<vmem>>[vector<16xi32>], vector<16xf32>, vector<16xi1>
        %max3A = arith.maximumf %gather3A, %get3A_265 : vector<16xf32>
        tpu.vector_store_idx %arg39[%select_n3A_277], %max3A masked %and3A_271 : memref<50176xf32, #tpu.memory_space<vmem>>[vector<16xi32>], vector<16xf32>, vector<16xi1>
        %scan3A_278 = arith.constant 1 : i32
        %scan3A_279 = arith.addi %scan3A_260, %scan3A_278 : i32
        %mul3A_280 = arith.constant 16 : i32
        %mul3A_281 = arith.muli %scan3A_279, %mul3A_280 : i32
        %get3A_282 = arith.index_cast %mul3A_281 : i32 to index
        %get3A_283 = tpu.vector_load %arg12[%get3A_282] {strides = array<i32>} : memref<1024xi32, #tpu.memory_space<vmem>>, vector<16xi32>,
        %get3A_284 = arith.index_cast %mul3A_281 : i32 to index
        %get3A_285 = tpu.vector_load %arg14[%get3A_284] {strides = array<i32>} : memref<1024xf32, #tpu.memory_space<vmem>>, vector<16xf32>,
        %ge3A_286 = arith.constant 0 : i32
        %ge3A_287 = vector.broadcast %ge3A_286 : i32 to vector<16xi32>
        %ge3A_288 = arith.cmpi sge, %get3A_283, %ge3A_287 : vector<16xi32>
        %lt3A_289 = arith.constant 50176 : i32
        %lt3A_290 = vector.broadcast %lt3A_289 : i32 to vector<16xi32>
        %lt3A_291 = arith.cmpi slt, %get3A_283, %lt3A_290 : vector<16xi32>
        %and3A_292 = arith.andi %ge3A_288, %lt3A_291 : vector<16xi1>
        %sub3A_293 = arith.constant 0 : i32
        %sub3A_294 = vector.broadcast %sub3A_293 : i32 to vector<16xi32>
        %sub3A_295 = arith.subi %get3A_283, %sub3A_294 : vector<16xi32>
        %jit3A_296 = arith.constant 0 : i32
        %broadcast_in_dim3A_297 = vector.broadcast %jit3A_296 : i32 to vector<16xi32>
        %select_n3A_298 = arith.select %and3A_292, %sub3A_295, %broadcast_in_dim3A_297 : vector<16xi1>, vector<16xi32>
        %gather3A_299 = tpu.vector_load_idx %arg39[%select_n3A_298] masked %and3A_292 : memref<50176xf32, #tpu.memory_space<vmem>>[vector<16xi32>], vector<16xf32>, vector<16xi1>
        %max3A_300 = arith.maximumf %gather3A_299, %get3A_285 : vector<16xf32>
        tpu.vector_store_idx %arg39[%select_n3A_298], %max3A_300 masked %and3A_292 : memref<50176xf32, #tpu.memory_space<vmem>>[vector<16xi32>], vector<16xf32>, vector<16xi1>
        %scan3A_301 = arith.constant 2 : i32
        %scan3A_302 = arith.addi %scan3A_260, %scan3A_301 : i32
        %mul3A_303 = arith.constant 16 : i32
        %mul3A_304 = arith.muli %scan3A_302, %mul3A_303 : i32
        %get3A_305 = arith.index_cast %mul3A_304 : i32 to index
        %get3A_306 = tpu.vector_load %arg12[%get3A_305] {strides = array<i32>} : memref<1024xi32, #tpu.memory_space<vmem>>, vector<16xi32>,
        %get3A_307 = arith.index_cast %mul3A_304 : i32 to index
        %get3A_308 = tpu.vector_load %arg14[%get3A_307] {strides = array<i32>} : memref<1024xf32, #tpu.memory_space<vmem>>, vector<16xf32>,
        %ge3A_309 = arith.constant 0 : i32
        %ge3A_310 = vector.broadcast %ge3A_309 : i32 to vector<16xi32>
        %ge3A_311 = arith.cmpi sge, %get3A_306, %ge3A_310 : vector<16xi32>
        %lt3A_312 = arith.constant 50176 : i32
        %lt3A_313 = vector.broadcast %lt3A_312 : i32 to vector<16xi32>
        %lt3A_314 = arith.cmpi slt, %get3A_306, %lt3A_313 : vector<16xi32>
        %and3A_315 = arith.andi %ge3A_311, %lt3A_314 : vector<16xi1>
        %sub3A_316 = arith.constant 0 : i32
        %sub3A_317 = vector.broadcast %sub3A_316 : i32 to vector<16xi32>
        %sub3A_318 = arith.subi %get3A_306, %sub3A_317 : vector<16xi32>
        %jit3A_319 = arith.constant 0 : i32
        %broadcast_in_dim3A_320 = vector.broadcast %jit3A_319 : i32 to vector<16xi32>
        %select_n3A_321 = arith.select %and3A_315, %sub3A_318, %broadcast_in_dim3A_320 : vector<16xi1>, vector<16xi32>
        %gather3A_322 = tpu.vector_load_idx %arg39[%select_n3A_321] masked %and3A_315 : memref<50176xf32, #tpu.memory_space<vmem>>[vector<16xi32>], vector<16xf32>, vector<16xi1>
        %max3A_323 = arith.maximumf %gather3A_322, %get3A_308 : vector<16xf32>
        tpu.vector_store_idx %arg39[%select_n3A_321], %max3A_323 masked %and3A_315 : memref<50176xf32, #tpu.memory_space<vmem>>[vector<16xi32>], vector<16xf32>, vector<16xi1>
        %scan3A_324 = arith.constant 3 : i32
        %scan3A_325 = arith.addi %scan3A_260, %scan3A_324 : i32
        %mul3A_326 = arith.constant 16 : i32
        %mul3A_327 = arith.muli %scan3A_325, %mul3A_326 : i32
        %get3A_328 = arith.index_cast %mul3A_327 : i32 to index
        %get3A_329 = tpu.vector_load %arg12[%get3A_328] {strides = array<i32>} : memref<1024xi32, #tpu.memory_space<vmem>>, vector<16xi32>,
        %get3A_330 = arith.index_cast %mul3A_327 : i32 to index
        %get3A_331 = tpu.vector_load %arg14[%get3A_330] {strides = array<i32>} : memref<1024xf32, #tpu.memory_space<vmem>>, vector<16xf32>,
        %ge3A_332 = arith.constant 0 : i32
        %ge3A_333 = vector.broadcast %ge3A_332 : i32 to vector<16xi32>
        %ge3A_334 = arith.cmpi sge, %get3A_329, %ge3A_333 : vector<16xi32>
        %lt3A_335 = arith.constant 50176 : i32
        %lt3A_336 = vector.broadcast %lt3A_335 : i32 to vector<16xi32>
        %lt3A_337 = arith.cmpi slt, %get3A_329, %lt3A_336 : vector<16xi32>
        %and3A_338 = arith.andi %ge3A_334, %lt3A_337 : vector<16xi1>
        %sub3A_339 = arith.constant 0 : i32
        %sub3A_340 = vector.broadcast %sub3A_339 : i32 to vector<16xi32>
        %sub3A_341 = arith.subi %get3A_329, %sub3A_340 : vector<16xi32>
        %jit3A_342 = arith.constant 0 : i32
        %broadcast_in_dim3A_343 = vector.broadcast %jit3A_342 : i32 to vector<16xi32>
        %select_n3A_344 = arith.select %and3A_338, %sub3A_341, %broadcast_in_dim3A_343 : vector<16xi1>, vector<16xi32>
        %gather3A_345 = tpu.vector_load_idx %arg39[%select_n3A_344] masked %and3A_338 : memref<50176xf32, #tpu.memory_space<vmem>>[vector<16xi32>], vector<16xf32>, vector<16xi1>
        %max3A_346 = arith.maximumf %gather3A_345, %get3A_331 : vector<16xf32>
        tpu.vector_store_idx %arg39[%select_n3A_344], %max3A_346 masked %and3A_338 : memref<50176xf32, #tpu.memory_space<vmem>>[vector<16xi32>], vector<16xf32>, vector<16xi1>
      }
      %scan3A_229 = arith.constant 64 : i32
      %add3A_230 = arith.constant 2 : i32
      %add3A_231 = arith.addi %mul3A_206, %add3A_230 : i32
      %jit3A_232 = arith.constant 98 : i32
      %eq3A = arith.constant 0 : i32
      %eq3A_233 = arith.cmpi eq, %jit3A_232, %eq3A : i32
      %jit3A_234 = arith.constant 1 : i32
      %select_n3A_235 = arith.select %eq3A_233, %jit3A_234, %jit3A_232 : i32
      %rem3A = arith.remsi %add3A_231, %select_n3A_235 : i32
      %ne3A = arith.constant 0 : i32
      %ne3A_236 = arith.cmpi ne, %rem3A, %ne3A : i32
      %lt3A = arith.constant 0 : i32
      %lt3A_237 = arith.cmpi slt, %rem3A, %lt3A : i32
      %lt3A_238 = arith.constant 0 : i32
      %lt3A_239 = arith.cmpi slt, %select_n3A_235, %lt3A_238 : i32
      %ne3A_240 = arith.xori %lt3A_237, %lt3A_239 : i1
      %and3A = arith.andi %ne3A_240, %ne3A_236 : i1
      %add3A_241 = arith.addi %rem3A, %select_n3A_235 : i32
      %select_n3A_242 = arith.select %and3A, %add3A_241, %rem3A : i32
      %mul3A_243 = arith.constant 1024 : i32
      %mul3A_244 = arith.muli %select_n3A_242, %mul3A_243 : i32
      %add3A_245 = arith.addi %mul3A_68, %mul3A_244 : i32
      %dma_start3A_246 = tpu.memref_slice %arg9[%add3A_245] : memref<3211264xi32, #tpu.memory_space<hbm>> -> memref<1024xi32, #tpu.memory_space<hbm>>
      %dma_start3A_247 = tpu.memref_slice %arg9[%add3A_245] : memref<3211264xi32, #tpu.memory_space<hbm>> -> memref<1024xi32, #tpu.memory_space<hbm>>
      tpu.enqueue_dma source(%dma_start3A_247 : memref<1024xi32, #tpu.memory_space<hbm>>) target(%arg12 : memref<1024xi32, #tpu.memory_space<vmem>>) target_semaphore(%arg49 : memref<!tpu.dma_semaphore, #tpu.memory_space<semaphore_mem>>)
      %dma_start3A_248 = tpu.memref_slice %arg10[%add3A_245] : memref<3211264xf32, #tpu.memory_space<hbm>> -> memref<1024xf32, #tpu.memory_space<hbm>>
      %dma_start3A_249 = tpu.memref_slice %arg10[%add3A_245] : memref<3211264xf32, #tpu.memory_space<hbm>> -> memref<1024xf32, #tpu.memory_space<hbm>>
      tpu.enqueue_dma source(%dma_start3A_249 : memref<1024xf32, #tpu.memory_space<hbm>>) target(%arg14 : memref<1024xf32, #tpu.memory_space<vmem>>) target_semaphore(%arg49 : memref<!tpu.dma_semaphore, #tpu.memory_space<semaphore_mem>>)
      %dma_wait3A_250 = tpu.memref_slice %arg9[%add3A_211] : memref<3211264xi32, #tpu.memory_space<hbm>> -> memref<1024xi32, #tpu.memory_space<hbm>>
      %dma_wait3A_251 = tpu.memref_slice %arg9[%add3A_211] : memref<3211264xi32, #tpu.memory_space<hbm>> -> memref<1024xi32, #tpu.memory_space<hbm>>
      tpu.wait_dma2 semaphore(%arg50 : memref<!tpu.dma_semaphore, #tpu.memory_space<semaphore_mem>>) src(%dma_wait3A_251 : memref<1024xi32, #tpu.memory_space<hbm>>) dst(%arg23 : memref<1024xi32, #tpu.memory_space<vmem>>)
      %dma_wait3A_252 = tpu.memref_slice %arg10[%add3A_211] : memref<3211264xf32, #tpu.memory_space<hbm>> -> memref<1024xf32, #tpu.memory_space<hbm>>
      %dma_wait3A_253 = tpu.memref_slice %arg10[%add3A_211] : memref<3211264xf32, #tpu.memory_space<hbm>> -> memref<1024xf32, #tpu.memory_space<hbm>>
      tpu.wait_dma2 semaphore(%arg50 : memref<!tpu.dma_semaphore, #tpu.memory_space<semaphore_mem>>) src(%dma_wait3A_253 : memref<1024xf32, #tpu.memory_space<hbm>>) dst(%arg25 : memref<1024xf32, #tpu.memory_space<vmem>>)
      %scan3A_254 = arith.constant 0 : i32
      %scan3A_255 = arith.constant 0 : i32
      %scan3A_256 = arith.constant 64 : i32
      %scan3A_257 = arith.addi %scan3A_255, %scan3A_256 : i32
      %scan3A_258 = arith.constant 4 : i32
      scf.for %scan3A_260 = %scan3A_255 to %scan3A_257 step %scan3A_258  : i32 {
        %mul3A_261 = arith.constant 16 : i32
        %mul3A_262 = arith.muli %scan3A_260, %mul3A_261 : i32
        %get3A = arith.index_cast %mul3A_262 : i32 to index
        %get3A_263 = tpu.vector_load %arg23[%get3A] {strides = array<i32>} : memref<1024xi32, #tpu.memory_space<vmem>>, vector<16xi32>,
        %get3A_264 = arith.index_cast %mul3A_262 : i32 to index
        %get3A_265 = tpu.vector_load %arg25[%get3A_264] {strides = array<i32>} : memref<1024xf32, #tpu.memory_space<vmem>>, vector<16xf32>,
        %ge3A = arith.constant 0 : i32
        %ge3A_266 = vector.broadcast %ge3A : i32 to vector<16xi32>
        %ge3A_267 = arith.cmpi sge, %get3A_263, %ge3A_266 : vector<16xi32>
        %lt3A_268 = arith.constant 50176 : i32
        %lt3A_269 = vector.broadcast %lt3A_268 : i32 to vector<16xi32>
        %lt3A_270 = arith.cmpi slt, %get3A_263, %lt3A_269 : vector<16xi32>
        %and3A_271 = arith.andi %ge3A_267, %lt3A_270 : vector<16xi1>
        %sub3A_272 = arith.constant 0 : i32
        %sub3A_273 = vector.broadcast %sub3A_272 : i32 to vector<16xi32>
        %sub3A_274 = arith.subi %get3A_263, %sub3A_273 : vector<16xi32>
        %jit3A_275 = arith.constant 0 : i32
        %broadcast_in_dim3A_276 = vector.broadcast %jit3A_275 : i32 to vector<16xi32>
        %select_n3A_277 = arith.select %and3A_271, %sub3A_274, %broadcast_in_dim3A_276 : vector<16xi1>, vector<16xi32>
        %gather3A = tpu.vector_load_idx %arg39[%select_n3A_277] masked %and3A_271 : memref<50176xf32, #tpu.memory_space<vmem>>[vector<16xi32>], vector<16xf32>, vector<16xi1>
        %max3A = arith.maximumf %gather3A, %get3A_265 : vector<16xf32>
        tpu.vector_store_idx %arg39[%select_n3A_277], %max3A masked %and3A_271 : memref<50176xf32, #tpu.memory_space<vmem>>[vector<16xi32>], vector<16xf32>, vector<16xi1>
        %scan3A_278 = arith.constant 1 : i32
        %scan3A_279 = arith.addi %scan3A_260, %scan3A_278 : i32
        %mul3A_280 = arith.constant 16 : i32
        %mul3A_281 = arith.muli %scan3A_279, %mul3A_280 : i32
        %get3A_282 = arith.index_cast %mul3A_281 : i32 to index
        %get3A_283 = tpu.vector_load %arg23[%get3A_282] {strides = array<i32>} : memref<1024xi32, #tpu.memory_space<vmem>>, vector<16xi32>,
        %get3A_284 = arith.index_cast %mul3A_281 : i32 to index
        %get3A_285 = tpu.vector_load %arg25[%get3A_284] {strides = array<i32>} : memref<1024xf32, #tpu.memory_space<vmem>>, vector<16xf32>,
        %ge3A_286 = arith.constant 0 : i32
        %ge3A_287 = vector.broadcast %ge3A_286 : i32 to vector<16xi32>
        %ge3A_288 = arith.cmpi sge, %get3A_283, %ge3A_287 : vector<16xi32>
        %lt3A_289 = arith.constant 50176 : i32
        %lt3A_290 = vector.broadcast %lt3A_289 : i32 to vector<16xi32>
        %lt3A_291 = arith.cmpi slt, %get3A_283, %lt3A_290 : vector<16xi32>
        %and3A_292 = arith.andi %ge3A_288, %lt3A_291 : vector<16xi1>
        %sub3A_293 = arith.constant 0 : i32
        %sub3A_294 = vector.broadcast %sub3A_293 : i32 to vector<16xi32>
        %sub3A_295 = arith.subi %get3A_283, %sub3A_294 : vector<16xi32>
        %jit3A_296 = arith.constant 0 : i32
        %broadcast_in_dim3A_297 = vector.broadcast %jit3A_296 : i32 to vector<16xi32>
        %select_n3A_298 = arith.select %and3A_292, %sub3A_295, %broadcast_in_dim3A_297 : vector<16xi1>, vector<16xi32>
        %gather3A_299 = tpu.vector_load_idx %arg39[%select_n3A_298] masked %and3A_292 : memref<50176xf32, #tpu.memory_space<vmem>>[vector<16xi32>], vector<16xf32>, vector<16xi1>
        %max3A_300 = arith.maximumf %gather3A_299, %get3A_285 : vector<16xf32>
        tpu.vector_store_idx %arg39[%select_n3A_298], %max3A_300 masked %and3A_292 : memref<50176xf32, #tpu.memory_space<vmem>>[vector<16xi32>], vector<16xf32>, vector<16xi1>
        %scan3A_301 = arith.constant 2 : i32
        %scan3A_302 = arith.addi %scan3A_260, %scan3A_301 : i32
        %mul3A_303 = arith.constant 16 : i32
        %mul3A_304 = arith.muli %scan3A_302, %mul3A_303 : i32
        %get3A_305 = arith.index_cast %mul3A_304 : i32 to index
        %get3A_306 = tpu.vector_load %arg23[%get3A_305] {strides = array<i32>} : memref<1024xi32, #tpu.memory_space<vmem>>, vector<16xi32>,
        %get3A_307 = arith.index_cast %mul3A_304 : i32 to index
        %get3A_308 = tpu.vector_load %arg25[%get3A_307] {strides = array<i32>} : memref<1024xf32, #tpu.memory_space<vmem>>, vector<16xf32>,
        %ge3A_309 = arith.constant 0 : i32
        %ge3A_310 = vector.broadcast %ge3A_309 : i32 to vector<16xi32>
        %ge3A_311 = arith.cmpi sge, %get3A_306, %ge3A_310 : vector<16xi32>
        %lt3A_312 = arith.constant 50176 : i32
        %lt3A_313 = vector.broadcast %lt3A_312 : i32 to vector<16xi32>
        %lt3A_314 = arith.cmpi slt, %get3A_306, %lt3A_313 : vector<16xi32>
        %and3A_315 = arith.andi %ge3A_311, %lt3A_314 : vector<16xi1>
        %sub3A_316 = arith.constant 0 : i32
        %sub3A_317 = vector.broadcast %sub3A_316 : i32 to vector<16xi32>
        %sub3A_318 = arith.subi %get3A_306, %sub3A_317 : vector<16xi32>
        %jit3A_319 = arith.constant 0 : i32
        %broadcast_in_dim3A_320 = vector.broadcast %jit3A_319 : i32 to vector<16xi32>
        %select_n3A_321 = arith.select %and3A_315, %sub3A_318, %broadcast_in_dim3A_320 : vector<16xi1>, vector<16xi32>
        %gather3A_322 = tpu.vector_load_idx %arg39[%select_n3A_321] masked %and3A_315 : memref<50176xf32, #tpu.memory_space<vmem>>[vector<16xi32>], vector<16xf32>, vector<16xi1>
        %max3A_323 = arith.maximumf %gather3A_322, %get3A_308 : vector<16xf32>
        tpu.vector_store_idx %arg39[%select_n3A_321], %max3A_323 masked %and3A_315 : memref<50176xf32, #tpu.memory_space<vmem>>[vector<16xi32>], vector<16xf32>, vector<16xi1>
        %scan3A_324 = arith.constant 3 : i32
        %scan3A_325 = arith.addi %scan3A_260, %scan3A_324 : i32
        %mul3A_326 = arith.constant 16 : i32
        %mul3A_327 = arith.muli %scan3A_325, %mul3A_326 : i32
        %get3A_328 = arith.index_cast %mul3A_327 : i32 to index
        %get3A_329 = tpu.vector_load %arg23[%get3A_328] {strides = array<i32>} : memref<1024xi32, #tpu.memory_space<vmem>>, vector<16xi32>,
        %get3A_330 = arith.index_cast %mul3A_327 : i32 to index
        %get3A_331 = tpu.vector_load %arg25[%get3A_330] {strides = array<i32>} : memref<1024xf32, #tpu.memory_space<vmem>>, vector<16xf32>,
        %ge3A_332 = arith.constant 0 : i32
        %ge3A_333 = vector.broadcast %ge3A_332 : i32 to vector<16xi32>
        %ge3A_334 = arith.cmpi sge, %get3A_329, %ge3A_333 : vector<16xi32>
        %lt3A_335 = arith.constant 50176 : i32
        %lt3A_336 = vector.broadcast %lt3A_335 : i32 to vector<16xi32>
        %lt3A_337 = arith.cmpi slt, %get3A_329, %lt3A_336 : vector<16xi32>
        %and3A_338 = arith.andi %ge3A_334, %lt3A_337 : vector<16xi1>
        %sub3A_339 = arith.constant 0 : i32
        %sub3A_340 = vector.broadcast %sub3A_339 : i32 to vector<16xi32>
        %sub3A_341 = arith.subi %get3A_329, %sub3A_340 : vector<16xi32>
        %jit3A_342 = arith.constant 0 : i32
        %broadcast_in_dim3A_343 = vector.broadcast %jit3A_342 : i32 to vector<16xi32>
        %select_n3A_344 = arith.select %and3A_338, %sub3A_341, %broadcast_in_dim3A_343 : vector<16xi1>, vector<16xi32>
        %gather3A_345 = tpu.vector_load_idx %arg39[%select_n3A_344] masked %and3A_338 : memref<50176xf32, #tpu.memory_space<vmem>>[vector<16xi32>], vector<16xf32>, vector<16xi1>
        %max3A_346 = arith.maximumf %gather3A_345, %get3A_331 : vector<16xf32>
        tpu.vector_store_idx %arg39[%select_n3A_344], %max3A_346 masked %and3A_338 : memref<50176xf32, #tpu.memory_space<vmem>>[vector<16xi32>], vector<16xf32>, vector<16xi1>
      }
      %scan3A_259 = arith.constant 64 : i32
    }
    %scan3A_142 = arith.constant 49 : i32
    %dma_wait3A_143 = arith.constant 0 : i32
    %dma_wait3A_144 = tpu.memref_slice %arg9[%dma_wait3A_143] : memref<3211264xi32, #tpu.memory_space<hbm>> -> memref<1024xi32, #tpu.memory_space<hbm>>
    %dma_wait3A_145 = arith.constant 0 : i32
    %dma_wait3A_146 = tpu.memref_slice %arg9[%dma_wait3A_145] : memref<3211264xi32, #tpu.memory_space<hbm>> -> memref<1024xi32, #tpu.memory_space<hbm>>
    tpu.wait_dma2 semaphore(%arg49 : memref<!tpu.dma_semaphore, #tpu.memory_space<semaphore_mem>>) src(%dma_wait3A_146 : memref<1024xi32, #tpu.memory_space<hbm>>) dst(%arg12 : memref<1024xi32, #tpu.memory_space<vmem>>)
    %dma_wait3A_147 = arith.constant 0 : i32
    %dma_wait3A_148 = tpu.memref_slice %arg10[%dma_wait3A_147] : memref<3211264xf32, #tpu.memory_space<hbm>> -> memref<1024xf32, #tpu.memory_space<hbm>>
    %dma_wait3A_149 = arith.constant 0 : i32
    %dma_wait3A_150 = tpu.memref_slice %arg10[%dma_wait3A_149] : memref<3211264xf32, #tpu.memory_space<hbm>> -> memref<1024xf32, #tpu.memory_space<hbm>>
    tpu.wait_dma2 semaphore(%arg49 : memref<!tpu.dma_semaphore, #tpu.memory_space<semaphore_mem>>) src(%dma_wait3A_150 : memref<1024xf32, #tpu.memory_space<hbm>>) dst(%arg14 : memref<1024xf32, #tpu.memory_space<vmem>>)
    %mul3A_151 = arith.constant 100352 : i32
    %mul3A_152 = arith.muli %add3A, %mul3A_151 : i32
    %add3A_153 = arith.constant 0 : i32
    %add3A_154 = arith.addi %mul3A_152, %add3A_153 : i32
    "tpu.region"() ({
      %run_scoped3A = tpu.sem_alloc : memref<!tpu.dma_semaphore, #tpu.memory_space<semaphore_mem>>
      %dma_start3A_204 = tpu.memref_slice %arg8[%add3A_154] : memref<3211264xf32, #tpu.memory_space<hbm>> -> memref<50176xf32, #tpu.memory_space<hbm>>
      %dma_start3A_205 = tpu.memref_slice %arg8[%add3A_154] : memref<3211264xf32, #tpu.memory_space<hbm>> -> memref<50176xf32, #tpu.memory_space<hbm>>
      tpu.enqueue_dma source(%arg39 : memref<50176xf32, #tpu.memory_space<vmem>>) target(%dma_start3A_205 : memref<50176xf32, #tpu.memory_space<hbm>>) target_semaphore(%run_scoped3A : memref<!tpu.dma_semaphore, #tpu.memory_space<semaphore_mem>>)
      %dma_wait3A_206 = tpu.memref_slice %arg8[%add3A_154] : memref<3211264xf32, #tpu.memory_space<hbm>> -> memref<50176xf32, #tpu.memory_space<hbm>>
      %dma_wait3A_207 = tpu.memref_slice %arg8[%add3A_154] : memref<3211264xf32, #tpu.memory_space<hbm>> -> memref<50176xf32, #tpu.memory_space<hbm>>
      tpu.wait_dma2 semaphore(%run_scoped3A : memref<!tpu.dma_semaphore, #tpu.memory_space<semaphore_mem>>) src(%arg39 : memref<50176xf32, #tpu.memory_space<vmem>>) dst(%dma_wait3A_207 : memref<50176xf32, #tpu.memory_space<hbm>>)
      tpu.yield
    }) : () -> ()
    %scan3A_155 = arith.constant 0 : i32
    %scan3A_156 = arith.constant 0 : i32
    %scan3A_157 = arith.constant 3136 : i32
    %scan3A_158 = arith.addi %scan3A_156, %scan3A_157 : i32
    %scan3A_159 = arith.constant 1 : i32
    scf.for %scan3A_204 = %scan3A_156 to %scan3A_158 step %scan3A_159  : i32 {
      %mul3A_205 = arith.constant 16 : i32
      %mul3A_206 = arith.muli %scan3A_204, %mul3A_205 : i32
      %swap3A = arith.index_cast %mul3A_206 : i32 to index
      %swap3A_207 = tpu.vector_load %arg39[%swap3A] {strides = array<i32>} : memref<50176xf32, #tpu.memory_space<vmem>>, vector<16xf32>,
      tpu.vector_store %arg39[%swap3A], %broadcast_in_dim3A_1 {strides = array<i32>} : memref<50176xf32, #tpu.memory_space<vmem>>, vector<16xf32>,
    }
    %scan3A_160 = arith.constant 3136 : i32
    %add3A_161 = arith.constant 0 : i32
    %add3A_162 = arith.addi %mul3A_68, %add3A_161 : i32
    %dma_start3A_163 = tpu.memref_slice %arg9[%add3A_162] : memref<3211264xi32, #tpu.memory_space<hbm>> -> memref<1024xi32, #tpu.memory_space<hbm>>
    %dma_start3A_164 = tpu.memref_slice %arg9[%add3A_162] : memref<3211264xi32, #tpu.memory_space<hbm>> -> memref<1024xi32, #tpu.memory_space<hbm>>
    tpu.enqueue_dma source(%dma_start3A_164 : memref<1024xi32, #tpu.memory_space<hbm>>) target(%arg12 : memref<1024xi32, #tpu.memory_space<vmem>>) target_semaphore(%arg49 : memref<!tpu.dma_semaphore, #tpu.memory_space<semaphore_mem>>)
    %dma_start3A_165 = tpu.memref_slice %arg10[%add3A_162] : memref<3211264xf32, #tpu.memory_space<hbm>> -> memref<1024xf32, #tpu.memory_space<hbm>>
    %dma_start3A_166 = tpu.memref_slice %arg10[%add3A_162] : memref<3211264xf32, #tpu.memory_space<hbm>> -> memref<1024xf32, #tpu.memory_space<hbm>>
    tpu.enqueue_dma source(%dma_start3A_166 : memref<1024xf32, #tpu.memory_space<hbm>>) target(%arg14 : memref<1024xf32, #tpu.memory_space<vmem>>) target_semaphore(%arg49 : memref<!tpu.dma_semaphore, #tpu.memory_space<semaphore_mem>>)
    %scan3A_167 = arith.constant 0 : i32
    %scan3A_168 = arith.constant 0 : i32
    %scan3A_169 = arith.constant 49 : i32
    %scan3A_170 = arith.addi %scan3A_168, %scan3A_169 : i32
    %scan3A_171 = arith.constant 1 : i32
    scf.for %scan3A_204 = %scan3A_168 to %scan3A_170 step %scan3A_171  : i32 {
      %mul3A_205 = arith.constant 2 : i32
      %mul3A_206 = arith.muli %mul3A_205, %scan3A_204 : i32
      %add3A_207 = arith.constant 1 : i32
      %add3A_208 = arith.addi %mul3A_206, %add3A_207 : i32
      %mul3A_209 = arith.constant 1024 : i32
      %mul3A_210 = arith.muli %add3A_208, %mul3A_209 : i32
      %add3A_211 = arith.addi %mul3A_68, %mul3A_210 : i32
      %dma_start3A_212 = tpu.memref_slice %arg9[%add3A_211] : memref<3211264xi32, #tpu.memory_space<hbm>> -> memref<1024xi32, #tpu.memory_space<hbm>>
      %dma_start3A_213 = tpu.memref_slice %arg9[%add3A_211] : memref<3211264xi32, #tpu.memory_space<hbm>> -> memref<1024xi32, #tpu.memory_space<hbm>>
      tpu.enqueue_dma source(%dma_start3A_213 : memref<1024xi32, #tpu.memory_space<hbm>>) target(%arg23 : memref<1024xi32, #tpu.memory_space<vmem>>) target_semaphore(%arg50 : memref<!tpu.dma_semaphore, #tpu.memory_space<semaphore_mem>>)
      %dma_start3A_214 = tpu.memref_slice %arg10[%add3A_211] : memref<3211264xf32, #tpu.memory_space<hbm>> -> memref<1024xf32, #tpu.memory_space<hbm>>
      %dma_start3A_215 = tpu.memref_slice %arg10[%add3A_211] : memref<3211264xf32, #tpu.memory_space<hbm>> -> memref<1024xf32, #tpu.memory_space<hbm>>
      tpu.enqueue_dma source(%dma_start3A_215 : memref<1024xf32, #tpu.memory_space<hbm>>) target(%arg25 : memref<1024xf32, #tpu.memory_space<vmem>>) target_semaphore(%arg50 : memref<!tpu.dma_semaphore, #tpu.memory_space<semaphore_mem>>)
      %dma_wait3A_216 = arith.constant 0 : i32
      %dma_wait3A_217 = tpu.memref_slice %arg9[%dma_wait3A_216] : memref<3211264xi32, #tpu.memory_space<hbm>> -> memref<1024xi32, #tpu.memory_space<hbm>>
      %dma_wait3A_218 = arith.constant 0 : i32
      %dma_wait3A_219 = tpu.memref_slice %arg9[%dma_wait3A_218] : memref<3211264xi32, #tpu.memory_space<hbm>> -> memref<1024xi32, #tpu.memory_space<hbm>>
      tpu.wait_dma2 semaphore(%arg49 : memref<!tpu.dma_semaphore, #tpu.memory_space<semaphore_mem>>) src(%dma_wait3A_219 : memref<1024xi32, #tpu.memory_space<hbm>>) dst(%arg12 : memref<1024xi32, #tpu.memory_space<vmem>>)
      %dma_wait3A_220 = arith.constant 0 : i32
      %dma_wait3A_221 = tpu.memref_slice %arg10[%dma_wait3A_220] : memref<3211264xf32, #tpu.memory_space<hbm>> -> memref<1024xf32, #tpu.memory_space<hbm>>
      %dma_wait3A_222 = arith.constant 0 : i32
      %dma_wait3A_223 = tpu.memref_slice %arg10[%dma_wait3A_222] : memref<3211264xf32, #tpu.memory_space<hbm>> -> memref<1024xf32, #tpu.memory_space<hbm>>
      tpu.wait_dma2 semaphore(%arg49 : memref<!tpu.dma_semaphore, #tpu.memory_space<semaphore_mem>>) src(%dma_wait3A_223 : memref<1024xf32, #tpu.memory_space<hbm>>) dst(%arg14 : memref<1024xf32, #tpu.memory_space<vmem>>)
      %scan3A_224 = arith.constant 0 : i32
      %scan3A_225 = arith.constant 0 : i32
      %scan3A_226 = arith.constant 64 : i32
      %scan3A_227 = arith.addi %scan3A_225, %scan3A_226 : i32
      %scan3A_228 = arith.constant 4 : i32
      scf.for %scan3A_260 = %scan3A_225 to %scan3A_227 step %scan3A_228  : i32 {
        %mul3A_261 = arith.constant 16 : i32
        %mul3A_262 = arith.muli %scan3A_260, %mul3A_261 : i32
        %get3A = arith.index_cast %mul3A_262 : i32 to index
        %get3A_263 = tpu.vector_load %arg12[%get3A] {strides = array<i32>} : memref<1024xi32, #tpu.memory_space<vmem>>, vector<16xi32>,
        %get3A_264 = arith.index_cast %mul3A_262 : i32 to index
        %get3A_265 = tpu.vector_load %arg14[%get3A_264] {strides = array<i32>} : memref<1024xf32, #tpu.memory_space<vmem>>, vector<16xf32>,
        %ge3A = arith.constant 50176 : i32
        %ge3A_266 = vector.broadcast %ge3A : i32 to vector<16xi32>
        %ge3A_267 = arith.cmpi sge, %get3A_263, %ge3A_266 : vector<16xi32>
        %lt3A_268 = arith.constant 100352 : i32
        %lt3A_269 = vector.broadcast %lt3A_268 : i32 to vector<16xi32>
        %lt3A_270 = arith.cmpi slt, %get3A_263, %lt3A_269 : vector<16xi32>
        %and3A_271 = arith.andi %ge3A_267, %lt3A_270 : vector<16xi1>
        %sub3A_272 = arith.constant 50176 : i32
        %sub3A_273 = vector.broadcast %sub3A_272 : i32 to vector<16xi32>
        %sub3A_274 = arith.subi %get3A_263, %sub3A_273 : vector<16xi32>
        %jit3A_275 = arith.constant 0 : i32
        %broadcast_in_dim3A_276 = vector.broadcast %jit3A_275 : i32 to vector<16xi32>
        %select_n3A_277 = arith.select %and3A_271, %sub3A_274, %broadcast_in_dim3A_276 : vector<16xi1>, vector<16xi32>
        %gather3A = tpu.vector_load_idx %arg39[%select_n3A_277] masked %and3A_271 : memref<50176xf32, #tpu.memory_space<vmem>>[vector<16xi32>], vector<16xf32>, vector<16xi1>
        %max3A = arith.maximumf %gather3A, %get3A_265 : vector<16xf32>
        tpu.vector_store_idx %arg39[%select_n3A_277], %max3A masked %and3A_271 : memref<50176xf32, #tpu.memory_space<vmem>>[vector<16xi32>], vector<16xf32>, vector<16xi1>
        %scan3A_278 = arith.constant 1 : i32
        %scan3A_279 = arith.addi %scan3A_260, %scan3A_278 : i32
        %mul3A_280 = arith.constant 16 : i32
        %mul3A_281 = arith.muli %scan3A_279, %mul3A_280 : i32
        %get3A_282 = arith.index_cast %mul3A_281 : i32 to index
        %get3A_283 = tpu.vector_load %arg12[%get3A_282] {strides = array<i32>} : memref<1024xi32, #tpu.memory_space<vmem>>, vector<16xi32>,
        %get3A_284 = arith.index_cast %mul3A_281 : i32 to index
        %get3A_285 = tpu.vector_load %arg14[%get3A_284] {strides = array<i32>} : memref<1024xf32, #tpu.memory_space<vmem>>, vector<16xf32>,
        %ge3A_286 = arith.constant 50176 : i32
        %ge3A_287 = vector.broadcast %ge3A_286 : i32 to vector<16xi32>
        %ge3A_288 = arith.cmpi sge, %get3A_283, %ge3A_287 : vector<16xi32>
        %lt3A_289 = arith.constant 100352 : i32
        %lt3A_290 = vector.broadcast %lt3A_289 : i32 to vector<16xi32>
        %lt3A_291 = arith.cmpi slt, %get3A_283, %lt3A_290 : vector<16xi32>
        %and3A_292 = arith.andi %ge3A_288, %lt3A_291 : vector<16xi1>
        %sub3A_293 = arith.constant 50176 : i32
        %sub3A_294 = vector.broadcast %sub3A_293 : i32 to vector<16xi32>
        %sub3A_295 = arith.subi %get3A_283, %sub3A_294 : vector<16xi32>
        %jit3A_296 = arith.constant 0 : i32
        %broadcast_in_dim3A_297 = vector.broadcast %jit3A_296 : i32 to vector<16xi32>
        %select_n3A_298 = arith.select %and3A_292, %sub3A_295, %broadcast_in_dim3A_297 : vector<16xi1>, vector<16xi32>
        %gather3A_299 = tpu.vector_load_idx %arg39[%select_n3A_298] masked %and3A_292 : memref<50176xf32, #tpu.memory_space<vmem>>[vector<16xi32>], vector<16xf32>, vector<16xi1>
        %max3A_300 = arith.maximumf %gather3A_299, %get3A_285 : vector<16xf32>
        tpu.vector_store_idx %arg39[%select_n3A_298], %max3A_300 masked %and3A_292 : memref<50176xf32, #tpu.memory_space<vmem>>[vector<16xi32>], vector<16xf32>, vector<16xi1>
        %scan3A_301 = arith.constant 2 : i32
        %scan3A_302 = arith.addi %scan3A_260, %scan3A_301 : i32
        %mul3A_303 = arith.constant 16 : i32
        %mul3A_304 = arith.muli %scan3A_302, %mul3A_303 : i32
        %get3A_305 = arith.index_cast %mul3A_304 : i32 to index
        %get3A_306 = tpu.vector_load %arg12[%get3A_305] {strides = array<i32>} : memref<1024xi32, #tpu.memory_space<vmem>>, vector<16xi32>,
        %get3A_307 = arith.index_cast %mul3A_304 : i32 to index
        %get3A_308 = tpu.vector_load %arg14[%get3A_307] {strides = array<i32>} : memref<1024xf32, #tpu.memory_space<vmem>>, vector<16xf32>,
        %ge3A_309 = arith.constant 50176 : i32
        %ge3A_310 = vector.broadcast %ge3A_309 : i32 to vector<16xi32>
        %ge3A_311 = arith.cmpi sge, %get3A_306, %ge3A_310 : vector<16xi32>
        %lt3A_312 = arith.constant 100352 : i32
        %lt3A_313 = vector.broadcast %lt3A_312 : i32 to vector<16xi32>
        %lt3A_314 = arith.cmpi slt, %get3A_306, %lt3A_313 : vector<16xi32>
        %and3A_315 = arith.andi %ge3A_311, %lt3A_314 : vector<16xi1>
        %sub3A_316 = arith.constant 50176 : i32
        %sub3A_317 = vector.broadcast %sub3A_316 : i32 to vector<16xi32>
        %sub3A_318 = arith.subi %get3A_306, %sub3A_317 : vector<16xi32>
        %jit3A_319 = arith.constant 0 : i32
        %broadcast_in_dim3A_320 = vector.broadcast %jit3A_319 : i32 to vector<16xi32>
        %select_n3A_321 = arith.select %and3A_315, %sub3A_318, %broadcast_in_dim3A_320 : vector<16xi1>, vector<16xi32>
        %gather3A_322 = tpu.vector_load_idx %arg39[%select_n3A_321] masked %and3A_315 : memref<50176xf32, #tpu.memory_space<vmem>>[vector<16xi32>], vector<16xf32>, vector<16xi1>
        %max3A_323 = arith.maximumf %gather3A_322, %get3A_308 : vector<16xf32>
        tpu.vector_store_idx %arg39[%select_n3A_321], %max3A_323 masked %and3A_315 : memref<50176xf32, #tpu.memory_space<vmem>>[vector<16xi32>], vector<16xf32>, vector<16xi1>
        %scan3A_324 = arith.constant 3 : i32
        %scan3A_325 = arith.addi %scan3A_260, %scan3A_324 : i32
        %mul3A_326 = arith.constant 16 : i32
        %mul3A_327 = arith.muli %scan3A_325, %mul3A_326 : i32
        %get3A_328 = arith.index_cast %mul3A_327 : i32 to index
        %get3A_329 = tpu.vector_load %arg12[%get3A_328] {strides = array<i32>} : memref<1024xi32, #tpu.memory_space<vmem>>, vector<16xi32>,
        %get3A_330 = arith.index_cast %mul3A_327 : i32 to index
        %get3A_331 = tpu.vector_load %arg14[%get3A_330] {strides = array<i32>} : memref<1024xf32, #tpu.memory_space<vmem>>, vector<16xf32>,
        %ge3A_332 = arith.constant 50176 : i32
        %ge3A_333 = vector.broadcast %ge3A_332 : i32 to vector<16xi32>
        %ge3A_334 = arith.cmpi sge, %get3A_329, %ge3A_333 : vector<16xi32>
        %lt3A_335 = arith.constant 100352 : i32
        %lt3A_336 = vector.broadcast %lt3A_335 : i32 to vector<16xi32>
        %lt3A_337 = arith.cmpi slt, %get3A_329, %lt3A_336 : vector<16xi32>
        %and3A_338 = arith.andi %ge3A_334, %lt3A_337 : vector<16xi1>
        %sub3A_339 = arith.constant 50176 : i32
        %sub3A_340 = vector.broadcast %sub3A_339 : i32 to vector<16xi32>
        %sub3A_341 = arith.subi %get3A_329, %sub3A_340 : vector<16xi32>
        %jit3A_342 = arith.constant 0 : i32
        %broadcast_in_dim3A_343 = vector.broadcast %jit3A_342 : i32 to vector<16xi32>
        %select_n3A_344 = arith.select %and3A_338, %sub3A_341, %broadcast_in_dim3A_343 : vector<16xi1>, vector<16xi32>
        %gather3A_345 = tpu.vector_load_idx %arg39[%select_n3A_344] masked %and3A_338 : memref<50176xf32, #tpu.memory_space<vmem>>[vector<16xi32>], vector<16xf32>, vector<16xi1>
        %max3A_346 = arith.maximumf %gather3A_345, %get3A_331 : vector<16xf32>
        tpu.vector_store_idx %arg39[%select_n3A_344], %max3A_346 masked %and3A_338 : memref<50176xf32, #tpu.memory_space<vmem>>[vector<16xi32>], vector<16xf32>, vector<16xi1>
      }
      %scan3A_229 = arith.constant 64 : i32
      %add3A_230 = arith.constant 2 : i32
      %add3A_231 = arith.addi %mul3A_206, %add3A_230 : i32
      %jit3A_232 = arith.constant 98 : i32
      %eq3A = arith.constant 0 : i32
      %eq3A_233 = arith.cmpi eq, %jit3A_232, %eq3A : i32
      %jit3A_234 = arith.constant 1 : i32
      %select_n3A_235 = arith.select %eq3A_233, %jit3A_234, %jit3A_232 : i32
      %rem3A = arith.remsi %add3A_231, %select_n3A_235 : i32
      %ne3A = arith.constant 0 : i32
      %ne3A_236 = arith.cmpi ne, %rem3A, %ne3A : i32
      %lt3A = arith.constant 0 : i32
      %lt3A_237 = arith.cmpi slt, %rem3A, %lt3A : i32
      %lt3A_238 = arith.constant 0 : i32
      %lt3A_239 = arith.cmpi slt, %select_n3A_235, %lt3A_238 : i32
      %ne3A_240 = arith.xori %lt3A_237, %lt3A_239 : i1
      %and3A = arith.andi %ne3A_240, %ne3A_236 : i1
      %add3A_241 = arith.addi %rem3A, %select_n3A_235 : i32
      %select_n3A_242 = arith.select %and3A, %add3A_241, %rem3A : i32
      %mul3A_243 = arith.constant 1024 : i32
      %mul3A_244 = arith.muli %select_n3A_242, %mul3A_243 : i32
      %add3A_245 = arith.addi %mul3A_68, %mul3A_244 : i32
      %dma_start3A_246 = tpu.memref_slice %arg9[%add3A_245] : memref<3211264xi32, #tpu.memory_space<hbm>> -> memref<1024xi32, #tpu.memory_space<hbm>>
      %dma_start3A_247 = tpu.memref_slice %arg9[%add3A_245] : memref<3211264xi32, #tpu.memory_space<hbm>> -> memref<1024xi32, #tpu.memory_space<hbm>>
      tpu.enqueue_dma source(%dma_start3A_247 : memref<1024xi32, #tpu.memory_space<hbm>>) target(%arg12 : memref<1024xi32, #tpu.memory_space<vmem>>) target_semaphore(%arg49 : memref<!tpu.dma_semaphore, #tpu.memory_space<semaphore_mem>>)
      %dma_start3A_248 = tpu.memref_slice %arg10[%add3A_245] : memref<3211264xf32, #tpu.memory_space<hbm>> -> memref<1024xf32, #tpu.memory_space<hbm>>
      %dma_start3A_249 = tpu.memref_slice %arg10[%add3A_245] : memref<3211264xf32, #tpu.memory_space<hbm>> -> memref<1024xf32, #tpu.memory_space<hbm>>
      tpu.enqueue_dma source(%dma_start3A_249 : memref<1024xf32, #tpu.memory_space<hbm>>) target(%arg14 : memref<1024xf32, #tpu.memory_space<vmem>>) target_semaphore(%arg49 : memref<!tpu.dma_semaphore, #tpu.memory_space<semaphore_mem>>)
      %dma_wait3A_250 = tpu.memref_slice %arg9[%add3A_211] : memref<3211264xi32, #tpu.memory_space<hbm>> -> memref<1024xi32, #tpu.memory_space<hbm>>
      %dma_wait3A_251 = tpu.memref_slice %arg9[%add3A_211] : memref<3211264xi32, #tpu.memory_space<hbm>> -> memref<1024xi32, #tpu.memory_space<hbm>>
      tpu.wait_dma2 semaphore(%arg50 : memref<!tpu.dma_semaphore, #tpu.memory_space<semaphore_mem>>) src(%dma_wait3A_251 : memref<1024xi32, #tpu.memory_space<hbm>>) dst(%arg23 : memref<1024xi32, #tpu.memory_space<vmem>>)
      %dma_wait3A_252 = tpu.memref_slice %arg10[%add3A_211] : memref<3211264xf32, #tpu.memory_space<hbm>> -> memref<1024xf32, #tpu.memory_space<hbm>>
      %dma_wait3A_253 = tpu.memref_slice %arg10[%add3A_211] : memref<3211264xf32, #tpu.memory_space<hbm>> -> memref<1024xf32, #tpu.memory_space<hbm>>
      tpu.wait_dma2 semaphore(%arg50 : memref<!tpu.dma_semaphore, #tpu.memory_space<semaphore_mem>>) src(%dma_wait3A_253 : memref<1024xf32, #tpu.memory_space<hbm>>) dst(%arg25 : memref<1024xf32, #tpu.memory_space<vmem>>)
      %scan3A_254 = arith.constant 0 : i32
      %scan3A_255 = arith.constant 0 : i32
      %scan3A_256 = arith.constant 64 : i32
      %scan3A_257 = arith.addi %scan3A_255, %scan3A_256 : i32
      %scan3A_258 = arith.constant 4 : i32
      scf.for %scan3A_260 = %scan3A_255 to %scan3A_257 step %scan3A_258  : i32 {
        %mul3A_261 = arith.constant 16 : i32
        %mul3A_262 = arith.muli %scan3A_260, %mul3A_261 : i32
        %get3A = arith.index_cast %mul3A_262 : i32 to index
        %get3A_263 = tpu.vector_load %arg23[%get3A] {strides = array<i32>} : memref<1024xi32, #tpu.memory_space<vmem>>, vector<16xi32>,
        %get3A_264 = arith.index_cast %mul3A_262 : i32 to index
        %get3A_265 = tpu.vector_load %arg25[%get3A_264] {strides = array<i32>} : memref<1024xf32, #tpu.memory_space<vmem>>, vector<16xf32>,
        %ge3A = arith.constant 50176 : i32
        %ge3A_266 = vector.broadcast %ge3A : i32 to vector<16xi32>
        %ge3A_267 = arith.cmpi sge, %get3A_263, %ge3A_266 : vector<16xi32>
        %lt3A_268 = arith.constant 100352 : i32
        %lt3A_269 = vector.broadcast %lt3A_268 : i32 to vector<16xi32>
        %lt3A_270 = arith.cmpi slt, %get3A_263, %lt3A_269 : vector<16xi32>
        %and3A_271 = arith.andi %ge3A_267, %lt3A_270 : vector<16xi1>
        %sub3A_272 = arith.constant 50176 : i32
        %sub3A_273 = vector.broadcast %sub3A_272 : i32 to vector<16xi32>
        %sub3A_274 = arith.subi %get3A_263, %sub3A_273 : vector<16xi32>
        %jit3A_275 = arith.constant 0 : i32
        %broadcast_in_dim3A_276 = vector.broadcast %jit3A_275 : i32 to vector<16xi32>
        %select_n3A_277 = arith.select %and3A_271, %sub3A_274, %broadcast_in_dim3A_276 : vector<16xi1>, vector<16xi32>
        %gather3A = tpu.vector_load_idx %arg39[%select_n3A_277] masked %and3A_271 : memref<50176xf32, #tpu.memory_space<vmem>>[vector<16xi32>], vector<16xf32>, vector<16xi1>
        %max3A = arith.maximumf %gather3A, %get3A_265 : vector<16xf32>
        tpu.vector_store_idx %arg39[%select_n3A_277], %max3A masked %and3A_271 : memref<50176xf32, #tpu.memory_space<vmem>>[vector<16xi32>], vector<16xf32>, vector<16xi1>
        %scan3A_278 = arith.constant 1 : i32
        %scan3A_279 = arith.addi %scan3A_260, %scan3A_278 : i32
        %mul3A_280 = arith.constant 16 : i32
        %mul3A_281 = arith.muli %scan3A_279, %mul3A_280 : i32
        %get3A_282 = arith.index_cast %mul3A_281 : i32 to index
        %get3A_283 = tpu.vector_load %arg23[%get3A_282] {strides = array<i32>} : memref<1024xi32, #tpu.memory_space<vmem>>, vector<16xi32>,
        %get3A_284 = arith.index_cast %mul3A_281 : i32 to index
        %get3A_285 = tpu.vector_load %arg25[%get3A_284] {strides = array<i32>} : memref<1024xf32, #tpu.memory_space<vmem>>, vector<16xf32>,
        %ge3A_286 = arith.constant 50176 : i32
        %ge3A_287 = vector.broadcast %ge3A_286 : i32 to vector<16xi32>
        %ge3A_288 = arith.cmpi sge, %get3A_283, %ge3A_287 : vector<16xi32>
        %lt3A_289 = arith.constant 100352 : i32
        %lt3A_290 = vector.broadcast %lt3A_289 : i32 to vector<16xi32>
        %lt3A_291 = arith.cmpi slt, %get3A_283, %lt3A_290 : vector<16xi32>
        %and3A_292 = arith.andi %ge3A_288, %lt3A_291 : vector<16xi1>
        %sub3A_293 = arith.constant 50176 : i32
        %sub3A_294 = vector.broadcast %sub3A_293 : i32 to vector<16xi32>
        %sub3A_295 = arith.subi %get3A_283, %sub3A_294 : vector<16xi32>
        %jit3A_296 = arith.constant 0 : i32
        %broadcast_in_dim3A_297 = vector.broadcast %jit3A_296 : i32 to vector<16xi32>
        %select_n3A_298 = arith.select %and3A_292, %sub3A_295, %broadcast_in_dim3A_297 : vector<16xi1>, vector<16xi32>
        %gather3A_299 = tpu.vector_load_idx %arg39[%select_n3A_298] masked %and3A_292 : memref<50176xf32, #tpu.memory_space<vmem>>[vector<16xi32>], vector<16xf32>, vector<16xi1>
        %max3A_300 = arith.maximumf %gather3A_299, %get3A_285 : vector<16xf32>
        tpu.vector_store_idx %arg39[%select_n3A_298], %max3A_300 masked %and3A_292 : memref<50176xf32, #tpu.memory_space<vmem>>[vector<16xi32>], vector<16xf32>, vector<16xi1>
        %scan3A_301 = arith.constant 2 : i32
        %scan3A_302 = arith.addi %scan3A_260, %scan3A_301 : i32
        %mul3A_303 = arith.constant 16 : i32
        %mul3A_304 = arith.muli %scan3A_302, %mul3A_303 : i32
        %get3A_305 = arith.index_cast %mul3A_304 : i32 to index
        %get3A_306 = tpu.vector_load %arg23[%get3A_305] {strides = array<i32>} : memref<1024xi32, #tpu.memory_space<vmem>>, vector<16xi32>,
        %get3A_307 = arith.index_cast %mul3A_304 : i32 to index
        %get3A_308 = tpu.vector_load %arg25[%get3A_307] {strides = array<i32>} : memref<1024xf32, #tpu.memory_space<vmem>>, vector<16xf32>,
        %ge3A_309 = arith.constant 50176 : i32
        %ge3A_310 = vector.broadcast %ge3A_309 : i32 to vector<16xi32>
        %ge3A_311 = arith.cmpi sge, %get3A_306, %ge3A_310 : vector<16xi32>
        %lt3A_312 = arith.constant 100352 : i32
        %lt3A_313 = vector.broadcast %lt3A_312 : i32 to vector<16xi32>
        %lt3A_314 = arith.cmpi slt, %get3A_306, %lt3A_313 : vector<16xi32>
        %and3A_315 = arith.andi %ge3A_311, %lt3A_314 : vector<16xi1>
        %sub3A_316 = arith.constant 50176 : i32
        %sub3A_317 = vector.broadcast %sub3A_316 : i32 to vector<16xi32>
        %sub3A_318 = arith.subi %get3A_306, %sub3A_317 : vector<16xi32>
        %jit3A_319 = arith.constant 0 : i32
        %broadcast_in_dim3A_320 = vector.broadcast %jit3A_319 : i32 to vector<16xi32>
        %select_n3A_321 = arith.select %and3A_315, %sub3A_318, %broadcast_in_dim3A_320 : vector<16xi1>, vector<16xi32>
        %gather3A_322 = tpu.vector_load_idx %arg39[%select_n3A_321] masked %and3A_315 : memref<50176xf32, #tpu.memory_space<vmem>>[vector<16xi32>], vector<16xf32>, vector<16xi1>
        %max3A_323 = arith.maximumf %gather3A_322, %get3A_308 : vector<16xf32>
        tpu.vector_store_idx %arg39[%select_n3A_321], %max3A_323 masked %and3A_315 : memref<50176xf32, #tpu.memory_space<vmem>>[vector<16xi32>], vector<16xf32>, vector<16xi1>
        %scan3A_324 = arith.constant 3 : i32
        %scan3A_325 = arith.addi %scan3A_260, %scan3A_324 : i32
        %mul3A_326 = arith.constant 16 : i32
        %mul3A_327 = arith.muli %scan3A_325, %mul3A_326 : i32
        %get3A_328 = arith.index_cast %mul3A_327 : i32 to index
        %get3A_329 = tpu.vector_load %arg23[%get3A_328] {strides = array<i32>} : memref<1024xi32, #tpu.memory_space<vmem>>, vector<16xi32>,
        %get3A_330 = arith.index_cast %mul3A_327 : i32 to index
        %get3A_331 = tpu.vector_load %arg25[%get3A_330] {strides = array<i32>} : memref<1024xf32, #tpu.memory_space<vmem>>, vector<16xf32>,
        %ge3A_332 = arith.constant 50176 : i32
        %ge3A_333 = vector.broadcast %ge3A_332 : i32 to vector<16xi32>
        %ge3A_334 = arith.cmpi sge, %get3A_329, %ge3A_333 : vector<16xi32>
        %lt3A_335 = arith.constant 100352 : i32
        %lt3A_336 = vector.broadcast %lt3A_335 : i32 to vector<16xi32>
        %lt3A_337 = arith.cmpi slt, %get3A_329, %lt3A_336 : vector<16xi32>
        %and3A_338 = arith.andi %ge3A_334, %lt3A_337 : vector<16xi1>
        %sub3A_339 = arith.constant 50176 : i32
        %sub3A_340 = vector.broadcast %sub3A_339 : i32 to vector<16xi32>
        %sub3A_341 = arith.subi %get3A_329, %sub3A_340 : vector<16xi32>
        %jit3A_342 = arith.constant 0 : i32
        %broadcast_in_dim3A_343 = vector.broadcast %jit3A_342 : i32 to vector<16xi32>
        %select_n3A_344 = arith.select %and3A_338, %sub3A_341, %broadcast_in_dim3A_343 : vector<16xi1>, vector<16xi32>
        %gather3A_345 = tpu.vector_load_idx %arg39[%select_n3A_344] masked %and3A_338 : memref<50176xf32, #tpu.memory_space<vmem>>[vector<16xi32>], vector<16xf32>, vector<16xi1>
        %max3A_346 = arith.maximumf %gather3A_345, %get3A_331 : vector<16xf32>
        tpu.vector_store_idx %arg39[%select_n3A_344], %max3A_346 masked %and3A_338 : memref<50176xf32, #tpu.memory_space<vmem>>[vector<16xi32>], vector<16xf32>, vector<16xi1>
      }
      %scan3A_259 = arith.constant 64 : i32
    }
    %scan3A_172 = arith.constant 49 : i32
    %dma_wait3A_173 = arith.constant 0 : i32
    %dma_wait3A_174 = tpu.memref_slice %arg9[%dma_wait3A_173] : memref<3211264xi32, #tpu.memory_space<hbm>> -> memref<1024xi32, #tpu.memory_space<hbm>>
    %dma_wait3A_175 = arith.constant 0 : i32
    %dma_wait3A_176 = tpu.memref_slice %arg9[%dma_wait3A_175] : memref<3211264xi32, #tpu.memory_space<hbm>> -> memref<1024xi32, #tpu.memory_space<hbm>>
    tpu.wait_dma2 semaphore(%arg49 : memref<!tpu.dma_semaphore, #tpu.memory_space<semaphore_mem>>) src(%dma_wait3A_176 : memref<1024xi32, #tpu.memory_space<hbm>>) dst(%arg12 : memref<1024xi32, #tpu.memory_space<vmem>>)
    %dma_wait3A_177 = arith.constant 0 : i32
    %dma_wait3A_178 = tpu.memref_slice %arg10[%dma_wait3A_177] : memref<3211264xf32, #tpu.memory_space<hbm>> -> memref<1024xf32, #tpu.memory_space<hbm>>
    %dma_wait3A_179 = arith.constant 0 : i32
    %dma_wait3A_180 = tpu.memref_slice %arg10[%dma_wait3A_179] : memref<3211264xf32, #tpu.memory_space<hbm>> -> memref<1024xf32, #tpu.memory_space<hbm>>
    tpu.wait_dma2 semaphore(%arg49 : memref<!tpu.dma_semaphore, #tpu.memory_space<semaphore_mem>>) src(%dma_wait3A_180 : memref<1024xf32, #tpu.memory_space<hbm>>) dst(%arg14 : memref<1024xf32, #tpu.memory_space<vmem>>)
    %mul3A_181 = arith.constant 100352 : i32
    %mul3A_182 = arith.muli %add3A, %mul3A_181 : i32
    %add3A_183 = arith.constant 50176 : i32
    %add3A_184 = arith.addi %mul3A_182, %add3A_183 : i32
    "tpu.region"() ({
      %run_scoped3A = tpu.sem_alloc : memref<!tpu.dma_semaphore, #tpu.memory_space<semaphore_mem>>
      %dma_start3A_204 = tpu.memref_slice %arg8[%add3A_184] : memref<3211264xf32, #tpu.memory_space<hbm>> -> memref<50176xf32, #tpu.memory_space<hbm>>
      %dma_start3A_205 = tpu.memref_slice %arg8[%add3A_184] : memref<3211264xf32, #tpu.memory_space<hbm>> -> memref<50176xf32, #tpu.memory_space<hbm>>
      tpu.enqueue_dma source(%arg39 : memref<50176xf32, #tpu.memory_space<vmem>>) target(%dma_start3A_205 : memref<50176xf32, #tpu.memory_space<hbm>>) target_semaphore(%run_scoped3A : memref<!tpu.dma_semaphore, #tpu.memory_space<semaphore_mem>>)
      %dma_wait3A_206 = tpu.memref_slice %arg8[%add3A_184] : memref<3211264xf32, #tpu.memory_space<hbm>> -> memref<50176xf32, #tpu.memory_space<hbm>>
      %dma_wait3A_207 = tpu.memref_slice %arg8[%add3A_184] : memref<3211264xf32, #tpu.memory_space<hbm>> -> memref<50176xf32, #tpu.memory_space<hbm>>
      tpu.wait_dma2 semaphore(%run_scoped3A : memref<!tpu.dma_semaphore, #tpu.memory_space<semaphore_mem>>) src(%arg39 : memref<50176xf32, #tpu.memory_space<vmem>>) dst(%dma_wait3A_207 : memref<50176xf32, #tpu.memory_space<hbm>>)
      tpu.yield
    }) : () -> ()
    %barrier3A_185 = arith.constant 0 : index
    tpu.barrier barrier_id(%barrier3A_185)
    %scan3A_186 = arith.constant 0 : i32
    %scan3A_187 = arith.constant 0 : i32
    %scan3A_188 = arith.constant 7 : i32
    %scan3A_189 = arith.addi %scan3A_187, %scan3A_188 : i32
    %scan3A_190 = arith.constant 1 : i32
    scf.for %scan3A_204 = %scan3A_187 to %scan3A_189 step %scan3A_190  : i32 {
      %mul3A_205 = arith.constant 6272 : i32
      %mul3A_206 = arith.muli %arg1, %mul3A_205 : i32
      %mul3A_207 = arith.constant 896 : i32
      %mul3A_208 = arith.muli %scan3A_204, %mul3A_207 : i32
      %add3A_209 = arith.addi %mul3A_206, %mul3A_208 : i32
      "tpu.region"() ({
        %run_scoped3A = tpu.sem_alloc : memref<!tpu.dma_semaphore, #tpu.memory_space<semaphore_mem>>
        %dma_start3A_217 = arith.constant 0 : i32
        %dma_start3A_218 = tpu.memref_slice %arg41[%dma_start3A_217] : memref<1024xf32, #tpu.memory_space<vmem>> -> memref<896xf32, #tpu.memory_space<vmem>>
        %dma_start3A_219 = tpu.memref_slice %arg46[%add3A_209] : memref<100352xf32, #tpu.memory_space<vmem_shared>> -> memref<896xf32, #tpu.memory_space<vmem_shared>>
        %dma_start3A_220 = arith.constant 0 : i32
        %dma_start3A_221 = tpu.memref_slice %arg41[%dma_start3A_220] : memref<1024xf32, #tpu.memory_space<vmem>> -> memref<896xf32, #tpu.memory_space<vmem>>
        %dma_start3A_222 = tpu.memref_slice %arg46[%add3A_209] : memref<100352xf32, #tpu.memory_space<vmem_shared>> -> memref<896xf32, #tpu.memory_space<vmem_shared>>
        tpu.enqueue_dma source(%dma_start3A_222 : memref<896xf32, #tpu.memory_space<vmem_shared>>) target(%dma_start3A_221 : memref<896xf32, #tpu.memory_space<vmem>>) target_semaphore(%run_scoped3A : memref<!tpu.dma_semaphore, #tpu.memory_space<semaphore_mem>>)
        %dma_wait3A_223 = arith.constant 0 : i32
        %dma_wait3A_224 = tpu.memref_slice %arg41[%dma_wait3A_223] : memref<1024xf32, #tpu.memory_space<vmem>> -> memref<896xf32, #tpu.memory_space<vmem>>
        %dma_wait3A_225 = tpu.memref_slice %arg46[%add3A_209] : memref<100352xf32, #tpu.memory_space<vmem_shared>> -> memref<896xf32, #tpu.memory_space<vmem_shared>>
        %dma_wait3A_226 = arith.constant 0 : i32
        %dma_wait3A_227 = tpu.memref_slice %arg41[%dma_wait3A_226] : memref<1024xf32, #tpu.memory_space<vmem>> -> memref<896xf32, #tpu.memory_space<vmem>>
        %dma_wait3A_228 = tpu.memref_slice %arg46[%add3A_209] : memref<100352xf32, #tpu.memory_space<vmem_shared>> -> memref<896xf32, #tpu.memory_space<vmem_shared>>
        tpu.wait_dma2 semaphore(%run_scoped3A : memref<!tpu.dma_semaphore, #tpu.memory_space<semaphore_mem>>) src(%dma_wait3A_228 : memref<896xf32, #tpu.memory_space<vmem_shared>>) dst(%dma_wait3A_227 : memref<896xf32, #tpu.memory_space<vmem>>)
        tpu.yield
      }) : () -> ()
      %mul3A_210 = arith.constant 3 : i32
      %mul3A_211 = arith.muli %arg0, %mul3A_210 : i32
      %add3A_212 = arith.constant 0 : i32
      %add3A_213 = arith.addi %mul3A_211, %add3A_212 : i32
      %mul3A_214 = arith.constant 100352 : i32
      %mul3A_215 = arith.muli %add3A_213, %mul3A_214 : i32
      %add3A_216 = arith.addi %mul3A_215, %add3A_209 : i32
      "tpu.region"() ({
        %run_scoped3A = tpu.sem_alloc : memref<!tpu.dma_semaphore, #tpu.memory_space<semaphore_mem>>
        %dma_start3A_217 = arith.constant 0 : i32
        %dma_start3A_218 = tpu.memref_slice %arg41[%dma_start3A_217] : memref<1024xf32, #tpu.memory_space<vmem>> -> memref<896xf32, #tpu.memory_space<vmem>>
        %dma_start3A_219 = tpu.memref_slice %arg7[%add3A_216] : memref<602112xf32, #tpu.memory_space<hbm>> -> memref<896xf32, #tpu.memory_space<hbm>>
        %dma_start3A_220 = tpu.memref_slice %arg7[%add3A_216] : memref<602112xf32, #tpu.memory_space<hbm>> -> memref<896xf32, #tpu.memory_space<hbm>>
        %dma_start3A_221 = arith.constant 0 : i32
        %dma_start3A_222 = tpu.memref_slice %arg41[%dma_start3A_221] : memref<1024xf32, #tpu.memory_space<vmem>> -> memref<896xf32, #tpu.memory_space<vmem>>
        tpu.enqueue_dma source(%dma_start3A_222 : memref<896xf32, #tpu.memory_space<vmem>>) target(%dma_start3A_220 : memref<896xf32, #tpu.memory_space<hbm>>) target_semaphore(%run_scoped3A : memref<!tpu.dma_semaphore, #tpu.memory_space<semaphore_mem>>)
        %dma_wait3A_223 = arith.constant 0 : i32
        %dma_wait3A_224 = tpu.memref_slice %arg41[%dma_wait3A_223] : memref<1024xf32, #tpu.memory_space<vmem>> -> memref<896xf32, #tpu.memory_space<vmem>>
        %dma_wait3A_225 = tpu.memref_slice %arg7[%add3A_216] : memref<602112xf32, #tpu.memory_space<hbm>> -> memref<896xf32, #tpu.memory_space<hbm>>
        %dma_wait3A_226 = tpu.memref_slice %arg7[%add3A_216] : memref<602112xf32, #tpu.memory_space<hbm>> -> memref<896xf32, #tpu.memory_space<hbm>>
        %dma_wait3A_227 = arith.constant 0 : i32
        %dma_wait3A_228 = tpu.memref_slice %arg41[%dma_wait3A_227] : memref<1024xf32, #tpu.memory_space<vmem>> -> memref<896xf32, #tpu.memory_space<vmem>>
        tpu.wait_dma2 semaphore(%run_scoped3A : memref<!tpu.dma_semaphore, #tpu.memory_space<semaphore_mem>>) src(%dma_wait3A_228 : memref<896xf32, #tpu.memory_space<vmem>>) dst(%dma_wait3A_226 : memref<896xf32, #tpu.memory_space<hbm>>)
        tpu.yield
      }) : () -> ()
    }
    %scan3A_191 = arith.constant 7 : i32
    %scan3A_192 = arith.constant 0 : i32
    %scan3A_193 = arith.constant 0 : i32
    %scan3A_194 = arith.constant 7 : i32
    %scan3A_195 = arith.addi %scan3A_193, %scan3A_194 : i32
    %scan3A_196 = arith.constant 1 : i32
    scf.for %scan3A_204 = %scan3A_193 to %scan3A_195 step %scan3A_196  : i32 {
      %mul3A_205 = arith.constant 6272 : i32
      %mul3A_206 = arith.muli %arg1, %mul3A_205 : i32
      %mul3A_207 = arith.constant 896 : i32
      %mul3A_208 = arith.muli %scan3A_204, %mul3A_207 : i32
      %add3A_209 = arith.addi %mul3A_206, %mul3A_208 : i32
      "tpu.region"() ({
        %run_scoped3A = tpu.sem_alloc : memref<!tpu.dma_semaphore, #tpu.memory_space<semaphore_mem>>
        %dma_start3A_217 = arith.constant 0 : i32
        %dma_start3A_218 = tpu.memref_slice %arg41[%dma_start3A_217] : memref<1024xf32, #tpu.memory_space<vmem>> -> memref<896xf32, #tpu.memory_space<vmem>>
        %dma_start3A_219 = tpu.memref_slice %arg47[%add3A_209] : memref<100352xf32, #tpu.memory_space<vmem_shared>> -> memref<896xf32, #tpu.memory_space<vmem_shared>>
        %dma_start3A_220 = arith.constant 0 : i32
        %dma_start3A_221 = tpu.memref_slice %arg41[%dma_start3A_220] : memref<1024xf32, #tpu.memory_space<vmem>> -> memref<896xf32, #tpu.memory_space<vmem>>
        %dma_start3A_222 = tpu.memref_slice %arg47[%add3A_209] : memref<100352xf32, #tpu.memory_space<vmem_shared>> -> memref<896xf32, #tpu.memory_space<vmem_shared>>
        tpu.enqueue_dma source(%dma_start3A_222 : memref<896xf32, #tpu.memory_space<vmem_shared>>) target(%dma_start3A_221 : memref<896xf32, #tpu.memory_space<vmem>>) target_semaphore(%run_scoped3A : memref<!tpu.dma_semaphore, #tpu.memory_space<semaphore_mem>>)
        %dma_wait3A_223 = arith.constant 0 : i32
        %dma_wait3A_224 = tpu.memref_slice %arg41[%dma_wait3A_223] : memref<1024xf32, #tpu.memory_space<vmem>> -> memref<896xf32, #tpu.memory_space<vmem>>
        %dma_wait3A_225 = tpu.memref_slice %arg47[%add3A_209] : memref<100352xf32, #tpu.memory_space<vmem_shared>> -> memref<896xf32, #tpu.memory_space<vmem_shared>>
        %dma_wait3A_226 = arith.constant 0 : i32
        %dma_wait3A_227 = tpu.memref_slice %arg41[%dma_wait3A_226] : memref<1024xf32, #tpu.memory_space<vmem>> -> memref<896xf32, #tpu.memory_space<vmem>>
        %dma_wait3A_228 = tpu.memref_slice %arg47[%add3A_209] : memref<100352xf32, #tpu.memory_space<vmem_shared>> -> memref<896xf32, #tpu.memory_space<vmem_shared>>
        tpu.wait_dma2 semaphore(%run_scoped3A : memref<!tpu.dma_semaphore, #tpu.memory_space<semaphore_mem>>) src(%dma_wait3A_228 : memref<896xf32, #tpu.memory_space<vmem_shared>>) dst(%dma_wait3A_227 : memref<896xf32, #tpu.memory_space<vmem>>)
        tpu.yield
      }) : () -> ()
      %mul3A_210 = arith.constant 3 : i32
      %mul3A_211 = arith.muli %arg0, %mul3A_210 : i32
      %add3A_212 = arith.constant 1 : i32
      %add3A_213 = arith.addi %mul3A_211, %add3A_212 : i32
      %mul3A_214 = arith.constant 100352 : i32
      %mul3A_215 = arith.muli %add3A_213, %mul3A_214 : i32
      %add3A_216 = arith.addi %mul3A_215, %add3A_209 : i32
      "tpu.region"() ({
        %run_scoped3A = tpu.sem_alloc : memref<!tpu.dma_semaphore, #tpu.memory_space<semaphore_mem>>
        %dma_start3A_217 = arith.constant 0 : i32
        %dma_start3A_218 = tpu.memref_slice %arg41[%dma_start3A_217] : memref<1024xf32, #tpu.memory_space<vmem>> -> memref<896xf32, #tpu.memory_space<vmem>>
        %dma_start3A_219 = tpu.memref_slice %arg7[%add3A_216] : memref<602112xf32, #tpu.memory_space<hbm>> -> memref<896xf32, #tpu.memory_space<hbm>>
        %dma_start3A_220 = tpu.memref_slice %arg7[%add3A_216] : memref<602112xf32, #tpu.memory_space<hbm>> -> memref<896xf32, #tpu.memory_space<hbm>>
        %dma_start3A_221 = arith.constant 0 : i32
        %dma_start3A_222 = tpu.memref_slice %arg41[%dma_start3A_221] : memref<1024xf32, #tpu.memory_space<vmem>> -> memref<896xf32, #tpu.memory_space<vmem>>
        tpu.enqueue_dma source(%dma_start3A_222 : memref<896xf32, #tpu.memory_space<vmem>>) target(%dma_start3A_220 : memref<896xf32, #tpu.memory_space<hbm>>) target_semaphore(%run_scoped3A : memref<!tpu.dma_semaphore, #tpu.memory_space<semaphore_mem>>)
        %dma_wait3A_223 = arith.constant 0 : i32
        %dma_wait3A_224 = tpu.memref_slice %arg41[%dma_wait3A_223] : memref<1024xf32, #tpu.memory_space<vmem>> -> memref<896xf32, #tpu.memory_space<vmem>>
        %dma_wait3A_225 = tpu.memref_slice %arg7[%add3A_216] : memref<602112xf32, #tpu.memory_space<hbm>> -> memref<896xf32, #tpu.memory_space<hbm>>
        %dma_wait3A_226 = tpu.memref_slice %arg7[%add3A_216] : memref<602112xf32, #tpu.memory_space<hbm>> -> memref<896xf32, #tpu.memory_space<hbm>>
        %dma_wait3A_227 = arith.constant 0 : i32
        %dma_wait3A_228 = tpu.memref_slice %arg41[%dma_wait3A_227] : memref<1024xf32, #tpu.memory_space<vmem>> -> memref<896xf32, #tpu.memory_space<vmem>>
        tpu.wait_dma2 semaphore(%run_scoped3A : memref<!tpu.dma_semaphore, #tpu.memory_space<semaphore_mem>>) src(%dma_wait3A_228 : memref<896xf32, #tpu.memory_space<vmem>>) dst(%dma_wait3A_226 : memref<896xf32, #tpu.memory_space<hbm>>)
        tpu.yield
      }) : () -> ()
    }
    %scan3A_197 = arith.constant 7 : i32
    %scan3A_198 = arith.constant 0 : i32
    %scan3A_199 = arith.constant 0 : i32
    %scan3A_200 = arith.constant 7 : i32
    %scan3A_201 = arith.addi %scan3A_199, %scan3A_200 : i32
    %scan3A_202 = arith.constant 1 : i32
    scf.for %scan3A_204 = %scan3A_199 to %scan3A_201 step %scan3A_202  : i32 {
      %mul3A_205 = arith.constant 6272 : i32
      %mul3A_206 = arith.muli %arg1, %mul3A_205 : i32
      %mul3A_207 = arith.constant 896 : i32
      %mul3A_208 = arith.muli %scan3A_204, %mul3A_207 : i32
      %add3A_209 = arith.addi %mul3A_206, %mul3A_208 : i32
      "tpu.region"() ({
        %run_scoped3A = tpu.sem_alloc : memref<!tpu.dma_semaphore, #tpu.memory_space<semaphore_mem>>
        %dma_start3A_217 = arith.constant 0 : i32
        %dma_start3A_218 = tpu.memref_slice %arg41[%dma_start3A_217] : memref<1024xf32, #tpu.memory_space<vmem>> -> memref<896xf32, #tpu.memory_space<vmem>>
        %dma_start3A_219 = tpu.memref_slice %arg48[%add3A_209] : memref<100352xf32, #tpu.memory_space<vmem_shared>> -> memref<896xf32, #tpu.memory_space<vmem_shared>>
        %dma_start3A_220 = arith.constant 0 : i32
        %dma_start3A_221 = tpu.memref_slice %arg41[%dma_start3A_220] : memref<1024xf32, #tpu.memory_space<vmem>> -> memref<896xf32, #tpu.memory_space<vmem>>
        %dma_start3A_222 = tpu.memref_slice %arg48[%add3A_209] : memref<100352xf32, #tpu.memory_space<vmem_shared>> -> memref<896xf32, #tpu.memory_space<vmem_shared>>
        tpu.enqueue_dma source(%dma_start3A_222 : memref<896xf32, #tpu.memory_space<vmem_shared>>) target(%dma_start3A_221 : memref<896xf32, #tpu.memory_space<vmem>>) target_semaphore(%run_scoped3A : memref<!tpu.dma_semaphore, #tpu.memory_space<semaphore_mem>>)
        %dma_wait3A_223 = arith.constant 0 : i32
        %dma_wait3A_224 = tpu.memref_slice %arg41[%dma_wait3A_223] : memref<1024xf32, #tpu.memory_space<vmem>> -> memref<896xf32, #tpu.memory_space<vmem>>
        %dma_wait3A_225 = tpu.memref_slice %arg48[%add3A_209] : memref<100352xf32, #tpu.memory_space<vmem_shared>> -> memref<896xf32, #tpu.memory_space<vmem_shared>>
        %dma_wait3A_226 = arith.constant 0 : i32
        %dma_wait3A_227 = tpu.memref_slice %arg41[%dma_wait3A_226] : memref<1024xf32, #tpu.memory_space<vmem>> -> memref<896xf32, #tpu.memory_space<vmem>>
        %dma_wait3A_228 = tpu.memref_slice %arg48[%add3A_209] : memref<100352xf32, #tpu.memory_space<vmem_shared>> -> memref<896xf32, #tpu.memory_space<vmem_shared>>
        tpu.wait_dma2 semaphore(%run_scoped3A : memref<!tpu.dma_semaphore, #tpu.memory_space<semaphore_mem>>) src(%dma_wait3A_228 : memref<896xf32, #tpu.memory_space<vmem_shared>>) dst(%dma_wait3A_227 : memref<896xf32, #tpu.memory_space<vmem>>)
        tpu.yield
      }) : () -> ()
      %mul3A_210 = arith.constant 3 : i32
      %mul3A_211 = arith.muli %arg0, %mul3A_210 : i32
      %add3A_212 = arith.constant 2 : i32
      %add3A_213 = arith.addi %mul3A_211, %add3A_212 : i32
      %mul3A_214 = arith.constant 100352 : i32
      %mul3A_215 = arith.muli %add3A_213, %mul3A_214 : i32
      %add3A_216 = arith.addi %mul3A_215, %add3A_209 : i32
      "tpu.region"() ({
        %run_scoped3A = tpu.sem_alloc : memref<!tpu.dma_semaphore, #tpu.memory_space<semaphore_mem>>
        %dma_start3A_217 = arith.constant 0 : i32
        %dma_start3A_218 = tpu.memref_slice %arg41[%dma_start3A_217] : memref<1024xf32, #tpu.memory_space<vmem>> -> memref<896xf32, #tpu.memory_space<vmem>>
        %dma_start3A_219 = tpu.memref_slice %arg7[%add3A_216] : memref<602112xf32, #tpu.memory_space<hbm>> -> memref<896xf32, #tpu.memory_space<hbm>>
        %dma_start3A_220 = tpu.memref_slice %arg7[%add3A_216] : memref<602112xf32, #tpu.memory_space<hbm>> -> memref<896xf32, #tpu.memory_space<hbm>>
        %dma_start3A_221 = arith.constant 0 : i32
        %dma_start3A_222 = tpu.memref_slice %arg41[%dma_start3A_221] : memref<1024xf32, #tpu.memory_space<vmem>> -> memref<896xf32, #tpu.memory_space<vmem>>
        tpu.enqueue_dma source(%dma_start3A_222 : memref<896xf32, #tpu.memory_space<vmem>>) target(%dma_start3A_220 : memref<896xf32, #tpu.memory_space<hbm>>) target_semaphore(%run_scoped3A : memref<!tpu.dma_semaphore, #tpu.memory_space<semaphore_mem>>)
        %dma_wait3A_223 = arith.constant 0 : i32
        %dma_wait3A_224 = tpu.memref_slice %arg41[%dma_wait3A_223] : memref<1024xf32, #tpu.memory_space<vmem>> -> memref<896xf32, #tpu.memory_space<vmem>>
        %dma_wait3A_225 = tpu.memref_slice %arg7[%add3A_216] : memref<602112xf32, #tpu.memory_space<hbm>> -> memref<896xf32, #tpu.memory_space<hbm>>
        %dma_wait3A_226 = tpu.memref_slice %arg7[%add3A_216] : memref<602112xf32, #tpu.memory_space<hbm>> -> memref<896xf32, #tpu.memory_space<hbm>>
        %dma_wait3A_227 = arith.constant 0 : i32
        %dma_wait3A_228 = tpu.memref_slice %arg41[%dma_wait3A_227] : memref<1024xf32, #tpu.memory_space<vmem>> -> memref<896xf32, #tpu.memory_space<vmem>>
        tpu.wait_dma2 semaphore(%run_scoped3A : memref<!tpu.dma_semaphore, #tpu.memory_space<semaphore_mem>>) src(%dma_wait3A_228 : memref<896xf32, #tpu.memory_space<vmem>>) dst(%dma_wait3A_226 : memref<896xf32, #tpu.memory_space<hbm>>)
        tpu.yield
      }) : () -> ()
    }
    %scan3A_203 = arith.constant 7 : i32
    return
  }
}

module attributes {stable_mosaic.version = 14 : i64} {
  func.func @_post_body(%arg0: i32, %arg1: i32, %arg2: memref<2x3x512xf32, #tpu.memory_space<vmem>>, %arg3: memref<32x512xf32, #tpu.memory_space<vmem>>, %arg4: memref<1x512xf32, #tpu.memory_space<vmem>>, %arg5: memref<1x512xi32, #tpu.memory_space<vmem>>, %arg6: memref<32x4xf32, #tpu.memory_space<vmem>>, %arg7: memref<32x1xf32, #tpu.memory_space<vmem>>, %arg8: memref<16x32xf32, #tpu.memory_space<vmem>>, %arg9: memref<16x1xf32, #tpu.memory_space<vmem>>, %arg10: memref<3x16xf32, #tpu.memory_space<vmem>>, %arg11: memref<3x1xf32, #tpu.memory_space<vmem>>, %arg12: memref<3x512xf32, #tpu.memory_space<vmem>>, %arg13: memref<1x512xi32, #tpu.memory_space<vmem>>, %arg14: memref<1x3xi32, #tpu.memory_space<smem>>, %arg15: memref<4x100352xf32, #tpu.memory_space<vmem>>, %arg16: memref<2xf32, #tpu.memory_space<smem>>) attributes {dimension_semantics = [#tpu.dimension_semantics<arbitrary>, #tpu.dimension_semantics<arbitrary>], iteration_bounds = array<i64: 2, 196>, scalar_prefetch = 0 : i64, scratch_operands = 2 : i64, tpu.core_type = #tpu.core_type<tc>, window_params = [{transform_indices = @transform_0, window_bounds = array<i64: 2, 3, 512>}, {transform_indices = @transform_1, window_bounds = array<i64: 32, 512>}, {transform_indices = @transform_2, window_bounds = array<i64: 1, 512>}, {transform_indices = @transform_3, window_bounds = array<i64: 1, 512>}, {pipeline_mode = #tpu.pipeline_mode<synchronous>, transform_indices = @transform_4, window_bounds = array<i64: 32, 4>}, {pipeline_mode = #tpu.pipeline_mode<synchronous>, transform_indices = @transform_5, window_bounds = array<i64: 32, 1>}, {pipeline_mode = #tpu.pipeline_mode<synchronous>, transform_indices = @transform_6, window_bounds = array<i64: 16, 32>}, {pipeline_mode = #tpu.pipeline_mode<synchronous>, transform_indices = @transform_7, window_bounds = array<i64: 16, 1>}, {pipeline_mode = #tpu.pipeline_mode<synchronous>, transform_indices = @transform_8, window_bounds = array<i64: 3, 16>}, {pipeline_mode = #tpu.pipeline_mode<synchronous>, transform_indices = @transform_9, window_bounds = array<i64: 3, 1>}, {transform_indices = @transform_10, window_bounds = array<i64: 3, 512>}, {transform_indices = @transform_11, window_bounds = array<i64: 1, 512>}, {transform_indices = @transform_12, window_bounds = array<i64: 1, 3>}]} {
    %mul3A = arith.constant 512 : i32
    %mul3A_0 = arith.muli %arg1, %mul3A : i32
    %iota3A = tpu.iota {dimensions = array<i32: 1>} : vector<1x512xi32>
    %add3A = vector.broadcast %mul3A_0 : i32 to vector<1x512xi32>
    %add3A_1 = arith.addi %add3A, %iota3A : vector<1x512xi32>
    %lt3A = arith.constant 100000 : i32
    %lt3A_2 = vector.broadcast %lt3A : i32 to vector<1x512xi32>
    %lt3A_3 = arith.cmpi slt, %add3A_1, %lt3A_2 : vector<1x512xi32>
    %eq3A = arith.constant 0 : i32
    %eq3A_4 = arith.cmpi eq, %arg0, %eq3A : i32
    %convert_element_type3A = arith.extui %eq3A_4 : i1 to i32
    %cond3A = arith.constant 0 : i32
    %cond3A_5 = arith.cmpi ne, %convert_element_type3A, %cond3A : i32
    scf.if %cond3A_5 {
      %get3A = arith.constant 0 : index
      %get3A_11 = arith.constant 0 : index
      %get3A_12 = arith.constant 0 : index
      %get3A_13 = vector.load %arg2[%get3A, %get3A_11, %get3A_12] : memref<2x3x512xf32, #tpu.memory_space<vmem>>, vector<1x3x512xf32>
      %get3A_14 = vector.shape_cast %get3A_13 : vector<1x3x512xf32> to vector<3x512xf32>
      %get3A_15 = arith.constant 1 : index
      %get3A_16 = arith.constant 0 : index
      %get3A_17 = arith.constant 0 : index
      %get3A_18 = vector.load %arg2[%get3A_15, %get3A_16, %get3A_17] : memref<2x3x512xf32, #tpu.memory_space<vmem>>, vector<1x3x512xf32>
      %get3A_19 = vector.shape_cast %get3A_18 : vector<1x3x512xf32> to vector<3x512xf32>
      %slice3A = vector.extract_strided_slice %get3A_14 {offsets = [2, 0], sizes = [1, 512], strides = [1, 1]} : vector<3x512xf32> to vector<1x512xf32>
      %slice3A_20 = vector.extract_strided_slice %get3A_19 {offsets = [2, 0], sizes = [1, 512], strides = [1, 1]} : vector<3x512xf32> to vector<1x512xf32>
      %add3A_21 = arith.addf %slice3A, %slice3A_20 : vector<1x512xf32>
      %slice3A_22 = vector.extract_strided_slice %get3A_14 {offsets = [0, 0], sizes = [1, 512], strides = [1, 1]} : vector<3x512xf32> to vector<1x512xf32>
      %slice3A_23 = vector.extract_strided_slice %get3A_19 {offsets = [0, 0], sizes = [1, 512], strides = [1, 1]} : vector<3x512xf32> to vector<1x512xf32>
      %add3A_24 = arith.addf %slice3A_22, %slice3A_23 : vector<1x512xf32>
      %add3A_25 = arith.constant 9.99999993E-9 : f32
      %add3A_26 = vector.broadcast %add3A_25 : f32 to vector<1x512xf32>
      %add3A_27 = arith.addf %add3A_21, %add3A_26 : vector<1x512xf32>
      %div3A = arith.divf %add3A_24, %add3A_27 : vector<1x512xf32>
      %slice3A_28 = vector.extract_strided_slice %get3A_14 {offsets = [1, 0], sizes = [1, 512], strides = [1, 1]} : vector<3x512xf32> to vector<1x512xf32>
      %slice3A_29 = vector.extract_strided_slice %get3A_19 {offsets = [1, 0], sizes = [1, 512], strides = [1, 1]} : vector<3x512xf32> to vector<1x512xf32>
      %add3A_30 = arith.addf %slice3A_28, %slice3A_29 : vector<1x512xf32>
      %add3A_31 = arith.constant 9.99999993E-9 : f32
      %add3A_32 = vector.broadcast %add3A_31 : f32 to vector<1x512xf32>
      %add3A_33 = arith.addf %add3A_21, %add3A_32 : vector<1x512xf32>
      %div3A_34 = arith.divf %add3A_30, %add3A_33 : vector<1x512xf32>
      %get3A_35 = arith.constant 0 : index
      %get3A_36 = arith.constant 0 : index
      %get3A_37 = vector.load %arg3[%get3A_35, %get3A_36] : memref<32x512xf32, #tpu.memory_space<vmem>>, vector<32x512xf32>
      %reduce_max3A = arith.constant dense<0xFF800000> : vector<512xf32>
      %reduce_max3A_38 = vector.multi_reduction <maximumf>, %get3A_37, %reduce_max3A [0] : vector<32x512xf32> to vector<512xf32>
      %broadcast_in_dim3A = vector.shape_cast %reduce_max3A_38 : vector<512xf32> to vector<1x512xf32>
      %get3A_39 = arith.constant 0 : index
      %get3A_40 = arith.constant 0 : index
      %get3A_41 = vector.load %arg4[%get3A_39, %get3A_40] : memref<1x512xf32, #tpu.memory_space<vmem>>, vector<1x512xf32>
      %swap3A = arith.constant 0 : index
      %swap3A_42 = arith.index_cast %mul3A_0 : i32 to index
      %swap3A_43 = vector.load %arg15[%swap3A, %swap3A_42] : memref<4x100352xf32, #tpu.memory_space<vmem>>, vector<1x512xf32>
      tpu.vector_store %arg15[%swap3A, %swap3A_42], %get3A_41 {strides = array<i32>} : memref<4x100352xf32, #tpu.memory_space<vmem>>, vector<1x512xf32>,
      %swap3A_44 = arith.constant 1 : index
      %swap3A_45 = arith.index_cast %mul3A_0 : i32 to index
      %swap3A_46 = vector.load %arg15[%swap3A_44, %swap3A_45] : memref<4x100352xf32, #tpu.memory_space<vmem>>, vector<1x512xf32>
      tpu.vector_store %arg15[%swap3A_44, %swap3A_45], %div3A {strides = array<i32>} : memref<4x100352xf32, #tpu.memory_space<vmem>>, vector<1x512xf32>,
      %swap3A_47 = arith.constant 2 : index
      %swap3A_48 = arith.index_cast %mul3A_0 : i32 to index
      %swap3A_49 = vector.load %arg15[%swap3A_47, %swap3A_48] : memref<4x100352xf32, #tpu.memory_space<vmem>>, vector<1x512xf32>
      tpu.vector_store %arg15[%swap3A_47, %swap3A_48], %div3A_34 {strides = array<i32>} : memref<4x100352xf32, #tpu.memory_space<vmem>>, vector<1x512xf32>,
      %swap3A_50 = arith.constant 3 : index
      %swap3A_51 = arith.index_cast %mul3A_0 : i32 to index
      %swap3A_52 = vector.load %arg15[%swap3A_50, %swap3A_51] : memref<4x100352xf32, #tpu.memory_space<vmem>>, vector<1x512xf32>
      tpu.vector_store %arg15[%swap3A_50, %swap3A_51], %broadcast_in_dim3A {strides = array<i32>} : memref<4x100352xf32, #tpu.memory_space<vmem>>, vector<1x512xf32>,
      %eq3A_53 = arith.constant 0 : i32
      %eq3A_54 = arith.cmpi eq, %arg1, %eq3A_53 : i32
      %convert_element_type3A_55 = arith.extui %eq3A_54 : i1 to i32
      %cond3A_56 = arith.constant 0 : i32
      %cond3A_57 = arith.cmpi ne, %convert_element_type3A_55, %cond3A_56 : i32
      scf.if %cond3A_57 {
        %swap3A_79 = arith.constant 3.000000e+38 : f32
        %swap3A_80 = arith.constant 0 : index
        %swap3A_81 = memref.load %arg16[%swap3A_80] : memref<2xf32, #tpu.memory_space<smem>>
        memref.store %swap3A_79, %arg16[%swap3A_80] : memref<2xf32, #tpu.memory_space<smem>>
        %swap3A_82 = arith.constant -3.000000e+38 : f32
        %swap3A_83 = arith.constant 1 : index
        %swap3A_84 = memref.load %arg16[%swap3A_83] : memref<2xf32, #tpu.memory_space<smem>>
        memref.store %swap3A_82, %arg16[%swap3A_83] : memref<2xf32, #tpu.memory_space<smem>>
      } else {
      }
      %jit3A = arith.constant 3.000000e+38 : f32
      %broadcast_in_dim3A_58 = vector.broadcast %jit3A : f32 to vector<1x512xf32>
      %select_n3A = arith.select %lt3A_3, %div3A_34, %broadcast_in_dim3A_58 : vector<1x512xi1>, vector<1x512xf32>
      %reduce_min3A = vector.shape_cast %select_n3A : vector<1x512xf32> to vector<1x1x512xf32>
      %reduce_min3A_59 = arith.constant dense<0x7F800000> : vector<1xf32>
      %reduce_min3A_60 = vector.multi_reduction <minimumf>, %reduce_min3A, %reduce_min3A_59 [1, 2] : vector<1x1x512xf32> to vector<1xf32>
      %reduce_min3A_61 = vector.shape_cast %reduce_min3A_60 : vector<1xf32> to vector<1x1x1xf32>
      %reduce_min3A_62 = vector.extract %reduce_min3A_61[0, 0, 0] : f32 from vector<1x1x1xf32>
      %jit3A_63 = arith.constant -3.000000e+38 : f32
      %broadcast_in_dim3A_64 = vector.broadcast %jit3A_63 : f32 to vector<1x512xf32>
      %select_n3A_65 = arith.select %lt3A_3, %div3A_34, %broadcast_in_dim3A_64 : vector<1x512xi1>, vector<1x512xf32>
      %reduce_max3A_66 = vector.shape_cast %select_n3A_65 : vector<1x512xf32> to vector<1x1x512xf32>
      %reduce_max3A_67 = arith.constant dense<0xFF800000> : vector<1xf32>
      %reduce_max3A_68 = vector.multi_reduction <maximumf>, %reduce_max3A_66, %reduce_max3A_67 [1, 2] : vector<1x1x512xf32> to vector<1xf32>
      %reduce_max3A_69 = vector.shape_cast %reduce_max3A_68 : vector<1xf32> to vector<1x1x1xf32>
      %reduce_max3A_70 = vector.extract %reduce_max3A_69[0, 0, 0] : f32 from vector<1x1x1xf32>
      %get3A_71 = arith.constant 0 : index
      %get3A_72 = memref.load %arg16[%get3A_71] : memref<2xf32, #tpu.memory_space<smem>>
      %min3A = arith.minimumf %get3A_72, %reduce_min3A_62 : f32
      %swap3A_73 = arith.constant 0 : index
      %swap3A_74 = memref.load %arg16[%swap3A_73] : memref<2xf32, #tpu.memory_space<smem>>
      memref.store %min3A, %arg16[%swap3A_73] : memref<2xf32, #tpu.memory_space<smem>>
      %get3A_75 = arith.constant 1 : index
      %get3A_76 = memref.load %arg16[%get3A_75] : memref<2xf32, #tpu.memory_space<smem>>
      %max3A = arith.maximumf %get3A_76, %reduce_max3A_70 : f32
      %swap3A_77 = arith.constant 1 : index
      %swap3A_78 = memref.load %arg16[%swap3A_77] : memref<2xf32, #tpu.memory_space<smem>>
      memref.store %max3A, %arg16[%swap3A_77] : memref<2xf32, #tpu.memory_space<smem>>
    } else {
    }
    %eq3A_6 = arith.constant 1 : i32
    %eq3A_7 = arith.cmpi eq, %arg0, %eq3A_6 : i32
    %convert_element_type3A_8 = arith.extui %eq3A_7 : i1 to i32
    %cond3A_9 = arith.constant 0 : i32
    %cond3A_10 = arith.cmpi ne, %convert_element_type3A_8, %cond3A_9 : i32
    scf.if %cond3A_10 {
      %get3A = arith.constant 0 : index
      %get3A_11 = arith.index_cast %mul3A_0 : i32 to index
      %get3A_12 = vector.load %arg15[%get3A, %get3A_11] : memref<4x100352xf32, #tpu.memory_space<vmem>>, vector<4x512xf32>
      %slice3A = vector.extract_strided_slice %get3A_12 {offsets = [2, 0], sizes = [1, 512], strides = [1, 1]} : vector<4x512xf32> to vector<1x512xf32>
      %get3A_13 = arith.constant 0 : index
      %get3A_14 = memref.load %arg16[%get3A_13] : memref<2xf32, #tpu.memory_space<smem>>
      %sub3A = vector.broadcast %get3A_14 : f32 to vector<1x512xf32>
      %sub3A_15 = arith.subf %slice3A, %sub3A : vector<1x512xf32>
      %get3A_16 = arith.constant 1 : index
      %get3A_17 = memref.load %arg16[%get3A_16] : memref<2xf32, #tpu.memory_space<smem>>
      %get3A_18 = arith.constant 0 : index
      %get3A_19 = memref.load %arg16[%get3A_18] : memref<2xf32, #tpu.memory_space<smem>>
      %sub3A_20 = arith.subf %get3A_17, %get3A_19 : f32
      %add3A_21 = arith.constant 9.99999993E-9 : f32
      %add3A_22 = arith.addf %sub3A_20, %add3A_21 : f32
      %div3A = vector.broadcast %add3A_22 : f32 to vector<1x512xf32>
      %div3A_23 = arith.divf %sub3A_15, %div3A : vector<1x512xf32>
      %slice3A_24 = vector.extract_strided_slice %get3A_12 {offsets = [0, 0], sizes = [2, 512], strides = [1, 1]} : vector<4x512xf32> to vector<2x512xf32>
      %slice3A_25 = vector.extract_strided_slice %get3A_12 {offsets = [3, 0], sizes = [1, 512], strides = [1, 1]} : vector<4x512xf32> to vector<1x512xf32>
      %concatenate3A = tpu.concatenate %slice3A_24, %div3A_23, %slice3A_25 in 0 : vector<2x512xf32>, vector<1x512xf32>, vector<1x512xf32> -> vector<4x512xf32>
      %get3A_26 = arith.constant 0 : index
      %get3A_27 = arith.constant 0 : index
      %get3A_28 = vector.load %arg6[%get3A_26, %get3A_27] : memref<32x4xf32, #tpu.memory_space<vmem>>, vector<32x4xf32>
      %dot_general3A = arith.constant dense<0.000000e+00> : vector<32x512xf32>
      %dot_general3A_29 = tpu.matmul %get3A_28, %concatenate3A, %dot_general3A {dimension_numbers = #tpu.dot_dimension_numbers<[1], [0], [0], [1], [0, 0, 1, 1], [], []>, transpose_lhs_hint = false} : vector<32x4xf32>, vector<4x512xf32>, vector<32x512xf32> -> vector<32x512xf32>
      %get3A_30 = arith.constant 0 : index
      %get3A_31 = arith.constant 0 : index
      %get3A_32 = vector.load %arg7[%get3A_30, %get3A_31] : memref<32x1xf32, #tpu.memory_space<vmem>>, vector<32x1xf32>
      %add3A_33 = vector.broadcast %get3A_32 : vector<32x1xf32> to vector<32x512xf32>
      %add3A_34 = arith.addf %dot_general3A_29, %add3A_33 : vector<32x512xf32>
      %max3A = arith.constant 0.000000e+00 : f32
      %max3A_35 = vector.broadcast %max3A : f32 to vector<32x512xf32>
      %max3A_36 = arith.maximumf %add3A_34, %max3A_35 : vector<32x512xf32>
      %get3A_37 = arith.constant 0 : index
      %get3A_38 = arith.constant 0 : index
      %get3A_39 = vector.load %arg8[%get3A_37, %get3A_38] : memref<16x32xf32, #tpu.memory_space<vmem>>, vector<16x32xf32>
      %dot_general3A_40 = arith.constant dense<0.000000e+00> : vector<16x512xf32>
      %dot_general3A_41 = tpu.matmul %get3A_39, %max3A_36, %dot_general3A_40 {dimension_numbers = #tpu.dot_dimension_numbers<[1], [0], [0], [1], [0, 0, 1, 1], [], []>, transpose_lhs_hint = false} : vector<16x32xf32>, vector<32x512xf32>, vector<16x512xf32> -> vector<16x512xf32>
      %get3A_42 = arith.constant 0 : index
      %get3A_43 = arith.constant 0 : index
      %get3A_44 = vector.load %arg9[%get3A_42, %get3A_43] : memref<16x1xf32, #tpu.memory_space<vmem>>, vector<16x1xf32>
      %add3A_45 = vector.broadcast %get3A_44 : vector<16x1xf32> to vector<16x512xf32>
      %add3A_46 = arith.addf %dot_general3A_41, %add3A_45 : vector<16x512xf32>
      %max3A_47 = arith.constant 0.000000e+00 : f32
      %max3A_48 = vector.broadcast %max3A_47 : f32 to vector<16x512xf32>
      %max3A_49 = arith.maximumf %add3A_46, %max3A_48 : vector<16x512xf32>
      %get3A_50 = arith.constant 0 : index
      %get3A_51 = arith.constant 0 : index
      %get3A_52 = vector.load %arg10[%get3A_50, %get3A_51] : memref<3x16xf32, #tpu.memory_space<vmem>>, vector<3x16xf32>
      %dot_general3A_53 = arith.constant dense<0.000000e+00> : vector<3x512xf32>
      %dot_general3A_54 = tpu.matmul %get3A_52, %max3A_49, %dot_general3A_53 {dimension_numbers = #tpu.dot_dimension_numbers<[1], [0], [0], [1], [0, 0, 1, 1], [], []>, transpose_lhs_hint = false} : vector<3x16xf32>, vector<16x512xf32>, vector<3x512xf32> -> vector<3x512xf32>
      %get3A_55 = arith.constant 0 : index
      %get3A_56 = arith.constant 0 : index
      %get3A_57 = vector.load %arg11[%get3A_55, %get3A_56] : memref<3x1xf32, #tpu.memory_space<vmem>>, vector<3x1xf32>
      %add3A_58 = vector.broadcast %get3A_57 : vector<3x1xf32> to vector<3x512xf32>
      %add3A_59 = arith.addf %dot_general3A_54, %add3A_58 : vector<3x512xf32>
      %reduce_max3A = arith.constant dense<0xFF800000> : vector<512xf32>
      %reduce_max3A_60 = vector.multi_reduction <maximumf>, %add3A_59, %reduce_max3A [0] : vector<3x512xf32> to vector<512xf32>
      %broadcast_in_dim3A = vector.shape_cast %reduce_max3A_60 : vector<512xf32> to vector<1x512xf32>
      %sub3A_61 = vector.broadcast %broadcast_in_dim3A : vector<1x512xf32> to vector<3x512xf32>
      %sub3A_62 = arith.subf %add3A_59, %sub3A_61 : vector<3x512xf32>
      %exp3A = math.exp %sub3A_62 : vector<3x512xf32>
      %reduce_sum3A = arith.constant dense<0.000000e+00> : vector<512xf32>
      %reduce_sum3A_63 = vector.multi_reduction <add>, %exp3A, %reduce_sum3A [0] : vector<3x512xf32> to vector<512xf32>
      %broadcast_in_dim3A_64 = vector.shape_cast %reduce_sum3A_63 : vector<512xf32> to vector<1x512xf32>
      %div3A_65 = vector.broadcast %broadcast_in_dim3A_64 : vector<1x512xf32> to vector<3x512xf32>
      %div3A_66 = arith.divf %exp3A, %div3A_65 : vector<3x512xf32>
      %swap3A = arith.constant 0 : index
      %swap3A_67 = arith.constant 0 : index
      %swap3A_68 = vector.load %arg12[%swap3A, %swap3A_67] : memref<3x512xf32, #tpu.memory_space<vmem>>, vector<3x512xf32>
      tpu.vector_store %arg12[%swap3A, %swap3A_67], %div3A_66 {strides = array<i32>} : memref<3x512xf32, #tpu.memory_space<vmem>>, vector<3x512xf32>,
      %slice3A_69 = vector.extract_strided_slice %add3A_59 {offsets = [0, 0], sizes = [1, 512], strides = [1, 1]} : vector<3x512xf32> to vector<1x512xf32>
      %slice3A_70 = vector.extract_strided_slice %add3A_59 {offsets = [1, 0], sizes = [1, 512], strides = [1, 1]} : vector<3x512xf32> to vector<1x512xf32>
      %slice3A_71 = vector.extract_strided_slice %add3A_59 {offsets = [2, 0], sizes = [1, 512], strides = [1, 1]} : vector<3x512xf32> to vector<1x512xf32>
      %gt3A = arith.cmpf ogt, %slice3A_70, %slice3A_69 : vector<1x512xf32>
      %jit3A = arith.constant 1 : i32
      %jit3A_72 = arith.constant 0 : i32
      %broadcast_in_dim3A_73 = vector.broadcast %jit3A : i32 to vector<1x512xi32>
      %broadcast_in_dim3A_74 = vector.broadcast %jit3A_72 : i32 to vector<1x512xi32>
      %select_n3A = arith.select %gt3A, %broadcast_in_dim3A_73, %broadcast_in_dim3A_74 : vector<1x512xi1>, vector<1x512xi32>
      %max3A_75 = arith.maximumf %slice3A_69, %slice3A_70 : vector<1x512xf32>
      %gt3A_76 = arith.cmpf ogt, %slice3A_71, %max3A_75 : vector<1x512xf32>
      %jit3A_77 = arith.constant 2 : i32
      %broadcast_in_dim3A_78 = vector.broadcast %jit3A_77 : i32 to vector<1x512xi32>
      %select_n3A_79 = arith.select %gt3A_76, %broadcast_in_dim3A_78, %select_n3A : vector<1x512xi1>, vector<1x512xi32>
      %get3A_80 = arith.constant 0 : index
      %get3A_81 = arith.constant 0 : index
      %get3A_82 = vector.load %arg5[%get3A_80, %get3A_81] : memref<1x512xi32, #tpu.memory_space<vmem>>, vector<1x512xi32>
      %ge3A = arith.constant 3 : i32
      %ge3A_83 = vector.broadcast %ge3A : i32 to vector<1x512xi32>
      %ge3A_84 = arith.cmpi sge, %get3A_82, %ge3A_83 : vector<1x512xi32>
      %eq3A_85 = arith.constant 0 : i32
      %eq3A_86 = vector.broadcast %eq3A_85 : i32 to vector<1x512xi32>
      %eq3A_87 = arith.cmpi eq, %select_n3A_79, %eq3A_86 : vector<1x512xi32>
      %and3A = arith.andi %ge3A_84, %eq3A_87 : vector<1x512xi1>
      %jit3A_88 = arith.constant 1 : i32
      %broadcast_in_dim3A_89 = vector.broadcast %jit3A_88 : i32 to vector<1x512xi32>
      %select_n3A_90 = arith.select %and3A, %broadcast_in_dim3A_89, %select_n3A_79 : vector<1x512xi1>, vector<1x512xi32>
      %le3A = arith.constant 0 : i32
      %le3A_91 = vector.broadcast %le3A : i32 to vector<1x512xi32>
      %le3A_92 = arith.cmpi sle, %get3A_82, %le3A_91 : vector<1x512xi32>
      %eq3A_93 = arith.constant 2 : i32
      %eq3A_94 = vector.broadcast %eq3A_93 : i32 to vector<1x512xi32>
      %eq3A_95 = arith.cmpi eq, %select_n3A_90, %eq3A_94 : vector<1x512xi32>
      %and3A_96 = arith.andi %le3A_92, %eq3A_95 : vector<1x512xi1>
      %jit3A_97 = arith.constant 1 : i32
      %broadcast_in_dim3A_98 = vector.broadcast %jit3A_97 : i32 to vector<1x512xi32>
      %select_n3A_99 = arith.select %and3A_96, %broadcast_in_dim3A_98, %select_n3A_90 : vector<1x512xi1>, vector<1x512xi32>
      %swap3A_100 = arith.constant 0 : index
      %swap3A_101 = arith.constant 0 : index
      %swap3A_102 = vector.load %arg13[%swap3A_100, %swap3A_101] : memref<1x512xi32, #tpu.memory_space<vmem>>, vector<1x512xi32>
      tpu.vector_store %arg13[%swap3A_100, %swap3A_101], %select_n3A_99 {strides = array<i32>} : memref<1x512xi32, #tpu.memory_space<vmem>>, vector<1x512xi32>,
      %eq3A_103 = arith.constant 0 : i32
      %eq3A_104 = arith.cmpi eq, %arg1, %eq3A_103 : i32
      %convert_element_type3A_105 = arith.extui %eq3A_104 : i1 to i32
      %cond3A_106 = arith.constant 0 : i32
      %cond3A_107 = arith.cmpi ne, %convert_element_type3A_105, %cond3A_106 : i32
      scf.if %cond3A_107 {
        %swap3A_171 = arith.constant 0 : i32
        %swap3A_172 = arith.constant 0 : index
        %swap3A_173 = arith.constant 0 : index
        %swap3A_174 = memref.load %arg14[%swap3A_172, %swap3A_173] : memref<1x3xi32, #tpu.memory_space<smem>>
        memref.store %swap3A_171, %arg14[%swap3A_172, %swap3A_173] : memref<1x3xi32, #tpu.memory_space<smem>>
        %swap3A_175 = arith.constant 0 : i32
        %swap3A_176 = arith.constant 0 : index
        %swap3A_177 = arith.constant 1 : index
        %swap3A_178 = memref.load %arg14[%swap3A_176, %swap3A_177] : memref<1x3xi32, #tpu.memory_space<smem>>
        memref.store %swap3A_175, %arg14[%swap3A_176, %swap3A_177] : memref<1x3xi32, #tpu.memory_space<smem>>
        %swap3A_179 = arith.constant 0 : i32
        %swap3A_180 = arith.constant 0 : index
        %swap3A_181 = arith.constant 2 : index
        %swap3A_182 = memref.load %arg14[%swap3A_180, %swap3A_181] : memref<1x3xi32, #tpu.memory_space<smem>>
        memref.store %swap3A_179, %arg14[%swap3A_180, %swap3A_181] : memref<1x3xi32, #tpu.memory_space<smem>>
      } else {
      }
      %get3A_108 = arith.constant 0 : index
      %get3A_109 = arith.constant 0 : index
      %get3A_110 = memref.load %arg14[%get3A_108, %get3A_109] : memref<1x3xi32, #tpu.memory_space<smem>>
      %eq3A_111 = arith.constant 0 : i32
      %eq3A_112 = vector.broadcast %eq3A_111 : i32 to vector<1x512xi32>
      %eq3A_113 = arith.cmpi eq, %select_n3A_99, %eq3A_112 : vector<1x512xi32>
      %and3A_114 = arith.andi %eq3A_113, %lt3A_3 : vector<1x512xi1>
      %jit3A_115 = arith.constant 1 : i32
      %jit3A_116 = arith.constant 0 : i32
      %broadcast_in_dim3A_117 = vector.broadcast %jit3A_115 : i32 to vector<1x512xi32>
      %broadcast_in_dim3A_118 = vector.broadcast %jit3A_116 : i32 to vector<1x512xi32>
      %select_n3A_119 = arith.select %and3A_114, %broadcast_in_dim3A_117, %broadcast_in_dim3A_118 : vector<1x512xi1>, vector<1x512xi32>
      %reduce_sum3A_120 = vector.shape_cast %select_n3A_119 : vector<1x512xi32> to vector<1x1x512xi32>
      %reduce_sum3A_121 = arith.constant dense<0> : vector<1xi32>
      %reduce_sum3A_122 = vector.multi_reduction <add>, %reduce_sum3A_120, %reduce_sum3A_121 [1, 2] : vector<1x1x512xi32> to vector<1xi32>
      %reduce_sum3A_123 = vector.shape_cast %reduce_sum3A_122 : vector<1xi32> to vector<1x1x1xi32>
      %reduce_sum3A_124 = vector.extract %reduce_sum3A_123[0, 0, 0] : i32 from vector<1x1x1xi32>
      %add3A_125 = arith.addi %get3A_110, %reduce_sum3A_124 : i32
      %swap3A_126 = arith.constant 0 : index
      %swap3A_127 = arith.constant 0 : index
      %swap3A_128 = memref.load %arg14[%swap3A_126, %swap3A_127] : memref<1x3xi32, #tpu.memory_space<smem>>
      memref.store %add3A_125, %arg14[%swap3A_126, %swap3A_127] : memref<1x3xi32, #tpu.memory_space<smem>>
      %get3A_129 = arith.constant 0 : index
      %get3A_130 = arith.constant 1 : index
      %get3A_131 = memref.load %arg14[%get3A_129, %get3A_130] : memref<1x3xi32, #tpu.memory_space<smem>>
      %eq3A_132 = arith.constant 1 : i32
      %eq3A_133 = vector.broadcast %eq3A_132 : i32 to vector<1x512xi32>
      %eq3A_134 = arith.cmpi eq, %select_n3A_99, %eq3A_133 : vector<1x512xi32>
      %and3A_135 = arith.andi %eq3A_134, %lt3A_3 : vector<1x512xi1>
      %jit3A_136 = arith.constant 1 : i32
      %jit3A_137 = arith.constant 0 : i32
      %broadcast_in_dim3A_138 = vector.broadcast %jit3A_136 : i32 to vector<1x512xi32>
      %broadcast_in_dim3A_139 = vector.broadcast %jit3A_137 : i32 to vector<1x512xi32>
      %select_n3A_140 = arith.select %and3A_135, %broadcast_in_dim3A_138, %broadcast_in_dim3A_139 : vector<1x512xi1>, vector<1x512xi32>
      %reduce_sum3A_141 = vector.shape_cast %select_n3A_140 : vector<1x512xi32> to vector<1x1x512xi32>
      %reduce_sum3A_142 = arith.constant dense<0> : vector<1xi32>
      %reduce_sum3A_143 = vector.multi_reduction <add>, %reduce_sum3A_141, %reduce_sum3A_142 [1, 2] : vector<1x1x512xi32> to vector<1xi32>
      %reduce_sum3A_144 = vector.shape_cast %reduce_sum3A_143 : vector<1xi32> to vector<1x1x1xi32>
      %reduce_sum3A_145 = vector.extract %reduce_sum3A_144[0, 0, 0] : i32 from vector<1x1x1xi32>
      %add3A_146 = arith.addi %get3A_131, %reduce_sum3A_145 : i32
      %swap3A_147 = arith.constant 0 : index
      %swap3A_148 = arith.constant 1 : index
      %swap3A_149 = memref.load %arg14[%swap3A_147, %swap3A_148] : memref<1x3xi32, #tpu.memory_space<smem>>
      memref.store %add3A_146, %arg14[%swap3A_147, %swap3A_148] : memref<1x3xi32, #tpu.memory_space<smem>>
      %get3A_150 = arith.constant 0 : index
      %get3A_151 = arith.constant 2 : index
      %get3A_152 = memref.load %arg14[%get3A_150, %get3A_151] : memref<1x3xi32, #tpu.memory_space<smem>>
      %eq3A_153 = arith.constant 2 : i32
      %eq3A_154 = vector.broadcast %eq3A_153 : i32 to vector<1x512xi32>
      %eq3A_155 = arith.cmpi eq, %select_n3A_99, %eq3A_154 : vector<1x512xi32>
      %and3A_156 = arith.andi %eq3A_155, %lt3A_3 : vector<1x512xi1>
      %jit3A_157 = arith.constant 1 : i32
      %jit3A_158 = arith.constant 0 : i32
      %broadcast_in_dim3A_159 = vector.broadcast %jit3A_157 : i32 to vector<1x512xi32>
      %broadcast_in_dim3A_160 = vector.broadcast %jit3A_158 : i32 to vector<1x512xi32>
      %select_n3A_161 = arith.select %and3A_156, %broadcast_in_dim3A_159, %broadcast_in_dim3A_160 : vector<1x512xi1>, vector<1x512xi32>
      %reduce_sum3A_162 = vector.shape_cast %select_n3A_161 : vector<1x512xi32> to vector<1x1x512xi32>
      %reduce_sum3A_163 = arith.constant dense<0> : vector<1xi32>
      %reduce_sum3A_164 = vector.multi_reduction <add>, %reduce_sum3A_162, %reduce_sum3A_163 [1, 2] : vector<1x1x512xi32> to vector<1xi32>
      %reduce_sum3A_165 = vector.shape_cast %reduce_sum3A_164 : vector<1xi32> to vector<1x1x1xi32>
      %reduce_sum3A_166 = vector.extract %reduce_sum3A_165[0, 0, 0] : i32 from vector<1x1x1xi32>
      %add3A_167 = arith.addi %get3A_152, %reduce_sum3A_166 : i32
      %swap3A_168 = arith.constant 0 : index
      %swap3A_169 = arith.constant 2 : index
      %swap3A_170 = memref.load %arg14[%swap3A_168, %swap3A_169] : memref<1x3xi32, #tpu.memory_space<smem>>
      memref.store %add3A_167, %arg14[%swap3A_168, %swap3A_169] : memref<1x3xi32, #tpu.memory_space<smem>>
    } else {
    }
    return
  }
  func.func @transform_0(%arg0: i32, %arg1: i32) -> (i32, i32, i32) {
    %c0_i32 = arith.constant 0 : i32
    %c0_i32_0 = arith.constant 0 : i32
    %c0_i32_1 = arith.constant 0 : i32
    return %c0_i32, %c0_i32_0, %arg1 : i32, i32, i32
  }
  func.func @transform_1(%arg0: i32, %arg1: i32) -> (i32, i32) {
    %c0_i32 = arith.constant 0 : i32
    %c0_i32_0 = arith.constant 0 : i32
    return %c0_i32, %arg1 : i32, i32
  }
  func.func @transform_2(%arg0: i32, %arg1: i32) -> (i32, i32) {
    %c0_i32 = arith.constant 0 : i32
    %c0_i32_0 = arith.constant 0 : i32
    return %c0_i32, %arg1 : i32, i32
  }
  func.func @transform_3(%arg0: i32, %arg1: i32) -> (i32, i32) {
    %c0_i32 = arith.constant 0 : i32
    %c0_i32_0 = arith.constant 0 : i32
    return %c0_i32, %arg1 : i32, i32
  }
  func.func @transform_4(%arg0: i32, %arg1: i32) -> (i32, i32) {
    %c0_i32 = arith.constant 0 : i32
    %c0_i32_0 = arith.constant 0 : i32
    %c0_i32_1 = arith.constant 0 : i32
    return %c0_i32, %c0_i32_0 : i32, i32
  }
  func.func @transform_5(%arg0: i32, %arg1: i32) -> (i32, i32) {
    %c0_i32 = arith.constant 0 : i32
    %c0_i32_0 = arith.constant 0 : i32
    %c0_i32_1 = arith.constant 0 : i32
    return %c0_i32, %c0_i32_0 : i32, i32
  }
  func.func @transform_6(%arg0: i32, %arg1: i32) -> (i32, i32) {
    %c0_i32 = arith.constant 0 : i32
    %c0_i32_0 = arith.constant 0 : i32
    %c0_i32_1 = arith.constant 0 : i32
    return %c0_i32, %c0_i32_0 : i32, i32
  }
  func.func @transform_7(%arg0: i32, %arg1: i32) -> (i32, i32) {
    %c0_i32 = arith.constant 0 : i32
    %c0_i32_0 = arith.constant 0 : i32
    %c0_i32_1 = arith.constant 0 : i32
    return %c0_i32, %c0_i32_0 : i32, i32
  }
  func.func @transform_8(%arg0: i32, %arg1: i32) -> (i32, i32) {
    %c0_i32 = arith.constant 0 : i32
    %c0_i32_0 = arith.constant 0 : i32
    %c0_i32_1 = arith.constant 0 : i32
    return %c0_i32, %c0_i32_0 : i32, i32
  }
  func.func @transform_9(%arg0: i32, %arg1: i32) -> (i32, i32) {
    %c0_i32 = arith.constant 0 : i32
    %c0_i32_0 = arith.constant 0 : i32
    %c0_i32_1 = arith.constant 0 : i32
    return %c0_i32, %c0_i32_0 : i32, i32
  }
  func.func @transform_10(%arg0: i32, %arg1: i32) -> (i32, i32) {
    %c0_i32 = arith.constant 0 : i32
    %c0_i32_0 = arith.constant 0 : i32
    return %c0_i32, %arg1 : i32, i32
  }
  func.func @transform_11(%arg0: i32, %arg1: i32) -> (i32, i32) {
    %c0_i32 = arith.constant 0 : i32
    %c0_i32_0 = arith.constant 0 : i32
    return %c0_i32, %arg1 : i32, i32
  }
  func.func @transform_12(%arg0: i32, %arg1: i32) -> (i32, i32) {
    %c0_i32 = arith.constant 0 : i32
    %c0_i32_0 = arith.constant 0 : i32
    %c0_i32_1 = arith.constant 0 : i32
    return %c0_i32, %c0_i32_0 : i32, i32
  }
}

</mosaic_0001>

<sc_bundles>
// kernel: kernel.4.cloned.1.call-start
scs
__scs_entry_jumppad:
0x0: {  	(pc) =	sbr.rel $0x88, $3  }
0x1: {  	(tag) =	ssettag $0x0;
	lr =	simm.s32 $0x1  }
0x2: {  	[smem:$0x3F96] =	sst lr;
	_ =	strace $0xD0000000  }
0x3: {  	_ = 	snop  }
0x4: {  	_ = 	snop  }
0x5: {  	_ = 	snop  }
0x6: {  	_ = 	snop  }
0x7: {  	_ = 	snop  }
__scs_overlays_trampoline_lowered:
0x8: {  	[smem:$0x3FA5] =	sst s0  }
0x9: {  	[smem:$0x3FA6] =	sst s1  }
0xa: {  	[smem:$0x3FA7] =	sst s2  }
0xb: {  	[smem:$0x3FA8] =	sst s3  }
0xc: {  	[smem:$0x3FA9] =	sst s4  }
0xd: {  	[smem:$0x3FAA] =	sst s5  }
0xe: {  	[smem:$0x3FAB] =	sst s6  }
0xf: {  	[smem:$0x3FAC] =	sst s7  }
0x10: {  	[smem:$0x3FAD] =	sst s8  }
0x11: {  	[smem:$0x3FAE] =	sst s9;
	s0 =	simm.s32 @!p0 $0x0  }
0x12: {  	s1 =	sld [smem:$0x3F94];
	s0 =	simm.s32 @p0 $0x1  }
0x13: {  	[smem:$0x3FAF] =	sst s0;
	s0 =	simm.s32 @!p1 $0x0  }
0x14: {  	s2 =	sld [smem:$0x3F93];
	s0 =	simm.s32 @p1 $0x1  }
0x15: {  	[smem:$0x3FB0] =	sst s0;
	s0 =	simm.s32 @!p2 $0x0  }
0x16: {  	s3 =	sld [smem:$0x3FDB];
	s0 =	simm.s32 @p2 $0x1  }
0x17: {  	s4 =	simm.s32 $0x1BF5;
	[smem:$0x3FB2] =	sst s0  }
0x18: {  	s0 =	sld [smem:$0x3F95];
	_ =	swait.ge [sflag:s4], $0x0  }
0x19: {  	s7 =	sld [smem:$0x3F96]  }
0x1a: {  	s8 =	sadd.s32 $0xFFFFE003, lr  }
0x1b: {  	s9 =	sadd.s32 $0xFFFFFEF7, lr;
	s5 =	simm.s32 $0xFFFFFFFF;
	p2 =	slt.u32 s8, $0xFFFFF086  }
0x1c: {  	p1 =	slt.u32 s9, $0xF7A;
	s5 =	simm.s32 @!p2 $0x0  }
0x1d: {  	s5 =	simm.s32 @p1 $0x1;
	p0 =	seq.s32 s7, s2  }
0x1e: {  	s7 =	smul.u32 @!p0 $0xF7A, s2;
	p2 =	seq.s32 @!p0 s5, $0x0  }
0x1f: {  	s9 =	smul.u32 $0xF7A, s1;
	s8 =	simm.s32 @!p0 $0x1BF5;
	p2 =	por !p2, p0  }
0x20: {  	[sflag:s8] =	ssyncset.s32 @!p0 $0xFFFFF086;
	s6 =	sadd.s32 @!p0 s3, s7;
	s7 =	simm.s32 @!p0 $0x108  }
0x21: {  	s3 =	sadd.s32 s3, s9;
	s6 =	sadd.s32 @!p0 $0x88, s6;
	s7 =	simm.s32 @p2 $0x1082  }
0x22: {  	[simem:s7], [sflag:s8] =	dma.local @!p0 [hbm:s6], $0xF7A  }
0x23: {  	s9 =	sor.u32 $0xD0000000, s2;
	s6 =	simm.s32 $0x108;
	_ =	swait.ge @!p0 [sflag:s8], $0x0  }
0x24: {  	s3 =	sadd.s32 $0x88, s3;
	s6 =	simm.s32 @!p1 $0x1082;
	[sflag:s4] =	ssyncset.s32 $0xFFFFF086  }
0x25: {  	[simem:s6], [sflag:s4] =	dma.local [hbm:s3], $0xF7A  }
0x26: {  	[smem:$0x3F96] =	sst s1;
	(tag) =	ssettag s2;
	_ =	strace s9  }
0x27: {  	s1 =	sld [smem:$0x3FA6]  }
0x28: {  	s2 =	sld [smem:$0x3FA7]  }
0x29: {  	s4 =	sld [smem:$0x3FA9]  }
0x2a: {  	p0 =	seq.s32 s5, $0x0;
	s5 =	sld [smem:$0x3FAA]  }
0x2b: {  	s6 =	sld [smem:$0x3FAB]  }
0x2c: {  	s7 =	sld [smem:$0x3FAC]  }
0x2d: {  	s3 =	simm.s32 $0x108;
	s8 =	sld [smem:$0x3FAD]  }
0x2e: {  	s3 =	simm.s32 @!p0 $0x1082;
	s9 =	sld [smem:$0x3FAE]  }
0x2f: {  	lr =	sadd.s32 s0, s3;
	s0 =	sld [smem:$0x3FA5]  }
0x30: {  	s3 =	sld [smem:$0x3FA8]  }
0x31: {  	[smem:$0x3FB1] =	sst s10  }
0x32: {  	s10 =	sld [smem:$0x3FAF];
	_ =	sdelay $0x3  }
0x33: {  	p0 =	seq.s32 s10, $0x1;
	s10 =	sld [smem:$0x3FB1];
	_ =	sdelay $0x3  }
0x34: {  	[smem:$0x3FB1] =	sst s10  }
0x35: {  	s10 =	sld [smem:$0x3FB0];
	_ =	sdelay $0x3  }
0x36: {  	p1 =	seq.s32 s10, $0x1;
	s10 =	sld [smem:$0x3FB1];
	_ =	sdelay $0x3  }
0x37: {  	[smem:$0x3FB1] =	sst s10  }
0x38: {  	s10 =	sld [smem:$0x3FB2]  }
0x39: {  	_ = 	snop;
	(pc) =	sbr.ind lr, $3  }
0x3a: {  	_ = 	snop  }
0x3b: {  	_ = 	snop  }
0x3c: {  	p2 =	seq.s32 s10, $0x1;
	s10 =	sld [smem:$0x3FB1]  }
0x3d: {  	_ =	shalt  }
0x3e: {  	_ =	shalt  }
0x3f: {  	_ =	shalt  }
0x40: {  	_ =	shalt  }
0x41: {  	_ =	shalt  }
0x42: {  	_ =	shalt  }
0x43: {  	_ =	shalt  }
0x44: {  	_ =	shalt  }
0x45: {  	_ =	shalt  }
0x46: {  	_ =	shalt  }
0x47: {  	_ =	shalt  }
0x48: {  	_ =	shalt  }
0x49: {  	_ =	shalt  }
0x4a: {  	_ =	shalt  }
0x4b: {  	_ =	shalt  }
0x4c: {  	_ =	shalt  }
0x4d: {  	_ =	shalt  }
0x4e: {  	_ =	shalt  }
0x4f: {  	_ =	shalt  }
0x50: {  	_ =	shalt  }
0x51: {  	_ =	shalt  }
0x52: {  	_ =	shalt  }
0x53: {  	_ =	shalt  }
0x54: {  	_ =	shalt  }
0x55: {  	_ =	shalt  }
0x56: {  	_ =	shalt  }
0x57: {  	_ =	shalt  }
0x58: {  	_ =	shalt  }
0x59: {  	_ =	shalt  }
0x5a: {  	_ =	shalt  }
0x5b: {  	_ =	shalt  }
0x5c: {  	_ =	shalt  }
0x5d: {  	_ =	shalt  }
0x5e: {  	_ =	shalt  }
0x5f: {  	_ =	shalt  }
0x60: {  	_ =	shalt  }
0x61: {  	_ =	shalt  }
0x62: {  	_ =	shalt  }
0x63: {  	_ =	shalt  }
0x64: {  	_ =	shalt  }
0x65: {  	_ =	shalt  }
0x66: {  	_ =	shalt  }
0x67: {  	_ =	shalt  }
0x68: {  	_ =	shalt  }
0x69: {  	_ =	shalt  }
0x6a: {  	_ =	shalt  }
0x6b: {  	_ =	shalt  }
0x6c: {  	_ =	shalt  }
0x6d: {  	_ =	shalt  }
0x6e: {  	_ =	shalt  }
0x6f: {  	_ =	shalt  }
0x70: {  	_ =	shalt  }
0x71: {  	_ =	shalt  }
0x72: {  	_ =	shalt  }
0x73: {  	_ =	shalt  }
0x74: {  	_ =	shalt  }
0x75: {  	_ =	shalt  }
0x76: {  	_ =	shalt  }
0x77: {  	_ =	shalt  }
0x78: {  	_ =	shalt  }
0x79: {  	_ =	shalt  }
0x7a: {  	_ =	shalt  }
0x7b: {  	_ =	shalt  }
0x7c: {  	_ =	shalt  }
0x7d: {  	_ =	shalt  }
0x7e: {  	_ =	shalt  }
0x7f: {  	_ =	shalt  }
0x80: {  	_ =	shalt  }
0x81: {  	_ =	shalt  }
0x82: {  	_ =	shalt  }
0x83: {  	_ =	shalt  }
0x84: {  	_ =	shalt  }
0x85: {  	_ =	shalt  }
0x86: {  	_ =	shalt  }
0x87: {  	_ =	shalt  }
.Lfunc_end0:
.L_simem_size_0:
called_computation_lowered:
.L_overlay_start_0:
0x88: {  	s2 =	sld [smem:$0x3FD9]  }
0x89: {  	s3 =	sld [smem:$0x3FFE];
	_ =	sdelay $0x1  }
0x8a: {  	s1 =	srdreg.scid  }
0x8b: {  	s0 =	sand.u32 $0x1, s1  }
0x8c: {  	s14 =	sshll.u32 s0, $0xA;
	s2 =	sadd.s32 s3, s2  }
0x8d: {  	s2 =	sadd.s32 s2, s14  }
0x8e: {  	[smem:$0x3FBD] =	sst s2  }
0x8f: {  	_ = 	snop  }
0x90: {  	s2 =	sld [smem:$0x3FD0];
	_ =	sdelay $0x2  }
0x91: {  	s4 =	simm.s32 $0xA;
	s5 =	simm.s32 $0x10;
	s15 =	sld [smem:$0x3FC6]  }
0x92: {  	[smem:s5], [sflag:s4] =	dma.local [hbm:s2], $0x1  }
0x93: {  	_ =	swait.eq [sflag:s4], $0x1  }
0x94: {  	s16 =	sld [smem:$0x11];
	[sflag:s4] =	ssyncset.done $0x0  }
0x95: {  	s17 =	sld [smem:$0x13];
	[sflag:s4] =	ssyncadd.s32 $0xFFFFFFFF  }
0x96: {  	s18 =	sld [smem:$0x14];
	(tm) =	ssettm $0x1  }
0x97: {  	s6 =	sld [smem:$0x3FFB];
	_ =	sdelay $0x3  }
0x98: {  	_ =	strace s6  }
0x99: {  	s6 =	sld [smem:$0x3FFC];
	_ =	sdelay $0x3  }
0x9a: {  	_ =	strace s6  }
0x9b: {  	s6 =	sld [smem:$0x3FFD];
	_ =	sdelay $0x3  }
0x9c: {  	_ =	strace s6  }
0x9d: {  	_ =	strace $0x8FFFFFFF  }
0x9e: {  	s19 =	sld [smem:$0x3FDB];
	_ =	sdelay $0x1  }
0x9f: {  	s7 =	simm.s32 $_scs_section_size  }
0xa0: {  	s8 =	simm.s32 $_size__tile_overlayer_lowered;
	s9 =	simm.s32 $_tile_overlayer_lowered  }
0xa1: {  	s22 =	simm.s32 $0x1BFF;
	s21 =	sshll.u32 s9, $0x1;
	s6 =	sadd.s32 s7, s19  }
0xa2: {  	s10 =	simm.s32 $0x0;
	s20 =	sshll.u32 s8, $0x1;
	s8 =	sadd.s32 s21, s6  }
0xa3: {  	[timem:s10], [sflag:s22] =	dma.local [hbm:s8], s20  }
0xa4: {  	_ =	swait.ge [sflag:s22], s20  }
0xa5: {  	s7 =	ssub.s32 $0x0, s20;
	[sflag:s22] =	ssyncset.done $0x0  }
0xa6: {  	[sflag:s22] =	ssyncadd.s32 s7;
	_ =	sdelay $0x1  }
0xa7: {  	s23 =	simm.s32 $0x1B8B  }
0xa8: {  	_ =	swait.ge [sflag:s23], $0x1  }
0xa9: {  	[sflag:s23] =	ssyncset.done $0x0  }
0xaa: {  	s25 =	simm.s32 $0x1B8E;
	s24 =	sld [smem:$0x3FFE];
	[sflag:s23] =	ssyncadd.s32 $0xFFFFFFFF  }
0xab: {  	s26 =	simm.s32 $execute0_lowered;
	[smem:$0x3FD2] =	sst s25  }
0xac: {  	s8 =	sshll.u32 s26, $0x1;
	_ =	strace $0x80000046;
	[dreg:$0x1] =	wrdreg $0xFFFFFFFF  }
0xad: {  	s28 =	simm.s32 $_size_execute0_lowered;
	s6 =	sadd.s32 s6, s8;
	[dreg:$0x0] =	wrdreg $0x0  }
0xae: {  	s8 =	sshll.u32 s28, $0x1;
	[dreg:$0x2] =	wrdreg s6  }
0xaf: {  	[dreg:$0x3] =	wrdreg s8  }
0xb0: {  	[dreg:$0x4] =	wrdreg $0xC0  }
0xb1: {  	_ =	task [dreg:s10], $0x5FFFF  }
0xb2: {  	[dreg:$0x1] =	wrdreg $0xFFFFFFFF  }
0xb3: {  	[dreg:$0x0] =	wrdreg $0x60  }
0xb4: {  	[dreg:$0x2] =	wrdreg s17  }
0xb5: {  	[dreg:$0x3] =	wrdreg s24  }
0xb6: {  	[dreg:$0x4] =	wrdreg s15  }
0xb7: {  	[dreg:$0x5] =	wrdreg s16  }
0xb8: {  	[dreg:$0x6] =	wrdreg s18  }
0xb9: {  	[dreg:$0x7] =	wrdreg $0x19E000  }
0xba: {  	[dreg:$0x8] =	wrdreg $0x1B6800  }
0xbb: {  	[dreg:$0x9] =	wrdreg $0x1CF000  }
0xbc: {  	[dreg:$0xa] =	wrdreg $0x13C000  }
0xbd: {  	[dreg:$0xb] =	wrdreg $0x154800  }
0xbe: {  	[dreg:$0xc] =	wrdreg $0x16D000  }
0xbf: {  	[dreg:$0xd] =	wrdreg $0x185800  }
0xc0: {  	[dreg:$0xe] =	wrdreg $0x9  }
0xc1: {  	_ =	task.clear_ibuf [dreg:s10], $0xFFFFF;
	_ =	strace $0x90000046  }
0xc2: {  	s29 =	simm.s32 $0x9;
	_ =	strace $0x80000048  }
0xc3: {  	_ =	swait.ge [sflag:s29], $0x1  }
0xc4: {  	[sflag:s29] =	ssyncadd.s32 $0xFFFFFFFF  }
0xc5: {  	_ =	strace $0x90000048  }
0xc6: {  	_ =	sfence  }
0xc7: {  	s30 =	sld [smem:$0x0];
	_ =	sdelay $0x2  }
0xc8: {  	s31 =	sshll.u32 s1, $0xD;
	s1 =	sshrl.u32 s1, $0x2  }
0xc9: {  	s3 =	sand.u32 $0x4000, s31;
	s1 =	sadd.s32 s1, s30  }
0xca: {  	s0 =	sor.u32 s3, s0;
	s1 =	sshll.u32 s1, $0x11  }
0xcb: {  	s0 =	sor.u32 s1, s0  }
0xcc: {  	s0 =	sadd.s32 $0x8F2B, s0  }
0xcd: {  	[sflag:s0] =	ssyncadd.remote.s32 $0x1  }
0xce: {  	_ =	sfence.sel $0xFFFF  }
0xcf: {  	[dreg:$0x0] =	wrdreg $0xFFFFFFFF;
	(pc) =	sbr.abs _section_cstart, $3  }
0xd0: {  	[dreg:$0x1] =	wrdreg $0xFFFFFFFF  }
0xd1: {  	_ =	task.clear_ibuf [dreg:s10], $0x2FFFF;
	_ =	strace $0x9FFFFFFF  }
0xd2: {  	(tm) =	ssettm $0x7FFFFFFF  }
0xd3: {  	_ =	shalt  }
tec
execute0_lowered:
.L_overlay_start_1:
0x0: {  	(tag) =	ssettag $0x1  }
0x1: {  	s5 =	rddreg [dreg:$0x0]  }
0x2: {  	s0 =	srdreg.scid;
	s12 =	rddreg [dreg:$0x1]  }
0x3: {  	s1 =	simm.s32 $0x0;
	s16 =	stileid.u32;
	s30 =	rddreg [dreg:$0x4]  }
0x4: {  	s0 =	sand.u32 $0x1, s0;
	[smem:$0x7FF] =	sst s1;
	s29 =	smul.u32 $0x1880, s16  }
0x5: {  	s13 =	sadd.s32 $0x195C00, s12;
	s2 =	ssub.s32 $0x2, s0;
	s14 =	sshll.u32 s0, $0x4  }
0x6: {  	s6 =	smul.u32 $0x49800, s0;
	s3 =	sshrl.u32 s2, $0x1;
	s7 =	sshrl.u32 s29, $0x3  }
0x7: {  	s9 =	sadd.s32 $0x380, s29;
	s4 =	sadd.s32 $0x700, s29;
	s11 =	ssub.s32 s2, s3  }
0x8: {  	s19 =	sadd.s32 s5, s7;
	s8 =	sshrl.u32 s9, $0x3;
	s10 =	sshrl.u32 s4, $0x3  }
0x9: {  	s7 =	sadd.s32 $0xA80, s29;
	s3 =	sadd.s32 $0xE00, s29;
	s25 =	sadd.s32 s6, s4  }
0xa: {  	s0 =	sadd.s32 s5, s8;
	s15 =	sadd.s32 s5, s10;
	s17 =	sshrl.u32 s7, $0x3  }
0xb: {  	s18 =	sshrl.u32 s3, $0x3;
	s10 =	sadd.s32 s6, s29;
	[dreg:$0xf] =	wrdreg s0  }
0xc: {  	s26 =	sadd.s32 s6, s7;
	s28 =	sadd.s32 s6, s3;
	[dreg:$0x10] =	wrdreg s15  }
0xd: {  	s0 =	sadd.s32 $0x1180, s29;
	s2 =	sadd.s32 s5, s17;
	s15 =	sadd.s32 s6, s9  }
0xe: {  	s22 =	sshrl.u32 s10, $0x3;
	[dreg:$0x11] =	wrdreg s2;
	s8 =	sshrl.u32 s0, $0x3  }
0xf: {  	s2 =	sadd.s32 s5, s18;
	s23 =	sshrl.u32 s15, $0x3;
	s15 =	sshrl.u32 s28, $0x3  }
0x10: {  	s18 =	sadd.s32 $0x18800, s6;
	[dreg:$0x12] =	wrdreg s2;
	s20 =	sadd.s32 s5, s8  }
0x11: {  	s2 =	sadd.s32 $0x1500, s29;
	s24 =	sadd.s32 s13, s23;
	s8 =	sshrl.u32 s26, $0x3  }
0x12: {  	s17 =	sadd.s32 s13, s15;
	s23 =	sadd.s32 s9, s18;
	[dreg:$0x13] =	wrdreg s20  }
0x13: {  	s15 =	sadd.s32 s0, s18;
	s21 =	sshrl.u32 s2, $0x3;
	[dreg:$0x16] =	wrdreg s24  }
0x14: {  	[dreg:$0x19] =	wrdreg s17;
	s20 =	sadd.s32 s6, s0;
	s24 =	sadd.s32 s4, s18  }
0x15: {  	s5 =	sadd.s32 s5, s21;
	s10 =	sshrl.u32 s20, $0x3;
	s20 =	rddreg [dreg:$0x2]  }
0x16: {  	s21 =	sadd.s32 s29, s18;
	[dreg:$0x14] =	wrdreg s5;
	s5 =	sadd.s32 s13, s22  }
0x17: {  	s10 =	sadd.s32 s13, s10;
	s22 =	sshrl.u32 s21, $0x3;
	[dreg:$0x15] =	wrdreg s5  }
0x18: {  	s5 =	sshrl.u32 s25, $0x3;
	[dreg:$0x1a] =	wrdreg s10;
	s10 =	sshrl.u32 s24, $0x3  }
0x19: {  	s25 =	sadd.s32 s7, s18;
	s5 =	sadd.s32 s13, s5;
	s26 =	sadd.s32 s13, s10  }
0x1a: {  	s28 =	sshrl.u32 s25, $0x3;
	[dreg:$0x17] =	wrdreg s5;
	s5 =	sadd.s32 s13, s8  }
0x1b: {  	s8 =	sadd.s32 $0x31000, s6;
	s6 =	sadd.s32 s6, s2;
	[dreg:$0x1e] =	wrdreg s26  }
0x1c: {  	s10 =	sadd.s32 s3, s18;
	[dreg:$0x18] =	wrdreg s5;
	s6 =	sshrl.u32 s6, $0x3  }
0x1d: {  	s5 =	sadd.s32 s2, s18;
	s18 =	sadd.s32 s29, s8;
	s24 =	sadd.s32 s7, s8  }
0x1e: {  	s6 =	sadd.s32 s13, s6;
	s25 =	sshrl.u32 s24, $0x3;
	s24 =	rddreg [dreg:$0x8]  }
0x1f: {  	s21 =	sadd.s32 s9, s8;
	s5 =	sshrl.u32 s5, $0x3;
	[dreg:$0x1b] =	wrdreg s6  }
0x20: {  	s6 =	sadd.s32 s13, s22;
	s22 =	sshrl.u32 s21, $0x3;
	s21 =	rddreg [dreg:$0x5]  }
0x21: {  	s5 =	sadd.s32 s13, s5;
	[dreg:$0x1c] =	wrdreg s6;
	s6 =	sshrl.u32 s23, $0x3  }
0x22: {  	[smem:$0x79C] =	sst s5;
	s5 =	sshrl.u32 s18, $0x3;
	s6 =	sadd.s32 s13, s6  }
0x23: {  	s5 =	sadd.s32 s13, s5;
	[dreg:$0x1d] =	wrdreg s6  }
0x24: {  	[smem:$0x79D] =	sst s5  }
0x25: {  	s6 =	sadd.s32 s13, s28;
	s5 =	sadd.s32 s13, s22;
	s22 =	rddreg [dreg:$0x6]  }
0x26: {  	[dreg:$0x1f] =	wrdreg s6  }
0x27: {  	s23 =	sadd.s32 s4, s8;
	s6 =	sshrl.u32 s10, $0x3;
	[smem:$0x79E] =	sst s5  }
0x28: {  	s10 =	sshrl.u32 s15, $0x3;
	s5 =	sshrl.u32 s23, $0x3;
	s23 =	rddreg [dreg:$0x7]  }
0x29: {  	s6 =	sadd.s32 s13, s6;
	s17 =	sadd.s32 s13, s10;
	s10 =	rddreg [dreg:$0xb]  }
0x2a: {  	[smem:$0x79A] =	sst s6  }
0x2b: {  	[smem:$0x79B] =	sst s17  }
0x2c: {  	s5 =	sadd.s32 s13, s5;
	s6 =	rddreg [dreg:$0x3]  }
0x2d: {  	s26 =	sadd.s32 s3, s8;
	[smem:$0x79F] =	sst s5;
	s5 =	sadd.s32 s13, s25  }
0x2e: {  	s28 =	sadd.s32 s0, s8;
	[smem:$0x7A0] =	sst s5;
	s5 =	sshrl.u32 s26, $0x3  }
0x2f: {  	s15 =	sshrl.u32 s28, $0x3;
	s25 =	rddreg [dreg:$0x9];
	s5 =	sadd.s32 s13, s5  }
0x30: {  	s17 =	sadd.s32 s2, s8;
	[smem:$0x7A1] =	sst s5;
	s5 =	sadd.s32 s13, s15  }
0x31: {  	s18 =	smul.u32 $0x6200, s16;
	[smem:$0x7A2] =	sst s5;
	s5 =	sshrl.u32 s17, $0x3  }
0x32: {  	s28 =	sor.u32 s16, s14;
	s26 =	rddreg [dreg:$0xa];
	s5 =	sadd.s32 s13, s5  }
0x33: {  	s16 =	smul.u32 $0x186A0, s28;
	s15 =	sadd.s32 $0xC5800, s12;
	[smem:$0x7A3] =	sst s5  }
0x34: {  	_ =	strace $0x80000047;
	[smem:$0x7A4] =	sst s15  }
0x35: {  	s13 =	sadd.s32 $0x63C00, s12;
	[smem:$0x7A5] =	sst s16  }
0x36: {  	s14 =	sadd.s32 $0x2000, s12;
	s8 =	sshrl.u32 s18, $0x2;
	[smem:$0x7A6] =	sst s13  }
0x37: {  	s18 =	smul.u32 $0x18800, s28;
	s28 =	sadd.s32 s8, s22;
	[smem:$0x7A8] =	sst s14  }
0x38: {  	s31 =	sadd.s32 s8, s23;
	[smem:$0x7DF] =	sst s28  }
0x39: {  	[smem:$0x7E6] =	sst s31  }
0x3a: {  	s5 =	sshrl.u32 s16, $0x3;
	[dreg:$0xe] =	wrdreg s19  }
0x3b: {  	s16 =	sadd.s32 s13, s5;
	[dreg:$0xd] =	wrdreg s29  }
0x3c: {  	s13 =	sadd.s32 s14, s5;
	[smem:$0x7A7] =	sst s16  }
0x3d: {  	s5 =	sadd.s32 s20, s5;
	[smem:$0x7A9] =	sst s13  }
0x3e: {  	s17 =	sadd.s32 $0x133C00, s12;
	s20 =	sadd.s32 s9, s24;
	[smem:$0x7AA] =	sst s5  }
0x3f: {  	s15 =	sadd.s32 $0xD1C00, s12;
	s12 =	sadd.s32 s8, s21;
	[smem:$0x7AC] =	sst s20  }
0x40: {  	s16 =	smax.u32 s11, $0x1;
	[smem:$0x7D8] =	sst s12  }
0x41: {  	s11 =	sadd.s32 s9, s25;
	[smem:$0x7AB] =	sst s16  }
0x42: {  	s14 =	sshrl.u32 s18, $0x3;
	s20 =	sadd.s32 s9, s21;
	[smem:$0x7AD] =	sst s11  }
0x43: {  	s5 =	sadd.s32 s6, s14;
	s6 =	sadd.s32 s7, s22;
	[smem:$0x7AF] =	sst s20  }
0x44: {  	[smem:$0x7BC] =	sst s6  }
0x45: {  	s13 =	sadd.s32 s15, s14;
	[smem:$0x7D0] =	sst s5  }
0x46: {  	s14 =	sadd.s32 s17, s14;
	[smem:$0x7FB] =	sst s13  }
0x47: {  	s16 =	sadd.s32 s9, s26;
	[smem:$0x7FC] =	sst s14  }
0x48: {  	s11 =	sadd.s32 s9, s22;
	[smem:$0x7AE] =	sst s16  }
0x49: {  	s20 =	sadd.s32 s4, s24;
	[smem:$0x7B0] =	sst s11  }
0x4a: {  	s6 =	sadd.s32 s3, s21;
	[smem:$0x7B2] =	sst s20  }
0x4b: {  	s16 =	sadd.s32 s9, s23;
	[smem:$0x7C1] =	sst s6  }
0x4c: {  	s9 =	sadd.s32 s4, s25;
	[smem:$0x7B1] =	sst s16  }
0x4d: {  	s11 =	sadd.s32 s4, s26;
	[smem:$0x7B3] =	sst s9  }
0x4e: {  	s20 =	sadd.s32 s4, s22;
	[smem:$0x7B4] =	sst s11  }
0x4f: {  	s6 =	sadd.s32 s2, s24;
	[smem:$0x7B6] =	sst s20  }
0x50: {  	s16 =	sadd.s32 s4, s21;
	[smem:$0x7CA] =	sst s6  }
0x51: {  	s4 =	sadd.s32 s4, s23;
	[smem:$0x7B5] =	sst s16  }
0x52: {  	s9 =	sadd.s32 s7, s24;
	[smem:$0x7B7] =	sst s4  }
0x53: {  	s11 =	sadd.s32 s7, s25;
	[smem:$0x7B8] =	sst s9  }
0x54: {  	s20 =	sadd.s32 s7, s21;
	[smem:$0x7B9] =	sst s11  }
0x55: {  	s6 =	sadd.s32 $0xA80, s12;
	[smem:$0x7BB] =	sst s20  }
0x56: {  	s16 =	sadd.s32 s7, s26;
	[smem:$0x7D5] =	sst s6  }
0x57: {  	s9 =	sadd.s32 s7, s23;
	[smem:$0x7BA] =	sst s16  }
0x58: {  	s11 =	sadd.s32 s3, s24;
	[smem:$0x7BD] =	sst s9  }
0x59: {  	s20 =	sadd.s32 s3, s26;
	[smem:$0x7BE] =	sst s11  }
0x5a: {  	s7 =	sadd.s32 s3, s22;
	[smem:$0x7C0] =	sst s20  }
0x5b: {  	s4 =	sadd.s32 s0, s22;
	[smem:$0x7C2] =	sst s7  }
0x5c: {  	s6 =	sadd.s32 $0x380, s31;
	[smem:$0x7C8] =	sst s4  }
0x5d: {  	s16 =	sadd.s32 s3, s25;
	[smem:$0x7E1] =	sst s6  }
0x5e: {  	s3 =	sadd.s32 s3, s23;
	[smem:$0x7BF] =	sst s16  }
0x5f: {  	s9 =	sadd.s32 s0, s24;
	[smem:$0x7C3] =	sst s3  }
0x60: {  	s11 =	sadd.s32 s0, s25;
	[smem:$0x7C4] =	sst s9  }
0x61: {  	s20 =	sadd.s32 s0, s21;
	[smem:$0x7C5] =	sst s11  }
0x62: {  	s7 =	sadd.s32 s2, s25;
	[smem:$0x7C7] =	sst s20  }
0x63: {  	s4 =	sadd.s32 $0x380, s12;
	[smem:$0x7CB] =	sst s7  }
0x64: {  	s25 =	sadd.s32 s29, s25;
	[smem:$0x7D3] =	sst s4  }
0x65: {  	s6 =	sadd.s32 $0x33A0, s19;
	[smem:$0x7EA] =	sst s25  }
0x66: {  	s16 =	sadd.s32 s0, s26;
	[smem:$0x7F0] =	sst s6  }
0x67: {  	s0 =	sadd.s32 s0, s23;
	[smem:$0x7C6] =	sst s16  }
0x68: {  	s9 =	sadd.s32 s2, s26;
	[smem:$0x7C9] =	sst s0  }
0x69: {  	s11 =	sadd.s32 s2, s21;
	[smem:$0x7CC] =	sst s9  }
0x6a: {  	s20 =	sadd.s32 s2, s23;
	[smem:$0x7CD] =	sst s11  }
0x6b: {  	s3 =	sadd.s32 s29, s23;
	[smem:$0x7CF] =	sst s20  }
0x6c: {  	s7 =	sadd.s32 $0xE00, s12;
	[smem:$0x7D2] =	sst s3  }
0x6d: {  	s23 =	sadd.s32 $0x700, s28;
	[smem:$0x7D6] =	sst s7  }
0x6e: {  	s4 =	sadd.s32 $0x1180, s28;
	[smem:$0x7DB] =	sst s23  }
0x6f: {  	s25 =	sadd.s32 $0x64A0, s19;
	[smem:$0x7DE] =	sst s4  }
0x70: {  	s16 =	sadd.s32 s2, s22;
	[smem:$0x7F8] =	sst s25  }
0x71: {  	s2 =	sadd.s32 $0x1880, s5;
	[smem:$0x7CE] =	sst s16  }
0x72: {  	s5 =	sadd.s32 $0x700, s12;
	[smem:$0x7D1] =	sst s2  }
0x73: {  	s11 =	sadd.s32 $0x1180, s12;
	[smem:$0x7D4] =	sst s5  }
0x74: {  	s20 =	sadd.s32 $0x380, s28;
	[smem:$0x7D7] =	sst s11  }
0x75: {  	s3 =	sadd.s32 $0xE00, s28;
	[smem:$0x7DA] =	sst s20  }
0x76: {  	s7 =	sadd.s32 $0x700, s31;
	[smem:$0x7DD] =	sst s3  }
0x77: {  	s23 =	sadd.s32 s29, s24;
	[smem:$0x7E2] =	sst s7  }
0x78: {  	s8 =	smov.u32 s24;
	s24 =	sadd.s32 $0x3100, s19;
	[smem:$0x7E8] =	sst s23  }
0x79: {  	s4 =	sadd.s32 $0x32C0, s19;
	[smem:$0x7E9] =	sst s24  }
0x7a: {  	s9 =	sor.u32 $0x400, s18;
	[smem:$0x7EE] =	sst s4  }
0x7b: {  	s16 =	sadd.s32 $0x1500, s12;
	[smem:$0x7FD] =	sst s9  }
0x7c: {  	s2 =	sadd.s32 $0xA80, s28;
	[smem:$0x7D9] =	sst s16  }
0x7d: {  	s5 =	sadd.s32 $0x1500, s28;
	[smem:$0x7DC] =	sst s2  }
0x7e: {  	s11 =	sadd.s32 $0xA80, s31;
	[smem:$0x7E0] =	sst s5  }
0x7f: {  	s12 =	sadd.s32 $0xE00, s31;
	[smem:$0x7E3] =	sst s11  }
0x80: {  	s20 =	sadd.s32 $0x1500, s31;
	[smem:$0x7E4] =	sst s12  }
0x81: {  	s28 =	sadd.s32 $0x3170, s19;
	[smem:$0x7E7] =	sst s20  }
0x82: {  	s3 =	sadd.s32 $0x3250, s19;
	[smem:$0x7EB] =	sst s28  }
0x83: {  	s7 =	sadd.s32 $0x6200, s19;
	[smem:$0x7ED] =	sst s3  }
0x84: {  	s23 =	sadd.s32 $0x63C0, s19;
	[smem:$0x7F1] =	sst s7  }
0x85: {  	s24 =	sadd.s32 $0x6430, s19;
	[smem:$0x7F6] =	sst s23  }
0x86: {  	s16 =	sadd.s32 $0x1180, s31;
	[smem:$0x7F7] =	sst s24  }
0x87: {  	s2 =	sadd.s32 $0x31E0, s19;
	[smem:$0x7E5] =	sst s16  }
0x88: {  	s5 =	sadd.s32 $0x3330, s19;
	[smem:$0x7EC] =	sst s2  }
0x89: {  	s4 =	simm.s32 $0x13000;
	s11 =	sadd.s32 s29, s26;
	[smem:$0x7EF] =	sst s5  }
0x8a: {  	s12 =	sadd.s32 $0x6270, s19;
	s20 =	sadd.s32 $0x6350, s19;
	[smem:$0x7F2] =	sst s11  }
0x8b: {  	s26 =	sadd.s32 s29, s21;
	s28 =	sadd.s32 s29, s22;
	[smem:$0x7F3] =	sst s12  }
0x8c: {  	s7 =	simm.s32 $0x13800;
	s21 =	simm.s32 $0x3000;
	[smem:$0x7F5] =	sst s20  }
0x8d: {  	v0 =	vimm.s32 $0xFFFFFFFF;
	v1 =	vimm.f32 $1.000000000e+00;
	v2 =	vimm.f32 $0.0e+00;
	s31 =	simm.s32 $0x1;
	s3 =	simm.s32 $0x0;
	[smem:$0x7F9] =	sst s26  }
0x8e: {  	v4 =	vimm.s32 $0x0;
	vm0 =	vcmask $0x300;
	v3 =	vlaneseq.u32;
	s16 =	sadd.s32 $0x62E0, s19;
	[smem:$0x7FA] =	sst s28;
	s11 =	simm.s32 $0x3  }
0x8f: {  	v4 =	vsel vm0, $0x7, v4;
	v5 =	vadd.s32 $0x1, v3;
	vm0 =	vcmask $0x3F3C;
	s19 =	simm.s32 $0x400;
	s26 =	simm.s32 $0x2C00;
	s12 =	simm.s32 $0x2  }
0x90: {  	v6 =	vadd.s32 $0x21, v3;
	v7 =	vadd.s32 $0x41, v3;
	v8 =	vadd.s32 $0x61, v3;
	s2 =	simm.s32 $0x6C00;
	[smem:$0x7F4] =	sst s16;
	s16 =	simm.s32 $0x800  }
.LBB2_1:
0x91: {  	[smem:$0x799] =	sst s3;
	s0 =	simm.s32 $0x40;
	s3 =	simm.s32 $0x0  }
.LBB2_2:
0x92: {  	p0 =	sne.s32 s0, $0x1FC0;
	[tilespmem:s3+$0x13000] =	vst v0;
	s3 =	smov.u32 s0;
	s0 =	sadd.s32 $0x40, s0  }
.Ltmp0:
0x93: {  	(pc) =	sbr.rel @p0 .LBB2_2-.Ltmp0, $2  }
0x94: {  	_ =	sdelay $0x2  }
0x95: {  	s3 =	sshra.s32 s3, $0x2  }
0x96: {  	[tilespmem:s3+$0x13000] =	vst v0;
	s0 =	simm.s32 $0x40;
	s3 =	simm.s32 $0x0  }
.LBB2_4:
0x97: {  	p0 =	sne.s32 s0, $0xFC0;
	[tilespmem:s3+$0x6000] =	vst v1;
	s3 =	smov.u32 s0;
	s0 =	sadd.s32 $0x40, s0  }
.Ltmp1:
0x98: {  	(pc) =	sbr.rel @p0 .LBB2_4-.Ltmp1, $2  }
0x99: {  	_ =	sdelay $0x2  }
0x9a: {  	s3 =	sshra.s32 s3, $0x2  }
0x9b: {  	[tilespmem:s3+$0x6000] =	vst v1;
	s0 =	simm.s32 $0x40;
	s3 =	simm.s32 $0x0  }
.LBB2_6:
0x9c: {  	p0 =	sne.s32 s0, $0xFC0;
	[tilespmem:s3+$0x13800] =	vst v2;
	s3 =	smov.u32 s0;
	s0 =	sadd.s32 $0x40, s0  }
.Ltmp2:
0x9d: {  	(pc) =	sbr.rel @p0 .LBB2_6-.Ltmp2, $2  }
0x9e: {  	_ =	sdelay $0x2  }
0x9f: {  	s3 =	sshra.s32 s3, $0x2  }
0xa0: {  	s0 =	sld [smem:$0x7D8];
	_ =	sdelay $0x1  }
0xa1: {  	[tilespmem:s3+$0x13800] =	vst v2  }
0xa2: {  	[spmem:s0] =	stream.linear.scatter [tilespmem:s7], [sflag:$0x3], $0x380, $0x38;
	[tilespmem:$0x1E780] =	vst v63  }
0xa3: {  	_ =	swait.ge [sflag:s11], $0x380  }
0xa4: {  	s22 =	sld [smem:$0x7D3]  }
0xa5: {  	[sflag:s11] =	ssyncset.done $0x0  }
0xa6: {  	[sflag:s11] =	ssyncadd.s32 $0xFFFFFC80  }
0xa7: {  	[spmem:s22] =	stream.linear.scatter [tilespmem:s7], [sflag:$0x3], $0x380, $0x38;
	[tilespmem:$0x1E780] =	vst v63  }
0xa8: {  	_ =	swait.ge [sflag:s11], $0x380  }
0xa9: {  	s23 =	sld [smem:$0x7D4]  }
0xaa: {  	[sflag:s11] =	ssyncset.done $0x0  }
0xab: {  	[sflag:s11] =	ssyncadd.s32 $0xFFFFFC80  }
0xac: {  	[spmem:s23] =	stream.linear.scatter [tilespmem:s7], [sflag:$0x3], $0x380, $0x38;
	[tilespmem:$0x1E780] =	vst v63  }
0xad: {  	_ =	swait.ge [sflag:s11], $0x380  }
0xae: {  	s24 =	sld [smem:$0x7D5]  }
0xaf: {  	[sflag:s11] =	ssyncset.done $0x0  }
0xb0: {  	[sflag:s11] =	ssyncadd.s32 $0xFFFFFC80  }
0xb1: {  	[spmem:s24] =	stream.linear.scatter [tilespmem:s7], [sflag:$0x3], $0x380, $0x38;
	[tilespmem:$0x1E780] =	vst v63  }
0xb2: {  	_ =	swait.ge [sflag:s11], $0x380  }
0xb3: {  	s25 =	sld [smem:$0x7D6]  }
0xb4: {  	[sflag:s11] =	ssyncset.done $0x0  }
0xb5: {  	[sflag:s11] =	ssyncadd.s32 $0xFFFFFC80  }
0xb6: {  	[spmem:s25] =	stream.linear.scatter [tilespmem:s7], [sflag:$0x3], $0x380, $0x38;
	[tilespmem:$0x1E780] =	vst v63  }
0xb7: {  	_ =	swait.ge [sflag:s11], $0x380  }
0xb8: {  	s28 =	sld [smem:$0x7D7]  }
0xb9: {  	[sflag:s11] =	ssyncset.done $0x0  }
0xba: {  	[sflag:s11] =	ssyncadd.s32 $0xFFFFFC80  }
0xbb: {  	[spmem:s28] =	stream.linear.scatter [tilespmem:s7], [sflag:$0x3], $0x380, $0x38;
	[tilespmem:$0x1E780] =	vst v63  }
0xbc: {  	_ =	swait.ge [sflag:s11], $0x380  }
0xbd: {  	s3 =	sld [smem:$0x7D9]  }
0xbe: {  	[sflag:s11] =	ssyncset.done $0x0  }
0xbf: {  	[sflag:s11] =	ssyncadd.s32 $0xFFFFFC80  }
0xc0: {  	[spmem:s3] =	stream.linear.scatter [tilespmem:s7], [sflag:$0x3], $0x380, $0x38;
	[tilespmem:$0x1E780] =	vst v63  }
0xc1: {  	_ =	swait.ge [sflag:s11], $0x380  }
0xc2: {  	s5 =	sld [smem:$0x7DF]  }
0xc3: {  	[sflag:s11] =	ssyncset.done $0x0  }
0xc4: {  	[sflag:s11] =	ssyncadd.s32 $0xFFFFFC80  }
0xc5: {  	[spmem:s5] =	stream.linear.scatter [tilespmem:s7], [sflag:$0x3], $0x380, $0x38;
	[tilespmem:$0x1E780] =	vst v63  }
0xc6: {  	_ =	swait.ge [sflag:s11], $0x380  }
0xc7: {  	s6 =	sld [smem:$0x7DA]  }
0xc8: {  	[sflag:s11] =	ssyncset.done $0x0  }
0xc9: {  	[sflag:s11] =	ssyncadd.s32 $0xFFFFFC80  }
0xca: {  	[spmem:s6] =	stream.linear.scatter [tilespmem:s7], [sflag:$0x3], $0x380, $0x38;
	[tilespmem:$0x1E780] =	vst v63  }
0xcb: {  	_ =	swait.ge [sflag:s11], $0x380  }
0xcc: {  	s9 =	sld [smem:$0x7DB]  }
0xcd: {  	[sflag:s11] =	ssyncset.done $0x0  }
0xce: {  	[sflag:s11] =	ssyncadd.s32 $0xFFFFFC80  }
0xcf: {  	[spmem:s9] =	stream.linear.scatter [tilespmem:s7], [sflag:$0x3], $0x380, $0x38;
	[tilespmem:$0x1E780] =	vst v63  }
0xd0: {  	_ =	swait.ge [sflag:s11], $0x380  }
0xd1: {  	s13 =	sld [smem:$0x7DC]  }
0xd2: {  	[sflag:s11] =	ssyncset.done $0x0  }
0xd3: {  	[sflag:s11] =	ssyncadd.s32 $0xFFFFFC80  }
0xd4: {  	[spmem:s13] =	stream.linear.scatter [tilespmem:s7], [sflag:$0x3], $0x380, $0x38;
	[tilespmem:$0x1E780] =	vst v63  }
0xd5: {  	_ =	swait.ge [sflag:s11], $0x380  }
0xd6: {  	s14 =	sld [smem:$0x7DD]  }
0xd7: {  	[sflag:s11] =	ssyncset.done $0x0  }
0xd8: {  	[sflag:s11] =	ssyncadd.s32 $0xFFFFFC80  }
0xd9: {  	[spmem:s14] =	stream.linear.scatter [tilespmem:s7], [sflag:$0x3], $0x380, $0x38;
	[tilespmem:$0x1E780] =	vst v63  }
0xda: {  	_ =	swait.ge [sflag:s11], $0x380  }
0xdb: {  	s20 =	sld [smem:$0x7DE]  }
0xdc: {  	[sflag:s11] =	ssyncset.done $0x0  }
0xdd: {  	[sflag:s11] =	ssyncadd.s32 $0xFFFFFC80  }
0xde: {  	[spmem:s20] =	stream.linear.scatter [tilespmem:s7], [sflag:$0x3], $0x380, $0x38;
	[tilespmem:$0x1E780] =	vst v63  }
0xdf: {  	_ =	swait.ge [sflag:s11], $0x380  }
0xe0: {  	s22 =	sld [smem:$0x7E0]  }
0xe1: {  	[sflag:s11] =	ssyncset.done $0x0  }
0xe2: {  	[sflag:s11] =	ssyncadd.s32 $0xFFFFFC80  }
0xe3: {  	[spmem:s22] =	stream.linear.scatter [tilespmem:s7], [sflag:$0x3], $0x380, $0x38;
	[tilespmem:$0x1E780] =	vst v63  }
0xe4: {  	_ =	swait.ge [sflag:s11], $0x380  }
0xe5: {  	s23 =	sld [smem:$0x7E6]  }
0xe6: {  	[sflag:s11] =	ssyncset.done $0x0  }
0xe7: {  	[sflag:s11] =	ssyncadd.s32 $0xFFFFFC80  }
0xe8: {  	[spmem:s23] =	stream.linear.scatter [tilespmem:s7], [sflag:$0x3], $0x380, $0x38;
	[tilespmem:$0x1E780] =	vst v63  }
0xe9: {  	_ =	swait.ge [sflag:s11], $0x380  }
0xea: {  	s24 =	sld [smem:$0x7E1]  }
0xeb: {  	[sflag:s11] =	ssyncset.done $0x0  }
0xec: {  	[sflag:s11] =	ssyncadd.s32 $0xFFFFFC80  }
0xed: {  	[spmem:s24] =	stream.linear.scatter [tilespmem:s7], [sflag:$0x3], $0x380, $0x38;
	[tilespmem:$0x1E780] =	vst v63  }
0xee: {  	_ =	swait.ge [sflag:s11], $0x380  }
0xef: {  	s25 =	sld [smem:$0x7E2]  }
0xf0: {  	[sflag:s11] =	ssyncset.done $0x0  }
0xf1: {  	[sflag:s11] =	ssyncadd.s32 $0xFFFFFC80  }
0xf2: {  	[spmem:s25] =	stream.linear.scatter [tilespmem:s7], [sflag:$0x3], $0x380, $0x38;
	[tilespmem:$0x1E780] =	vst v63  }
0xf3: {  	_ =	swait.ge [sflag:s11], $0x380  }
0xf4: {  	s28 =	sld [smem:$0x7E3]  }
0xf5: {  	[sflag:s11] =	ssyncset.done $0x0  }
0xf6: {  	[sflag:s11] =	ssyncadd.s32 $0xFFFFFC80  }
0xf7: {  	[spmem:s28] =	stream.linear.scatter [tilespmem:s7], [sflag:$0x3], $0x380, $0x38;
	[tilespmem:$0x1E780] =	vst v63  }
0xf8: {  	_ =	swait.ge [sflag:s11], $0x380  }
0xf9: {  	s3 =	sld [smem:$0x7E4]  }
0xfa: {  	[sflag:s11] =	ssyncset.done $0x0  }
0xfb: {  	[sflag:s11] =	ssyncadd.s32 $0xFFFFFC80  }
0xfc: {  	[spmem:s3] =	stream.linear.scatter [tilespmem:s7], [sflag:$0x3], $0x380, $0x38;
	[tilespmem:$0x1E780] =	vst v63  }
0xfd: {  	_ =	swait.ge [sflag:s11], $0x380  }
0xfe: {  	s5 =	sld [smem:$0x7E5]  }
0xff: {  	[sflag:s11] =	ssyncset.done $0x0  }
0x100: {  	[sflag:s11] =	ssyncadd.s32 $0xFFFFFC80  }
0x101: {  	[spmem:s5] =	stream.linear.scatter [tilespmem:s7], [sflag:$0x3], $0x380, $0x38;
	[tilespmem:$0x1E780] =	vst v63  }
0x102: {  	_ =	swait.ge [sflag:s11], $0x380  }
0x103: {  	s6 =	sld [smem:$0x7E7]  }
0x104: {  	[sflag:s11] =	ssyncset.done $0x0  }
0x105: {  	[sflag:s11] =	ssyncadd.s32 $0xFFFFFC80  }
0x106: {  	[spmem:s6] =	stream.linear.scatter [tilespmem:s7], [sflag:$0x3], $0x380, $0x38;
	[tilespmem:$0x1E780] =	vst v63  }
0x107: {  	_ =	swait.ge [sflag:s11], $0x380  }
0x108: {  	[sflag:s11] =	ssyncset.done $0x0  }
0x109: {  	s0 =	simm.s32 $0x0;
	s9 =	rddreg [dreg:$0xe];
	[sflag:s11] =	ssyncadd.s32 $0xFFFFFC80  }
0x10a: {  	[tilespmem:s7], [sflag:$0x3] =	stream.linear.gather [hbm4b:s9+s0], $0x380, $0x38;
	[tilespmem:$0x1E780] =	vst v63  }
0x10b: {  	_ =	swait.ge [sflag:s11], $0x380  }
0x10c: {  	s13 =	sld [smem:$0x7E8]  }
0x10d: {  	[sflag:s11] =	ssyncset.done $0x0  }
0x10e: {  	[sflag:s11] =	ssyncadd.s32 $0xFFFFFC80  }
0x10f: {  	[spmem:s13] =	stream.linear.scatter [tilespmem:s7], [sflag:$0x3], $0x380, $0x38;
	[tilespmem:$0x1E780] =	vst v63  }
0x110: {  	_ =	swait.ge [sflag:s11], $0x380  }
0x111: {  	[sflag:s11] =	ssyncset.done $0x0  }
0x112: {  	s14 =	rddreg [dreg:$0xf];
	[sflag:s11] =	ssyncadd.s32 $0xFFFFFC80  }
0x113: {  	[tilespmem:s7], [sflag:$0x3] =	stream.linear.gather [hbm4b:s14+s0], $0x380, $0x38;
	[tilespmem:$0x1E780] =	vst v63  }
0x114: {  	_ =	swait.ge [sflag:s11], $0x380  }
0x115: {  	s20 =	sld [smem:$0x7AC]  }
0x116: {  	[sflag:s11] =	ssyncset.done $0x0  }
0x117: {  	[sflag:s11] =	ssyncadd.s32 $0xFFFFFC80  }
0x118: {  	[spmem:s20] =	stream.linear.scatter [tilespmem:s7], [sflag:$0x3], $0x380, $0x38;
	[tilespmem:$0x1E780] =	vst v63  }
0x119: {  	_ =	swait.ge [sflag:s11], $0x380  }
0x11a: {  	[sflag:s11] =	ssyncset.done $0x0  }
0x11b: {  	s22 =	rddreg [dreg:$0x10];
	[sflag:s11] =	ssyncadd.s32 $0xFFFFFC80  }
0x11c: {  	[tilespmem:s7], [sflag:$0x3] =	stream.linear.gather [hbm4b:s22+s0], $0x380, $0x38;
	[tilespmem:$0x1E780] =	vst v63  }
0x11d: {  	_ =	swait.ge [sflag:s11], $0x380  }
0x11e: {  	s23 =	sld [smem:$0x7B2]  }
0x11f: {  	[sflag:s11] =	ssyncset.done $0x0  }
0x120: {  	[sflag:s11] =	ssyncadd.s32 $0xFFFFFC80  }
0x121: {  	[spmem:s23] =	stream.linear.scatter [tilespmem:s7], [sflag:$0x3], $0x380, $0x38;
	[tilespmem:$0x1E780] =	vst v63  }
0x122: {  	_ =	swait.ge [sflag:s11], $0x380  }
0x123: {  	[sflag:s11] =	ssyncset.done $0x0  }
0x124: {  	s24 =	rddreg [dreg:$0x11];
	[sflag:s11] =	ssyncadd.s32 $0xFFFFFC80  }
0x125: {  	[tilespmem:s7], [sflag:$0x3] =	stream.linear.gather [hbm4b:s24+s0], $0x380, $0x38;
	[tilespmem:$0x1E780] =	vst v63  }
0x126: {  	_ =	swait.ge [sflag:s11], $0x380  }
0x127: {  	s25 =	sld [smem:$0x7B8]  }
0x128: {  	[sflag:s11] =	ssyncset.done $0x0  }
0x129: {  	[sflag:s11] =	ssyncadd.s32 $0xFFFFFC80  }
0x12a: {  	[spmem:s25] =	stream.linear.scatter [tilespmem:s7], [sflag:$0x3], $0x380, $0x38;
	[tilespmem:$0x1E780] =	vst v63  }
0x12b: {  	_ =	swait.ge [sflag:s11], $0x380  }
0x12c: {  	[sflag:s11] =	ssyncset.done $0x0  }
0x12d: {  	s28 =	rddreg [dreg:$0x12];
	[sflag:s11] =	ssyncadd.s32 $0xFFFFFC80  }
0x12e: {  	[tilespmem:s7], [sflag:$0x3] =	stream.linear.gather [hbm4b:s28+s0], $0x380, $0x38;
	[tilespmem:$0x1E780] =	vst v63  }
0x12f: {  	_ =	swait.ge [sflag:s11], $0x380  }
0x130: {  	s5 =	sld [smem:$0x7BE]  }
0x131: {  	[sflag:s11] =	ssyncset.done $0x0  }
0x132: {  	[sflag:s11] =	ssyncadd.s32 $0xFFFFFC80  }
0x133: {  	[spmem:s5] =	stream.linear.scatter [tilespmem:s7], [sflag:$0x3], $0x380, $0x38;
	[tilespmem:$0x1E780] =	vst v63  }
0x134: {  	_ =	swait.ge [sflag:s11], $0x380  }
0x135: {  	[sflag:s11] =	ssyncset.done $0x0  }
0x136: {  	s6 =	rddreg [dreg:$0x13];
	[sflag:s11] =	ssyncadd.s32 $0xFFFFFC80  }
0x137: {  	[tilespmem:s7], [sflag:$0x3] =	stream.linear.gather [hbm4b:s6+s0], $0x380, $0x38;
	[tilespmem:$0x1E780] =	vst v63  }
0x138: {  	_ =	swait.ge [sflag:s11], $0x380  }
0x139: {  	s9 =	sld [smem:$0x7C4]  }
0x13a: {  	[sflag:s11] =	ssyncset.done $0x0  }
0x13b: {  	[sflag:s11] =	ssyncadd.s32 $0xFFFFFC80  }
0x13c: {  	[spmem:s9] =	stream.linear.scatter [tilespmem:s7], [sflag:$0x3], $0x380, $0x38;
	[tilespmem:$0x1E780] =	vst v63  }
0x13d: {  	_ =	swait.ge [sflag:s11], $0x380  }
0x13e: {  	[sflag:s11] =	ssyncset.done $0x0  }
0x13f: {  	s13 =	rddreg [dreg:$0x14];
	[sflag:s11] =	ssyncadd.s32 $0xFFFFFC80  }
0x140: {  	[tilespmem:s7], [sflag:$0x3] =	stream.linear.gather [hbm4b:s13+s0], $0x380, $0x38;
	[tilespmem:$0x1E780] =	vst v63  }
0x141: {  	_ =	swait.ge [sflag:s11], $0x380  }
0x142: {  	s14 =	sld [smem:$0x7CA]  }
0x143: {  	[sflag:s11] =	ssyncset.done $0x0  }
0x144: {  	[sflag:s11] =	ssyncadd.s32 $0xFFFFFC80  }
0x145: {  	[spmem:s14] =	stream.linear.scatter [tilespmem:s7], [sflag:$0x3], $0x380, $0x38;
	[tilespmem:$0x1E780] =	vst v63  }
0x146: {  	_ =	swait.ge [sflag:s11], $0x380  }
0x147: {  	s20 =	sld [smem:$0x7E9]  }
0x148: {  	[sflag:s11] =	ssyncset.done $0x0  }
0x149: {  	[sflag:s11] =	ssyncadd.s32 $0xFFFFFC80  }
0x14a: {  	[tilespmem:s7], [sflag:$0x3] =	stream.linear.gather [hbm4b:s20+s0], $0x380, $0x38;
	[tilespmem:$0x1E780] =	vst v63  }
0x14b: {  	_ =	swait.ge [sflag:s11], $0x380  }
0x14c: {  	s22 =	sld [smem:$0x7EA]  }
0x14d: {  	[sflag:s11] =	ssyncset.done $0x0  }
0x14e: {  	[sflag:s11] =	ssyncadd.s32 $0xFFFFFC80  }
0x14f: {  	[spmem:s22] =	stream.linear.scatter [tilespmem:s7], [sflag:$0x3], $0x380, $0x38;
	[tilespmem:$0x1E780] =	vst v63  }
0x150: {  	_ =	swait.ge [sflag:s11], $0x380  }
0x151: {  	s23 =	sld [smem:$0x7EB]  }
0x152: {  	[sflag:s11] =	ssyncset.done $0x0  }
0x153: {  	[sflag:s11] =	ssyncadd.s32 $0xFFFFFC80  }
0x154: {  	[tilespmem:s7], [sflag:$0x3] =	stream.linear.gather [hbm4b:s23+s0], $0x380, $0x38;
	[tilespmem:$0x1E780] =	vst v63  }
0x155: {  	_ =	swait.ge [sflag:s11], $0x380  }
0x156: {  	s24 =	sld [smem:$0x7AD]  }
0x157: {  	[sflag:s11] =	ssyncset.done $0x0  }
0x158: {  	[sflag:s11] =	ssyncadd.s32 $0xFFFFFC80  }
0x159: {  	[spmem:s24] =	stream.linear.scatter [tilespmem:s7], [sflag:$0x3], $0x380, $0x38;
	[tilespmem:$0x1E780] =	vst v63  }
0x15a: {  	_ =	swait.ge [sflag:s11], $0x380  }
0x15b: {  	s25 =	sld [smem:$0x7EC]  }
0x15c: {  	[sflag:s11] =	ssyncset.done $0x0  }
0x15d: {  	[sflag:s11] =	ssyncadd.s32 $0xFFFFFC80  }
0x15e: {  	[tilespmem:s7], [sflag:$0x3] =	stream.linear.gather [hbm4b:s25+s0], $0x380, $0x38;
	[tilespmem:$0x1E780] =	vst v63  }
0x15f: {  	_ =	swait.ge [sflag:s11], $0x380  }
0x160: {  	s28 =	sld [smem:$0x7B3]  }
0x161: {  	[sflag:s11] =	ssyncset.done $0x0  }
0x162: {  	[sflag:s11] =	ssyncadd.s32 $0xFFFFFC80  }
0x163: {  	[spmem:s28] =	stream.linear.scatter [tilespmem:s7], [sflag:$0x3], $0x380, $0x38;
	[tilespmem:$0x1E780] =	vst v63  }
0x164: {  	_ =	swait.ge [sflag:s11], $0x380  }
0x165: {  	s5 =	sld [smem:$0x7ED]  }
0x166: {  	[sflag:s11] =	ssyncset.done $0x0  }
0x167: {  	[sflag:s11] =	ssyncadd.s32 $0xFFFFFC80  }
0x168: {  	[tilespmem:s7], [sflag:$0x3] =	stream.linear.gather [hbm4b:s5+s0], $0x380, $0x38;
	[tilespmem:$0x1E780] =	vst v63  }
0x169: {  	_ =	swait.ge [sflag:s11], $0x380  }
0x16a: {  	s6 =	sld [smem:$0x7B9]  }
0x16b: {  	[sflag:s11] =	ssyncset.done $0x0  }
0x16c: {  	[sflag:s11] =	ssyncadd.s32 $0xFFFFFC80  }
0x16d: {  	[spmem:s6] =	stream.linear.scatter [tilespmem:s7], [sflag:$0x3], $0x380, $0x38;
	[tilespmem:$0x1E780] =	vst v63  }
0x16e: {  	_ =	swait.ge [sflag:s11], $0x380  }
0x16f: {  	s9 =	sld [smem:$0x7EE]  }
0x170: {  	[sflag:s11] =	ssyncset.done $0x0  }
0x171: {  	[sflag:s11] =	ssyncadd.s32 $0xFFFFFC80  }
0x172: {  	[tilespmem:s7], [sflag:$0x3] =	stream.linear.gather [hbm4b:s9+s0], $0x380, $0x38;
	[tilespmem:$0x1E780] =	vst v63  }
0x173: {  	_ =	swait.ge [sflag:s11], $0x380  }
0x174: {  	s13 =	sld [smem:$0x7BF]  }
0x175: {  	[sflag:s11] =	ssyncset.done $0x0  }
0x176: {  	[sflag:s11] =	ssyncadd.s32 $0xFFFFFC80  }
0x177: {  	[spmem:s13] =	stream.linear.scatter [tilespmem:s7], [sflag:$0x3], $0x380, $0x38;
	[tilespmem:$0x1E780] =	vst v63  }
0x178: {  	_ =	swait.ge [sflag:s11], $0x380  }
0x179: {  	s14 =	sld [smem:$0x7EF]  }
0x17a: {  	[sflag:s11] =	ssyncset.done $0x0  }
0x17b: {  	[sflag:s11] =	ssyncadd.s32 $0xFFFFFC80  }
0x17c: {  	[tilespmem:s7], [sflag:$0x3] =	stream.linear.gather [hbm4b:s14+s0], $0x380, $0x38;
	[tilespmem:$0x1E780] =	vst v63  }
0x17d: {  	_ =	swait.ge [sflag:s11], $0x380  }
0x17e: {  	s20 =	sld [smem:$0x7C5]  }
0x17f: {  	[sflag:s11] =	ssyncset.done $0x0  }
0x180: {  	[sflag:s11] =	ssyncadd.s32 $0xFFFFFC80  }
0x181: {  	[spmem:s20] =	stream.linear.scatter [tilespmem:s7], [sflag:$0x3], $0x380, $0x38;
	[tilespmem:$0x1E780] =	vst v63  }
0x182: {  	_ =	swait.ge [sflag:s11], $0x380  }
0x183: {  	s22 =	sld [smem:$0x7F0]  }
0x184: {  	[sflag:s11] =	ssyncset.done $0x0  }
0x185: {  	[sflag:s11] =	ssyncadd.s32 $0xFFFFFC80  }
0x186: {  	[tilespmem:s7], [sflag:$0x3] =	stream.linear.gather [hbm4b:s22+s0], $0x380, $0x38;
	[tilespmem:$0x1E780] =	vst v63  }
0x187: {  	_ =	swait.ge [sflag:s11], $0x380  }
0x188: {  	s23 =	sld [smem:$0x7CB]  }
0x189: {  	[sflag:s11] =	ssyncset.done $0x0  }
0x18a: {  	[sflag:s11] =	ssyncadd.s32 $0xFFFFFC80  }
0x18b: {  	[spmem:s23] =	stream.linear.scatter [tilespmem:s7], [sflag:$0x3], $0x380, $0x38;
	[tilespmem:$0x1E780] =	vst v63  }
0x18c: {  	_ =	swait.ge [sflag:s11], $0x380  }
0x18d: {  	s24 =	sld [smem:$0x7F1]  }
0x18e: {  	[sflag:s11] =	ssyncset.done $0x0  }
0x18f: {  	[sflag:s11] =	ssyncadd.s32 $0xFFFFFC80  }
0x190: {  	[tilespmem:s7], [sflag:$0x3] =	stream.linear.gather [hbm4b:s24+s0], $0x380, $0x38;
	[tilespmem:$0x1E780] =	vst v63  }
0x191: {  	_ =	swait.ge [sflag:s11], $0x380  }
0x192: {  	s25 =	sld [smem:$0x7F2]  }
0x193: {  	[sflag:s11] =	ssyncset.done $0x0  }
0x194: {  	[sflag:s11] =	ssyncadd.s32 $0xFFFFFC80  }
0x195: {  	[spmem:s25] =	stream.linear.scatter [tilespmem:s7], [sflag:$0x3], $0x380, $0x38;
	[tilespmem:$0x1E780] =	vst v63  }
0x196: {  	_ =	swait.ge [sflag:s11], $0x380  }
0x197: {  	s28 =	sld [smem:$0x7F3]  }
0x198: {  	[sflag:s11] =	ssyncset.done $0x0  }
0x199: {  	[sflag:s11] =	ssyncadd.s32 $0xFFFFFC80  }
0x19a: {  	[tilespmem:s7], [sflag:$0x3] =	stream.linear.gather [hbm4b:s28+s0], $0x380, $0x38;
	[tilespmem:$0x1E780] =	vst v63  }
0x19b: {  	_ =	swait.ge [sflag:s11], $0x380  }
0x19c: {  	s5 =	sld [smem:$0x7AE]  }
0x19d: {  	[sflag:s11] =	ssyncset.done $0x0  }
0x19e: {  	[sflag:s11] =	ssyncadd.s32 $0xFFFFFC80  }
0x19f: {  	[spmem:s5] =	stream.linear.scatter [tilespmem:s7], [sflag:$0x3], $0x380, $0x38;
	[tilespmem:$0x1E780] =	vst v63  }
0x1a0: {  	_ =	swait.ge [sflag:s11], $0x380  }
0x1a1: {  	s6 =	sld [smem:$0x7F4]  }
0x1a2: {  	[sflag:s11] =	ssyncset.done $0x0  }
0x1a3: {  	[sflag:s11] =	ssyncadd.s32 $0xFFFFFC80  }
0x1a4: {  	[tilespmem:s7], [sflag:$0x3] =	stream.linear.gather [hbm4b:s6+s0], $0x380, $0x38;
	[tilespmem:$0x1E780] =	vst v63  }
0x1a5: {  	_ =	swait.ge [sflag:s11], $0x380  }
0x1a6: {  	s9 =	sld [smem:$0x7B4]  }
0x1a7: {  	[sflag:s11] =	ssyncset.done $0x0  }
0x1a8: {  	[sflag:s11] =	ssyncadd.s32 $0xFFFFFC80  }
0x1a9: {  	[spmem:s9] =	stream.linear.scatter [tilespmem:s7], [sflag:$0x3], $0x380, $0x38;
	[tilespmem:$0x1E780] =	vst v63  }
0x1aa: {  	_ =	swait.ge [sflag:s11], $0x380  }
0x1ab: {  	s13 =	sld [smem:$0x7F5]  }
0x1ac: {  	[sflag:s11] =	ssyncset.done $0x0  }
0x1ad: {  	[sflag:s11] =	ssyncadd.s32 $0xFFFFFC80  }
0x1ae: {  	[tilespmem:s7], [sflag:$0x3] =	stream.linear.gather [hbm4b:s13+s0], $0x380, $0x38;
	[tilespmem:$0x1E780] =	vst v63  }
0x1af: {  	_ =	swait.ge [sflag:s11], $0x380  }
0x1b0: {  	s14 =	sld [smem:$0x7BA]  }
0x1b1: {  	[sflag:s11] =	ssyncset.done $0x0  }
0x1b2: {  	[sflag:s11] =	ssyncadd.s32 $0xFFFFFC80  }
0x1b3: {  	[spmem:s14] =	stream.linear.scatter [tilespmem:s7], [sflag:$0x3], $0x380, $0x38;
	[tilespmem:$0x1E780] =	vst v63  }
0x1b4: {  	_ =	swait.ge [sflag:s11], $0x380  }
0x1b5: {  	s20 =	sld [smem:$0x7F6]  }
0x1b6: {  	[sflag:s11] =	ssyncset.done $0x0  }
0x1b7: {  	[sflag:s11] =	ssyncadd.s32 $0xFFFFFC80  }
0x1b8: {  	[tilespmem:s7], [sflag:$0x3] =	stream.linear.gather [hbm4b:s20+s0], $0x380, $0x38;
	[tilespmem:$0x1E780] =	vst v63  }
0x1b9: {  	_ =	swait.ge [sflag:s11], $0x380  }
0x1ba: {  	s22 =	sld [smem:$0x7C0]  }
0x1bb: {  	[sflag:s11] =	ssyncset.done $0x0  }
0x1bc: {  	[sflag:s11] =	ssyncadd.s32 $0xFFFFFC80  }
0x1bd: {  	[spmem:s22] =	stream.linear.scatter [tilespmem:s7], [sflag:$0x3], $0x380, $0x38;
	[tilespmem:$0x1E780] =	vst v63  }
0x1be: {  	_ =	swait.ge [sflag:s11], $0x380  }
0x1bf: {  	s23 =	sld [smem:$0x7F7]  }
0x1c0: {  	[sflag:s11] =	ssyncset.done $0x0  }
0x1c1: {  	[sflag:s11] =	ssyncadd.s32 $0xFFFFFC80  }
0x1c2: {  	[tilespmem:s7], [sflag:$0x3] =	stream.linear.gather [hbm4b:s23+s0], $0x380, $0x38;
	[tilespmem:$0x1E780] =	vst v63  }
0x1c3: {  	_ =	swait.ge [sflag:s11], $0x380  }
0x1c4: {  	s24 =	sld [smem:$0x7C6]  }
0x1c5: {  	[sflag:s11] =	ssyncset.done $0x0  }
0x1c6: {  	[sflag:s11] =	ssyncadd.s32 $0xFFFFFC80  }
0x1c7: {  	[spmem:s24] =	stream.linear.scatter [tilespmem:s7], [sflag:$0x3], $0x380, $0x38;
	[tilespmem:$0x1E780] =	vst v63  }
0x1c8: {  	_ =	swait.ge [sflag:s11], $0x380  }
0x1c9: {  	s25 =	sld [smem:$0x7F8]  }
0x1ca: {  	[sflag:s11] =	ssyncset.done $0x0  }
0x1cb: {  	[sflag:s11] =	ssyncadd.s32 $0xFFFFFC80  }
0x1cc: {  	[tilespmem:s7], [sflag:$0x3] =	stream.linear.gather [hbm4b:s25+s0], $0x380, $0x38;
	[tilespmem:$0x1E780] =	vst v63  }
0x1cd: {  	_ =	swait.ge [sflag:s11], $0x380  }
0x1ce: {  	s28 =	sld [smem:$0x7CC]  }
0x1cf: {  	[sflag:s11] =	ssyncset.done $0x0  }
0x1d0: {  	[sflag:s11] =	ssyncadd.s32 $0xFFFFFC80  }
0x1d1: {  	[spmem:s28] =	stream.linear.scatter [tilespmem:s7], [sflag:$0x3], $0x380, $0x38;
	[tilespmem:$0x1E780] =	vst v63  }
0x1d2: {  	_ =	swait.ge [sflag:s11], $0x380  }
0x1d3: {  	[sflag:s11] =	ssyncset.done $0x0  }
0x1d4: {  	s3 =	simm.s32 $0x0;
	[sflag:s11] =	ssyncadd.s32 $0xFFFFFC80  }
.LBB2_8:
0x1d5: {  	s5 =	smul.u32 $0x380, s3  }
0x1d6: {  	s14 =	sld [smem:$0x7A4]  }
0x1d7: {  	s20 =	sadd.s32 s29, s5  }
0x1d8: {  	s13 =	sshrl.u32 s20, $0x3  }
0x1d9: {  	s6 =	simm.s32 $0xC00;
	s5 =	sadd.s32 s14, s13  }
0x1da: {  	[tilespmem:s6], [sflag:$0x3] =	stream.linear.gather [hbm4b:s5+s0], $0x380, $0x38;
	[tilespmem:$0x1E780] =	vst v63  }
0x1db: {  	_ =	swait.ge [sflag:s11], $0x380  }
0x1dc: {  	[sflag:s11] =	ssyncset.done $0x0  }
0x1dd: {  	s9 =	simm.s32 $0x1000;
	s22 =	sadd.s32 $0x3100, s5;
	[sflag:s11] =	ssyncadd.s32 $0xFFFFFC80  }
0x1de: {  	[tilespmem:s9], [sflag:$0x3] =	stream.linear.gather [hbm4b:s22+s0], $0x380, $0x38;
	[tilespmem:$0x1E780] =	vst v63  }
0x1df: {  	_ =	swait.ge [sflag:s11], $0x380  }
0x1e0: {  	[sflag:s11] =	ssyncset.done $0x0  }
0x1e1: {  	s24 =	simm.s32 $0x1400;
	s23 =	sadd.s32 $0x6200, s5;
	[sflag:s11] =	ssyncadd.s32 $0xFFFFFC80  }
0x1e2: {  	[tilespmem:s24], [sflag:$0x3] =	stream.linear.gather [hbm4b:s23+s0], $0x380, $0x38;
	[tilespmem:$0x1E780] =	vst v63  }
0x1e3: {  	_ =	swait.ge [sflag:s11], $0x380  }
0x1e4: {  	[sflag:s11] =	ssyncset.done $0x0  }
0x1e5: {  	s25 =	simm.s32 $0x1800;
	s5 =	sadd.s32 $0x9300, s5;
	[sflag:s11] =	ssyncadd.s32 $0xFFFFFC80  }
0x1e6: {  	[tilespmem:s25], [sflag:$0x3] =	stream.linear.gather [hbm4b:s5+s0], $0x380, $0x38;
	[tilespmem:$0x1E780] =	vst v63  }
0x1e7: {  	_ =	swait.ge [sflag:s11], $0x380  }
0x1e8: {  	[sflag:s11] =	ssyncset.done $0x0  }
0x1e9: {  	s22 =	simm.s32 $0x0;
	[sflag:s11] =	ssyncadd.s32 $0xFFFFFC80  }
0x1ea: {  	v9 =	vld [tilespmem:s22+$0xC00]  }
0x1eb: {  	v10 =	vld [tilespmem:s22+$0x1000];
	_ =	sdelay $0x1  }
0x1ec: {  	v11 =	vld [tilespmem:s22+$0x1400];
	_ =	sdelay $0x1  }
0x1ed: {  	v12 =	vld [tilespmem:s22+$0x1800]  }
0x1ee: {  	v9 =	vmul.f32 v9, v9;
	v10 =	vmul.f32 v10, v10;
	_ =	sdelay $0x1  }
0x1ef: {  	s23 =	simm.s32 $0x10;
	v9 =	vadd.f32 v10, v9;
	v10 =	vmul.f32 v11, v11  }
0x1f0: {  	v13 =	vld [tilespmem:s23+$0x1000]  }
0x1f1: {  	v11 =	vld [tilespmem:s23+$0xC00];
	v9 =	vadd.f32 v10, v9;
	v10 =	vmul.f32 v12, v12;
	_ =	sdelay $0x1  }
0x1f2: {  	v12 =	vld [tilespmem:s23+$0x1400];
	v9 =	vadd.f32 v10, v9;
	_ =	sdelay $0x1  }
0x1f3: {  	v10 =	vld [tilespmem:s23+$0x1800];
	v14 =	vshra.s32 v9, $0x1;
	v16 =	vmul.f32 $5.000000000e-01, v9  }
0x1f4: {  	v13 =	vmul.f32 v13, v13;
	v11 =	vmul.f32 v11, v11;
	v14 =	vsub.s32 $0x5F3759DF, v14  }
0x1f5: {  	s24 =	simm.s32 $0x20;
	v15 =	vmul.f32 v14, v16  }
0x1f6: {  	v11 =	vadd.f32 v13, v11;
	v12 =	vmul.f32 v12, v12;
	v13 =	vld [tilespmem:s24+$0xC00]  }
0x1f7: {  	v15 =	vmul.f32 v14, v15  }
0x1f8: {  	v17 =	vld [tilespmem:s24+$0x1000];
	v11 =	vadd.f32 v12, v11;
	v10 =	vmul.f32 v10, v10  }
0x1f9: {  	v12 =	vsub.f32 $1.500000000e+00, v15  }
0x1fa: {  	v10 =	vadd.f32 v10, v11;
	v15 =	vld [tilespmem:s24+$0x1400]  }
0x1fb: {  	v11 =	vmul.f32 v13, v13;
	v13 =	vld [tilespmem:s24+$0x1800];
	v14 =	vmul.f32 v14, v12  }
0x1fc: {  	v18 =	vshra.s32 v10, $0x1;
	v12 =	vmul.f32 $5.000000000e-01, v10  }
0x1fd: {  	v17 =	vmul.f32 v17, v17;
	v18 =	vsub.s32 $0x5F3759DF, v18;
	v19 =	vmul.f32 v14, v16  }
0x1fe: {  	v20 =	vmul.f32 v18, v12  }
0x1ff: {  	v11 =	vadd.f32 v17, v11;
	v15 =	vmul.f32 v15, v15;
	v17 =	vmul.f32 v19, v14  }
0x200: {  	s25 =	simm.s32 $0x30;
	v13 =	vmul.f32 v13, v13  }
0x201: {  	v21 =	vld [tilespmem:s25+$0xC00];
	v19 =	vmul.f32 v18, v20;
	v11 =	vadd.f32 v15, v11;
	v15 =	vsub.f32 $1.500000000e+00, v17  }
0x202: {  	v20 =	vld [tilespmem:s25+$0x1000]  }
0x203: {  	v17 =	vsub.f32 $1.500000000e+00, v19;
	v11 =	vadd.f32 v13, v11;
	v13 =	vmul.f32 v15, v14;
	_ =	sdelay $0x1  }
0x204: {  	v19 =	vld [tilespmem:s25+$0x1400];
	v15 =	vmul.f32 v18, v17;
	v18 =	vmul.f32 v13, v16  }
0x205: {  	v21 =	vmul.f32 v21, v21;
	v14 =	vmul.f32 $5.000000000e-01, v11  }
0x206: {  	v17 =	vshra.s32 v11, $0x1;
	v20 =	vmul.f32 v20, v20;
	v25 =	vmul.f32 v18, v13;
	v18 =	vld [tilespmem:s25+$0x1800]  }
0x207: {  	s28 =	simm.s32 $0x40;
	v16 =	vsub.s32 $0x5F3759DF, v17;
	v17 =	vmul.f32 v15, v12  }
0x208: {  	v24 =	vmul.f32 v16, v14;
	v22 =	vadd.f32 v20, v21;
	v21 =	vld [tilespmem:s28+$0xC00]  }
0x209: {  	v23 =	vmul.f32 v19, v19;
	v19 =	vmul.f32 v17, v15  }
0x20a: {  	s5 =	simm.s32 $0x140;
	v20 =	vmul.f32 v16, v24;
	v17 =	vsub.f32 $1.500000000e+00, v25  }
.LBB2_9:
0x20b: {  	p0 =	sne.s32 s5, $0xDC0;
	v24 =	vld [tilespmem:s28+$0x1000];
	v22 =	vadd.f32 v23, v22;
	v18 =	vmul.f32 v18, v18;
	v19 =	vsub.f32 $1.500000000e+00, v19  }
0x20c: {  	v20 =	vsub.f32 $1.500000000e+00, v20;
	v17 =	vmul.f32 v17, v13  }
0x20d: {  	v23 =	vld [tilespmem:s28+$0x1400];
	v25 =	vmul.f32 v21, v21;
	v21 =	vadd.f32 v18, v22;
	v13 =	vmul.f32 v19, v15  }
0x20e: {  	v15 =	vmul.f32 v16, v20;
	v17 =	vmul.f32 v17, v9;
	v9 =	vmovc v10;
	v10 =	vmov v11  }
.Ltmp3:
0x20f: {  	v18 =	vld [tilespmem:s28+$0x1800];
	v16 =	vshra.s32 v21, $0x1;
	v19 =	vmul.f32 v13, v12;
	v11 =	vmovc v21;
	v12 =	vmovc v14;
	v14 =	vmul.f32 $5.000000000e-01, v21;
	(pc) =	sbr.rel @p0 .LBB2_9-.Ltmp3, $4  }
0x210: {  	s6 =	sshra.s32 s5, $0x2;
	v20 =	vmul.f32 v24, v24;
	v16 =	vsub.s32 $0x5F3759DF, v16;
	v24 =	vmul.f32 v15, v12;
	[tilespmem:s22+$0x13800] =	vst v17;
	s22 =	smov.u32 s23;
	s23 =	smov.u32 s24  }
0x211: {  	s24 =	smov.u32 s25;
	s25 =	smov.u32 s28;
	s28 =	smov.u32 s6;
	v21 =	vld [tilespmem:s6+$0xC00];
	v17 =	vmul.f32 v16, v14;
	v26 =	vmul.f32 v19, v13  }
0x212: {  	v22 =	vadd.f32 v20, v25;
	v23 =	vmul.f32 v23, v23;
	v19 =	vmul.f32 v24, v15  }
0x213: {  	s5 =	sadd.s32 $0x40, s5;
	v20 =	vmul.f32 v16, v17;
	v17 =	vsub.f32 $1.500000000e+00, v26  }
0x214: {  	v24 =	vld [tilespmem:s28+$0x1000];
	_ =	sdelay $0x1  }
0x215: {  	v25 =	vld [tilespmem:s28+$0x1400];
	_ =	sdelay $0x1  }
0x216: {  	v26 =	vld [tilespmem:s28+$0x1800]  }
0x217: {  	v21 =	vmul.f32 v21, v21;
	v24 =	vmul.f32 v24, v24;
	_ =	sdelay $0x1  }
0x218: {  	v45 =	vmul.f32 v25, v25;
	v21 =	vadd.f32 v24, v21  }
0x219: {  	v22 =	vadd.f32 v23, v22;
	v18 =	vmul.f32 v18, v18  }
0x21a: {  	v46 =	vmul.f32 v26, v26;
	v21 =	vadd.f32 v45, v21  }
0x21b: {  	v18 =	vadd.f32 v18, v22  }
0x21c: {  	v21 =	vadd.f32 v46, v21  }
0x21d: {  	v22 =	vshra.s32 v18, $0x1;
	v47 =	vmul.f32 $5.000000000e-01, v18  }
0x21e: {  	v22 =	vsub.s32 $0x5F3759DF, v22;
	v48 =	vshra.s32 v21, $0x1;
	v49 =	vmul.f32 $5.000000000e-01, v21  }
0x21f: {  	v50 =	vmul.f32 v22, v47;
	v24 =	vsub.s32 $0x5F3759DF, v48  }
0x220: {  	v27 =	vmul.f32 v24, v49  }
0x221: {  	v26 =	vmul.f32 v22, v50  }
0x222: {  	v20 =	vsub.f32 $1.500000000e+00, v20;
	v27 =	vmul.f32 v24, v27  }
0x223: {  	v26 =	vsub.f32 $1.500000000e+00, v26  }
0x224: {  	v16 =	vmul.f32 v16, v20;
	v51 =	vsub.f32 $1.500000000e+00, v27  }
0x225: {  	v22 =	vmul.f32 v22, v26  }
0x226: {  	v52 =	vmul.f32 v16, v14;
	v20 =	vmul.f32 v24, v51  }
0x227: {  	v53 =	vmul.f32 v22, v47  }
0x228: {  	v26 =	vmul.f32 v52, v16;
	v54 =	vmul.f32 v20, v49  }
0x229: {  	v19 =	vsub.f32 $1.500000000e+00, v19;
	v24 =	vmul.f32 v53, v22  }
0x22a: {  	v26 =	vsub.f32 $1.500000000e+00, v26;
	v27 =	vmul.f32 v54, v20  }
0x22b: {  	v15 =	vmul.f32 v19, v15;
	v55 =	vsub.f32 $1.500000000e+00, v24  }
0x22c: {  	v16 =	vmul.f32 v26, v16;
	v56 =	vsub.f32 $1.500000000e+00, v27  }
0x22d: {  	v12 =	vmul.f32 v15, v12;
	v19 =	vmul.f32 v55, v22  }
0x22e: {  	v57 =	vmul.f32 v16, v14;
	v20 =	vmul.f32 v56, v20  }
0x22f: {  	v12 =	vmul.f32 v12, v15;
	v22 =	vmul.f32 v19, v47  }
0x230: {  	v14 =	vmul.f32 v57, v16;
	v58 =	vmul.f32 v20, v49  }
0x231: {  	v12 =	vsub.f32 $1.500000000e+00, v12;
	v22 =	vmul.f32 v22, v19  }
0x232: {  	v13 =	vmul.f32 v17, v13;
	v14 =	vsub.f32 $1.500000000e+00, v14;
	v59 =	vmul.f32 v58, v20  }
0x233: {  	v12 =	vmul.f32 v12, v15;
	v60 =	vsub.f32 $1.500000000e+00, v22  }
0x234: {  	v9 =	vmul.f32 v13, v9;
	v61 =	vmul.f32 v14, v16;
	v62 =	vsub.f32 $1.500000000e+00, v59  }
0x235: {  	v10 =	vmul.f32 v12, v10;
	v63 =	vmul.f32 v60, v19  }
0x236: {  	[tilespmem:s22+$0x13800] =	vst v9;
	v9 =	vmul.f32 v61, v11;
	v11 =	vmul.f32 v62, v20  }
0x237: {  	[tilespmem:s23+$0x13800] =	vst v10;
	v10 =	vmul.f32 v63, v18  }
0x238: {  	[tilespmem:s24+$0x13800] =	vst v9;
	v9 =	vmul.f32 v11, v21  }
0x239: {  	[tilespmem:s25+$0x13800] =	vst v10  }
0x23a: {  	s5 =	sadd.s32 s20, s10;
	[tilespmem:s28+$0x13800] =	vst v9  }
0x23b: {  	[spmem:s5] =	stream.linear.scatter [tilespmem:s7], [sflag:$0x3], $0x380, $0x38;
	[tilespmem:$0x1E780] =	vst v63  }
0x23c: {  	s3 =	sadd.s32 $0x1, s3;
	_ =	swait.ge [sflag:s11], $0x380  }
0x23d: {  	p0 =	sne.s32 s3, $0x7;
	[sflag:s11] =	ssyncset.done $0x0  }
.Ltmp4:
0x23e: {  	s28 =	sadd.s32 s30, s13;
	[sflag:s11] =	ssyncadd.s32 $0xFFFFFC80;
	(pc) =	sbr.rel @p0 .LBB2_8-.Ltmp4, $4  }
0x23f: {  	[hbm4b:s28+s1] =	stream.linear.scatter [tilespmem:s7], [sflag:$0x3], $0x380, $0x38;
	[tilespmem:$0x1E780] =	vst v63  }
0x240: {  	_ =	swait.ge [sflag:s11], $0x380  }
0x241: {  	[sflag:s11] =	ssyncset.done $0x0  }
0x242: {  	[sflag:s11] =	ssyncadd.s32 $0xFFFFFC80  }
0x243: {  	[bflag:$0x0] =	sbarrier.arrive $0xFFFF  }
0x244: {  	s0 =	sld [smem:$0x7A7];
	_ =	sdelay $0x1  }
0x245: {  	s24 =	simm.s32 $0x0  }
0x246: {  	[tilespmem:s24], [sflag:$0x3] =	stream.linear.gather [hbm4b:s0+s24], $0x400, $0x38;
	[tilespmem:$0x1E780] =	vst v63  }
0x247: {  	_ =	swait.ge [sflag:s11], $0x400  }
0x248: {  	s9 =	sld [smem:$0x7A9]  }
0x249: {  	[sflag:s11] =	ssyncset.done $0x0  }
0x24a: {  	[sflag:s11] =	ssyncadd.s32 $0xFFFFFC00  }
0x24b: {  	[tilespmem:s19], [sflag:$0x3] =	stream.linear.gather [hbm4b:s9+s24], $0x400, $0x38;
	[tilespmem:$0x1E780] =	vst v63  }
0x24c: {  	_ =	swait.ge [sflag:s11], $0x400  }
0x24d: {  	s13 =	sld [smem:$0x7AA]  }
0x24e: {  	[sflag:s11] =	ssyncset.done $0x0  }
0x24f: {  	[sflag:s11] =	ssyncadd.s32 $0xFFFFFC00  }
0x250: {  	[tilespmem:s16], [sflag:$0x3] =	stream.linear.gather [hbm4b:s13+s24], $0x400, $0x38;
	[tilespmem:$0x1E780] =	vst v63  }
0x251: {  	_ =	swait.ge [sflag:s11], $0x400  }
0x252: {  	[sflag:s11] =	ssyncset.done $0x0  }
0x253: {  	s14 =	simm.s32 $0xC00;
	[sflag:s11] =	ssyncadd.s32 $0xFFFFFC00  }
0x254: {  	[tilespmem:s14], [sflag:$0x1] =	stream.indirect.gather [spmem:s8], $0x1, s24, s19, $0xb8;
	[tilespmem:$0x1E780] =	vst v63  }
0x255: {  	s3 =	simm.s32 $0x1000;
	s16 =	rddreg [dreg:$0x9]  }
0x256: {  	[tilespmem:s3], [sflag:$0x1] =	stream.indirect.gather [spmem:s16], $0x1, s24, s19, $0xb8;
	[tilespmem:$0x1E780] =	vst v63  }
0x257: {  	s5 =	simm.s32 $0x1400;
	s20 =	rddreg [dreg:$0xa]  }
0x258: {  	[tilespmem:s5], [sflag:$0x1] =	stream.indirect.gather [spmem:s20], $0x1, s24, s19, $0xb8;
	[tilespmem:$0x1E780] =	vst v63  }
0x259: {  	s22 =	simm.s32 $0x1800  }
0x25a: {  	[tilespmem:s22], [sflag:$0x1] =	stream.indirect.gather [spmem:s10], $0x1, s24, s19, $0xb8;
	[tilespmem:$0x1E780] =	vst v63  }
0x25b: {  	s23 =	simm.s32 $0x1C00  }
0x25c: {  	[tilespmem:s23], [sflag:$0x1] =	stream.indirect.gather [spmem:s8], $0x1, s19, s19, $0xb8;
	[tilespmem:$0x1E780] =	vst v63  }
0x25d: {  	s25 =	simm.s32 $0x2000  }
0x25e: {  	[tilespmem:s25], [sflag:$0x1] =	stream.indirect.gather [spmem:s16], $0x1, s19, s19, $0xb8;
	[tilespmem:$0x1E780] =	vst v63  }
.Ltmp5:
0x25f: {  	_ = 	snop;
	(pc) =	sbr.rel .LBB2_12-.Ltmp5, $4  }
0x260: {  	s28 =	simm.s32 $0x2400  }
0x261: {  	[tilespmem:s28], [sflag:$0x1] =	stream.indirect.gather [spmem:s20], $0x1, s19, s19, $0xb8;
	[tilespmem:$0x1E780] =	vst v63  }
0x262: {  	s30 =	simm.s32 $0x2800;
	s29 =	simm.s32 $0x0;
	s20 =	simm.s32 $0x3400  }
0x263: {  	[tilespmem:s30], [sflag:$0x1] =	stream.indirect.gather [spmem:s10], $0x1, s19, s19, $0xb8;
	[tilespmem:$0x1E780] =	vst v63  }
.LBB2_20:
0x264: {  	s0 =	sadd.s32 s18, s30  }
0x265: {  	s0 =	sshrl.u32 s0, $0x3  }
0x266: {  	s5 =	simm.s32 $0x6400;
	s3 =	sadd.s32 s15, s0  }
0x267: {  	[hbm4b:s3+s1] =	stream.linear.scatter [tilespmem:s5], [sflag:$0x3], $0x400, $0x38;
	[tilespmem:$0x1E780] =	vst v63  }
0x268: {  	_ =	swait.ge [sflag:s11], $0x400  }
0x269: {  	[sflag:s11] =	ssyncset.done $0x0  }
0x26a: {  	s14 =	simm.s32 $0x6800;
	s0 =	sadd.s32 s17, s0;
	[sflag:s11] =	ssyncadd.s32 $0xFFFFFC00  }
0x26b: {  	[hbm4b:s0+s1] =	stream.linear.scatter [tilespmem:s14], [sflag:$0x3], $0x400, $0x38;
	[tilespmem:$0x1E780] =	vst v63  }
0x26c: {  	_ =	swait.ge [sflag:s11], $0x400  }
0x26d: {  	[sflag:s11] =	ssyncset.done $0x0  }
0x26e: {  	[sflag:s11] =	ssyncadd.s32 $0xFFFFFC00  }
0x26f: {  	s22 =	simm.s32 $0x5800;
	s16 =	rddreg [dreg:$0x5]  }
0x270: {  	[spmem:s16] =	stream.indirect.scatter.add.f32 [tilespmem:s22], [sflag:$0x3], $0x1, s26, s19, $0xb8;
	[tilespmem:$0x1E780] =	vst v63  }
0x271: {  	_ =	swait.ge [sflag:s11], $0x400  }
0x272: {  	[sflag:s11] =	ssyncset.done $0x0  }
0x273: {  	[sflag:s11] =	ssyncadd.s32 $0xFFFFFC00  }
0x274: {  	s25 =	simm.s32 $0x5C00;
	s23 =	rddreg [dreg:$0x6]  }
0x275: {  	[spmem:s23] =	stream.indirect.scatter.add.f32 [tilespmem:s25], [sflag:$0x3], $0x1, s26, s19, $0xb8;
	[tilespmem:$0x1E780] =	vst v63  }
0x276: {  	_ =	swait.ge [sflag:s11], $0x400  }
0x277: {  	s29 =	sadd.s32 $0x1, s29;
	[sflag:s11] =	ssyncset.done $0x0  }
0x278: {  	p0 =	sne.s32 s29, $0x31;
	[sflag:s11] =	ssyncadd.s32 $0xFFFFFC00  }
.Ltmp6:
0x279: {  	s30 =	simm.s32 $0x6000;
	s28 =	rddreg [dreg:$0x7];
	(pc) =	sbr.rel @!p0 .LBB2_21-.Ltmp6, $4  }
0x27a: {  	[spmem:s28] =	stream.indirect.scatter.add.f32 [tilespmem:s30], [sflag:$0x3], $0x1, s26, s19, $0xb8;
	[tilespmem:$0x1E780] =	vst v63  }
0x27b: {  	_ =	swait.ge [sflag:s11], $0x400  }
0x27c: {  	[sflag:s11] =	ssyncset.done $0x0  }
0x27d: {  	[sflag:s11] =	ssyncadd.s32 $0xFFFFFC00  }
.LBB2_12:
0x27e: {  	s5 =	sld [smem:$0x7A5]  }
0x27f: {  	s0 =	sshll.u32 s29, $0xB  }
0x280: {  	p0 =	seq.s32 s29, $0x30;
	s3 =	simm.s32 $0xFFFFFEA0;
	s30 =	sor.u32 $0x400, s0  }
0x281: {  	s22 =	sld [smem:$0x7A6];
	s3 =	simm.s32 @!p0 $0x0;
	s5 =	sadd.s32 s5, s30  }
0x282: {  	s3 =	sadd.s32 s3, s5  }
0x283: {  	s3 =	sshrl.u32 s3, $0x3  }
0x284: {  	s5 =	sadd.s32 s22, s3  }
0x285: {  	[tilespmem:s26], [sflag:$0x3] =	stream.linear.gather [hbm4b:s5+s24], $0x400, $0x38;
	[tilespmem:$0x1E780] =	vst v63  }
0x286: {  	_ =	swait.ge [sflag:s11], $0x400  }
0x287: {  	s23 =	sld [smem:$0x7A8];
	_ =	sdelay $0x1  }
0x288: {  	[sflag:s11] =	ssyncset.done $0x0  }
0x289: {  	[sflag:s11] =	ssyncadd.s32 $0xFFFFFC00;
	s5 =	sadd.s32 s23, s3  }
0x28a: {  	[tilespmem:s21], [sflag:$0x3] =	stream.linear.gather [hbm4b:s5+s24], $0x400, $0x38;
	[tilespmem:$0x1E780] =	vst v63  }
0x28b: {  	_ =	swait.ge [sflag:s11], $0x400  }
0x28c: {  	[sflag:s11] =	ssyncset.done $0x0  }
0x28d: {  	[sflag:s11] =	ssyncadd.s32 $0xFFFFFC00  }
0x28e: {  	s25 =	rddreg [dreg:$0x2]  }
0x28f: {  	s3 =	sadd.s32 s25, s3  }
0x290: {  	[tilespmem:s20], [sflag:$0x3] =	stream.linear.gather [hbm4b:s3+s24], $0x400, $0x38;
	[tilespmem:$0x1E780] =	vst v63  }
0x291: {  	_ =	swait.ge [sflag:s11], $0x400  }
0x292: {  	[sflag:s11] =	ssyncset.done $0x0  }
0x293: {  	s6 =	simm.s32 $0x3800;
	[sflag:s11] =	ssyncadd.s32 $0xFFFFFC00  }
0x294: {  	[tilespmem:s6], [sflag:$0x2] =	stream.indirect.gather [spmem:s8], $0x1, s26, s19, $0xb8;
	[tilespmem:$0x1E780] =	vst v63  }
0x295: {  	s13 =	simm.s32 $0x3C00;
	s9 =	rddreg [dreg:$0x9]  }
0x296: {  	[tilespmem:s13], [sflag:$0x2] =	stream.indirect.gather [spmem:s9], $0x1, s26, s19, $0xb8;
	[tilespmem:$0x1E780] =	vst v63  }
0x297: {  	s14 =	rddreg [dreg:$0xa];
	s6 =	simm.s32 $0x4000  }
0x298: {  	[tilespmem:s6], [sflag:$0x2] =	stream.indirect.gather [spmem:s14], $0x1, s26, s19, $0xb8;
	[tilespmem:$0x1E780] =	vst v63  }
0x299: {  	s16 =	simm.s32 $0x4400  }
0x29a: {  	[tilespmem:s16], [sflag:$0x2] =	stream.indirect.gather [spmem:s10], $0x1, s26, s19, $0xb8;
	[tilespmem:$0x1E780] =	vst v63  }
0x29b: {  	s20 =	simm.s32 $0x4800  }
0x29c: {  	[tilespmem:s20], [sflag:$0x2] =	stream.indirect.gather [spmem:s8], $0x1, s21, s19, $0xb8;
	[tilespmem:$0x1E780] =	vst v63  }
0x29d: {  	s22 =	simm.s32 $0x4C00  }
0x29e: {  	[tilespmem:s22], [sflag:$0x2] =	stream.indirect.gather [spmem:s9], $0x1, s21, s19, $0xb8;
	[tilespmem:$0x1E780] =	vst v63  }
0x29f: {  	s23 =	simm.s32 $0x5000  }
0x2a0: {  	[tilespmem:s23], [sflag:$0x2] =	stream.indirect.gather [spmem:s14], $0x1, s21, s19, $0xb8;
	[tilespmem:$0x1E780] =	vst v63  }
0x2a1: {  	s25 =	simm.s32 $0x5400  }
0x2a2: {  	[tilespmem:s25], [sflag:$0x2] =	stream.indirect.gather [spmem:s10], $0x1, s21, s19, $0xb8;
	[tilespmem:$0x1E780] =	vst v63  }
0x2a3: {  	_ =	swait.ge [sflag:s31], $0x400  }
0x2a4: {  	[sflag:s31] =	ssyncset.done $0x0  }
0x2a5: {  	[sflag:s31] =	ssyncadd.s32 $0xFFFFFC00  }
0x2a6: {  	_ =	swait.ge [sflag:s31], $0x400  }
0x2a7: {  	[sflag:s31] =	ssyncset.done $0x0  }
0x2a8: {  	[sflag:s31] =	ssyncadd.s32 $0xFFFFFC00  }
0x2a9: {  	_ =	swait.ge [sflag:s31], $0x400  }
0x2aa: {  	[sflag:s31] =	ssyncset.done $0x0  }
0x2ab: {  	[sflag:s31] =	ssyncadd.s32 $0xFFFFFC00  }
0x2ac: {  	_ =	swait.ge [sflag:s31], $0x400  }
0x2ad: {  	[sflag:s31] =	ssyncset.done $0x0  }
0x2ae: {  	[sflag:s31] =	ssyncadd.s32 $0xFFFFFC00  }
0x2af: {  	_ =	swait.ge [sflag:s31], $0x400  }
0x2b0: {  	[sflag:s31] =	ssyncset.done $0x0  }
0x2b1: {  	[sflag:s31] =	ssyncadd.s32 $0xFFFFFC00  }
0x2b2: {  	_ =	swait.ge [sflag:s31], $0x400  }
0x2b3: {  	[sflag:s31] =	ssyncset.done $0x0  }
0x2b4: {  	[sflag:s31] =	ssyncadd.s32 $0xFFFFFC00  }
0x2b5: {  	_ =	swait.ge [sflag:s31], $0x400  }
0x2b6: {  	[sflag:s31] =	ssyncset.done $0x0  }
0x2b7: {  	[sflag:s31] =	ssyncadd.s32 $0xFFFFFC00  }
0x2b8: {  	_ =	swait.ge [sflag:s31], $0x400  }
0x2b9: {  	[sflag:s31] =	ssyncset.done $0x0  }
0x2ba: {  	s22 =	simm.s32 $0x0;
	[sflag:s31] =	ssyncadd.s32 $0xFFFFFC00  }
0x2bb: {  	v9 =	vld [tilespmem:s22+$0x1410]  }
0x2bc: {  	v10 =	vld [tilespmem:s22+$0x1420]  }
0x2bd: {  	v11 =	vld [tilespmem:s22+$0x2420]  }
0x2be: {  	v12 =	vld [tilespmem:s22+$0x2400]  }
0x2bf: {  	v13 =	vld [tilespmem:s22+$0x1400]  }
0x2c0: {  	v14 =	vld [tilespmem:s22+$0xC20]  }
0x2c1: {  	v17 =	vld [tilespmem:s22+$0x2430]  }
0x2c2: {  	v15 =	vld [tilespmem:s22+$0x1020]  }
0x2c3: {  	v18 =	vld [tilespmem:s22+$0x1000]  }
0x2c4: {  	v19 =	vld [tilespmem:s22+$0x1C00]  }
0x2c5: {  	v16 =	vld [tilespmem:s22+$0x2020]  }
0x2c6: {  	v20 =	vld [tilespmem:s22+$0x1C20]  }
0x2c7: {  	v21 =	vld [tilespmem:s22+$0x1030]  }
0x2c8: {  	v22 =	vld [tilespmem:s22+$0x2000]  }
0x2c9: {  	v23 =	vld [tilespmem:s22+$0xC30]  }
0x2ca: {  	v25 =	vld [tilespmem:s22+$0xC10]  }
0x2cb: {  	s5 =	simm.s32 $0x40;
	v26 =	vld [tilespmem:s22+$0x1C10]  }
0x2cc: {  	v24 =	vmov s5;
	s6 =	simm.s32 $0x20;
	v29 =	vld [tilespmem:s22+$0x2010]  }
0x2cd: {  	v27 =	vmov s24;
	v24 =	vshrl.u32 v24, $0x7;
	s13 =	simm.s32 $0xC0;
	v28 =	vmov s6;
	v31 =	vld [tilespmem:s22+$0x1C30]  }
0x2ce: {  	v24 =	vshll.u32 v24, v4;
	v59 =	vmov s13;
	v28 =	vshrl.u32 v28, $0x7;
	v32 =	vld [tilespmem:s22+$0x2410]  }
0x2cf: {  	s9 =	simm.s32 $0x60;
	v10 =	vsub.f32 v11, v10;
	v11 =	vbroadcast v24, $0x0;
	v24 =	vshrl.u32 v27, $0x7;
	v27 =	vld [tilespmem:s22+$0x1010]  }
0x2d0: {  	v28 =	vshll.u32 v28, v4;
	v30 =	vmov s9;
	v47 =	vld [tilespmem:s22+$0x2810];
	v16 =	vsub.f32 v16, v15  }
0x2d1: {  	v37 =	vld [tilespmem:s22+$0x2820];
	v20 =	vsub.f32 v20, v14;
	v15 =	vbroadcast v28, $0x0;
	v12 =	vsub.f32 v12, v13  }
0x2d2: {  	v28 =	vld [tilespmem:s22+$0x2030];
	v25 =	vsub.f32 v26, v25;
	v18 =	vsub.f32 v22, v18;
	v24 =	vshll.u32 v24, v4  }
0x2d3: {  	v13 =	vld [tilespmem:s22+$0x1430];
	v9 =	vsub.f32 v32, v9;
	v14 =	vbroadcast v24, $0x0;
	v24 =	vshrl.u32 v30, $0x7  }
0x2d4: {  	v30 =	vmul.f32 v16, v16;
	v16 =	vshll.u32 v24, v4;
	v24 =	vld [tilespmem:s22+$0xC00];
	v26 =	vsub.f32 v29, v27  }
0x2d5: {  	v23 =	vsub.f32 v31, v23;
	v48 =	vshrl.u32 v47, $0x10;
	v20 =	vmul.f32 v20, v20  }
0x2d6: {  	v50 =	vld [tilespmem:s22+$0x820];
	v52 =	vshrl.u32 v37, $0x10;
	v22 =	vmul.f32 v25, v25;
	v25 =	vmul.f32 v26, v26  }
0x2d7: {  	v10 =	vmul.f32 v10, v10;
	v20 =	vadd.f32 v30, v20;
	v21 =	vsub.f32 v28, v21  }
0x2d8: {  	s23 =	simm.s32 $0x40;
	v56 =	vld [tilespmem:s22+$0x2830];
	v9 =	vmul.f32 v9, v9;
	v13 =	vsub.f32 v17, v13;
	v17 =	vadd.f32 v25, v22  }
0x2d9: {  	v40 =	vld [tilespmem:s23+$0xC20];
	v21 =	vmul.f32 v21, v21;
	v26 =	vadd.f32 v10, v20;
	v19 =	vsub.f32 v19, v24  }
0x2da: {  	v45 =	vld [tilespmem:s23+$0x1C20];
	v10 =	vmul.f32 v18, v18;
	v22 =	vmul.f32 v23, v23;
	v17 =	vadd.f32 v9, v17  }
0x2db: {  	v55 =	vadd.f32 $9.999999930e-09, v50;
	v13 =	vmul.f32 v13, v13;
	v9 =	vmul.f32 v19, v19  }
0x2dc: {  	v23 =	vld [tilespmem:s22+$0x810];
	v18 =	vadd.f32 v21, v22;
	v19 =	vshra.s32 v17, $0x1;
	v20 =	vmul.f32 $5.000000000e-01, v17  }
0x2dd: {  	v43 =	vshrl.u32 v56, $0x10;
	v12 =	vmul.f32 v12, v12;
	v19 =	vsub.s32 $0x5F3759DF, v19  }
0x2de: {  	v10 =	vadd.f32 v10, v9;
	v9 =	vadd.f32 v13, v18;
	v13 =	vmul.f32 v19, v20  }
0x2df: {  	v50 =	vsub.f32 v45, v40;
	v29 =	vld [tilespmem:s22+$0x2800];
	v21 =	vshra.s32 v26, $0x1;
	v22 =	vmul.f32 $5.000000000e-01, v26  }
0x2e0: {  	v21 =	vsub.s32 $0x5F3759DF, v21;
	v10 =	vadd.f32 v12, v10;
	v12 =	vld [tilespmem:s22+$0x800];
	v13 =	vmul.f32 v19, v13  }
0x2e1: {  	v16 =	vbroadcast v16, $0x0;
	v24 =	vmul.f32 v21, v22;
	v18 =	vadd.f32 $9.999999930e-09, v23;
	v23 =	vld [tilespmem:s22+$0x0]  }
0x2e2: {  	v25 =	vshra.s32 v9, $0x1;
	v28 =	vmul.f32 $5.000000000e-01, v9;
	v13 =	vsub.f32 $1.500000000e+00, v13  }
0x2e3: {  	v24 =	vmul.f32 v21, v24;
	v25 =	vsub.s32 $0x5F3759DF, v25;
	(erf) = vrcp.f32 v18  }
0x2e4: {  	v35 =	vshrl.u32 v29, $0x10;
	v33 =	vmul.f32 v25, v28;
	v13 =	vmul.f32 v19, v13  }
0x2e5: {  	v27 =	vshra.s32 v10, $0x1;
	v30 =	vmul.f32 $5.000000000e-01, v10;
	v12 =	vadd.f32 $9.999999930e-09, v12  }
0x2e6: {  	v31 =	vld [tilespmem:s22+$0x10];
	v23 =	vshll.u32 v23, $0xF;
	v33 =	vmul.f32 v25, v33;
	v36 =	vmul.f32 v13, v20  }
0x2e7: {  	v24 =	vsub.f32 $1.500000000e+00, v24;
	(erf) = vrcp.f32 v12;
	v12 =	vor.u32 v35, v23  }
0x2e8: {  	v54 =	vld [tilespmem:s22+$0x30];
	v27 =	vsub.s32 $0x5F3759DF, v27;
	v23 =	vsub.f32 $1.500000000e+00, v33;
	(xrf1) =	vsort.ascd.msk.u32 $0xffff, v12, v29;
	v12 =	vmul.f32 v36, v13  }
0x2e9: {  	v34 =	vld [tilespmem:s22+$0x20];
	v15 =	vor.u32 v6, v15;
	v18 =	vmul.f32 v27, v30;
	v21 =	vmul.f32 v21, v24  }
0x2ea: {  	v14 =	vor.u32 v5, v14;
	v24 =	vld [tilespmem:s22+$0x1820];
	v23 =	vmul.f32 v25, v23;
	v12 =	vsub.f32 $1.500000000e+00, v12  }
0x2eb: {  	v31 =	vshll.u32 v31, $0xF;
	v18 =	vmul.f32 v27, v18;
	v49 =	vmul.f32 v21, v22  }
0x2ec: {  	v51 =	vld [tilespmem:s22+$0x830];
	v31 =	vor.u32 v48, v31;
	v12 =	vmul.f32 v12, v13;
	v13 =	vmul.f32 v23, v28  }
0x2ed: {  	v53 =	vld [tilespmem:s22+$0x1800];
	v33 =	vshll.u32 v54, $0xF;
	v35 =	vshrl.u32 v59, $0x7;
	v18 =	vsub.f32 $1.500000000e+00, v18  }
0x2ee: {  	v57 =	vld [tilespmem:s23+$0x2420];
	(erf) = vrcp.f32 v55;
	v33 =	vor.u32 v43, v33;
	v13 =	vmul.f32 v13, v23  }
0x2ef: {  	s14 =	simm.s32 $0xA0;
	v19 =	vld [tilespmem:s22+$0x1810];
	v25 =	vmul.f32 v49, v21;
	(xrf1) =	vsort.ascd.msk.u32 $0xffff, v31, v47;
	v31 =	vshll.u32 v34, $0xF;
	v24 =	vsub.f32 v37, v24  }
0x2f0: {  	v39 =	vld [tilespmem:s23+$0x1400];
	v49 =	vmov s14;
	v18 =	vmul.f32 v27, v18;
	v13 =	vsub.f32 $1.500000000e+00, v13  }
0x2f1: {  	v62 =	vld [tilespmem:s23+$0xC30];
	v31 =	vor.u32 v52, v31;
	v63 =	vshrl.u32 v49, $0x7;
	v36 =	vmul.f32 v50, v50  }
0x2f2: {  	s16 =	simm.s32 $0xE0;
	v55 =	vld [tilespmem:s23+$0x1C30];
	v25 =	vsub.f32 $1.500000000e+00, v25;
	v13 =	vmul.f32 v13, v23;
	v23 =	vmul.f32 v18, v30  }
0x2f3: {  	v42 =	vld [tilespmem:s23+$0x1C00];
	v27 =	vand.u32 $0x7FFFFFFF, v24;
	v24 =	vadd.f32 $9.999999930e-09, v51;
	v51 =	vmov s16  }
0x2f4: {  	v44 =	vld [tilespmem:s23+$0x2020];
	v19 =	vsub.f32 v47, v19;
	(xrf1) =	vsort.ascd.msk.u32 $0xffff, v31, v37;
	v40 =	vshrl.u32 v51, $0x7;
	v23 =	vmul.f32 v23, v18  }
0x2f5: {  	v31 =	vld [tilespmem:s22+$0x1830];
	v21 =	vmul.f32 v25, v21;
	v25 =	vsub.f32 v29, v53;
	v20 =	vmul.f32 v12, v20  }
0x2f6: {  	v49 =	vld [tilespmem:s23+$0xC10];
	(erf) = vrcp.f32 v24;
	v19 =	vand.u32 $0x7FFFFFFF, v19;
	v23 =	vsub.f32 $1.500000000e+00, v23  }
0x2f7: {  	v58 =	vpop (erf);
	v52 =	vld [tilespmem:s23+$0xC00];
	v34 =	vsub.f32 v55, v62;
	v22 =	vmul.f32 v21, v22;
	v20 =	vmul.f32 v20, v12  }
0x2f8: {  	v37 =	vld [tilespmem:s23+$0x810];
	v19 =	vmul.f32 v58, v19;
	v58 =	vor.u32 v8, v16;
	v18 =	vmul.f32 v23, v18  }
0x2f9: {  	v29 =	vld [tilespmem:s23+$0x1420];
	v24 =	vand.u32 $0x7FFFFFFF, v25;
	v22 =	vmul.f32 v22, v21;
	v20 =	vsub.f32 $1.500000000e+00, v20  }
0x2fa: {  	v53 =	vld [tilespmem:s23+$0x1C10];
	v38 =	vpop (erf);
	v31 =	vsub.f32 v56, v31;
	v25 =	vmul.f32 v13, v28;
	v30 =	vmul.f32 v18, v30  }
0x2fb: {  	v38 =	vmul.f32 v38, v24;
	v22 =	vsub.f32 $1.500000000e+00, v22;
	v28 =	vld [tilespmem:s23+$0x2400];
	v12 =	vmul.f32 v20, v12  }
0x2fc: {  	[tilespmem:s22+$0x5810] =	vst v19;
	v19 =	vsub.f32 v42, v52;
	v25 =	vmul.f32 v25, v13;
	v23 =	vld [tilespmem:s23+$0x1020];
	v30 =	vmul.f32 v30, v18  }
0x2fd: {  	v37 =	vadd.f32 $9.999999930e-09, v37;
	v12 =	vmul.f32 v12, v17;
	v17 =	vmul.f32 v22, v21  }
0x2fe: {  	v61 =	vld [tilespmem:s23+$0x1030];
	v29 =	vsub.f32 v57, v29;
	v19 =	vmul.f32 v19, v19;
	v30 =	vsub.f32 $1.500000000e+00, v30  }
0x2ff: {  	(erf) = vrcp.f32 v37;
	v21 =	vld [tilespmem:s23+$0x2430];
	v22 =	vsub.f32 $1.500000000e+00, v25;
	v17 =	vmul.f32 v17, v26  }
0x300: {  	v29 =	vmul.f32 v29, v29;
	v28 =	vsub.f32 v28, v39;
	v18 =	vmul.f32 v30, v18;
	v30 =	vld [tilespmem:s23+$0x1430]  }
0x301: {  	v32 =	vld [tilespmem:s23+$0x1410];
	v24, v20, _ =	vpop (xrf1);
	v13 =	vmul.f32 v22, v13;
	[tilespmem:s22+$0x5C20] =	vst v17;
	v17 =	vsub.f32 v53, v49;
	v23 =	vsub.f32 v44, v23  }
0x302: {  	s25 =	simm.s32 $0x80;
	v48 =	vld [tilespmem:s23+$0x2000];
	v24 =	vshrl.u32 v24, $0xF;
	v41, v25, _ =	vpop (xrf1);
	(xrf1) =	vsort.ascd.msk.u32 $0xffff, v33, v56;
	v33 =	vshll.u32 v63, v4;
	v56 =	vor.u32 v7, v11  }
0x303: {  	v26 =	vld [tilespmem:s23+$0x1000];
	v22 =	vpop (erf);
	v47 =	vmul.f32 v13, v9;
	v13 =	vmov s25;
	v23 =	vmul.f32 v23, v23  }
0x304: {  	v54 =	vld [tilespmem:s23+$0x2010];
	v28 =	vmul.f32 v28, v28;
	v22 =	vmul.f32 v22, v27;
	v13 =	vshrl.u32 v13, $0x7  }
0x305: {  	v13 =	vshll.u32 v13, v4;
	v23 =	vadd.f32 v23, v36;
	v21 =	vsub.f32 v21, v30;
	v30 =	vld [tilespmem:s23+$0x1010]  }
0x306: {  	v57 =	vld [tilespmem:s23+$0x2030];
	v18 =	vmul.f32 v18, v10;
	v10 =	vbroadcast v13, $0x0;
	v13 =	vshll.u32 v40, v4  }
0x307: {  	[tilespmem:s22+$0x5C10] =	vst v12;
	v41 =	vshrl.u32 v41, $0xF;
	v60, v27, _ =	vpop (xrf1);
	v11 =	vbroadcast v13, $0x0;
	v13 =	vadd.f32 v29, v23;
	v23 =	vld [tilespmem:s23+$0x2410]  }
0x308: {  	s20 =	simm.s32 $0x13040;
	v9 =	vand.u32 $0x7FFFFFFF, v31;
	v46 =	vpop (erf);
	v26 =	vsub.f32 v48, v26;
	v31 =	vshrl.u32 v60, $0xF;
	[tilespmem:s22+$0x5820] =	vst v22  }
0x309: {  	v12 =	vbroadcast v33, $0x0;
	v48 =	vld [tilespmem:s23+$0x800];
	v46 =	vmul.f32 v46, v9;
	v9 =	vshll.u32 v35, v4;
	[tilespmem:s20+$0x0] =	vst v31  }
0x30a: {  	[tilespmem:s20+$0xFFFFFFE0] =	vst v41;
	v22 =	vmul.f32 v26, v26;
	v29 =	vld.idx.msk [tilespmem:v56+s4+$0x0], $0xffff;
	v26 =	vshra.s32 v13, $0x1;
	v16 =	vsub.f32 v54, v30  }
0x30b: {  	v62 =	vld.idx.msk [tilespmem:v15+s4+$0x0], $0xffff;
	v15 =	vmul.f32 v34, v34;
	v59 =	vsub.s32 $0x5F3759DF, v26;
	v26 =	vsub.f32 v57, v61  }
0x30c: {  	[tilespmem:s22+$0x5800] =	vst v38;
	v23 =	vsub.f32 v23, v32;
	v30 =	vmul.f32 v17, v17;
	v60 =	vmul.f32 v16, v16  }
0x30d: {  	v9 =	vbroadcast v9, $0x0;
	v19 =	vadd.f32 v22, v19;
	[tilespmem:s22+$0x5C00] =	vst v18;
	v22 =	vmul.f32 v26, v26  }
0x30e: {  	v34 =	vadd.f32 $9.999999930e-09, v48;
	[tilespmem:s20+$0xFFFFFFC0] =	vst v24;
	v23 =	vmul.f32 v23, v23;
	v18 =	vadd.f32 v60, v30  }
0x30f: {  	v21 =	vmul.f32 v21, v21;
	vm1 =	vne.s32 v31, v29;
	v15 =	vadd.f32 v22, v15;
	v22 =	vld.idx.msk [tilespmem:v14+s4+$0x0], $0xffff  }
0x310: {  	v51 =	vld [tilespmem:s23+$0x820];
	vm1 =	vmor vm1, vm0;
	v17 =	vmul.f32 $5.000000000e-01, v13;
	v18 =	vadd.f32 v23, v18  }
0x311: {  	v14 =	vadd.f32 v28, v19;
	v28 =	vnsel vm1, $0xFFFFFFFF, v31;
	vm1 =	vne.s32 v41, v62  }
0x312: {  	v54 =	vld [tilespmem:s23+$0x10];
	vm1 =	vmor vm1, vm0;
	v19 =	vshra.s32 v18, $0x1;
	v23 =	vmul.f32 $5.000000000e-01, v18  }
0x313: {  	v29 =	vmul.f32 v59, v17;
	v15 =	vadd.f32 v21, v15;
	v30 =	vld [tilespmem:s23+$0x0];
	v31 =	vsub.s32 $0x5F3759DF, v19  }
0x314: {  	[tilespmem:s22+$0x5C30] =	vst v47;
	v63 =	vnsel vm1, $0xFFFFFFFF, v41;
	vm1 =	vne.s32 v24, v22;
	v22 =	vld [tilespmem:s23+$0x2800];
	v49 =	vmul.f32 v31, v23  }
0x315: {  	v33 =	vadd.f32 $9.999999930e-09, v51;
	[tilespmem:s22+$0x6810] =	vst v25;
	(erf) = vrcp.f32 v34;
	v21 =	vmul.f32 $5.000000000e-01, v15  }
0x316: {  	[tilespmem:s22+$0x5830] =	vst v46;
	v16, v61, _ =	vpop (xrf1);
	v29 =	vmul.f32 v59, v29;
	v19 =	vshra.s32 v15, $0x1;
	v38 =	vmul.f32 v31, v49  }
0x317: {  	v53 =	vld [tilespmem:s23+$0x2810];
	[tilespmem:s22+$0x6420] =	vst v28;
	v16 =	vshrl.u32 v16, $0xF;
	v28 =	vshll.u32 v54, $0xF;
	v50 =	vsub.s32 $0x5F3759DF, v19  }
0x318: {  	[tilespmem:s22+$0x6820] =	vst v27;
	v29 =	vsub.f32 $1.500000000e+00, v29;
	v55 =	vmul.f32 v50, v21;
	v38 =	vsub.f32 $1.500000000e+00, v38  }
0x319: {  	[tilespmem:s20+$0x20] =	vst v16;
	v27 =	vshll.u32 v30, $0xF;
	v19 =	vshra.s32 v14, $0x1;
	v25 =	vshrl.u32 v22, $0x10  }
0x31a: {  	v35 =	vld.idx.msk [tilespmem:v58+s4+$0x0], $0xffff;
	v26 =	vsub.s32 $0x5F3759DF, v19;
	v38 =	vmul.f32 v31, v38;
	v31 =	vmul.f32 v50, v55  }
0x31b: {  	v30 =	vld [tilespmem:s23+$0x20];
	v19 =	vmul.f32 $5.000000000e-01, v14;
	v57 =	vor.u32 v25, v27;
	v27 =	vmul.f32 v59, v29  }
0x31c: {  	[tilespmem:s22+$0x6800] =	vst v20;
	v20 =	vld [tilespmem:s23+$0x2820];
	v58 =	vshrl.u32 v53, $0x10;
	v25 =	vmul.f32 v38, v23;
	v31 =	vsub.f32 $1.500000000e+00, v31  }
0x31d: {  	v56 =	vld [tilespmem:s23+$0x1810];
	[tilespmem:s22+$0x6830] =	vst v61;
	v61 =	vor.u32 v58, v28;
	v52 =	vmul.f32 v26, v19;
	v60 =	vmul.f32 v27, v17  }
0x31e: {  	vm1 =	vmor vm1, vm0;
	(xrf1) =	vsort.ascd.msk.u32 $0xffff, v57, v22;
	v59 =	vmul.f32 v25, v38;
	v28 =	vmul.f32 v50, v31;
	v31 =	vld [tilespmem:s23+$0x1820]  }
0x31f: {  	[tilespmem:s22+$0x6410] =	vst v63;
	v24 =	vnsel vm1, $0xFFFFFFFF, v24;
	v37 =	vmul.f32 v26, v52;
	v63 =	vmul.f32 v60, v27  }
0x320: {  	vm1 =	vne.s32 v16, v35;
	v36 =	vshll.u32 v30, $0xF;
	v62 =	vsub.f32 $1.500000000e+00, v59  }
0x321: {  	s28 =	simm.s32 $0x130C0;
	v34 =	vld [tilespmem:s23+$0x830];
	(xrf1) =	vsort.ascd.msk.u32 $0xffff, v61, v53;
	v29 =	vsub.f32 $1.500000000e+00, v37;
	v37 =	vshrl.u32 v20, $0x10;
	v35 =	vsub.f32 $1.500000000e+00, v63  }
0x322: {  	s3 =	simm.s32 $0x4;
	s13 =	simm.s32 $0x100;
	s20 =	simm.s32 $0x13140;
	[tilespmem:s22+$0x6400] =	vst v24;
	v24 =	vpop (erf);
	v30 =	vld [tilespmem:s23+$0x1800];
	v25 =	vsub.f32 v53, v56;
	v32 =	vmul.f32 v62, v38;
	v38 =	vmul.f32 v28, v21  }
.LBB2_13:
0x323: {  	s3 =	sadd.s32 $0x4, s3;
	v31 =	vsub.f32 v20, v31;
	v36 =	vor.u32 v37, v36;
	s25 =	sadd.s32 $0x80, s25;
	s13 =	sadd.s32 $0x100, s13;
	vm1 =	vmor vm1, vm0  }
0x324: {  	s16 =	sadd.s32 $0x20, s25;
	s5 =	sadd.s32 $0x40, s25;
	p1 =	slt.u32 s3, $0x3C;
	v23 =	vmul.f32 v32, v23;
	v37 =	vmul.f32 v38, v28;
	v38 =	vpop (erf);
	(xrf1) =	vsort.ascd.msk.u32 $0xffff, v36, v20;
	v16 =	vnsel vm1, $0xFFFFFFFF, v16  }
0x325: {  	v26 =	vmul.f32 v26, v29;
	s14 =	sadd.s32 $0x60, s25;
	v27 =	vmul.f32 v35, v27;
	v29 =	vand.u32 $0x7FFFFFFF, v31;
	[tilespmem:s22+$0x6430] =	vst v16;
	s22 =	smov.u32 s23  }
0x326: {  	v16 =	vmul.f32 v23, v32;
	v20 =	vsub.f32 $1.500000000e+00, v37;
	v23 =	vadd.f32 $9.999999930e-09, v34  }
0x327: {  	v17 =	vmul.f32 v27, v17;
	v22 =	vsub.f32 v22, v30;
	(erf) = vrcp.f32 v33  }
0x328: {  	v36 =	vsub.f32 $1.500000000e+00, v16;
	v28 =	vmul.f32 v20, v28;
	(erf) = vrcp.f32 v23  }
0x329: {  	v35 =	vmul.f32 v26, v19;
	v17 =	vmul.f32 v17, v27;
	v22 =	vand.u32 $0x7FFFFFFF, v22;
	v23 =	vld [tilespmem:s22+$0x30]  }
0x32a: {  	v25 =	vand.u32 $0x7FFFFFFF, v25;
	v30 =	vmul.f32 v36, v32;
	v31 =	vld [tilespmem:s22+$0x1830];
	v21 =	vmul.f32 v28, v21  }
0x32b: {  	v32 =	vmul.f32 v35, v26;
	v34 =	vld [tilespmem:s22+$0x2830]  }
0x32c: {  	v33 =	vmul.f32 v38, v22;
	v17 =	vsub.f32 $1.500000000e+00, v17;
	v20, v16, _ =	vpop (xrf1);
	v35 =	vmul.f32 v21, v28  }
0x32d: {  	v24 =	vmul.f32 v24, v25;
	s23 =	sshra.s32 s13, $0x2;
	v20 =	vshrl.u32 v20, $0xF;
	v36 =	vmul.f32 v30, v18  }
0x32e: {  	v32 =	vsub.f32 $1.500000000e+00, v32;
	v17 =	vmul.f32 v17, v27;
	v30 =	vld [tilespmem:s23+$0x810];
	v27 =	vsub.f32 $1.500000000e+00, v35  }
0x32f: {  	v25 =	vmov s5;
	v18 =	vld [tilespmem:s23+$0x1410];
	[tilespmem:s22+$0x5C10] =	vst v36;
	v23 =	vshll.u32 v23, $0xF;
	v21, v22, _ =	vpop (xrf1)  }
0x330: {  	[tilespmem:s22+$0x5810] =	vst v24;
	v24 =	vmul.f32 v27, v28;
	v27 =	vsub.f32 v34, v31  }
0x331: {  	v26 =	vmul.f32 v32, v26;
	v13 =	vmul.f32 v17, v13;
	v35 =	vld [tilespmem:s23+$0x1420];
	v21 =	vshrl.u32 v21, $0xF  }
0x332: {  	v17 =	vld [tilespmem:s23+$0x2420];
	[tilespmem:s28+$0xFFFFFFE0] =	vst v21;
	v36 =	vshrl.u32 v34, $0x10;
	v31 =	vpop (erf)  }
0x333: {  	v19 =	vmul.f32 v26, v19;
	v32 =	vld [tilespmem:s23+$0x2400];
	[tilespmem:s22+$0x5C20] =	vst v13;
	v13 =	vmul.f32 v31, v29;
	v23 =	vor.u32 v36, v23;
	v28 =	vpop (erf)  }
0x334: {  	v25 =	vshrl.u32 v25, $0x7;
	v29 =	vld [tilespmem:s23+$0x1400];
	v15 =	vmul.f32 v24, v15;
	v24 =	vand.u32 $0x7FFFFFFF, v27;
	v27, v31, _ =	vpop (xrf1);
	(xrf1) =	vsort.ascd.msk.u32 $0xffff, v23, v34  }
0x335: {  	v19 =	vmul.f32 v19, v26;
	v24 =	vmul.f32 v28, v24;
	v23 =	vld [tilespmem:s23+$0xC20];
	[tilespmem:s22+$0x5820] =	vst v13;
	v27 =	vshrl.u32 v27, $0xF  }
0x336: {  	v25 =	vshll.u32 v25, v4;
	v28 =	vmov s16;
	v13 =	vmov s25;
	v34 =	vld [tilespmem:s23+$0x2430]  }
0x337: {  	v25 =	vbroadcast v25, $0x0;
	v19 =	vsub.f32 $1.500000000e+00, v19;
	v17 =	vsub.f32 v17, v35;
	v36 =	vld [tilespmem:s23+$0x1020];
	[tilespmem:s28+$0x0] =	vst v27  }
0x338: {  	v37 =	vmov s14;
	v28 =	vshrl.u32 v28, $0x7;
	v13 =	vshrl.u32 v13, $0x7;
	v35 =	vld [tilespmem:s23+$0x1000]  }
0x339: {  	v28 =	vshll.u32 v28, v4;
	v19 =	vmul.f32 v19, v26;
	v13 =	vshll.u32 v13, v4;
	v38 =	vld [tilespmem:s23+$0x1C00]  }
0x33a: {  	v37 =	vshrl.u32 v37, $0x7;
	v26 =	vbroadcast v13, $0x0;
	v13 =	vbroadcast v28, $0x0;
	v28 =	vld [tilespmem:s23+$0x2020]  }
0x33b: {  	v37 =	vshll.u32 v37, v4;
	v14 =	vmul.f32 v19, v14;
	v39 =	vld [tilespmem:s23+$0x1C20]  }
0x33c: {  	v37 =	vbroadcast v37, $0x0;
	v19 =	vld [tilespmem:s23+$0x1030];
	[tilespmem:s22+$0x5800] =	vst v33  }
0x33d: {  	v33 =	vld [tilespmem:s23+$0x2000];
	[tilespmem:s22+$0x5C00] =	vst v14  }
0x33e: {  	v14 =	vld [tilespmem:s23+$0xC30];
	[tilespmem:s28+$0xFFFFFFC0] =	vst v20  }
0x33f: {  	v29 =	vsub.f32 v32, v29;
	v28 =	vsub.f32 v28, v36;
	v32 =	vld [tilespmem:s23+$0x1430]  }
0x340: {  	v36 =	vld [tilespmem:s23+$0xC10];
	v23 =	vsub.f32 v39, v23  }
0x341: {  	v29 =	vmul.f32 v29, v29;
	v39 =	vld [tilespmem:s23+$0xC00]  }
0x342: {  	v28 =	vmul.f32 v28, v28;
	v33 =	vsub.f32 v33, v35;
	v35 =	vld [tilespmem:s23+$0x1C10];
	v23 =	vmul.f32 v23, v23;
	v40, v41, _ =	vpop (xrf1)  }
0x343: {  	v43 =	vor.u32 v7, v9;
	v9 =	vmov v25;
	v42 =	vld [tilespmem:s23+$0x2010]  }
0x344: {  	v25 =	vadd.f32 $9.999999930e-09, v30;
	v17 =	vmul.f32 v17, v17;
	v23 =	vadd.f32 v28, v23;
	v28 =	vld [tilespmem:s23+$0x1C30]  }
0x345: {  	v32 =	vsub.f32 v34, v32;
	v34 =	vor.u32 v6, v12;
	v12 =	vmov v13;
	v30 =	vld [tilespmem:s23+$0x1010]  }
0x346: {  	v38 =	vsub.f32 v38, v39;
	v13 =	vadd.f32 v17, v23;
	v23 =	vld [tilespmem:s23+$0x2030];
	v39 =	vor.u32 v5, v10;
	v10 =	vmovc v26  }
0x347: {  	v26 =	vld [tilespmem:s23+$0x2410]  }
0x348: {  	v33 =	vmul.f32 v33, v33;
	v17 =	vsub.f32 v35, v36;
	v38 =	vmul.f32 v38, v38;
	v35 =	vld.idx.msk [tilespmem:v43+s4+$0x0], $0xffff  }
0x349: {  	v43 =	vshra.s32 v13, $0x1;
	v36 =	vld [tilespmem:s23+$0x0];
	v14 =	vsub.f32 v28, v14;
	[tilespmem:s22+$0x6820] =	vst v31;
	v28 =	vor.u32 v8, v11;
	v11 =	vmovc v37  }
0x34a: {  	v31 =	vmul.f32 v17, v17;
	v37 =	vsub.s32 $0x5F3759DF, v43;
	v30 =	vsub.f32 v42, v30;
	v34 =	vld.idx.msk [tilespmem:v34+s4+$0x0], $0xffff  }
0x34b: {  	v17 =	vmul.f32 $5.000000000e-01, v13;
	v19 =	vsub.f32 v23, v19;
	v14 =	vmul.f32 v14, v14;
	v39 =	vld.idx.msk [tilespmem:v39+s4+$0x0], $0xffff;
	[tilespmem:s22+$0x6810] =	vst v22  }
0x34c: {  	v18 =	vsub.f32 v26, v18;
	v22 =	vmul.f32 v30, v30;
	[tilespmem:s22+$0x6800] =	vst v16  }
0x34d: {  	v23 =	vadd.f32 v33, v38;
	v16 =	vshrl.u32 v40, $0xF;
	v19 =	vmul.f32 v19, v19;
	[tilespmem:s22+$0x5830] =	vst v24  }
0x34e: {  	vm1 =	vne.s32 v27, v35;
	v22 =	vadd.f32 v22, v31;
	v18 =	vmul.f32 v18, v18;
	[tilespmem:s22+$0x5C30] =	vst v15  }
0x34f: {  	vm1 =	vmor vm1, vm0;
	v15 =	vadd.f32 v19, v14;
	v19 =	vmul.f32 v32, v32;
	[tilespmem:s28+$0x20] =	vst v16;
	s28 =	smov.u32 s20  }
0x350: {  	v14 =	vadd.f32 v29, v23;
	v18 =	vadd.f32 v18, v22;
	v22 =	vnsel vm1, $0xFFFFFFFF, v27;
	v30 =	vld.idx.msk [tilespmem:v28+s4+$0x0], $0xffff  }
0x351: {  	v24 =	vmul.f32 v37, v17;
	vm1 =	vne.s32 v21, v34;
	v15 =	vadd.f32 v19, v15;
	[tilespmem:s22+$0x6830] =	vst v41  }
0x352: {  	vm1 =	vmor vm1, vm0;
	v19 =	vshra.s32 v18, $0x1;
	v23 =	vmul.f32 $5.000000000e-01, v18;
	[tilespmem:s22+$0x6420] =	vst v22  }
0x353: {  	v21 =	vnsel vm1, $0xFFFFFFFF, v21;
	v27 =	vsub.s32 $0x5F3759DF, v19;
	v19 =	vshra.s32 v15, $0x1  }
0x354: {  	v28 =	vld [tilespmem:s23+$0x800];
	v29 =	vmul.f32 v27, v23;
	v32 =	vsub.s32 $0x5F3759DF, v19;
	[tilespmem:s22+$0x6410] =	vst v21  }
0x355: {  	vm1 =	vne.s32 v20, v39;
	v19 =	vshra.s32 v14, $0x1;
	v21 =	vmul.f32 $5.000000000e-01, v15;
	v33 =	vld [tilespmem:s23+$0x820]  }
0x356: {  	v26 =	vsub.s32 $0x5F3759DF, v19;
	v19 =	vmul.f32 $5.000000000e-01, v14;
	v22 =	vld [tilespmem:s23+$0x2800];
	v29 =	vmul.f32 v27, v29  }
0x357: {  	v24 =	vmul.f32 v37, v24;
	vm1 =	vmor vm1, vm0;
	v31 =	vld [tilespmem:s23+$0x10];
	(erf) = vrcp.f32 v25  }
0x358: {  	v35 =	vmul.f32 v32, v21;
	v25 =	vmul.f32 v26, v19;
	v34 =	vld [tilespmem:s23+$0x2810];
	v29 =	vsub.f32 $1.500000000e+00, v29  }
0x359: {  	v24 =	vsub.f32 $1.500000000e+00, v24;
	v20 =	vnsel vm1, $0xFFFFFFFF, v20;
	v28 =	vadd.f32 $9.999999930e-09, v28;
	v38 =	vld [tilespmem:s23+$0x1810]  }
0x35a: {  	v36 =	vshll.u32 v36, $0xF;
	v25 =	vmul.f32 v26, v25;
	v39 =	vmul.f32 v27, v29;
	v40 =	vld [tilespmem:s23+$0x20];
	[tilespmem:s22+$0x6400] =	vst v20  }
0x35b: {  	v35 =	vmul.f32 v32, v35;
	v27 =	vshrl.u32 v22, $0x10;
	v20 =	vld [tilespmem:s23+$0x2820];
	(erf) = vrcp.f32 v28  }
0x35c: {  	v28 =	vor.u32 v27, v36;
	v36 =	vmul.f32 v39, v23;
	v27 =	vmul.f32 v37, v24  }
0x35d: {  	v35 =	vsub.f32 $1.500000000e+00, v35;
	v29 =	vsub.f32 $1.500000000e+00, v25;
	v24 =	vshrl.u32 v34, $0x10;
	(xrf1) =	vsort.ascd.msk.u32 $0xffff, v28, v22  }
.Ltmp7:
0x35e: {  	v28 =	vshll.u32 v31, $0xF;
	v36 =	vmul.f32 v36, v39;
	v31 =	vld [tilespmem:s23+$0x1820];
	v37 =	vmul.f32 v27, v17;
	(pc) =	sbr.rel @p1 .LBB2_13-.Ltmp7, $4  }
0x35f: {  	v25 =	vsub.f32 v34, v38;
	v38 =	vor.u32 v24, v28;
	v28 =	vmul.f32 v32, v35  }
0x360: {  	vm1 =	vne.s32 v16, v30;
	v32 =	vsub.f32 $1.500000000e+00, v36;
	v35 =	vmul.f32 v37, v27;
	v24 =	vpop (erf);
	(xrf1) =	vsort.ascd.msk.u32 $0xffff, v38, v34  }
0x361: {  	v33 =	vadd.f32 $9.999999930e-09, v33;
	v36 =	vshll.u32 v40, $0xF;
	v37 =	vshrl.u32 v20, $0x10;
	v34 =	vld [tilespmem:s23+$0x830]  }
0x362: {  	s20 =	sadd.s32 $0x80, s20;
	v38 =	vmul.f32 v28, v21;
	v30 =	vld [tilespmem:s23+$0x1800];
	v32 =	vmul.f32 v32, v39;
	v35 =	vsub.f32 $1.500000000e+00, v35  }
0x363: {  	v26 =	vmul.f32 v26, v29;
	v29 =	vld [tilespmem:s23+$0x30]  }
0x364: {  	v62 =	vld [tilespmem:s23+$0x2830];
	v23 =	vmul.f32 v32, v23  }
0x365: {  	v36 =	vor.u32 v37, v36;
	v27 =	vmul.f32 v35, v27;
	v63 =	vmul.f32 v26, v19  }
0x366: {  	(erf) = vrcp.f32 v33;
	(xrf1) =	vsort.ascd.msk.u32 $0xffff, v36, v20;
	v23 =	vmul.f32 v23, v32  }
0x367: {  	v17 =	vmul.f32 v27, v17;
	v36 =	vmul.f32 v63, v26  }
0x368: {  	v38 =	vmul.f32 v38, v28;
	v29 =	vshll.u32 v29, $0xF;
	v23 =	vsub.f32 $1.500000000e+00, v23  }
0x369: {  	v42 =	vshrl.u32 v62, $0x10;
	v17 =	vmul.f32 v17, v27;
	v41 =	vsub.f32 $1.500000000e+00, v36  }
0x36a: {  	v40 =	vsub.f32 $1.500000000e+00, v38;
	v29 =	vor.u32 v42, v29;
	v23 =	vmul.f32 v23, v32  }
0x36b: {  	(xrf1) =	vsort.ascd.msk.u32 $0xffff, v29, v62;
	v17 =	vsub.f32 $1.500000000e+00, v17;
	v26 =	vmul.f32 v41, v26  }
0x36c: {  	v34 =	vadd.f32 $9.999999930e-09, v34;
	v28 =	vmul.f32 v40, v28;
	v18 =	vmul.f32 v23, v18  }
0x36d: {  	v25 =	vand.u32 $0x7FFFFFFF, v25;
	v17 =	vmul.f32 v17, v27;
	v19 =	vmul.f32 v26, v19  }
0x36e: {  	v22 =	vsub.f32 v22, v30;
	(erf) = vrcp.f32 v34;
	v21 =	vmul.f32 v28, v21;
	v29, v43, _ =	vpop (xrf1)  }
0x36f: {  	v20 =	vsub.f32 v20, v31;
	v23 =	vmul.f32 v24, v25;
	v24 =	vpop (erf);
	v19 =	vmul.f32 v19, v26  }
0x370: {  	v22 =	vand.u32 $0x7FFFFFFF, v22;
	v25 =	vld [tilespmem:s23+$0x1830];
	v21 =	vmul.f32 v21, v28;
	[tilespmem:s23+$0x5C10] =	vst v18;
	v13 =	vmul.f32 v17, v13;
	v18, v27, _ =	vpop (xrf1)  }
0x371: {  	v20 =	vand.u32 $0x7FFFFFFF, v20;
	[tilespmem:s23+$0x5810] =	vst v23;
	v17 =	vpop (erf);
	v19 =	vsub.f32 $1.500000000e+00, v19  }
0x372: {  	v21 =	vsub.f32 $1.500000000e+00, v21;
	[tilespmem:s23+$0x5C20] =	vst v13;
	v18 =	vshrl.u32 v18, $0xF;
	v17 =	vmul.f32 v17, v20  }
0x373: {  	v20 =	vmul.f32 v24, v22;
	[tilespmem:s28+$0xFFFFFFE0] =	vst v18;
	v19 =	vmul.f32 v19, v26  }
0x374: {  	v9 =	vor.u32 v7, v9;
	v12 =	vor.u32 v6, v12;
	v13, v22, _ =	vpop (xrf1);
	[tilespmem:s23+$0x5820] =	vst v17;
	v17 =	vmul.f32 v21, v28  }
0x375: {  	v23 =	vsub.f32 v62, v25;
	v13 =	vshrl.u32 v13, $0xF;
	[tilespmem:s23+$0x5800] =	vst v20;
	v14 =	vmul.f32 v19, v14  }
0x376: {  	v10 =	vor.u32 v5, v10;
	v11 =	vor.u32 v8, v11;
	[tilespmem:s28+$0x0] =	vst v13  }
0x377: {  	v21 =	vand.u32 $0x7FFFFFFF, v23;
	v20 =	vshrl.u32 v29, $0xF;
	v19 =	vpop (erf);
	[tilespmem:s23+$0x5C00] =	vst v14;
	v14 =	vmul.f32 v17, v15  }
0x378: {  	v19 =	vmul.f32 v19, v21;
	[tilespmem:s28+$0xFFFFFFC0] =	vst v20  }
0x379: {  	v9 =	vld.idx.msk [tilespmem:v9+s4+$0x0], $0xffff;
	v15, v17, _ =	vpop (xrf1);
	[tilespmem:s23+$0x5C30] =	vst v14  }
0x37a: {  	v12 =	vld.idx.msk [tilespmem:v12+s4+$0x0], $0xffff;
	v15 =	vshrl.u32 v15, $0xF;
	[tilespmem:s23+$0x5830] =	vst v19  }
0x37b: {  	v10 =	vld.idx.msk [tilespmem:v10+s4+$0x0], $0xffff;
	[tilespmem:s28+$0x20] =	vst v15  }
0x37c: {  	[tilespmem:s23+$0x6810] =	vst v27;
	v11 =	vld.idx.msk [tilespmem:v11+s4+$0x0], $0xffff  }
0x37d: {  	vm1 =	vmor vm1, vm0;
	[tilespmem:s23+$0x6820] =	vst v22  }
0x37e: {  	v14 =	vnsel vm1, $0xFFFFFFFF, v16;
	[tilespmem:s23+$0x6800] =	vst v43;
	vm1 =	vne.s32 v13, v9  }
0x37f: {  	vm2 =	vne.s32 v18, v12;
	[tilespmem:s22+$0x6430] =	vst v14;
	vm1 =	vmor vm1, vm0  }
0x380: {  	v9 =	vnsel vm1, $0xFFFFFFFF, v13;
	[tilespmem:s23+$0x6830] =	vst v17;
	vm1 =	vmor vm2, vm0;
	vm2 =	vne.s32 v20, v10  }
0x381: {  	[tilespmem:s23+$0x6420] =	vst v9;
	v9 =	vnsel vm1, $0xFFFFFFFF, v18;
	vm1 =	vmor vm2, vm0;
	vm2 =	vne.s32 v15, v11  }
0x382: {  	s0 =	sadd.s32 s18, s0;
	[tilespmem:s23+$0x6410] =	vst v9;
	v9 =	vnsel vm1, $0xFFFFFFFF, v20;
	vm1 =	vmor vm2, vm0  }
0x383: {  	s0 =	sshrl.u32 s0, $0x3;
	[tilespmem:s23+$0x6400] =	vst v9;
	v9 =	vnsel vm1, $0xFFFFFFFF, v15  }
0x384: {  	s3 =	simm.s32 $0x0;
	s6 =	simm.s32 $0x6400;
	s5 =	sadd.s32 s15, s0;
	[tilespmem:s23+$0x6430] =	vst v9  }
0x385: {  	[hbm4b:s5+s3] =	stream.linear.scatter [tilespmem:s6], [sflag:$0x3], $0x400, $0x38;
	[tilespmem:$0x1E780] =	vst v63  }
0x386: {  	_ =	swait.ge [sflag:s11], $0x400  }
0x387: {  	[sflag:s11] =	ssyncset.done $0x0  }
0x388: {  	s20 =	simm.s32 $0x6800;
	s0 =	sadd.s32 s17, s0;
	[sflag:s11] =	ssyncadd.s32 $0xFFFFFC00  }
0x389: {  	[hbm4b:s0+s3] =	stream.linear.scatter [tilespmem:s20], [sflag:$0x3], $0x400, $0x38;
	[tilespmem:$0x1E780] =	vst v63  }
0x38a: {  	_ =	swait.ge [sflag:s11], $0x400  }
0x38b: {  	[sflag:s11] =	ssyncset.done $0x0  }
0x38c: {  	[sflag:s11] =	ssyncadd.s32 $0xFFFFFC00  }
0x38d: {  	s23 =	simm.s32 $0x5800;
	s22 =	rddreg [dreg:$0x5]  }
0x38e: {  	[spmem:s22] =	stream.indirect.scatter.add.f32 [tilespmem:s23], [sflag:$0x3], $0x1, s3, s19, $0xb8;
	[tilespmem:$0x1E780] =	vst v63  }
0x38f: {  	_ =	swait.ge [sflag:s11], $0x400  }
0x390: {  	[sflag:s11] =	ssyncset.done $0x0  }
0x391: {  	[sflag:s11] =	ssyncadd.s32 $0xFFFFFC00  }
0x392: {  	s13 =	simm.s32 $0x5C00;
	s9 =	rddreg [dreg:$0x6]  }
0x393: {  	[spmem:s9] =	stream.indirect.scatter.add.f32 [tilespmem:s13], [sflag:$0x3], $0x1, s3, s19, $0xb8;
	[tilespmem:$0x1E780] =	vst v63  }
0x394: {  	_ =	swait.ge [sflag:s11], $0x400  }
0x395: {  	[sflag:s11] =	ssyncset.done $0x0  }
0x396: {  	[sflag:s11] =	ssyncadd.s32 $0xFFFFFC00  }
0x397: {  	s16 =	simm.s32 $0x6000;
	s14 =	rddreg [dreg:$0x7]  }
0x398: {  	[spmem:s14] =	stream.indirect.scatter.add.f32 [tilespmem:s16], [sflag:$0x3], $0x1, s3, s19, $0xb8;
	[tilespmem:$0x1E780] =	vst v63  }
0x399: {  	s25 =	sshll.u32 s29, $0x1;
	_ =	swait.ge [sflag:s11], $0x400  }
0x39a: {  	s0 =	sadd.s32 $0x2, s25;
	s20 =	sld [smem:$0x7A5]  }
0x39b: {  	p1 =	seq.s32 s0, $0x62;
	s0 =	sshll.u32 s0, $0xA  }
0x39c: {  	s0 =	simm.s32 @p1 $0x0;
	s22 =	sld [smem:$0x7A6]  }
0x39d: {  	s0 =	sadd.s32 s20, s0  }
0x39e: {  	[sflag:s11] =	ssyncset.done $0x0;
	s0 =	sshrl.u32 s0, $0x3  }
0x39f: {  	[sflag:s11] =	ssyncadd.s32 $0xFFFFFC00;
	s5 =	sadd.s32 s22, s0  }
0x3a0: {  	[tilespmem:s3], [sflag:$0x3] =	stream.linear.gather [hbm4b:s5+s3], $0x400, $0x38;
	[tilespmem:$0x1E780] =	vst v63  }
0x3a1: {  	_ =	swait.ge [sflag:s11], $0x400  }
0x3a2: {  	s23 =	sld [smem:$0x7A8];
	_ =	sdelay $0x1  }
0x3a3: {  	[sflag:s11] =	ssyncset.done $0x0  }
0x3a4: {  	[sflag:s11] =	ssyncadd.s32 $0xFFFFFC00;
	s5 =	sadd.s32 s23, s0  }
0x3a5: {  	[tilespmem:s19], [sflag:$0x3] =	stream.linear.gather [hbm4b:s5+s3], $0x400, $0x38;
	[tilespmem:$0x1E780] =	vst v63  }
0x3a6: {  	_ =	swait.ge [sflag:s11], $0x400  }
0x3a7: {  	[sflag:s11] =	ssyncset.done $0x0  }
0x3a8: {  	[sflag:s11] =	ssyncadd.s32 $0xFFFFFC00  }
0x3a9: {  	s25 =	rddreg [dreg:$0x2]  }
0x3aa: {  	s6 =	simm.s32 $0x800;
	s0 =	sadd.s32 s25, s0  }
0x3ab: {  	[tilespmem:s6], [sflag:$0x3] =	stream.linear.gather [hbm4b:s0+s3], $0x400, $0x38;
	[tilespmem:$0x1E780] =	vst v63  }
0x3ac: {  	_ =	swait.ge [sflag:s11], $0x400  }
0x3ad: {  	[sflag:s11] =	ssyncset.done $0x0  }
0x3ae: {  	s9 =	simm.s32 $0xC00;
	[sflag:s11] =	ssyncadd.s32 $0xFFFFFC00  }
0x3af: {  	[tilespmem:s9], [sflag:$0x1] =	stream.indirect.gather [spmem:s8], $0x1, s3, s19, $0xb8;
	[tilespmem:$0x1E780] =	vst v63  }
0x3b0: {  	s14 =	simm.s32 $0x1000;
	s13 =	rddreg [dreg:$0x9]  }
0x3b1: {  	[tilespmem:s14], [sflag:$0x1] =	stream.indirect.gather [spmem:s13], $0x1, s3, s19, $0xb8;
	[tilespmem:$0x1E780] =	vst v63  }
0x3b2: {  	s20 =	simm.s32 $0x1400;
	s16 =	rddreg [dreg:$0xa]  }
0x3b3: {  	[tilespmem:s20], [sflag:$0x1] =	stream.indirect.gather [spmem:s16], $0x1, s3, s19, $0xb8;
	[tilespmem:$0x1E780] =	vst v63  }
0x3b4: {  	s22 =	simm.s32 $0x1800  }
0x3b5: {  	[tilespmem:s22], [sflag:$0x1] =	stream.indirect.gather [spmem:s10], $0x1, s3, s19, $0xb8;
	[tilespmem:$0x1E780] =	vst v63  }
0x3b6: {  	s23 =	simm.s32 $0x1C00  }
0x3b7: {  	[tilespmem:s23], [sflag:$0x1] =	stream.indirect.gather [spmem:s8], $0x1, s19, s19, $0xb8;
	[tilespmem:$0x1E780] =	vst v63  }
0x3b8: {  	s25 =	simm.s32 $0x2000  }
0x3b9: {  	[tilespmem:s25], [sflag:$0x1] =	stream.indirect.gather [spmem:s13], $0x1, s19, s19, $0xb8;
	[tilespmem:$0x1E780] =	vst v63  }
0x3ba: {  	s6 =	simm.s32 $0x2400  }
0x3bb: {  	[tilespmem:s6], [sflag:$0x1] =	stream.indirect.gather [spmem:s16], $0x1, s19, s19, $0xb8;
	[tilespmem:$0x1E780] =	vst v63  }
0x3bc: {  	s9 =	smov.u32 s8;
	s8 =	simm.s32 $0x2800  }
0x3bd: {  	[tilespmem:s8], [sflag:$0x1] =	stream.indirect.gather [spmem:s10], $0x1, s19, s19, $0xb8;
	[tilespmem:$0x1E780] =	vst v63  }
0x3be: {  	_ =	swait.ge [sflag:s12], $0x400  }
0x3bf: {  	[sflag:s12] =	ssyncset.done $0x0  }
0x3c0: {  	[sflag:s12] =	ssyncadd.s32 $0xFFFFFC00  }
0x3c1: {  	_ =	swait.ge [sflag:s12], $0x400  }
0x3c2: {  	[sflag:s12] =	ssyncset.done $0x0  }
0x3c3: {  	[sflag:s12] =	ssyncadd.s32 $0xFFFFFC00  }
0x3c4: {  	_ =	swait.ge [sflag:s12], $0x400  }
0x3c5: {  	[sflag:s12] =	ssyncset.done $0x0  }
0x3c6: {  	[sflag:s12] =	ssyncadd.s32 $0xFFFFFC00  }
0x3c7: {  	_ =	swait.ge [sflag:s12], $0x400  }
0x3c8: {  	[sflag:s12] =	ssyncset.done $0x0  }
0x3c9: {  	[sflag:s12] =	ssyncadd.s32 $0xFFFFFC00  }
0x3ca: {  	_ =	swait.ge [sflag:s12], $0x400  }
0x3cb: {  	[sflag:s12] =	ssyncset.done $0x0  }
0x3cc: {  	[sflag:s12] =	ssyncadd.s32 $0xFFFFFC00  }
0x3cd: {  	_ =	swait.ge [sflag:s12], $0x400  }
0x3ce: {  	[sflag:s12] =	ssyncset.done $0x0  }
0x3cf: {  	[sflag:s12] =	ssyncadd.s32 $0xFFFFFC00  }
0x3d0: {  	_ =	swait.ge [sflag:s12], $0x400  }
0x3d1: {  	[sflag:s12] =	ssyncset.done $0x0  }
0x3d2: {  	[sflag:s12] =	ssyncadd.s32 $0xFFFFFC00  }
0x3d3: {  	_ =	swait.ge [sflag:s12], $0x400  }
0x3d4: {  	[sflag:s12] =	ssyncset.done $0x0  }
0x3d5: {  	s0 =	simm.s32 $0x0;
	[sflag:s12] =	ssyncadd.s32 $0xFFFFFC00  }
0x3d6: {  	v10 =	vld [tilespmem:s0+$0x3400]  }
0x3d7: {  	v11 =	vld [tilespmem:s0+$0x5000]  }
0x3d8: {  	v12 =	vld [tilespmem:s0+$0x4000]  }
0x3d9: {  	v13 =	vld [tilespmem:s0+$0x5010]  }
0x3da: {  	v14 =	vld [tilespmem:s0+$0x5030]  }
0x3db: {  	v15 =	vld [tilespmem:s0+$0x4010]  }
0x3dc: {  	v16 =	vld [tilespmem:s0+$0x3C10]  }
0x3dd: {  	v19 =	vld [tilespmem:s0+$0x3C20]  }
0x3de: {  	v20 =	vld [tilespmem:s0+$0x3820]  }
0x3df: {  	v17 =	vld [tilespmem:s0+$0x4C10]  }
0x3e0: {  	v18 =	vld [tilespmem:s0+$0x3810]  }
0x3e1: {  	v21 =	vld [tilespmem:s0+$0x4810]  }
0x3e2: {  	v28 =	vld [tilespmem:s0+$0x4C30]  }
0x3e3: {  	v29 =	vld [tilespmem:s0+$0x3C30]  }
0x3e4: {  	v44 =	vld [tilespmem:s0+$0x4C20]  }
0x3e5: {  	s14 =	simm.s32 $0x40;
	v45 =	vld [tilespmem:s0+$0x4820]  }
0x3e6: {  	v22 =	vmov s14;
	s13 =	simm.s32 $0x60;
	v46 =	vld [tilespmem:s0+$0x4030]  }
0x3e7: {  	v22 =	vshrl.u32 v22, $0x7;
	s20 =	simm.s32 $0x20;
	v9 =	vmov s13;
	v50 =	vld [tilespmem:s0+$0x5410]  }
0x3e8: {  	v22 =	vshll.u32 v22, v4;
	v24 =	vmov s20;
	s6 =	simm.s32 $0x160;
	v23 =	vshrl.u32 v9, $0x7;
	v53 =	vld [tilespmem:s0+$0x4410]  }
0x3e9: {  	s6 =	simm.s32 @!p0 $0x0;
	v23 =	vshll.u32 v23, v4;
	v16 =	vsub.f32 v17, v16;
	v17 =	vsub.f32 v21, v18  }
0x3ea: {  	v9 =	vmov s6;
	v13 =	vsub.f32 v13, v15;
	v10 =	vadd.f32 $9.999999930e-09, v10  }
0x3eb: {  	s16 =	simm.s32 $0x0;
	v18 =	vbroadcast v23, $0x0;
	v11 =	vsub.f32 v11, v12;
	v28 =	vsub.f32 v28, v29  }
0x3ec: {  	v25 =	vld [tilespmem:s0+$0x3C00];
	v23 =	vmov s16;
	v33 =	vsub.f32 v45, v20;
	v14 =	vsub.f32 v14, v46  }
0x3ed: {  	v26 =	vld [tilespmem:s0+$0x4800];
	v21 =	vbroadcast v22, $0x0;
	v19 =	vsub.f32 v44, v19;
	v56 =	vsub.f32 v50, v53  }
0x3ee: {  	v30 =	vld [tilespmem:s0+$0x4C00];
	v22 =	vshrl.u32 v23, $0x7;
	v15 =	vmul.f32 v16, v16;
	v16 =	vmul.f32 v17, v17  }
0x3ef: {  	s23 =	simm.s32 $0x10;
	v31 =	vld [tilespmem:s0+$0x3800];
	v17 =	vshrl.u32 v24, $0x7;
	v13 =	vmul.f32 v13, v13;
	v11 =	vmul.f32 v11, v11  }
0x3f0: {  	v24 =	vor.u32 s23, v3;
	v14 =	vmul.f32 v14, v14;
	v19 =	vmul.f32 v19, v19  }
0x3f1: {  	s22 =	simm.s32 $0x20;
	s23 =	simm.s32 $0xE0;
	v18 =	vor.u32 v8, v18;
	v21 =	vor.u32 v7, v21;
	v15 =	vadd.f32 v15, v16  }
0x3f2: {  	v27 =	vld [tilespmem:s0+$0x3830];
	v23 =	vshll.u32 v17, v4;
	v17 =	vor.u32 s22, v3;
	v42 =	vmov s23  }
0x3f3: {  	v29 =	vld [tilespmem:s0+$0x2C20];
	v16 =	vshll.u32 v22, v4;
	v22 =	vbroadcast v23, $0x0;
	v15 =	vadd.f32 v13, v15  }
0x3f4: {  	v23 =	vbroadcast v16, $0x0;
	v16 =	vld [tilespmem:s0+$0x4830];
	v13 =	vsub.f32 v30, v25;
	v25 =	vsub.f32 v26, v31  }
0x3f5: {  	v48 =	vld [tilespmem:s0+$0x4020];
	vm3 =	vge.u32 v24, v9;
	v12 =	vshra.s32 v15, $0x1;
	v47 =	vmul.f32 $5.000000000e-01, v15  }
0x3f6: {  	v51 =	vld [tilespmem:s0+$0x4420];
	v13 =	vmul.f32 v13, v13;
	v25 =	vmul.f32 v25, v25;
	v12 =	vsub.s32 $0x5F3759DF, v12  }
0x3f7: {  	s16 =	simm.s32 $0x70;
	v60 =	vshrl.u32 v42, $0x7;
	vm4 =	vge.u32 v17, v9;
	v30 =	vld [tilespmem:s0+$0x5420];
	v49 =	vmul.f32 v12, v47  }
0x3f8: {  	v17 =	vor.u32 s16, v3;
	v29 =	vshll.u32 v29, $0xF;
	v31 =	vld [tilespmem:s0+$0x5020];
	v13 =	vadd.f32 v13, v25  }
0x3f9: {  	v42 =	vshll.u32 v60, v4;
	v16 =	vsub.f32 v16, v27;
	v25 =	vmul.f32 v12, v49  }
0x3fa: {  	v26 =	vor.u32 s3, v3;
	v22 =	vor.u32 v6, v22;
	v20 =	vadd.f32 v11, v13  }
0x3fb: {  	v11 =	vmul.f32 v16, v16;
	v13 =	vmul.f32 v28, v28;
	v16 =	vsub.f32 $1.500000000e+00, v25  }
0x3fc: {  	vm1 =	vge.u32 v26, v9;
	v27 =	vshrl.u32 v30, $0x10;
	v40 =	vsub.f32 v30, v51  }
0x3fd: {  	v28 =	vsub.f32 v31, v48;
	v11 =	vadd.f32 v13, v11;
	v12 =	vmul.f32 v12, v16  }
0x3fe: {  	v31 =	vld [tilespmem:s0+$0x2C10];
	v40 =	vand.u32 $0x7FFFFFFF, v40;
	v25 =	vshra.s32 v20, $0x1;
	v16 =	vmul.f32 v33, v33  }
0x3ff: {  	v13 =	vsub.s32 $0x5F3759DF, v25;
	v14 =	vadd.f32 v14, v11;
	v11 =	vmul.f32 v12, v47  }
0x400: {  	v25 =	vmul.f32 $5.000000000e-01, v20;
	v16 =	vadd.f32 v19, v16;
	v19 =	vor.u32 v27, v29  }
0x401: {  	v27 =	vshra.s32 v14, $0x1;
	v52 =	vmul.f32 $5.000000000e-01, v14;
	v29 =	vld [tilespmem:s0+$0x3410];
	v11 =	vmul.f32 v11, v12  }
0x402: {  	v28 =	vmul.f32 v28, v28;
	v55 =	vmul.f32 v13, v25;
	(xrf1) =	vsort.ascd.msk.u32 $0xffff, v19, v30;
	v19 =	vsub.s32 $0x5F3759DF, v27  }
0x403: {  	v58 =	vld [tilespmem:s0+$0x5430];
	v27 =	vshll.u32 v31, $0xF;
	v54 =	vmul.f32 v19, v52;
	v11 =	vsub.f32 $1.500000000e+00, v11  }
0x404: {  	v59 =	vld [tilespmem:s0+$0x4430];
	v31 =	vshrl.u32 v50, $0x10;
	v36 =	vmul.f32 v13, v55;
	v39 =	vadd.f32 v28, v16  }
0x405: {  	v27 =	vor.u32 v31, v27;
	v16 =	vld [tilespmem:s0+$0x3430];
	v11 =	vmul.f32 v11, v12;
	v12 =	vmul.f32 v19, v54  }
0x406: {  	v61 =	vld [tilespmem:s0+$0x2C00];
	(xrf1) =	vsort.ascd.msk.u32 $0xffff, v27, v50;
	v27 =	vshra.s32 v39, $0x1;
	v37 =	vmul.f32 $5.000000000e-01, v39;
	v28 =	vadd.f32 $9.999999930e-09, v29  }
0x407: {  	v44 =	vld [tilespmem:s0+$0x4400];
	s22 =	simm.s32 $0x40;
	v27 =	vsub.s32 $0x5F3759DF, v27;
	v29 =	vmul.f32 v11, v47;
	v12 =	vsub.f32 $1.500000000e+00, v12  }
0x408: {  	s25 =	simm.s32 $0x30;
	v48 =	vld [tilespmem:s22+$0x5000];
	v33 =	vand.u32 $0x7FFFFFFF, v56;
	v57 =	vmul.f32 v27, v37;
	(erf) = vrcp.f32 v28  }
0x409: {  	v31 =	vor.u32 s25, v3;
	v50 =	vld [tilespmem:s22+$0x4000];
	v28 =	vmul.f32 v29, v11;
	v12 =	vmul.f32 v19, v12  }
0x40a: {  	s5 =	simm.s32 $0xC0;
	v46 =	vld [tilespmem:s22+$0x3400];
	v36 =	vsub.f32 $1.500000000e+00, v36;
	v16 =	vadd.f32 $9.999999930e-09, v16;
	v32 =	vmul.f32 v27, v57  }
0x40b: {  	v30 =	vld [tilespmem:s0+$0x2C30];
	v29 =	vmov s5;
	v28 =	vsub.f32 $1.500000000e+00, v28;
	v41 =	vmul.f32 v12, v52  }
0x40c: {  	vm2 =	vge.u32 v31, v9;
	(erf) = vrcp.f32 v16;
	v19 =	vld [tilespmem:s0+$0x3420];
	v43 =	vshrl.u32 v29, $0x7  }
0x40d: {  	s14 =	simm.s32 $0x50;
	v16 =	vld [tilespmem:s0+$0x5400];
	v29 =	vsub.f32 $1.500000000e+00, v32;
	v11 =	vmul.f32 v28, v11;
	v28 =	vmul.f32 v41, v12  }
0x40e: {  	v38 =	vld [tilespmem:s22+$0x5010];
	v36 =	vmul.f32 v13, v36;
	v13 =	vor.u32 s14, v3;
	v48 =	vsub.f32 v48, v50  }
0x40f: {  	v34 =	vld [tilespmem:s22+$0x5030];
	(erf) = vrcp.f32 v10;
	v45 =	vmul.f32 v27, v29;
	v10 =	vsub.f32 $1.500000000e+00, v28  }
0x410: {  	v35 =	vld [tilespmem:s22+$0x4010];
	v62 =	vshll.u32 v43, v4;
	v29 =	vshll.u32 v30, $0xF;
	v30 =	vmul.f32 v11, v15  }
0x411: {  	v53 =	vld [tilespmem:s22+$0x3C20];
	v11 =	vshrl.u32 v58, $0x10;
	v15 =	vadd.f32 $9.999999930e-09, v19;
	v19 =	vmul.f32 v45, v37  }
0x412: {  	v60 =	vld [tilespmem:s22+$0x3C30];
	v44 =	vsub.f32 v16, v44;
	v47, v27, _ =	vpop (xrf1);
	v11 =	vor.u32 v11, v29;
	v49 =	vmul.f32 v10, v12  }
0x413: {  	v26 =	vld [tilespmem:s22+$0x4C20];
	v12 =	vsub.f32 v58, v59;
	(xrf1) =	vsort.ascd.msk.u32 $0xffff, v11, v58;
	v10 =	vpop (erf);
	(erf) = vrcp.f32 v15;
	v15 =	vmul.f32 v19, v45  }
0x414: {  	v51 =	vld [tilespmem:s22+$0x3C10];
	v41 =	vshll.u32 v61, $0xF;
	v56 =	vshrl.u32 v16, $0x10;
	v19 =	vmul.f32 v49, v52  }
0x415: {  	v54 =	vld [tilespmem:s22+$0x3C00];
	v44 =	vand.u32 $0x7FFFFFFF, v44;
	v47 =	vshrl.u32 v47, $0xF;
	v15 =	vsub.f32 $1.500000000e+00, v15  }
0x416: {  	s8 =	simm.s32 $0xA0;
	v57 =	vld [tilespmem:s22+$0x4C30];
	v11 =	vand.u32 $0x7FFFFFFF, v12;
	v33 =	vmul.f32 v10, v33;
	v19 =	vmul.f32 v19, v49  }
0x417: {  	s6 =	simm.s32 $0x80;
	v32 =	vld [tilespmem:s22+$0x4420];
	v52 =	vmov s8;
	v10 =	vbroadcast v42, $0x0;
	v12 =	vpop (erf);
	v45 =	vmul.f32 v15, v45  }
0x418: {  	v61 =	vld [tilespmem:s22+$0x4C00];
	v43 =	vmul.f32 v12, v11;
	v11 =	vmov s6;
	v19 =	vsub.f32 $1.500000000e+00, v19  }
0x419: {  	v12 =	vbroadcast v62, $0x0;
	v55 =	vpop (erf);
	v62 =	vld [tilespmem:s22+$0x4C10];
	v15 =	vshrl.u32 v52, $0x7;
	v37 =	vmul.f32 v45, v37  }
0x41a: {  	v63 =	vshrl.u32 v11, $0x7;
	v44 =	vmul.f32 v55, v44;
	v55 =	vld [tilespmem:s22+$0x4800];
	v19 =	vmul.f32 v19, v49  }
0x41b: {  	v52 =	vshll.u32 v63, v4;
	v63 =	vmul.f32 v36, v25;
	v49 =	vld [tilespmem:s22+$0x3830];
	v37 =	vmul.f32 v37, v45  }
0x41c: {  	v29, v28, _ =	vpop (xrf1);
	v58 =	vmul.f32 v19, v14;
	v19 =	vor.u32 v56, v41;
	v41 =	vsub.f32 v57, v60;
	v60 =	vld [tilespmem:s22+$0x4030]  }
0x41d: {  	v56 =	vmul.f32 v63, v36;
	v14 =	vpop (erf);
	(xrf1) =	vsort.ascd.msk.u32 $0xffff, v19, v16;
	v19 =	vadd.f32 $9.999999930e-09, v46;
	v16 =	vbroadcast v52, $0x0;
	v52 =	vld [tilespmem:s22+$0x3810]  }
0x41e: {  	v46 =	vsub.f32 v62, v51;
	v62 =	vld [tilespmem:s22+$0x3800];
	v40 =	vmul.f32 v14, v40;
	v14 =	vsub.f32 $1.500000000e+00, v37  }
0x41f: {  	v15 =	vshll.u32 v15, v4;
	v37 =	vsub.f32 v61, v54;
	v61 =	vld [tilespmem:s22+$0x4810];
	v63 =	vsub.f32 $1.500000000e+00, v56  }
0x420: {  	v29 =	vshrl.u32 v29, $0xF;
	v15 =	vbroadcast v15, $0x0;
	v56 =	vld [tilespmem:s22+$0x5020];
	v45 =	vmul.f32 v14, v45  }
0x421: {  	v24, v31, _ =	vpop (xrf1);
	[tilespmem:s0+$0x5820] =	vst v40;
	v40 =	vmul.f32 v46, v46;
	v36 =	vmul.f32 v63, v36;
	v46 =	vsub.f32 v26, v53;
	v26 =	vld [tilespmem:s22+$0x4020]  }
0x422: {  	s13 =	simm.s32 $0x60;
	v51 =	vshrl.u32 v24, $0xF;
	v24 =	vsub.f32 v38, v35;
	v38 =	vor.u32 v5, v23;
	v23 =	vld [tilespmem:s22+$0x4830]  }
0x423: {  	v11 =	vor.u32 s13, v3;
	[tilespmem:s0+$0x5830] =	vst v43;
	v54 =	vld [tilespmem:s22+$0x5420];
	v37 =	vmul.f32 v37, v37;
	v39 =	vmul.f32 v45, v39  }
0x424: {  	s20 =	simm.s32 $0x13040;
	v42 =	vld [tilespmem:s22+$0x3820];
	[tilespmem:s0+$0x5C30] =	vst v58;
	v35 =	vsub.f32 v55, v62;
	v25 =	vmul.f32 v36, v25;
	v57 =	vsub.f32 v61, v52  }
0x425: {  	s25 =	simm.s32 $0x40;
	v34 =	vsub.f32 v34, v60;
	v45 =	vld [tilespmem:s22+$0x4820];
	[tilespmem:s20+$0x20] =	vst v51;
	v62 =	vmul.f32 v48, v48;
	v24 =	vmul.f32 v24, v24  }
0x426: {  	v14 =	vor.u32 s25, v3;
	v61 =	vld.idx.msk [tilespmem:v18+s4+$0x0], $0xffff;
	[tilespmem:s0+$0x5C20] =	vst v39;
	v18 =	vmul.f32 v35, v35;
	v59 =	vmul.f32 v57, v57  }
0x427: {  	v25 =	vmul.f32 v25, v36;
	[tilespmem:s20+$0x0] =	vst v47;
	v55 =	vsub.f32 v56, v26;
	v60 =	vsub.f32 v23, v49  }
0x428: {  	v48 =	vshrl.u32 v54, $0x10;
	v63 =	vld.idx.msk [tilespmem:v21+s4+$0x0], $0xffff;
	v21 =	vsub.f32 v54, v32;
	v39 =	vadd.f32 v40, v59  }
0x429: {  	v58 =	vld [tilespmem:s22+$0x2C20];
	v34 =	vmul.f32 v34, v34;
	v18 =	vadd.f32 v37, v18;
	v25 =	vsub.f32 $1.500000000e+00, v25  }
0x42a: {  	v42 =	vsub.f32 v45, v42;
	v32 =	vmul.f32 v55, v55;
	v26 =	vadd.f32 v24, v39  }
0x42b: {  	v18 =	vadd.f32 v62, v18;
	v57 =	vmul.f32 v60, v60;
	v25 =	vmul.f32 v25, v36  }
0x42c: {  	v50 =	vld [tilespmem:s22+$0x5410];
	[tilespmem:s0+$0x5C10] =	vst v30;
	vm5 =	vne.s32 v51, v61;
	v30 =	vshra.s32 v26, $0x1;
	v39 =	vmul.f32 $5.000000000e-01, v26  }
0x42d: {  	[tilespmem:s0+$0x5810] =	vst v33;
	v60 =	vmul.f32 v41, v41;
	v61 =	vmul.f32 v46, v46;
	v30 =	vsub.s32 $0x5F3759DF, v30  }
0x42e: {  	[tilespmem:s20+$0xFFFFFFE0] =	vst v29;
	v24 =	vshll.u32 v58, $0xF;
	v56 =	vmul.f32 v42, v42;
	v58 =	vmul.f32 v30, v39  }
0x42f: {  	v59 =	vld.idx.msk [tilespmem:v22+s4+$0x0], $0xffff;
	vm5 =	vmor vm5, vm0;
	v25 =	vmul.f32 v25, v20;
	v20 =	vshra.s32 v18, $0x1  }
0x430: {  	[tilespmem:s0+$0x5800] =	vst v44;
	v62 =	vld [tilespmem:s22+$0x2C10];
	v37 =	vadd.f32 v60, v57;
	v55 =	vor.u32 v48, v24;
	v33 =	vmul.f32 v30, v58  }
0x431: {  	[tilespmem:s0+$0x6830] =	vst v31;
	v60 =	vshrl.u32 v50, $0x10;
	vm2 =	vmand vm2, vm5;
	vm6 =	vne.s32 v47, v63  }
0x432: {  	v31 =	vld [tilespmem:s22+$0x4410];
	[tilespmem:s0+$0x6820] =	vst v27;
	v23, v52, _ =	vpop (xrf1);
	v22 =	vsub.s32 $0x5F3759DF, v20;
	v20 =	vmul.f32 $5.000000000e-01, v18;
	v33 =	vsub.f32 $1.500000000e+00, v33  }
0x433: {  	v35 =	vadd.f32 v61, v56;
	v23 =	vshrl.u32 v23, $0xF;
	vm6 =	vmor vm6, vm0;
	[tilespmem:s0+$0x5C00] =	vst v25  }
0x434: {  	v25 =	vadd.f32 v34, v37;
	vm15 =	vne.s32 v29, v59;
	[tilespmem:s20+$0xFFFFFFC0] =	vst v23;
	v53 =	vmul.f32 v30, v33  }
0x435: {  	(xrf1) =	vsort.ascd.msk.u32 $0xffff, v55, v54;
	vm4 =	vmand vm4, vm6;
	v49 =	vmul.f32 v22, v20;
	v27 =	vshll.u32 v62, $0xF;
	v56 =	vld.idx.msk [tilespmem:v38+s4+$0x0], $0xffff  }
0x436: {  	v63 =	vnsel vm4, $0xFFFFFFFF, v47;
	v24 =	vshra.s32 v25, $0x1;
	v58 =	vld [tilespmem:s22+$0x3410];
	v57 =	vmul.f32 v53, v39  }
0x437: {  	vm4 =	vmor vm15, vm0;
	v38 =	vor.u32 v60, v27;
	v27 =	vsub.f32 v50, v31  }
0x438: {  	vm3 =	vmand vm3, vm4;
	v30 =	vmul.f32 $5.000000000e-01, v25;
	v59 =	vmul.f32 v57, v53  }
0x439: {  	[tilespmem:s0+$0x6810] =	vst v28;
	v31 =	vnsel vm2, $0xFFFFFFFF, v51;
	v29 =	vnsel vm3, $0xFFFFFFFF, v29;
	v33 =	vsub.s32 $0x5F3759DF, v24  }
0x43a: {  	(xrf1) =	vsort.ascd.msk.u32 $0xffff, v38, v50;
	v24 =	vadd.f32 v32, v35;
	v62 =	vmul.f32 v33, v30;
	v32 =	vsub.f32 $1.500000000e+00, v59  }
0x43b: {  	[tilespmem:s0+$0x6410] =	vst v29;
	v29 =	vmul.f32 v22, v49;
	vm3 =	vne.s32 v23, v56;
	v35 =	vld [tilespmem:s22+$0x3430];
	v36 =	vadd.f32 $9.999999930e-09, v58  }
0x43c: {  	[tilespmem:s0+$0x6420] =	vst v63;
	vm2 =	vmor vm3, vm0;
	v63 =	vmul.f32 v33, v62;
	v32 =	vmul.f32 v32, v53  }
0x43d: {  	s28 =	simm.s32 $0x130C0;
	[tilespmem:s0+$0x6800] =	vst v52;
	v61 =	vshra.s32 v24, $0x1;
	v28 =	vmul.f32 $5.000000000e-01, v24;
	vm1 =	vmand vm1, vm2  }
0x43e: {  	s3 =	simm.s32 $0x4;
	s13 =	simm.s32 $0x13140;
	s20 =	simm.s32 $0x200;
	[tilespmem:s0+$0x6430] =	vst v31;
	v34 =	vsub.s32 $0x5F3759DF, v61;
	v37 =	vsub.f32 $1.500000000e+00, v63;
	v31 =	vmul.f32 v32, v39  }
.LBB2_15:
0x43f: {  	s3 =	sadd.s32 $0x4, s3;
	v38 =	vmul.f32 v34, v28;
	s25 =	sadd.s32 $0x40, s25;
	s23 =	sadd.s32 $0x80, s23;
	(erf) = vrcp.f32 v36;
	v23 =	vnsel vm1, $0xFFFFFFFF, v23  }
0x440: {  	s5 =	sadd.s32 $0x20, s25;
	s16 =	sadd.s32 $0xFFFFFFE0, s23;
	p0 =	slt.u32 s3, $0x3C;
	v31 =	vmul.f32 v31, v32;
	v33 =	vmul.f32 v33, v37;
	v35 =	vadd.f32 $9.999999930e-09, v35;
	v36 =	vld [tilespmem:s22+$0x2C30];
	[tilespmem:s0+$0x6400] =	vst v23  }
0x441: {  	s6 =	sadd.s32 $0xFFFFFFA0, s23;
	s14 =	sadd.s32 $0x10, s25;
	s8 =	sadd.s32 $0xFFFFFFC0, s23;
	v37 =	vmov s23;
	v43 =	vmov s16;
	v38 =	vmul.f32 v34, v38;
	v39 =	vld [tilespmem:s22+$0x5430]  }
0x442: {  	s0 =	smov.u32 s22;
	s16 =	sadd.s32 $0x30, s25;
	v31 =	vsub.f32 $1.500000000e+00, v31;
	v40 =	vld [tilespmem:s22+$0x3420];
	v41 =	vmul.f32 v33, v30;
	(erf) = vrcp.f32 v35  }
0x443: {  	v37 =	vshrl.u32 v37, $0x7;
	v35 =	vshrl.u32 v43, $0x7;
	v38 =	vsub.f32 $1.500000000e+00, v38;
	v42, v23, _ =	vpop (xrf1)  }
0x444: {  	v37 =	vshll.u32 v37, v4;
	v31 =	vmul.f32 v31, v32;
	v32 =	vld [tilespmem:s0+$0x4430];
	v41 =	vmul.f32 v41, v33  }
0x445: {  	v34 =	vmul.f32 v34, v38;
	v36 =	vshll.u32 v36, $0xF;
	(erf) = vrcp.f32 v19  }
0x446: {  	v19 =	vmul.f32 v31, v26;
	v41 =	vsub.f32 $1.500000000e+00, v41;
	v31 =	vshrl.u32 v39, $0x10  }
0x447: {  	v43 =	vand.u32 $0x7FFFFFFF, v27;
	v38 =	vadd.f32 $9.999999930e-09, v40;
	v31 =	vor.u32 v31, v36  }
0x448: {  	[tilespmem:s0+$0x5C10] =	vst v19;
	v19 =	vmul.f32 v34, v28;
	v33 =	vmul.f32 v41, v33;
	v26 =	vpop (erf);
	(xrf1) =	vsort.ascd.msk.u32 $0xffff, v31, v39  }
0x449: {  	v31 =	vld [tilespmem:s0+$0x5400];
	v26 =	vmul.f32 v26, v43;
	v40 =	vsub.f32 v39, v32;
	v27, v32, _ =	vpop (xrf1);
	(erf) = vrcp.f32 v38  }
0x44a: {  	v38 =	vld [tilespmem:s0+$0x4400];
	v27 =	vshrl.u32 v27, $0xF;
	v19 =	vmul.f32 v19, v34;
	v30 =	vmul.f32 v33, v30  }
0x44b: {  	s22 =	sshra.s32 s20, $0x2;
	v35 =	vshll.u32 v35, v4;
	v37 =	vbroadcast v37, $0x0;
	v39 =	vld [tilespmem:s0+$0x2C00];
	[tilespmem:s0+$0x5810] =	vst v26;
	v26 =	vand.u32 $0x7FFFFFFF, v40;
	v36 =	vpop (erf)  }
0x44c: {  	v40 =	vld [tilespmem:s22+$0x3400];
	[tilespmem:s28+$0xFFFFFFE0] =	vst v27;
	v19 =	vsub.f32 $1.500000000e+00, v19;
	v45 =	vmul.f32 v30, v33;
	v36 =	vmul.f32 v36, v26  }
0x44d: {  	v35 =	vbroadcast v35, $0x0;
	v41 =	vmov s6;
	v43 =	vmov s8;
	v26 =	vld [tilespmem:s22+$0x4420]  }
0x44e: {  	v43 =	vshrl.u32 v43, $0x7;
	v44 =	vld [tilespmem:s22+$0x5000];
	v34 =	vmul.f32 v19, v34;
	v19 =	vsub.f32 $1.500000000e+00, v45;
	v30 =	vpop (erf)  }
0x44f: {  	v46 =	vor.u32 s5, v3;
	v41 =	vshrl.u32 v41, $0x7;
	v43 =	vshll.u32 v43, v4;
	v45 =	vld [tilespmem:s22+$0x4000]  }
0x450: {  	v41 =	vshll.u32 v41, v4;
	v47 =	vld [tilespmem:s22+$0x5010];
	v28 =	vmul.f32 v34, v28;
	v19 =	vmul.f32 v19, v33  }
0x451: {  	v48 =	vshrl.u32 v31, $0x10;
	v38 =	vsub.f32 v31, v38;
	v39 =	vshll.u32 v39, $0xF;
	v33 =	vld [tilespmem:s22+$0x5030]  }
0x452: {  	v21 =	vand.u32 $0x7FFFFFFF, v21;
	v49 =	vld [tilespmem:s22+$0x4010];
	v50 =	vmul.f32 v28, v34;
	v19 =	vmul.f32 v19, v25;
	v25 =	vpop (erf)  }
0x453: {  	v28 =	vand.u32 $0x7FFFFFFF, v38;
	v38 =	vor.u32 v48, v39;
	v51 =	vld [tilespmem:s22+$0x3C10];
	v48 =	vmul.f32 v25, v21  }
0x454: {  	v28 =	vmul.f32 v30, v28;
	v39 =	vld [tilespmem:s22+$0x3C20];
	v30 =	vsub.f32 $1.500000000e+00, v50;
	[tilespmem:s0+$0x5C30] =	vst v19;
	(xrf1) =	vsort.ascd.msk.u32 $0xffff, v38, v31  }
0x455: {  	v25 =	vshrl.u32 v42, $0xF;
	v19 =	vadd.f32 $9.999999930e-09, v40;
	v38 =	vbroadcast v43, $0x0;
	v40 =	vld [tilespmem:s22+$0x3820]  }
0x456: {  	v41 =	vbroadcast v41, $0x0;
	v43 =	vor.u32 s14, v3;
	v42 =	vld [tilespmem:s22+$0x3C00];
	v30 =	vmul.f32 v30, v34;
	[tilespmem:s0+$0x5820] =	vst v48;
	v21, v34, _ =	vpop (xrf1)  }
0x457: {  	v52 =	vor.u32 s16, v3;
	v48 =	vor.u32 s25, v3;
	v50 =	vld [tilespmem:s22+$0x3830];
	[tilespmem:s0+$0x5830] =	vst v36;
	v31 =	vshrl.u32 v21, $0xF  }
0x458: {  	v21 =	vld [tilespmem:s22+$0x4C30];
	v24 =	vmul.f32 v30, v24;
	[tilespmem:s28+$0x20] =	vst v31  }
0x459: {  	v30 =	vld [tilespmem:s22+$0x4800]  }
0x45a: {  	v36 =	vld [tilespmem:s22+$0x3C30];
	[tilespmem:s0+$0x5C20] =	vst v24  }
0x45b: {  	v29 =	vsub.f32 $1.500000000e+00, v29;
	v24 =	vld [tilespmem:s22+$0x4C00];
	[tilespmem:s28+$0x0] =	vst v25  }
0x45c: {  	v53 =	vld [tilespmem:s22+$0x4C10]  }
0x45d: {  	v22 =	vmul.f32 v22, v29;
	v54 =	vld [tilespmem:s22+$0x3810]  }
0x45e: {  	v29 =	vld [tilespmem:s22+$0x4C20]  }
0x45f: {  	v55 =	vld [tilespmem:s22+$0x4820];
	v36 =	vsub.f32 v21, v36;
	v21 =	vmul.f32 v22, v20  }
0x460: {  	vm1 =	vge.u32 v14, v9;
	v14 =	vmov v48;
	v24 =	vsub.f32 v24, v42;
	v42 =	vld [tilespmem:s22+$0x4030]  }
0x461: {  	vm3 =	vge.u32 v13, v9;
	vm2 =	vge.u32 v17, v9;
	v13 =	vmovc v43;
	v48 =	vld [tilespmem:s22+$0x4810];
	v21 =	vmul.f32 v21, v22  }
0x462: {  	v56 =	vor.u32 v6, v15;
	vm4 =	vge.u32 v11, v9;
	v43 =	vor.u32 v5, v16;
	v17 =	vld [tilespmem:s22+$0x3800];
	v57, v58, _ =	vpop (xrf1)  }
0x463: {  	v11 =	vmovc v46;
	v53 =	vsub.f32 v53, v51;
	v51 =	vld [tilespmem:s22+$0x4830];
	v59 =	vsub.f32 $1.500000000e+00, v21;
	v21 =	vor.u32 v8, v10;
	v10 =	vmovc v37  }
0x464: {  	v37 =	vsub.f32 v47, v49;
	v47 =	vor.u32 v7, v12;
	v12 =	vmovc v35;
	v46 =	vld [tilespmem:s22+$0x5420];
	v40 =	vsub.f32 v55, v40  }
0x465: {  	v15 =	vmovc v38;
	v35 =	vmul.f32 v53, v53;
	v49 =	vld [tilespmem:s22+$0x5020];
	v33 =	vsub.f32 v33, v42;
	v22 =	vmul.f32 v59, v22  }
0x466: {  	v16 =	vmovc v41;
	v29 =	vsub.f32 v29, v39;
	v37 =	vmul.f32 v37, v37;
	v38 =	vsub.f32 v48, v54;
	v39 =	vld [tilespmem:s22+$0x4020]  }
0x467: {  	v41 =	vsub.f32 v44, v45;
	v30 =	vsub.f32 v30, v17;
	v42 =	vld [tilespmem:s22+$0x2C20];
	v20 =	vmul.f32 v22, v20;
	v17 =	vmovc v52  }
0x468: {  	v24 =	vmul.f32 v24, v24;
	v38 =	vmul.f32 v38, v38;
	v44 =	vsub.f32 v51, v50;
	v45 =	vld.idx.msk [tilespmem:v21+s4+$0x0], $0xffff  }
0x469: {  	v41 =	vmul.f32 v41, v41;
	v30 =	vmul.f32 v30, v30;
	v48 =	vshrl.u32 v46, $0x10;
	v47 =	vld.idx.msk [tilespmem:v47+s4+$0x0], $0xffff;
	[tilespmem:s0+$0x6830] =	vst v34  }
0x46a: {  	v21 =	vsub.f32 v46, v26;
	v20 =	vmul.f32 v20, v22;
	v34 =	vadd.f32 v35, v38;
	[tilespmem:s0+$0x6820] =	vst v23  }
0x46b: {  	v23 =	vshrl.u32 v57, $0xF;
	v24 =	vadd.f32 v24, v30;
	v30 =	vsub.f32 v49, v39;
	v35 =	vld.idx.msk [tilespmem:v56+s4+$0x0], $0xffff  }
0x46c: {  	v20 =	vsub.f32 $1.500000000e+00, v20;
	v26 =	vadd.f32 v37, v34;
	v34 =	vshll.u32 v42, $0xF;
	[tilespmem:s0+$0x6810] =	vst v32  }
0x46d: {  	v32 =	vmul.f32 v40, v40;
	v37 =	vmul.f32 v44, v44;
	v24 =	vadd.f32 v41, v24  }
0x46e: {  	v20 =	vmul.f32 v20, v22;
	v38 =	vshra.s32 v26, $0x1;
	v39 =	vmul.f32 $5.000000000e-01, v26  }
0x46f: {  	vm5 =	vne.s32 v31, v45;
	vm6 =	vne.s32 v25, v47;
	v38 =	vsub.s32 $0x5F3759DF, v38  }
0x470: {  	v41 =	vmul.f32 v20, v18;
	vm6 =	vmor vm6, vm0;
	v18 =	vmovc v24;
	v40 =	vmul.f32 v38, v39  }
0x471: {  	v24 =	vmul.f32 v36, v36;
	v20 =	vshra.s32 v18, $0x1;
	vm4 =	vmand vm4, vm6;
	[tilespmem:s0+$0x5800] =	vst v28  }
0x472: {  	v22 =	vsub.s32 $0x5F3759DF, v20;
	v20 =	vmul.f32 $5.000000000e-01, v18;
	v28 =	vmul.f32 v38, v40;
	[tilespmem:s0+$0x5C00] =	vst v41  }
0x473: {  	v29 =	vmul.f32 v29, v29;
	v33 =	vmul.f32 v33, v33;
	v24 =	vadd.f32 v24, v37;
	v36 =	vld [tilespmem:s22+$0x2C10];
	[tilespmem:s28+$0xFFFFFFC0] =	vst v23;
	s28 =	smov.u32 s13  }
0x474: {  	v37 =	vmul.f32 v30, v30;
	v30 =	vnsel vm4, $0xFFFFFFFF, v25;
	v28 =	vsub.f32 $1.500000000e+00, v28;
	v40 =	vld.idx.msk [tilespmem:v43+s4+$0x0], $0xffff  }
0x475: {  	v29 =	vadd.f32 v29, v32;
	v41 =	vmul.f32 v22, v20;
	v25 =	vadd.f32 v33, v24;
	v42 =	vld [tilespmem:s22+$0x5410];
	[tilespmem:s0+$0x6420] =	vst v30  }
0x476: {  	vm4 =	vne.s32 v27, v35;
	v24 =	vor.u32 v48, v34;
	v32 =	vmul.f32 v38, v28;
	[tilespmem:s0+$0x6800] =	vst v58  }
0x477: {  	vm4 =	vmor vm4, vm0;
	v30 =	vmul.f32 $5.000000000e-01, v25;
	v28 =	vshra.s32 v25, $0x1;
	(xrf1) =	vsort.ascd.msk.u32 $0xffff, v24, v46  }
0x478: {  	vm5 =	vmor vm5, vm0;
	v33 =	vsub.s32 $0x5F3759DF, v28;
	v34 =	vld [tilespmem:s22+$0x4410];
	v35 =	vmul.f32 v32, v39  }
0x479: {  	vm3 =	vmand vm3, vm4;
	v24 =	vadd.f32 v37, v29;
	v36 =	vshll.u32 v36, $0xF;
	v38 =	vld [tilespmem:s22+$0x3410]  }
0x47a: {  	v27 =	vnsel vm3, $0xFFFFFFFF, v27;
	v29 =	vmul.f32 v35, v32;
	v35 =	vshrl.u32 v42, $0x10  }
0x47b: {  	v43 =	vmul.f32 v33, v30;
	v37 =	vshra.s32 v24, $0x1;
	v28 =	vmul.f32 $5.000000000e-01, v24;
	[tilespmem:s0+$0x6410] =	vst v27  }
.Ltmp8:
0x47c: {  	vm3 =	vne.s32 v23, v40;
	v36 =	vor.u32 v35, v36;
	v29 =	vsub.f32 $1.500000000e+00, v29;
	(pc) =	sbr.rel @p0 .LBB2_15-.Ltmp8, $4  }
0x47d: {  	vm2 =	vmand vm2, vm5;
	v27 =	vsub.f32 v42, v34;
	v34 =	vsub.s32 $0x5F3759DF, v37;
	v35 =	vld [tilespmem:s22+$0x3430];
	(xrf1) =	vsort.ascd.msk.u32 $0xffff, v36, v42  }
0x47e: {  	v31 =	vnsel vm2, $0xFFFFFFFF, v31;
	v37 =	vmul.f32 v33, v43;
	v32 =	vmul.f32 v29, v32  }
0x47f: {  	vm2 =	vmor vm3, vm0;
	v29 =	vmul.f32 v22, v41;
	v36 =	vadd.f32 $9.999999930e-09, v38;
	[tilespmem:s0+$0x6430] =	vst v31  }
0x480: {  	s20 =	sadd.s32 $0x100, s20;
	s13 =	sadd.s32 $0x80, s13;
	vm1 =	vmand vm1, vm2;
	v37 =	vsub.f32 $1.500000000e+00, v37;
	v31 =	vmul.f32 v32, v39  }
0x481: {  	v38 =	vmul.f32 v34, v28;
	_ =	sdelay $0x1  }
0x482: {  	v38 =	vmul.f32 v34, v38;
	_ =	sdelay $0x1  }
0x483: {  	v48 =	vld [tilespmem:s22+$0x2C30];
	v38 =	vsub.f32 $1.500000000e+00, v38  }
0x484: {  	v39 =	vld [tilespmem:s22+$0x3420];
	(erf) = vrcp.f32 v36;
	v29 =	vsub.f32 $1.500000000e+00, v29;
	v33 =	vmul.f32 v33, v37  }
0x485: {  	v49 =	vld [tilespmem:s22+$0x5430];
	v35 =	vadd.f32 $9.999999930e-09, v35;
	v31 =	vmul.f32 v31, v32;
	v50 =	vmul.f32 v34, v38  }
0x486: {  	v53 =	vld [tilespmem:s22+$0x2C00];
	v22 =	vmul.f32 v22, v29;
	v40 =	vmul.f32 v33, v30  }
0x487: {  	(erf) = vrcp.f32 v35;
	v38 =	vld [tilespmem:s22+$0x5400];
	v52 =	vmul.f32 v50, v28  }
0x488: {  	(erf) = vrcp.f32 v19;
	v55 =	vmul.f32 v22, v20  }
0x489: {  	v31 =	vsub.f32 $1.500000000e+00, v31;
	v51 =	vmul.f32 v40, v33;
	v19 =	vmul.f32 v52, v50  }
0x48a: {  	v37 =	vshll.u32 v48, $0xF;
	v39 =	vadd.f32 $9.999999930e-09, v39;
	v54 =	vshrl.u32 v49, $0x10  }
0x48b: {  	v59 =	vld [tilespmem:s22+$0x4430];
	v57 =	vshll.u32 v53, $0xF;
	v29 =	vor.u32 v54, v37;
	v19 =	vsub.f32 $1.500000000e+00, v19  }
0x48c: {  	v46 =	vld [tilespmem:s22+$0x4400];
	v35 =	vsub.f32 $1.500000000e+00, v51;
	(erf) = vrcp.f32 v39;
	(xrf1) =	vsort.ascd.msk.u32 $0xffff, v29, v49;
	v58 =	vshrl.u32 v38, $0x10  }
0x48d: {  	v29 =	vmul.f32 v55, v22;
	v60 =	vor.u32 v58, v57;
	v19 =	vmul.f32 v19, v50  }
0x48e: {  	v27 =	vand.u32 $0x7FFFFFFF, v27;
	v31 =	vmul.f32 v31, v32;
	v33 =	vmul.f32 v35, v33;
	(xrf1) =	vsort.ascd.msk.u32 $0xffff, v60, v38  }
0x48f: {  	v21 =	vand.u32 $0x7FFFFFFF, v21;
	v62, v34, _ =	vpop (xrf1);
	v29 =	vsub.f32 $1.500000000e+00, v29;
	v63 =	vmul.f32 v19, v28  }
0x490: {  	v48 =	vsub.f32 v49, v59;
	v26 =	vmul.f32 v31, v26;
	v61 =	vpop (erf);
	v56 =	vmul.f32 v33, v30  }
0x491: {  	v45, v44, _ =	vpop (xrf1);
	v22 =	vmul.f32 v29, v22;
	v54 =	vsub.f32 v38, v46;
	v28 =	vmul.f32 v63, v19  }
0x492: {  	v53 =	vand.u32 $0x7FFFFFFF, v48;
	v27 =	vmul.f32 v61, v27;
	v47 =	vpop (erf);
	v30 =	vmul.f32 v56, v33  }
0x493: {  	[tilespmem:s22+$0x5C10] =	vst v26;
	v49 =	vpop (erf);
	v51 =	vmul.f32 v22, v20;
	v55 =	vand.u32 $0x7FFFFFFF, v54;
	v28 =	vsub.f32 $1.500000000e+00, v28  }
0x494: {  	v52 =	vshrl.u32 v45, $0xF;
	[tilespmem:s22+$0x5810] =	vst v27;
	v26 =	vmul.f32 v47, v53;
	v60 =	vmul.f32 v49, v55  }
0x495: {  	[tilespmem:s28+$0xFFFFFFE0] =	vst v52;
	v30 =	vsub.f32 $1.500000000e+00, v30;
	v20 =	vmul.f32 v51, v22;
	v50 =	vpop (erf);
	v19 =	vmul.f32 v28, v19  }
0x496: {  	v12 =	vor.u32 v7, v12;
	[tilespmem:s22+$0x5830] =	vst v26;
	v21 =	vmul.f32 v50, v21  }
0x497: {  	[tilespmem:s22+$0x5800] =	vst v60;
	v30 =	vmul.f32 v30, v33;
	v20 =	vsub.f32 $1.500000000e+00, v20;
	v19 =	vmul.f32 v19, v24  }
0x498: {  	v15 =	vor.u32 v6, v15;
	v10 =	vor.u32 v8, v10;
	[tilespmem:s22+$0x5820] =	vst v21  }
0x499: {  	v56 =	vshrl.u32 v62, $0xF;
	v25 =	vmul.f32 v30, v25;
	v59 =	vmul.f32 v20, v22;
	[tilespmem:s22+$0x5C20] =	vst v19  }
0x49a: {  	v16 =	vor.u32 v5, v16;
	v57, v58, _ =	vpop (xrf1);
	[tilespmem:s28+$0x0] =	vst v56  }
0x49b: {  	[tilespmem:s22+$0x5C30] =	vst v25;
	v18 =	vmul.f32 v59, v18;
	v61 =	vshrl.u32 v57, $0xF;
	v12 =	vld.idx.msk [tilespmem:v12+s4+$0x0], $0xffff  }
0x49c: {  	[tilespmem:s28+$0x20] =	vst v61;
	v62, v22, _ =	vpop (xrf1)  }
0x49d: {  	v15 =	vld.idx.msk [tilespmem:v15+s4+$0x0], $0xffff;
	[tilespmem:s22+$0x5C00] =	vst v18;
	v19 =	vshrl.u32 v62, $0xF  }
0x49e: {  	v10 =	vld.idx.msk [tilespmem:v10+s4+$0x0], $0xffff;
	[tilespmem:s28+$0xFFFFFFC0] =	vst v19  }
0x49f: {  	v16 =	vld.idx.msk [tilespmem:v16+s4+$0x0], $0xffff  }
0x4a0: {  	vm3 =	vge.u32 v13, v9;
	[tilespmem:s22+$0x6810] =	vst v44;
	v63 =	vnsel vm1, $0xFFFFFFFF, v23;
	vm2 =	vne.s32 v56, v12  }
0x4a1: {  	vm4 =	vge.u32 v11, v9;
	vm5 =	vge.u32 v17, v9;
	[tilespmem:s0+$0x6400] =	vst v63;
	vm2 =	vmor vm2, vm0  }
0x4a2: {  	vm1 =	vge.u32 v14, v9;
	vm14 =	vne.s32 v52, v15;
	[tilespmem:s22+$0x6830] =	vst v58;
	vm2 =	vmand vm4, vm2  }
0x4a3: {  	p0 =	sne.s32 s29, $0x30;
	[tilespmem:s22+$0x6820] =	vst v34;
	vm6 =	vne.s32 v61, v10;
	v9 =	vnsel vm2, $0xFFFFFFFF, v56;
	vm2 =	vmor vm14, vm0  }
.Ltmp9:
0x4a4: {  	vm15 =	vmor vm6, vm0;
	[tilespmem:s22+$0x6800] =	vst v22;
	vm2 =	vmand vm3, vm2;
	vm3 =	vne.s32 v19, v16;
	(pc) =	sbr.rel @p0 .LBB2_20-.Ltmp9, $4  }
0x4a5: {  	[tilespmem:s22+$0x6420] =	vst v9;
	v9 =	vnsel vm2, $0xFFFFFFFF, v52;
	vm2 =	vmand vm5, vm15;
	vm3 =	vmor vm3, vm0  }
0x4a6: {  	[tilespmem:s22+$0x6410] =	vst v9;
	v9 =	vnsel vm2, $0xFFFFFFFF, v61;
	vm1 =	vmand vm1, vm3  }
0x4a7: {  	[tilespmem:s22+$0x6430] =	vst v9;
	v9 =	vnsel vm1, $0xFFFFFFFF, v19  }
0x4a8: {  	s8 =	smov.u32 s9;
	s20 =	simm.s32 $0x3400;
	[tilespmem:s22+$0x6400] =	vst v9  }
0x4a9: {  	s0 =	simm.s32 $0x40;
	s3 =	simm.s32 $0x0  }
.LBB2_18:
0x4aa: {  	p0 =	sne.s32 s0, $0x540;
	[tilespmem:s3+$0x6000] =	vst v2;
	s5 =	smov.u32 s0;
	s0 =	sadd.s32 $0x40, s0  }
.Ltmp10:
0x4ab: {  	[tilespmem:s3+$0x5800] =	vst v2;
	(pc) =	sbr.rel @p0 .LBB2_18-.Ltmp10, $2  }
0x4ac: {  	[tilespmem:s3+$0x5C00] =	vst v2;
	_ =	sdelay $0x2  }
0x4ad: {  	s3 =	sshra.s32 s5, $0x2  }
.Ltmp11:
0x4ae: {  	(pc) =	sbr.rel .LBB2_20-.Ltmp11, $4  }
0x4af: {  	_ = 	snop  }
0x4b0: {  	[tilespmem:s3+$0x6000] =	vst v2  }
0x4b1: {  	[tilespmem:s3+$0x5800] =	vst v2  }
0x4b2: {  	[tilespmem:s3+$0x5C00] =	vst v2  }
.LBB2_21:
0x4b3: {  	_ =	swait.ge [sflag:s31], $0x400  }
0x4b4: {  	[sflag:s31] =	ssyncset.done $0x0  }
0x4b5: {  	[sflag:s31] =	ssyncadd.s32 $0xFFFFFC00  }
0x4b6: {  	_ =	swait.ge [sflag:s31], $0x400  }
0x4b7: {  	[sflag:s31] =	ssyncset.done $0x0  }
0x4b8: {  	[sflag:s31] =	ssyncadd.s32 $0xFFFFFC00  }
0x4b9: {  	_ =	swait.ge [sflag:s31], $0x400  }
0x4ba: {  	[sflag:s31] =	ssyncset.done $0x0  }
0x4bb: {  	[sflag:s31] =	ssyncadd.s32 $0xFFFFFC00  }
0x4bc: {  	_ =	swait.ge [sflag:s31], $0x400  }
0x4bd: {  	[sflag:s31] =	ssyncset.done $0x0  }
0x4be: {  	[sflag:s31] =	ssyncadd.s32 $0xFFFFFC00  }
0x4bf: {  	_ =	swait.ge [sflag:s31], $0x400  }
0x4c0: {  	[sflag:s31] =	ssyncset.done $0x0  }
0x4c1: {  	[sflag:s31] =	ssyncadd.s32 $0xFFFFFC00  }
0x4c2: {  	_ =	swait.ge [sflag:s31], $0x400  }
0x4c3: {  	[sflag:s31] =	ssyncset.done $0x0  }
0x4c4: {  	[sflag:s31] =	ssyncadd.s32 $0xFFFFFC00  }
0x4c5: {  	_ =	swait.ge [sflag:s31], $0x400  }
0x4c6: {  	[sflag:s31] =	ssyncset.done $0x0  }
0x4c7: {  	[sflag:s31] =	ssyncadd.s32 $0xFFFFFC00  }
0x4c8: {  	_ =	swait.ge [sflag:s31], $0x400  }
0x4c9: {  	s13 =	sld [smem:$0x7FB]  }
0x4ca: {  	s0 =	simm.s32 $0x40;
	[sflag:s31] =	ssyncset.done $0x0;
	s14 =	sld [smem:$0x7FC]  }
0x4cb: {  	s3 =	simm.s32 $0x0;
	s9 =	sld [smem:$0x7FD];
	[sflag:s31] =	ssyncadd.s32 $0xFFFFFC00  }
.LBB2_22:
0x4cc: {  	p0 =	sne.s32 s0, $0x30FC0;
	[tilespmem:s3+$0x6C00] =	vst v2;
	s3 =	smov.u32 s0;
	s0 =	sadd.s32 $0x40, s0  }
.Ltmp12:
0x4cd: {  	(pc) =	sbr.rel @p0 .LBB2_22-.Ltmp12, $2  }
0x4ce: {  	_ =	sdelay $0x2  }
0x4cf: {  	s3 =	sshra.s32 s3, $0x2  }
0x4d0: {  	[tilespmem:s3+$0x6C00] =	vst v2;
	s0 =	simm.s32 $0x0  }
0x4d1: {  	[tilespmem:s0], [sflag:$0x1] =	stream.linear.gather [hbm4b:s13+s0], $0x400, $0x38;
	[tilespmem:$0x1E780] =	vst v63  }
0x4d2: {  	s16 =	simm.s32 $0x800;
	s29 =	rddreg [dreg:$0xd]  }
0x4d3: {  	[tilespmem:s16], [sflag:$0x1] =	stream.linear.gather [hbm4b:s14+s0], $0x400, $0x38;
	[tilespmem:$0x1E780] =	vst v63  }
.LBB2_24:
0x4d4: {  	s3 =	sshll.u32 s0, $0xB  }
0x4d5: {  	s3 =	sadd.s32 s3, s9  }
0x4d6: {  	s3 =	sshrl.u32 s3, $0x3  }
0x4d7: {  	s5 =	sadd.s32 s15, s3  }
0x4d8: {  	[tilespmem:s26], [sflag:$0x2] =	stream.linear.gather [hbm4b:s5+s1], $0x400, $0x38;
	[tilespmem:$0x1E780] =	vst v63  }
0x4d9: {  	s3 =	sadd.s32 s17, s3  }
0x4da: {  	[tilespmem:s20], [sflag:$0x2] =	stream.linear.gather [hbm4b:s3+s1], $0x400, $0x38;
	[tilespmem:$0x1E780] =	vst v63  }
0x4db: {  	_ =	swait.ge [sflag:s31], $0x400  }
0x4dc: {  	[sflag:s31] =	ssyncset.done $0x0  }
0x4dd: {  	[sflag:s31] =	ssyncadd.s32 $0xFFFFFC00  }
0x4de: {  	_ =	swait.ge [sflag:s31], $0x400  }
0x4df: {  	s6 =	simm.s32 $0x20;
	[sflag:s31] =	ssyncset.done $0x0  }
0x4e0: {  	s5 =	simm.s32 $0x820;
	s3 =	simm.s32 $0xFFFFFFFC;
	[sflag:s31] =	ssyncadd.s32 $0xFFFFFC00  }
.LBB2_25:
0x4e1: {  	v9 =	vld [tilespmem:s6+$0xFFFFFFE0];
	_ =	sdelay $0x4  }
0x4e2: {  	vm1 =	vlt.u32 v9, $0xC400  }
0x4e3: {  	v9 =	vnsel vm1, $0x0, v9;
	_ =	sdelay $0x3  }
0x4e4: {  	v10 =	vld [tilespmem:s5+$0xFFFFFFE0]  }
0x4e5: {  	v11 =	vld.idx.msk [tilespmem:v9+s2+$0x0], vm1;
	_ =	sdelay $0x4  }
0x4e6: {  	v10 =	vmax.f32 v11, v10  }
0x4e7: {  	[tilespmem:v9+s2+$0x0] =	vst.idx.msk vm1, v10  }
0x4e8: {  	v9 =	vld [tilespmem:s6+$0xFFFFFFF0];
	_ =	sdelay $0x4  }
0x4e9: {  	vm1 =	vlt.u32 v9, $0xC400  }
0x4ea: {  	v9 =	vnsel vm1, $0x0, v9;
	_ =	sdelay $0x3  }
0x4eb: {  	v10 =	vld [tilespmem:s5+$0xFFFFFFF0]  }
0x4ec: {  	v11 =	vld.idx.msk [tilespmem:v9+s2+$0x0], vm1;
	_ =	sdelay $0x4  }
0x4ed: {  	v10 =	vmax.f32 v11, v10  }
0x4ee: {  	[tilespmem:v9+s2+$0x0] =	vst.idx.msk vm1, v10  }
0x4ef: {  	v9 =	vld [tilespmem:s6+$0x0];
	_ =	sdelay $0x4  }
0x4f0: {  	vm1 =	vlt.u32 v9, $0xC400  }
0x4f1: {  	v9 =	vnsel vm1, $0x0, v9;
	_ =	sdelay $0x3  }
0x4f2: {  	v10 =	vld [tilespmem:s5+$0x0]  }
0x4f3: {  	v11 =	vld.idx.msk [tilespmem:v9+s2+$0x0], vm1;
	_ =	sdelay $0x4  }
0x4f4: {  	v10 =	vmax.f32 v11, v10  }
0x4f5: {  	[tilespmem:v9+s2+$0x0] =	vst.idx.msk vm1, v10  }
0x4f6: {  	v9 =	vld [tilespmem:s6+$0x10];
	_ =	sdelay $0x4  }
0x4f7: {  	vm1 =	vlt.u32 v9, $0xC400  }
0x4f8: {  	v9 =	vnsel vm1, $0x0, v9;
	_ =	sdelay $0x3  }
0x4f9: {  	v10 =	vld [tilespmem:s5+$0x10]  }
0x4fa: {  	s3 =	sadd.s32 $0x4, s3;
	v11 =	vld.idx.msk [tilespmem:v9+s2+$0x0], vm1  }
0x4fb: {  	p0 =	slt.u32 s3, $0x3C  }
.Ltmp13:
0x4fc: {  	_ = 	snop;
	(pc) =	sbr.rel @p0 .LBB2_25-.Ltmp13, $3  }
0x4fd: {  	_ =	sdelay $0x1  }
0x4fe: {  	v10 =	vmax.f32 v11, v10  }
0x4ff: {  	s5 =	sadd.s32 $0x40, s5;
	s6 =	sadd.s32 $0x40, s6;
	[tilespmem:v9+s2+$0x0] =	vst.idx.msk vm1, v10  }
0x500: {  	s3 =	sshll.u32 s0, $0x1  }
0x501: {  	s3 =	sadd.s32 $0x2, s3  }
0x502: {  	p0 =	seq.s32 s3, $0x62;
	s3 =	sshll.u32 s3, $0xA  }
0x503: {  	s3 =	simm.s32 @p0 $0x0  }
0x504: {  	s3 =	sadd.s32 s18, s3  }
0x505: {  	s3 =	sshrl.u32 s3, $0x3  }
0x506: {  	s5 =	sadd.s32 s15, s3  }
0x507: {  	[tilespmem:s1], [sflag:$0x1] =	stream.linear.gather [hbm4b:s5+s1], $0x400, $0x38;
	[tilespmem:$0x1E780] =	vst v63  }
0x508: {  	s3 =	sadd.s32 s17, s3  }
0x509: {  	[tilespmem:s16], [sflag:$0x1] =	stream.linear.gather [hbm4b:s3+s1], $0x400, $0x38;
	[tilespmem:$0x1E780] =	vst v63  }
0x50a: {  	_ =	swait.ge [sflag:s12], $0x400  }
0x50b: {  	[sflag:s12] =	ssyncset.done $0x0  }
0x50c: {  	[sflag:s12] =	ssyncadd.s32 $0xFFFFFC00  }
0x50d: {  	_ =	swait.ge [sflag:s12], $0x400  }
0x50e: {  	s6 =	simm.s32 $0x2C20;
	[sflag:s12] =	ssyncset.done $0x0  }
0x50f: {  	s5 =	simm.s32 $0x3420;
	s3 =	simm.s32 $0xFFFFFFFC;
	[sflag:s12] =	ssyncadd.s32 $0xFFFFFC00  }
.LBB2_27:
0x510: {  	v9 =	vld [tilespmem:s6+$0xFFFFFFE0];
	_ =	sdelay $0x4  }
0x511: {  	vm1 =	vlt.u32 v9, $0xC400  }
0x512: {  	v9 =	vnsel vm1, $0x0, v9;
	_ =	sdelay $0x3  }
0x513: {  	v10 =	vld [tilespmem:s5+$0xFFFFFFE0]  }
0x514: {  	v11 =	vld.idx.msk [tilespmem:v9+s2+$0x0], vm1;
	_ =	sdelay $0x4  }
0x515: {  	v10 =	vmax.f32 v11, v10  }
0x516: {  	[tilespmem:v9+s2+$0x0] =	vst.idx.msk vm1, v10  }
0x517: {  	v9 =	vld [tilespmem:s6+$0xFFFFFFF0];
	_ =	sdelay $0x4  }
0x518: {  	vm1 =	vlt.u32 v9, $0xC400  }
0x519: {  	v9 =	vnsel vm1, $0x0, v9;
	_ =	sdelay $0x3  }
0x51a: {  	v10 =	vld [tilespmem:s5+$0xFFFFFFF0]  }
0x51b: {  	v11 =	vld.idx.msk [tilespmem:v9+s2+$0x0], vm1;
	_ =	sdelay $0x4  }
0x51c: {  	v10 =	vmax.f32 v11, v10  }
0x51d: {  	[tilespmem:v9+s2+$0x0] =	vst.idx.msk vm1, v10  }
0x51e: {  	v9 =	vld [tilespmem:s6+$0x0];
	_ =	sdelay $0x4  }
0x51f: {  	vm1 =	vlt.u32 v9, $0xC400  }
0x520: {  	v9 =	vnsel vm1, $0x0, v9;
	_ =	sdelay $0x3  }
0x521: {  	v10 =	vld [tilespmem:s5+$0x0]  }
0x522: {  	v11 =	vld.idx.msk [tilespmem:v9+s2+$0x0], vm1;
	_ =	sdelay $0x4  }
0x523: {  	v10 =	vmax.f32 v11, v10  }
0x524: {  	[tilespmem:v9+s2+$0x0] =	vst.idx.msk vm1, v10  }
0x525: {  	v9 =	vld [tilespmem:s6+$0x10];
	_ =	sdelay $0x4  }
0x526: {  	vm1 =	vlt.u32 v9, $0xC400  }
0x527: {  	v9 =	vnsel vm1, $0x0, v9;
	_ =	sdelay $0x3  }
0x528: {  	v10 =	vld [tilespmem:s5+$0x10]  }
0x529: {  	s3 =	sadd.s32 $0x4, s3;
	v11 =	vld.idx.msk [tilespmem:v9+s2+$0x0], vm1  }
0x52a: {  	p0 =	slt.u32 s3, $0x3C  }
.Ltmp14:
0x52b: {  	_ = 	snop;
	(pc) =	sbr.rel @p0 .LBB2_27-.Ltmp14, $3  }
0x52c: {  	_ =	sdelay $0x1  }
0x52d: {  	v10 =	vmax.f32 v11, v10  }
0x52e: {  	s5 =	sadd.s32 $0x40, s5;
	s6 =	sadd.s32 $0x40, s6;
	[tilespmem:v9+s2+$0x0] =	vst.idx.msk vm1, v10  }
0x52f: {  	s0 =	sadd.s32 $0x1, s0  }
0x530: {  	p0 =	sne.s32 s0, $0x31  }
.Ltmp15:
0x531: {  	_ = 	snop;
	(pc) =	sbr.rel @p0 .LBB2_24-.Ltmp15, $1  }
0x532: {  	_ =	sdelay $0x3  }
0x533: {  	_ =	swait.ge [sflag:s31], $0x400  }
0x534: {  	[sflag:s31] =	ssyncset.done $0x0  }
0x535: {  	[sflag:s31] =	ssyncadd.s32 $0xFFFFFC00  }
0x536: {  	_ =	swait.ge [sflag:s31], $0x400  }
0x537: {  	s3 =	sld [smem:$0x7D0]  }
0x538: {  	[sflag:s31] =	ssyncset.done $0x0  }
0x539: {  	s0 =	simm.s32 $0x0;
	[sflag:s31] =	ssyncadd.s32 $0xFFFFFC00  }
0x53a: {  	[hbm4b:s3+s0] =	stream.linear.scatter [tilespmem:s2], [sflag:$0x3], $0xC400, $0x38;
	[tilespmem:$0x1E780] =	vst v63  }
0x53b: {  	_ =	swait.ge [sflag:s11], $0xC400  }
0x53c: {  	[sflag:s11] =	ssyncset.done $0x0  }
0x53d: {  	[sflag:s11] =	ssyncadd.s32 $0xFFFF3C00  }
0x53e: {  	s0 =	simm.s32 $0x40;
	s3 =	simm.s32 $0x0;
	s30 =	rddreg [dreg:$0x4]  }
.LBB2_30:
0x53f: {  	p0 =	sne.s32 s0, $0x30FC0;
	[tilespmem:s3+$0x6C00] =	vst v2;
	s3 =	smov.u32 s0;
	s0 =	sadd.s32 $0x40, s0  }
.Ltmp16:
0x540: {  	(pc) =	sbr.rel @p0 .LBB2_30-.Ltmp16, $2  }
0x541: {  	_ =	sdelay $0x2  }
0x542: {  	s3 =	sshra.s32 s3, $0x2  }
0x543: {  	[tilespmem:s3+$0x6C00] =	vst v2;
	s0 =	simm.s32 $0x0  }
0x544: {  	[tilespmem:s0], [sflag:$0x1] =	stream.linear.gather [hbm4b:s13+s0], $0x400, $0x38;
	[tilespmem:$0x1E780] =	vst v63  }
0x545: {  	_ = 	snop  }
0x546: {  	[tilespmem:s16], [sflag:$0x1] =	stream.linear.gather [hbm4b:s14+s0], $0x400, $0x38;
	[tilespmem:$0x1E780] =	vst v63  }
.LBB2_32:
0x547: {  	s3 =	sshll.u32 s0, $0xB  }
0x548: {  	s3 =	sadd.s32 s3, s9  }
0x549: {  	s3 =	sshrl.u32 s3, $0x3  }
0x54a: {  	s5 =	sadd.s32 s15, s3  }
0x54b: {  	[tilespmem:s26], [sflag:$0x2] =	stream.linear.gather [hbm4b:s5+s1], $0x400, $0x38;
	[tilespmem:$0x1E780] =	vst v63  }
0x54c: {  	s3 =	sadd.s32 s17, s3  }
0x54d: {  	[tilespmem:s20], [sflag:$0x2] =	stream.linear.gather [hbm4b:s3+s1], $0x400, $0x38;
	[tilespmem:$0x1E780] =	vst v63  }
0x54e: {  	_ =	swait.ge [sflag:s31], $0x400  }
0x54f: {  	[sflag:s31] =	ssyncset.done $0x0  }
0x550: {  	[sflag:s31] =	ssyncadd.s32 $0xFFFFFC00  }
0x551: {  	_ =	swait.ge [sflag:s31], $0x400  }
0x552: {  	s6 =	simm.s32 $0x20;
	[sflag:s31] =	ssyncset.done $0x0  }
0x553: {  	s5 =	simm.s32 $0x820;
	s3 =	simm.s32 $0xFFFFFFFC;
	[sflag:s31] =	ssyncadd.s32 $0xFFFFFC00  }
.LBB2_33:
0x554: {  	v9 =	vld [tilespmem:s6+$0xFFFFFFE0];
	_ =	sdelay $0x4  }
0x555: {  	v9 =	vadd.s32 $0xFFFF3C00, v9  }
0x556: {  	vm1 =	vlt.u32 v9, $0xC400  }
0x557: {  	v9 =	vnsel vm1, $0x0, v9;
	_ =	sdelay $0x3  }
0x558: {  	v10 =	vld [tilespmem:s5+$0xFFFFFFE0]  }
0x559: {  	v11 =	vld.idx.msk [tilespmem:v9+s2+$0x0], vm1;
	_ =	sdelay $0x4  }
0x55a: {  	v10 =	vmax.f32 v11, v10  }
0x55b: {  	[tilespmem:v9+s2+$0x0] =	vst.idx.msk vm1, v10  }
0x55c: {  	v9 =	vld [tilespmem:s6+$0xFFFFFFF0];
	_ =	sdelay $0x4  }
0x55d: {  	v9 =	vadd.s32 $0xFFFF3C00, v9  }
0x55e: {  	vm1 =	vlt.u32 v9, $0xC400  }
0x55f: {  	v9 =	vnsel vm1, $0x0, v9;
	_ =	sdelay $0x3  }
0x560: {  	v10 =	vld [tilespmem:s5+$0xFFFFFFF0]  }
0x561: {  	v11 =	vld.idx.msk [tilespmem:v9+s2+$0x0], vm1;
	_ =	sdelay $0x4  }
0x562: {  	v10 =	vmax.f32 v11, v10  }
0x563: {  	[tilespmem:v9+s2+$0x0] =	vst.idx.msk vm1, v10  }
0x564: {  	v9 =	vld [tilespmem:s6+$0x0];
	_ =	sdelay $0x4  }
0x565: {  	v9 =	vadd.s32 $0xFFFF3C00, v9  }
0x566: {  	vm1 =	vlt.u32 v9, $0xC400  }
0x567: {  	v9 =	vnsel vm1, $0x0, v9;
	_ =	sdelay $0x3  }
0x568: {  	v10 =	vld [tilespmem:s5+$0x0]  }
0x569: {  	v11 =	vld.idx.msk [tilespmem:v9+s2+$0x0], vm1;
	_ =	sdelay $0x4  }
0x56a: {  	v10 =	vmax.f32 v11, v10  }
0x56b: {  	[tilespmem:v9+s2+$0x0] =	vst.idx.msk vm1, v10  }
0x56c: {  	v9 =	vld [tilespmem:s6+$0x10];
	_ =	sdelay $0x4  }
0x56d: {  	v9 =	vadd.s32 $0xFFFF3C00, v9  }
0x56e: {  	vm1 =	vlt.u32 v9, $0xC400  }
0x56f: {  	v9 =	vnsel vm1, $0x0, v9;
	_ =	sdelay $0x3  }
0x570: {  	v10 =	vld [tilespmem:s5+$0x10]  }
0x571: {  	s3 =	sadd.s32 $0x4, s3;
	v11 =	vld.idx.msk [tilespmem:v9+s2+$0x0], vm1  }
0x572: {  	p0 =	slt.u32 s3, $0x3C  }
.Ltmp17:
0x573: {  	_ = 	snop;
	(pc) =	sbr.rel @p0 .LBB2_33-.Ltmp17, $3  }
0x574: {  	_ =	sdelay $0x1  }
0x575: {  	v10 =	vmax.f32 v11, v10  }
0x576: {  	s5 =	sadd.s32 $0x40, s5;
	s6 =	sadd.s32 $0x40, s6;
	[tilespmem:v9+s2+$0x0] =	vst.idx.msk vm1, v10  }
0x577: {  	s3 =	sshll.u32 s0, $0x1  }
0x578: {  	s3 =	sadd.s32 $0x2, s3  }
0x579: {  	p0 =	seq.s32 s3, $0x62;
	s3 =	sshll.u32 s3, $0xA  }
0x57a: {  	s3 =	simm.s32 @p0 $0x0  }
0x57b: {  	s3 =	sadd.s32 s18, s3  }
0x57c: {  	s3 =	sshrl.u32 s3, $0x3  }
0x57d: {  	s5 =	sadd.s32 s15, s3  }
0x57e: {  	[tilespmem:s1], [sflag:$0x1] =	stream.linear.gather [hbm4b:s5+s1], $0x400, $0x38;
	[tilespmem:$0x1E780] =	vst v63  }
0x57f: {  	s3 =	sadd.s32 s17, s3  }
0x580: {  	[tilespmem:s16], [sflag:$0x1] =	stream.linear.gather [hbm4b:s3+s1], $0x400, $0x38;
	[tilespmem:$0x1E780] =	vst v63  }
0x581: {  	_ =	swait.ge [sflag:s12], $0x400  }
0x582: {  	[sflag:s12] =	ssyncset.done $0x0  }
0x583: {  	[sflag:s12] =	ssyncadd.s32 $0xFFFFFC00  }
0x584: {  	_ =	swait.ge [sflag:s12], $0x400  }
0x585: {  	s6 =	simm.s32 $0x2C20;
	[sflag:s12] =	ssyncset.done $0x0  }
0x586: {  	s5 =	simm.s32 $0x3420;
	s3 =	simm.s32 $0xFFFFFFFC;
	[sflag:s12] =	ssyncadd.s32 $0xFFFFFC00  }
.LBB2_35:
0x587: {  	v9 =	vld [tilespmem:s6+$0xFFFFFFE0];
	_ =	sdelay $0x4  }
0x588: {  	v9 =	vadd.s32 $0xFFFF3C00, v9  }
0x589: {  	vm1 =	vlt.u32 v9, $0xC400  }
0x58a: {  	v9 =	vnsel vm1, $0x0, v9;
	_ =	sdelay $0x3  }
0x58b: {  	v10 =	vld [tilespmem:s5+$0xFFFFFFE0]  }
0x58c: {  	v11 =	vld.idx.msk [tilespmem:v9+s2+$0x0], vm1;
	_ =	sdelay $0x4  }
0x58d: {  	v10 =	vmax.f32 v11, v10  }
0x58e: {  	[tilespmem:v9+s2+$0x0] =	vst.idx.msk vm1, v10  }
0x58f: {  	v9 =	vld [tilespmem:s6+$0xFFFFFFF0];
	_ =	sdelay $0x4  }
0x590: {  	v9 =	vadd.s32 $0xFFFF3C00, v9  }
0x591: {  	vm1 =	vlt.u32 v9, $0xC400  }
0x592: {  	v9 =	vnsel vm1, $0x0, v9;
	_ =	sdelay $0x3  }
0x593: {  	v10 =	vld [tilespmem:s5+$0xFFFFFFF0]  }
0x594: {  	v11 =	vld.idx.msk [tilespmem:v9+s2+$0x0], vm1;
	_ =	sdelay $0x4  }
0x595: {  	v10 =	vmax.f32 v11, v10  }
0x596: {  	[tilespmem:v9+s2+$0x0] =	vst.idx.msk vm1, v10  }
0x597: {  	v9 =	vld [tilespmem:s6+$0x0];
	_ =	sdelay $0x4  }
0x598: {  	v9 =	vadd.s32 $0xFFFF3C00, v9  }
0x599: {  	vm1 =	vlt.u32 v9, $0xC400  }
0x59a: {  	v9 =	vnsel vm1, $0x0, v9;
	_ =	sdelay $0x3  }
0x59b: {  	v10 =	vld [tilespmem:s5+$0x0]  }
0x59c: {  	v11 =	vld.idx.msk [tilespmem:v9+s2+$0x0], vm1;
	_ =	sdelay $0x4  }
0x59d: {  	v10 =	vmax.f32 v11, v10  }
0x59e: {  	[tilespmem:v9+s2+$0x0] =	vst.idx.msk vm1, v10  }
0x59f: {  	v9 =	vld [tilespmem:s6+$0x10];
	_ =	sdelay $0x4  }
0x5a0: {  	v9 =	vadd.s32 $0xFFFF3C00, v9  }
0x5a1: {  	vm1 =	vlt.u32 v9, $0xC400  }
0x5a2: {  	v9 =	vnsel vm1, $0x0, v9;
	_ =	sdelay $0x3  }
0x5a3: {  	v10 =	vld [tilespmem:s5+$0x10]  }
0x5a4: {  	s3 =	sadd.s32 $0x4, s3;
	v11 =	vld.idx.msk [tilespmem:v9+s2+$0x0], vm1  }
0x5a5: {  	p0 =	slt.u32 s3, $0x3C  }
.Ltmp18:
0x5a6: {  	_ = 	snop;
	(pc) =	sbr.rel @p0 .LBB2_35-.Ltmp18, $3  }
0x5a7: {  	_ =	sdelay $0x1  }
0x5a8: {  	v10 =	vmax.f32 v11, v10  }
0x5a9: {  	s5 =	sadd.s32 $0x40, s5;
	s6 =	sadd.s32 $0x40, s6;
	[tilespmem:v9+s2+$0x0] =	vst.idx.msk vm1, v10  }
0x5aa: {  	s0 =	sadd.s32 $0x1, s0  }
0x5ab: {  	p0 =	sne.s32 s0, $0x31  }
.Ltmp19:
0x5ac: {  	_ = 	snop;
	(pc) =	sbr.rel @p0 .LBB2_32-.Ltmp19, $1  }
0x5ad: {  	_ =	sdelay $0x3  }
0x5ae: {  	_ =	swait.ge [sflag:s31], $0x400  }
0x5af: {  	[sflag:s31] =	ssyncset.done $0x0  }
0x5b0: {  	[sflag:s31] =	ssyncadd.s32 $0xFFFFFC00  }
0x5b1: {  	_ =	swait.ge [sflag:s31], $0x400  }
0x5b2: {  	s0 =	sld [smem:$0x7D1]  }
0x5b3: {  	[sflag:s31] =	ssyncset.done $0x0  }
0x5b4: {  	[sflag:s31] =	ssyncadd.s32 $0xFFFFFC00  }
0x5b5: {  	[hbm4b:s0+s1] =	stream.linear.scatter [tilespmem:s2], [sflag:$0x3], $0xC400, $0x38;
	[tilespmem:$0x1E780] =	vst v63  }
0x5b6: {  	_ =	swait.ge [sflag:s11], $0xC400  }
0x5b7: {  	[sflag:s11] =	ssyncset.done $0x0  }
0x5b8: {  	[sflag:s11] =	ssyncadd.s32 $0xFFFF3C00  }
0x5b9: {  	[bflag:$0x0] =	sbarrier.arrive $0xFFFF  }
0x5ba: {  	s14 =	sld [smem:$0x7F9];
	_ =	sdelay $0x2  }
0x5bb: {  	[tilespmem:s7], [sflag:$0x3] =	stream.linear.gather [spmem:s14], $0x380, $0x38;
	[tilespmem:$0x1E780] =	vst v63  }
0x5bc: {  	_ =	swait.ge [sflag:s11], $0x380  }
0x5bd: {  	[sflag:s11] =	ssyncset.done $0x0  }
0x5be: {  	s20 =	rddreg [dreg:$0x15];
	[sflag:s11] =	ssyncadd.s32 $0xFFFFFC80  }
0x5bf: {  	[hbm4b:s20+s1] =	stream.linear.scatter [tilespmem:s7], [sflag:$0x3], $0x380, $0x38;
	[tilespmem:$0x1E780] =	vst v63  }
0x5c0: {  	_ =	swait.ge [sflag:s11], $0x380  }
0x5c1: {  	s22 =	sld [smem:$0x7AF]  }
0x5c2: {  	[sflag:s11] =	ssyncset.done $0x0  }
0x5c3: {  	[sflag:s11] =	ssyncadd.s32 $0xFFFFFC80  }
0x5c4: {  	[tilespmem:s7], [sflag:$0x3] =	stream.linear.gather [spmem:s22], $0x380, $0x38;
	[tilespmem:$0x1E780] =	vst v63  }
0x5c5: {  	_ =	swait.ge [sflag:s11], $0x380  }
0x5c6: {  	[sflag:s11] =	ssyncset.done $0x0  }
0x5c7: {  	s23 =	rddreg [dreg:$0x16];
	[sflag:s11] =	ssyncadd.s32 $0xFFFFFC80  }
0x5c8: {  	[hbm4b:s23+s1] =	stream.linear.scatter [tilespmem:s7], [sflag:$0x3], $0x380, $0x38;
	[tilespmem:$0x1E780] =	vst v63  }
0x5c9: {  	_ =	swait.ge [sflag:s11], $0x380  }
0x5ca: {  	s24 =	sld [smem:$0x7B5]  }
0x5cb: {  	[sflag:s11] =	ssyncset.done $0x0  }
0x5cc: {  	[sflag:s11] =	ssyncadd.s32 $0xFFFFFC80  }
0x5cd: {  	[tilespmem:s7], [sflag:$0x3] =	stream.linear.gather [spmem:s24], $0x380, $0x38;
	[tilespmem:$0x1E780] =	vst v63  }
0x5ce: {  	_ =	swait.ge [sflag:s11], $0x380  }
0x5cf: {  	[sflag:s11] =	ssyncset.done $0x0  }
0x5d0: {  	s25 =	rddreg [dreg:$0x17];
	[sflag:s11] =	ssyncadd.s32 $0xFFFFFC80  }
0x5d1: {  	[hbm4b:s25+s1] =	stream.linear.scatter [tilespmem:s7], [sflag:$0x3], $0x380, $0x38;
	[tilespmem:$0x1E780] =	vst v63  }
0x5d2: {  	_ =	swait.ge [sflag:s11], $0x380  }
0x5d3: {  	s28 =	sld [smem:$0x7BB]  }
0x5d4: {  	[sflag:s11] =	ssyncset.done $0x0  }
0x5d5: {  	[sflag:s11] =	ssyncadd.s32 $0xFFFFFC80  }
0x5d6: {  	[tilespmem:s7], [sflag:$0x3] =	stream.linear.gather [spmem:s28], $0x380, $0x38;
	[tilespmem:$0x1E780] =	vst v63  }
0x5d7: {  	_ =	swait.ge [sflag:s11], $0x380  }
0x5d8: {  	[sflag:s11] =	ssyncset.done $0x0  }
0x5d9: {  	s3 =	rddreg [dreg:$0x18];
	[sflag:s11] =	ssyncadd.s32 $0xFFFFFC80  }
0x5da: {  	[hbm4b:s3+s1] =	stream.linear.scatter [tilespmem:s7], [sflag:$0x3], $0x380, $0x38;
	[tilespmem:$0x1E780] =	vst v63  }
0x5db: {  	_ =	swait.ge [sflag:s11], $0x380  }
0x5dc: {  	s5 =	sld [smem:$0x7C1]  }
0x5dd: {  	[sflag:s11] =	ssyncset.done $0x0  }
0x5de: {  	[sflag:s11] =	ssyncadd.s32 $0xFFFFFC80  }
0x5df: {  	[tilespmem:s7], [sflag:$0x3] =	stream.linear.gather [spmem:s5], $0x380, $0x38;
	[tilespmem:$0x1E780] =	vst v63  }
0x5e0: {  	_ =	swait.ge [sflag:s11], $0x380  }
0x5e1: {  	[sflag:s11] =	ssyncset.done $0x0  }
0x5e2: {  	s6 =	rddreg [dreg:$0x19];
	[sflag:s11] =	ssyncadd.s32 $0xFFFFFC80  }
0x5e3: {  	[hbm4b:s6+s1] =	stream.linear.scatter [tilespmem:s7], [sflag:$0x3], $0x380, $0x38;
	[tilespmem:$0x1E780] =	vst v63  }
0x5e4: {  	_ =	swait.ge [sflag:s11], $0x380  }
0x5e5: {  	s9 =	sld [smem:$0x7C7]  }
0x5e6: {  	[sflag:s11] =	ssyncset.done $0x0  }
0x5e7: {  	[sflag:s11] =	ssyncadd.s32 $0xFFFFFC80  }
0x5e8: {  	[tilespmem:s7], [sflag:$0x3] =	stream.linear.gather [spmem:s9], $0x380, $0x38;
	[tilespmem:$0x1E780] =	vst v63  }
0x5e9: {  	_ =	swait.ge [sflag:s11], $0x380  }
0x5ea: {  	[sflag:s11] =	ssyncset.done $0x0  }
0x5eb: {  	s13 =	rddreg [dreg:$0x1a];
	[sflag:s11] =	ssyncadd.s32 $0xFFFFFC80  }
0x5ec: {  	[hbm4b:s13+s1] =	stream.linear.scatter [tilespmem:s7], [sflag:$0x3], $0x380, $0x38;
	[tilespmem:$0x1E780] =	vst v63  }
0x5ed: {  	_ =	swait.ge [sflag:s11], $0x380  }
0x5ee: {  	s14 =	sld [smem:$0x7CD]  }
0x5ef: {  	[sflag:s11] =	ssyncset.done $0x0  }
0x5f0: {  	[sflag:s11] =	ssyncadd.s32 $0xFFFFFC80  }
0x5f1: {  	[tilespmem:s7], [sflag:$0x3] =	stream.linear.gather [spmem:s14], $0x380, $0x38;
	[tilespmem:$0x1E780] =	vst v63  }
0x5f2: {  	_ =	swait.ge [sflag:s11], $0x380  }
0x5f3: {  	[sflag:s11] =	ssyncset.done $0x0  }
0x5f4: {  	s20 =	rddreg [dreg:$0x1b];
	[sflag:s11] =	ssyncadd.s32 $0xFFFFFC80  }
0x5f5: {  	[hbm4b:s20+s1] =	stream.linear.scatter [tilespmem:s7], [sflag:$0x3], $0x380, $0x38;
	[tilespmem:$0x1E780] =	vst v63  }
0x5f6: {  	_ =	swait.ge [sflag:s11], $0x380  }
0x5f7: {  	s22 =	sld [smem:$0x7FA]  }
0x5f8: {  	[sflag:s11] =	ssyncset.done $0x0  }
0x5f9: {  	[sflag:s11] =	ssyncadd.s32 $0xFFFFFC80  }
0x5fa: {  	[tilespmem:s7], [sflag:$0x3] =	stream.linear.gather [spmem:s22], $0x380, $0x38;
	[tilespmem:$0x1E780] =	vst v63  }
0x5fb: {  	_ =	swait.ge [sflag:s11], $0x380  }
0x5fc: {  	[sflag:s11] =	ssyncset.done $0x0  }
0x5fd: {  	s23 =	rddreg [dreg:$0x1c];
	[sflag:s11] =	ssyncadd.s32 $0xFFFFFC80  }
0x5fe: {  	[hbm4b:s23+s1] =	stream.linear.scatter [tilespmem:s7], [sflag:$0x3], $0x380, $0x38;
	[tilespmem:$0x1E780] =	vst v63  }
0x5ff: {  	_ =	swait.ge [sflag:s11], $0x380  }
0x600: {  	s24 =	sld [smem:$0x7B0]  }
0x601: {  	[sflag:s11] =	ssyncset.done $0x0  }
0x602: {  	[sflag:s11] =	ssyncadd.s32 $0xFFFFFC80  }
0x603: {  	[tilespmem:s7], [sflag:$0x3] =	stream.linear.gather [spmem:s24], $0x380, $0x38;
	[tilespmem:$0x1E780] =	vst v63  }
0x604: {  	_ =	swait.ge [sflag:s11], $0x380  }
0x605: {  	[sflag:s11] =	ssyncset.done $0x0  }
0x606: {  	s25 =	rddreg [dreg:$0x1d];
	[sflag:s11] =	ssyncadd.s32 $0xFFFFFC80  }
0x607: {  	[hbm4b:s25+s1] =	stream.linear.scatter [tilespmem:s7], [sflag:$0x3], $0x380, $0x38;
	[tilespmem:$0x1E780] =	vst v63  }
0x608: {  	_ =	swait.ge [sflag:s11], $0x380  }
0x609: {  	s28 =	sld [smem:$0x7B6]  }
0x60a: {  	[sflag:s11] =	ssyncset.done $0x0  }
0x60b: {  	[sflag:s11] =	ssyncadd.s32 $0xFFFFFC80  }
0x60c: {  	[tilespmem:s7], [sflag:$0x3] =	stream.linear.gather [spmem:s28], $0x380, $0x38;
	[tilespmem:$0x1E780] =	vst v63  }
0x60d: {  	_ =	swait.ge [sflag:s11], $0x380  }
0x60e: {  	[sflag:s11] =	ssyncset.done $0x0  }
0x60f: {  	s3 =	rddreg [dreg:$0x1e];
	[sflag:s11] =	ssyncadd.s32 $0xFFFFFC80  }
0x610: {  	[hbm4b:s3+s1] =	stream.linear.scatter [tilespmem:s7], [sflag:$0x3], $0x380, $0x38;
	[tilespmem:$0x1E780] =	vst v63  }
0x611: {  	_ =	swait.ge [sflag:s11], $0x380  }
0x612: {  	s5 =	sld [smem:$0x7BC]  }
0x613: {  	[sflag:s11] =	ssyncset.done $0x0  }
0x614: {  	[sflag:s11] =	ssyncadd.s32 $0xFFFFFC80  }
0x615: {  	[tilespmem:s7], [sflag:$0x3] =	stream.linear.gather [spmem:s5], $0x380, $0x38;
	[tilespmem:$0x1E780] =	vst v63  }
0x616: {  	_ =	swait.ge [sflag:s11], $0x380  }
0x617: {  	[sflag:s11] =	ssyncset.done $0x0  }
0x618: {  	s6 =	rddreg [dreg:$0x1f];
	[sflag:s11] =	ssyncadd.s32 $0xFFFFFC80  }
0x619: {  	[hbm4b:s6+s1] =	stream.linear.scatter [tilespmem:s7], [sflag:$0x3], $0x380, $0x38;
	[tilespmem:$0x1E780] =	vst v63  }
0x61a: {  	_ =	swait.ge [sflag:s11], $0x380  }
0x61b: {  	s9 =	sld [smem:$0x7C2]  }
0x61c: {  	[sflag:s11] =	ssyncset.done $0x0  }
0x61d: {  	[sflag:s11] =	ssyncadd.s32 $0xFFFFFC80  }
0x61e: {  	[tilespmem:s7], [sflag:$0x3] =	stream.linear.gather [spmem:s9], $0x380, $0x38;
	[tilespmem:$0x1E780] =	vst v63  }
0x61f: {  	_ =	swait.ge [sflag:s11], $0x380  }
0x620: {  	s13 =	sld [smem:$0x79A]  }
0x621: {  	[sflag:s11] =	ssyncset.done $0x0  }
0x622: {  	[sflag:s11] =	ssyncadd.s32 $0xFFFFFC80  }
0x623: {  	[hbm4b:s13+s1] =	stream.linear.scatter [tilespmem:s7], [sflag:$0x3], $0x380, $0x38;
	[tilespmem:$0x1E780] =	vst v63  }
0x624: {  	_ =	swait.ge [sflag:s11], $0x380  }
0x625: {  	s14 =	sld [smem:$0x7C8]  }
0x626: {  	[sflag:s11] =	ssyncset.done $0x0  }
0x627: {  	[sflag:s11] =	ssyncadd.s32 $0xFFFFFC80  }
0x628: {  	[tilespmem:s7], [sflag:$0x3] =	stream.linear.gather [spmem:s14], $0x380, $0x38;
	[tilespmem:$0x1E780] =	vst v63  }
0x629: {  	_ =	swait.ge [sflag:s11], $0x380  }
0x62a: {  	s20 =	sld [smem:$0x79B]  }
0x62b: {  	[sflag:s11] =	ssyncset.done $0x0  }
0x62c: {  	[sflag:s11] =	ssyncadd.s32 $0xFFFFFC80  }
0x62d: {  	[hbm4b:s20+s1] =	stream.linear.scatter [tilespmem:s7], [sflag:$0x3], $0x380, $0x38;
	[tilespmem:$0x1E780] =	vst v63  }
0x62e: {  	_ =	swait.ge [sflag:s11], $0x380  }
0x62f: {  	s22 =	sld [smem:$0x7CE]  }
0x630: {  	[sflag:s11] =	ssyncset.done $0x0  }
0x631: {  	[sflag:s11] =	ssyncadd.s32 $0xFFFFFC80  }
0x632: {  	[tilespmem:s7], [sflag:$0x3] =	stream.linear.gather [spmem:s22], $0x380, $0x38;
	[tilespmem:$0x1E780] =	vst v63  }
0x633: {  	_ =	swait.ge [sflag:s11], $0x380  }
0x634: {  	s23 =	sld [smem:$0x79C]  }
0x635: {  	[sflag:s11] =	ssyncset.done $0x0  }
0x636: {  	[sflag:s11] =	ssyncadd.s32 $0xFFFFFC80  }
0x637: {  	[hbm4b:s23+s1] =	stream.linear.scatter [tilespmem:s7], [sflag:$0x3], $0x380, $0x38;
	[tilespmem:$0x1E780] =	vst v63  }
0x638: {  	_ =	swait.ge [sflag:s11], $0x380  }
0x639: {  	s24 =	sld [smem:$0x7D2]  }
0x63a: {  	[sflag:s11] =	ssyncset.done $0x0  }
0x63b: {  	[sflag:s11] =	ssyncadd.s32 $0xFFFFFC80  }
0x63c: {  	[tilespmem:s7], [sflag:$0x3] =	stream.linear.gather [spmem:s24], $0x380, $0x38;
	[tilespmem:$0x1E780] =	vst v63  }
0x63d: {  	_ =	swait.ge [sflag:s11], $0x380  }
0x63e: {  	s25 =	sld [smem:$0x79D]  }
0x63f: {  	[sflag:s11] =	ssyncset.done $0x0  }
0x640: {  	[sflag:s11] =	ssyncadd.s32 $0xFFFFFC80  }
0x641: {  	[hbm4b:s25+s1] =	stream.linear.scatter [tilespmem:s7], [sflag:$0x3], $0x380, $0x38;
	[tilespmem:$0x1E780] =	vst v63  }
0x642: {  	_ =	swait.ge [sflag:s11], $0x380  }
0x643: {  	s28 =	sld [smem:$0x7B1]  }
0x644: {  	[sflag:s11] =	ssyncset.done $0x0  }
0x645: {  	[sflag:s11] =	ssyncadd.s32 $0xFFFFFC80  }
0x646: {  	[tilespmem:s7], [sflag:$0x3] =	stream.linear.gather [spmem:s28], $0x380, $0x38;
	[tilespmem:$0x1E780] =	vst v63  }
0x647: {  	_ =	swait.ge [sflag:s11], $0x380  }
0x648: {  	s3 =	sld [smem:$0x79E]  }
0x649: {  	[sflag:s11] =	ssyncset.done $0x0  }
0x64a: {  	[sflag:s11] =	ssyncadd.s32 $0xFFFFFC80  }
0x64b: {  	[hbm4b:s3+s1] =	stream.linear.scatter [tilespmem:s7], [sflag:$0x3], $0x380, $0x38;
	[tilespmem:$0x1E780] =	vst v63  }
0x64c: {  	_ =	swait.ge [sflag:s11], $0x380  }
0x64d: {  	s5 =	sld [smem:$0x7B7]  }
0x64e: {  	[sflag:s11] =	ssyncset.done $0x0  }
0x64f: {  	[sflag:s11] =	ssyncadd.s32 $0xFFFFFC80  }
0x650: {  	[tilespmem:s7], [sflag:$0x3] =	stream.linear.gather [spmem:s5], $0x380, $0x38;
	[tilespmem:$0x1E780] =	vst v63  }
0x651: {  	_ =	swait.ge [sflag:s11], $0x380  }
0x652: {  	s6 =	sld [smem:$0x79F]  }
0x653: {  	[sflag:s11] =	ssyncset.done $0x0  }
0x654: {  	[sflag:s11] =	ssyncadd.s32 $0xFFFFFC80  }
0x655: {  	[hbm4b:s6+s1] =	stream.linear.scatter [tilespmem:s7], [sflag:$0x3], $0x380, $0x38;
	[tilespmem:$0x1E780] =	vst v63  }
0x656: {  	_ =	swait.ge [sflag:s11], $0x380  }
0x657: {  	s9 =	sld [smem:$0x7BD]  }
0x658: {  	[sflag:s11] =	ssyncset.done $0x0  }
0x659: {  	[sflag:s11] =	ssyncadd.s32 $0xFFFFFC80  }
0x65a: {  	[tilespmem:s7], [sflag:$0x3] =	stream.linear.gather [spmem:s9], $0x380, $0x38;
	[tilespmem:$0x1E780] =	vst v63  }
0x65b: {  	_ =	swait.ge [sflag:s11], $0x380  }
0x65c: {  	s13 =	sld [smem:$0x7A0]  }
0x65d: {  	[sflag:s11] =	ssyncset.done $0x0  }
0x65e: {  	[sflag:s11] =	ssyncadd.s32 $0xFFFFFC80  }
0x65f: {  	[hbm4b:s13+s1] =	stream.linear.scatter [tilespmem:s7], [sflag:$0x3], $0x380, $0x38;
	[tilespmem:$0x1E780] =	vst v63  }
0x660: {  	_ =	swait.ge [sflag:s11], $0x380  }
0x661: {  	s14 =	sld [smem:$0x7C3]  }
0x662: {  	[sflag:s11] =	ssyncset.done $0x0  }
0x663: {  	[sflag:s11] =	ssyncadd.s32 $0xFFFFFC80  }
0x664: {  	[tilespmem:s7], [sflag:$0x3] =	stream.linear.gather [spmem:s14], $0x380, $0x38;
	[tilespmem:$0x1E780] =	vst v63  }
0x665: {  	_ =	swait.ge [sflag:s11], $0x380  }
0x666: {  	s20 =	sld [smem:$0x7A1]  }
0x667: {  	[sflag:s11] =	ssyncset.done $0x0  }
0x668: {  	[sflag:s11] =	ssyncadd.s32 $0xFFFFFC80  }
0x669: {  	[hbm4b:s20+s1] =	stream.linear.scatter [tilespmem:s7], [sflag:$0x3], $0x380, $0x38;
	[tilespmem:$0x1E780] =	vst v63  }
0x66a: {  	_ =	swait.ge [sflag:s11], $0x380  }
0x66b: {  	s22 =	sld [smem:$0x7C9]  }
0x66c: {  	[sflag:s11] =	ssyncset.done $0x0  }
0x66d: {  	[sflag:s11] =	ssyncadd.s32 $0xFFFFFC80  }
0x66e: {  	[tilespmem:s7], [sflag:$0x3] =	stream.linear.gather [spmem:s22], $0x380, $0x38;
	[tilespmem:$0x1E780] =	vst v63  }
0x66f: {  	_ =	swait.ge [sflag:s11], $0x380  }
0x670: {  	s23 =	sld [smem:$0x7A2]  }
0x671: {  	[sflag:s11] =	ssyncset.done $0x0  }
0x672: {  	[sflag:s11] =	ssyncadd.s32 $0xFFFFFC80  }
0x673: {  	[hbm4b:s23+s1] =	stream.linear.scatter [tilespmem:s7], [sflag:$0x3], $0x380, $0x38;
	[tilespmem:$0x1E780] =	vst v63  }
0x674: {  	_ =	swait.ge [sflag:s11], $0x380  }
0x675: {  	s24 =	sld [smem:$0x7CF]  }
0x676: {  	[sflag:s11] =	ssyncset.done $0x0  }
0x677: {  	[sflag:s11] =	ssyncadd.s32 $0xFFFFFC80  }
0x678: {  	[tilespmem:s7], [sflag:$0x3] =	stream.linear.gather [spmem:s24], $0x380, $0x38;
	[tilespmem:$0x1E780] =	vst v63  }
0x679: {  	_ =	swait.ge [sflag:s11], $0x380  }
0x67a: {  	s25 =	sld [smem:$0x7A3]  }
0x67b: {  	[sflag:s11] =	ssyncset.done $0x0  }
0x67c: {  	[sflag:s11] =	ssyncadd.s32 $0xFFFFFC80  }
0x67d: {  	[hbm4b:s25+s1] =	stream.linear.scatter [tilespmem:s7], [sflag:$0x3], $0x380, $0x38;
	[tilespmem:$0x1E780] =	vst v63  }
0x67e: {  	_ =	swait.ge [sflag:s11], $0x380  }
0x67f: {  	s3 =	sld [smem:$0x799]  }
0x680: {  	s28 =	sld [smem:$0x7AB];
	_ =	sdelay $0x1  }
0x681: {  	s3 =	sadd.s32 $0x1, s3  }
0x682: {  	p0 =	sne.s32 s3, s28  }
.Ltmp20:
0x683: {  	_ = 	snop;
	(pc) =	sbr.rel @p0 .LBB2_1-.Ltmp20, $3  }
0x684: {  	_ =	sdelay $0x1  }
0x685: {  	[sflag:s11] =	ssyncset.done $0x0  }
0x686: {  	[sflag:s11] =	ssyncadd.s32 $0xFFFFFC80  }
0x687: {  	_ =	sfence.sel $0x180000  }
0x688: {  	[bflag:$0x0] =	sbarrier.arrive $0xFFFF  }
0x689: {  	_ =	strace $0x90000047  }
0x68a: {  	s0 =	stileid.u32;
	[bflag:$0x2] =	sbarrier.arrive $0xFFFF  }
0x68b: {  	p0 =	sne.s32 s0, $0x0;
	s0 =	rddreg [dreg:$0xc]  }
0x68c: {  	s0 =	sadd.s32 @!p0 $0x100000, s0  }
0x68d: {  	[sflag:s0] =	ssyncadd.tile.s32 @!p0 $0x1;
	_ =	shalt  }
.Lfunc_end2:
_tile_overlayer_lowered:
.L_overlay_start_2:
0x68e: {  	(tag) =	ssettag $0x2  }
0x68f: {  	s0 =	rddreg [dreg:$0x0];
	s2 =	stileid.u32  }
0x690: {  	s1 =	rddreg [dreg:$0x1];
	p0 =	sne.s32 s2, $0x0  }
0x691: {  	s3 =	rddreg [dreg:$0x2];
	[bflag:$0x3] =	sbarrier.arrive $0xFFFF;
	s2 =	simm.s32 @!p0 $0x1C03  }
0x692: {  	[timem:s3], [sflag:s2] =	dma.local @!p0 [hbm:s0], s1  }
0x693: {  	s0 =	simm.s32 @!p0 $0x3  }
0x694: {  	_ =	swait.ge @!p0 [sflag:s0], s1  }
0x695: {  	s1 =	ssub.s32 @!p0 $0x0, s1;
	[sflag:s0] =	ssyncset.done @!p0 $0x0  }
0x696: {  	[sflag:s0] =	ssyncadd.s32 @!p0 s1  }
0x697: {  	[bflag:$0x3] =	sbarrier.arrive $0xFFFF  }
0x698: {  	_ =	shalt  }

</sc_bundles>
